<compile_context>
chip_gen: v7x
topology: tpu7x:2x2x1
jax: 0.10.2.dev20260603
libtpu: 0.0.44.dev20260713+nightly
codegen_flags: <defaults>
</compile_context>

<pallas_src>
import functools

import jax
import jax.numpy as jnp
from jax import lax
from jax.experimental import pallas as pl
from jax.experimental.pallas import tpu as pltpu
from jax.experimental.pallas import tpu_sc as plsc

BATCH = 4096
SEQ = 200
EMB = 64
LANES = 16
NUM_WORKERS = 32
B_PER_W = BATCH // NUM_WORKERS
ROWS_PER_CHUNK = 2
CHUNK = ROWS_PER_CHUNK * SEQ
N_CHUNKS = B_PER_W // ROWS_PER_CHUNK
NBUF = 3


def _fire_gather(table_hbm, idx_all, buf, sem, c):
    pltpu.async_copy(table_hbm.at[idx_all.at[c]], buf, sem)


def _wait_gather(table_hbm, buf, sem):
    pltpu.make_async_copy(table_hbm.at[pl.ds(0, CHUNK)], buf, sem).wait()


def _reduce_row(buf, r0, out_v, dst):
    accs = tuple(buf[r0, pl.ds(LANES * c, LANES)] for c in range(EMB // LANES))

    def body(r, accs):
        return tuple(
            jnp.maximum(accs[c], buf[r, pl.ds(LANES * c, LANES)])
            for c in range(EMB // LANES)
        )

    accs = lax.fori_loop(r0 + 1, r0 + SEQ, body, accs, unroll=8)
    for c in range(EMB // LANES):
        out_v[dst, pl.ds(LANES * c, LANES)] = accs[c]


def _bow_encode(ids2, table):
    mesh = plsc.VectorSubcoreMesh(core_axis_name="c", subcore_axis_name="s")

    @functools.partial(
        pl.kernel,
        out_type=jax.ShapeDtypeStruct((BATCH, EMB), jnp.float32),
        mesh=mesh,
        scratch_types=[
            pltpu.VMEM((N_CHUNKS, CHUNK), jnp.int32),
            pltpu.VMEM((CHUNK, EMB), jnp.float32),
            pltpu.VMEM((CHUNK, EMB), jnp.float32),
            pltpu.VMEM((CHUNK, EMB), jnp.float32),
            pltpu.VMEM((B_PER_W, EMB), jnp.float32),
            pltpu.SemaphoreType.DMA,
            pltpu.SemaphoreType.DMA,
            pltpu.SemaphoreType.DMA,
        ],
        compiler_params=pltpu.CompilerParams(use_tc_tiling_on_sc=False),
    )
    def k(ids_hbm, table_hbm, out_hbm, idx_all, b0, b1, b2, out_v, s0, s1, s2):
        wid = lax.axis_index("s") * 2 + lax.axis_index("c")
        base = wid * B_PER_W
        bufs = (b0, b1, b2)
        sems = (s0, s1, s2)

        pltpu.sync_copy(ids_hbm.at[pl.ds(N_CHUNKS * wid, N_CHUNKS)], idx_all)
        for c in range(NBUF - 1):
            _fire_gather(table_hbm, idx_all, bufs[c], sems[c], c)

        def process(chunk, b):
            _wait_gather(table_hbm, bufs[b], sems[b])
            for r in range(ROWS_PER_CHUNK):
                _reduce_row(bufs[b], r * SEQ, out_v, chunk * ROWS_PER_CHUNK + r)

        def body(j, _):
            c = j * NBUF
            for b in range(NBUF):
                bn = (b + NBUF - 1) % NBUF

                @pl.when(c + b + NBUF - 1 < N_CHUNKS)
                def _():
                    _fire_gather(
                        table_hbm, idx_all, bufs[bn], sems[bn], c + b + NBUF - 1
                    )

                process(c + b, b)
            return 0

        lax.fori_loop(0, N_CHUNKS // NBUF, body, 0)
        for c in range(N_CHUNKS - N_CHUNKS % NBUF, N_CHUNKS):
            process(c, c % NBUF)
        pltpu.sync_copy(out_v, out_hbm.at[pl.ds(base, B_PER_W)])

    return k(ids2, table)


def kernel(input, emb_weight):
    ids2 = jnp.asarray(input, jnp.int32).reshape(BATCH // ROWS_PER_CHUNK, CHUNK)
    return _bow_encode(ids2, emb_weight)

# --- scband reference (transcript-rebuilt; emitter-appended) ---
"""Pipeline reference for scband-bowencoder-9749575762578 (READ-ONLY COPY).

The authoritative reference and input builder live on the scoring server;
editing this copy changes nothing except your own understanding.
"""

import jax, jax.numpy as jnp
import numpy as np

VOCAB = 1000000
EMB = 64
BATCH = 4096
SEQ = 200

def setup_inputs(seed: int = 0) -> dict:
    key = jax.random.key(seed)
    k_idx, k_emb = jax.random.split(key)
    input_ids = jax.random.randint(k_idx, (BATCH, SEQ), 0, VOCAB, dtype=jnp.int64 if jax.config.jax_enable_x64 else jnp.int32)
    emb_weight = jax.random.uniform(k_emb, (VOCAB, EMB), dtype=jnp.float32, minval=-0.1, maxval=0.1)
    emb_weight = emb_weight.at[0].set(0.0)
    return {"input": input_ids, "emb_weight": emb_weight}

def reference(input, emb_weight):
    # embedding lookup (gather)
    embedded = jnp.take(emb_weight, input, axis=0)  # [B, S, E]
    # F.dropout(p=0.25, training=False) is identity in eval mode
    # MaxPool1d over full seq_len == max over sequence dimension
    encoding = jnp.max(embedded, axis=1)  # [B, E]
    return encoding

if __name__ == "__main__":
    import jax
    _d = setup_inputs()
    print(jax.jit(kernel)(*tuple(_d.values())))

</pallas_src>

<mosaic_0001>
#map = affine_map<(d0, d1) -> (0, 0)>
module attributes {stable_mosaic.version = 14 : i64} {
  func.func @k(%arg0: i32, %arg1: i32, %arg2: memref<2048x400xi32, #tpu.memory_space<hbm>>, %arg3: memref<1000000x64xf32, #tpu.memory_space<hbm>>, %arg4: memref<4096x64xf32, #tpu.memory_space<hbm>>, %arg5: memref<64x400xi32, #tpu.memory_space<vmem>>, %arg6: memref<400x64xf32, #tpu.memory_space<vmem>>, %arg7: memref<400x64xf32, #tpu.memory_space<vmem>>, %arg8: memref<400x64xf32, #tpu.memory_space<vmem>>, %arg9: memref<128x64xf32, #tpu.memory_space<vmem>>, %arg10: memref<!tpu.dma_semaphore, #tpu.memory_space<semaphore_mem>>, %arg11: memref<!tpu.dma_semaphore, #tpu.memory_space<semaphore_mem>>, %arg12: memref<!tpu.dma_semaphore, #tpu.memory_space<semaphore_mem>>) attributes {dimension_semantics = [#tpu.dimension_semantics<core_parallel>, #tpu.dimension_semantics<subcore_parallel>], iteration_bounds = array<i64: 2, 16>, scalar_prefetch = 0 : i64, scratch_operands = 8 : i64, tpu.core_type = #tpu.core_type<sc_vector_subcore>, window_params = [{transform_indices = #map}, {transform_indices = #map}, {transform_indices = #map}]} {
    %mul3A = arith.constant 2 : i32
    %mul3A_0 = arith.muli %arg1, %mul3A : i32
    %add3A = arith.addi %mul3A_0, %arg0 : i32
    %mul3A_1 = arith.constant 128 : i32
    %mul3A_2 = arith.muli %add3A, %mul3A_1 : i32
    %mul3A_3 = arith.constant 64 : i32
    %mul3A_4 = arith.muli %mul3A_3, %add3A : i32
    "tpu.region"() ({
      %run_scoped3A = tpu.sem_alloc : memref<!tpu.dma_semaphore, #tpu.memory_space<semaphore_mem>>
      %dma_start3A_434 = arith.constant 0 : i32
      %dma_start3A_435 = tpu.memref_slice %arg2[%mul3A_4, %dma_start3A_434] : memref<2048x400xi32, #tpu.memory_space<hbm>> -> memref<64x400xi32, #tpu.memory_space<hbm>>
      %dma_start3A_436 = arith.constant 0 : i32
      %dma_start3A_437 = tpu.memref_slice %arg2[%mul3A_4, %dma_start3A_436] : memref<2048x400xi32, #tpu.memory_space<hbm>> -> memref<64x400xi32, #tpu.memory_space<hbm>>
      tpu.enqueue_dma source(%dma_start3A_437 : memref<64x400xi32, #tpu.memory_space<hbm>>) target(%arg5 : memref<64x400xi32, #tpu.memory_space<vmem>>) target_semaphore(%run_scoped3A : memref<!tpu.dma_semaphore, #tpu.memory_space<semaphore_mem>>)
      %dma_wait3A_438 = arith.constant 0 : i32
      %dma_wait3A_439 = tpu.memref_slice %arg2[%mul3A_4, %dma_wait3A_438] : memref<2048x400xi32, #tpu.memory_space<hbm>> -> memref<64x400xi32, #tpu.memory_space<hbm>>
      %dma_wait3A_440 = arith.constant 0 : i32
      %dma_wait3A_441 = tpu.memref_slice %arg2[%mul3A_4, %dma_wait3A_440] : memref<2048x400xi32, #tpu.memory_space<hbm>> -> memref<64x400xi32, #tpu.memory_space<hbm>>
      tpu.wait_dma2 semaphore(%run_scoped3A : memref<!tpu.dma_semaphore, #tpu.memory_space<semaphore_mem>>) src(%dma_wait3A_441 : memref<64x400xi32, #tpu.memory_space<hbm>>) dst(%arg5 : memref<64x400xi32, #tpu.memory_space<vmem>>)
      tpu.yield
    }) : () -> ()
    %dma_start3A = arith.constant 0 : i32
    %dma_start3A_5 = arith.constant 0 : i32
    %dma_start3A_6 = tpu.memref_slice %arg5[%dma_start3A, %dma_start3A_5] : memref<64x400xi32, #tpu.memory_space<vmem>> -> memref<1x400xi32, #tpu.memory_space<vmem>>
    %dma_start3A_7 = tpu.memref_squeeze %dma_start3A_6 : memref<1x400xi32, #tpu.memory_space<vmem>> -> memref<400xi32, #tpu.memory_space<vmem>>
    %dma_start3A_8 = arith.constant 0 : i32
    %dma_start3A_9 = arith.constant 0 : i32
    %dma_start3A_10 = tpu.memref_slice %arg3[%dma_start3A_8, %dma_start3A_9] : memref<1000000x64xf32, #tpu.memory_space<hbm>> -> memref<1000000x64xf32, #tpu.memory_space<hbm>>
    tpu.enqueue_indirect_dma source(%dma_start3A_10 : memref<1000000x64xf32, #tpu.memory_space<hbm>>) target(%arg6 : memref<400x64xf32, #tpu.memory_space<vmem>>) offsets(%dma_start3A_7 : memref<400xi32, #tpu.memory_space<vmem>>) semaphore(%arg10 : memref<!tpu.dma_semaphore, #tpu.memory_space<semaphore_mem>>)
    %dma_start3A_11 = arith.constant 1 : i32
    %dma_start3A_12 = arith.constant 0 : i32
    %dma_start3A_13 = tpu.memref_slice %arg5[%dma_start3A_11, %dma_start3A_12] : memref<64x400xi32, #tpu.memory_space<vmem>> -> memref<1x400xi32, #tpu.memory_space<vmem>>
    %dma_start3A_14 = tpu.memref_squeeze %dma_start3A_13 : memref<1x400xi32, #tpu.memory_space<vmem>> -> memref<400xi32, #tpu.memory_space<vmem>>
    %dma_start3A_15 = arith.constant 0 : i32
    %dma_start3A_16 = arith.constant 0 : i32
    %dma_start3A_17 = tpu.memref_slice %arg3[%dma_start3A_15, %dma_start3A_16] : memref<1000000x64xf32, #tpu.memory_space<hbm>> -> memref<1000000x64xf32, #tpu.memory_space<hbm>>
    tpu.enqueue_indirect_dma source(%dma_start3A_17 : memref<1000000x64xf32, #tpu.memory_space<hbm>>) target(%arg7 : memref<400x64xf32, #tpu.memory_space<vmem>>) offsets(%dma_start3A_14 : memref<400xi32, #tpu.memory_space<vmem>>) semaphore(%arg11 : memref<!tpu.dma_semaphore, #tpu.memory_space<semaphore_mem>>)
    %scan3A = arith.constant 0 : i32
    %scan3A_18 = arith.constant 0 : i32
    %scan3A_19 = arith.constant 21 : i32
    %scan3A_20 = arith.addi %scan3A_18, %scan3A_19 : i32
    %scan3A_21 = arith.constant 1 : i32
    %scan3A_22 = scf.for %scan3A_434 = %scan3A_18 to %scan3A_20 step %scan3A_21 iter_args(%scan3A_435 = %scan3A) -> (i32)  : i32 {
      %mul3A_436 = arith.constant 3 : i32
      %mul3A_437 = arith.muli %scan3A_434, %mul3A_436 : i32
      %add3A_438 = arith.constant 0 : i32
      %add3A_439 = arith.addi %mul3A_437, %add3A_438 : i32
      %add3A_440 = arith.constant 3 : i32
      %add3A_441 = arith.addi %add3A_439, %add3A_440 : i32
      %sub3A = arith.constant 1 : i32
      %sub3A_442 = arith.subi %add3A_441, %sub3A : i32
      %lt3A = arith.constant 64 : i32
      %lt3A_443 = arith.cmpi slt, %sub3A_442, %lt3A : i32
      %convert_element_type3A = arith.extui %lt3A_443 : i1 to i32
      %cond3A = arith.constant 0 : i32
      %cond3A_444 = arith.cmpi ne, %convert_element_type3A, %cond3A : i32
      scf.if %cond3A_444 {
        %add3A_1716 = arith.constant 0 : i32
        %add3A_1717 = arith.addi %mul3A_437, %add3A_1716 : i32
        %add3A_1718 = arith.constant 3 : i32
        %add3A_1719 = arith.addi %add3A_1717, %add3A_1718 : i32
        %sub3A_1720 = arith.constant 1 : i32
        %sub3A_1721 = arith.subi %add3A_1719, %sub3A_1720 : i32
        %dma_start3A_1722 = arith.constant 0 : i32
        %dma_start3A_1723 = tpu.memref_slice %arg5[%sub3A_1721, %dma_start3A_1722] : memref<64x400xi32, #tpu.memory_space<vmem>> -> memref<1x400xi32, #tpu.memory_space<vmem>>
        %dma_start3A_1724 = tpu.memref_squeeze %dma_start3A_1723 : memref<1x400xi32, #tpu.memory_space<vmem>> -> memref<400xi32, #tpu.memory_space<vmem>>
        %dma_start3A_1725 = arith.constant 0 : i32
        %dma_start3A_1726 = arith.constant 0 : i32
        %dma_start3A_1727 = tpu.memref_slice %arg3[%dma_start3A_1725, %dma_start3A_1726] : memref<1000000x64xf32, #tpu.memory_space<hbm>> -> memref<1000000x64xf32, #tpu.memory_space<hbm>>
        tpu.enqueue_indirect_dma source(%dma_start3A_1727 : memref<1000000x64xf32, #tpu.memory_space<hbm>>) target(%arg8 : memref<400x64xf32, #tpu.memory_space<vmem>>) offsets(%dma_start3A_1724 : memref<400xi32, #tpu.memory_space<vmem>>) semaphore(%arg12 : memref<!tpu.dma_semaphore, #tpu.memory_space<semaphore_mem>>)
      } else {
      }
      %add3A_445 = arith.constant 0 : i32
      %add3A_446 = arith.addi %mul3A_437, %add3A_445 : i32
      %dma_wait3A_447 = arith.constant 0 : i32
      %dma_wait3A_448 = arith.constant 0 : i32
      %dma_wait3A_449 = tpu.memref_slice %arg3[%dma_wait3A_447, %dma_wait3A_448] : memref<1000000x64xf32, #tpu.memory_space<hbm>> -> memref<400x64xf32, #tpu.memory_space<hbm>>
      %dma_wait3A_450 = arith.constant 0 : i32
      %dma_wait3A_451 = arith.constant 0 : i32
      %dma_wait3A_452 = tpu.memref_slice %arg3[%dma_wait3A_450, %dma_wait3A_451] : memref<1000000x64xf32, #tpu.memory_space<hbm>> -> memref<400x64xf32, #tpu.memory_space<hbm>>
      tpu.wait_dma2 semaphore(%arg10 : memref<!tpu.dma_semaphore, #tpu.memory_space<semaphore_mem>>) src(%dma_wait3A_452 : memref<400x64xf32, #tpu.memory_space<hbm>>) dst(%arg6 : memref<400x64xf32, #tpu.memory_space<vmem>>)
      %mul3A_453 = arith.constant 2 : i32
      %mul3A_454 = arith.muli %add3A_446, %mul3A_453 : i32
      %add3A_455 = arith.constant 0 : i32
      %add3A_456 = arith.addi %mul3A_454, %add3A_455 : i32
      %get3A_457 = arith.constant 0 : i32
      %get3A_458 = arith.index_cast %get3A_457 : i32 to index
      %get3A_459 = arith.constant 0 : index
      %get3A_460 = tpu.vector_load %arg6[%get3A_458, %get3A_459] {strides = array<i32>} : memref<400x64xf32, #tpu.memory_space<vmem>>, vector<1x16xf32>,
      %get3A_461 = vector.shape_cast %get3A_460 : vector<1x16xf32> to vector<16xf32>
      %get3A_462 = arith.constant 0 : i32
      %get3A_463 = arith.index_cast %get3A_462 : i32 to index
      %get3A_464 = arith.constant 16 : index
      %get3A_465 = tpu.vector_load %arg6[%get3A_463, %get3A_464] {strides = array<i32>} : memref<400x64xf32, #tpu.memory_space<vmem>>, vector<1x16xf32>,
      %get3A_466 = vector.shape_cast %get3A_465 : vector<1x16xf32> to vector<16xf32>
      %get3A_467 = arith.constant 0 : i32
      %get3A_468 = arith.index_cast %get3A_467 : i32 to index
      %get3A_469 = arith.constant 32 : index
      %get3A_470 = tpu.vector_load %arg6[%get3A_468, %get3A_469] {strides = array<i32>} : memref<400x64xf32, #tpu.memory_space<vmem>>, vector<1x16xf32>,
      %get3A_471 = vector.shape_cast %get3A_470 : vector<1x16xf32> to vector<16xf32>
      %get3A_472 = arith.constant 0 : i32
      %get3A_473 = arith.index_cast %get3A_472 : i32 to index
      %get3A_474 = arith.constant 48 : index
      %get3A_475 = tpu.vector_load %arg6[%get3A_473, %get3A_474] {strides = array<i32>} : memref<400x64xf32, #tpu.memory_space<vmem>>, vector<1x16xf32>,
      %get3A_476 = vector.shape_cast %get3A_475 : vector<1x16xf32> to vector<16xf32>
      %scan3A_477 = arith.constant 1 : i32
      %scan3A_478 = arith.constant 192 : i32
      %scan3A_479 = arith.addi %scan3A_477, %scan3A_478 : i32
      %scan3A_480 = arith.constant 8 : i32
      %scan3A_481:4 = scf.for %scan3A_1716 = %scan3A_477 to %scan3A_479 step %scan3A_480 iter_args(%scan3A_1717 = %get3A_461, %scan3A_1718 = %get3A_466, %scan3A_1719 = %get3A_471, %scan3A_1720 = %get3A_476) -> (vector<16xf32>, vector<16xf32>, vector<16xf32>, vector<16xf32>)  : i32 {
        %get3A_1721 = arith.index_cast %scan3A_1716 : i32 to index
        %get3A_1722 = arith.constant 0 : index
        %get3A_1723 = tpu.vector_load %arg6[%get3A_1721, %get3A_1722] {strides = array<i32>} : memref<400x64xf32, #tpu.memory_space<vmem>>, vector<1x16xf32>,
        %get3A_1724 = vector.shape_cast %get3A_1723 : vector<1x16xf32> to vector<16xf32>
        %max3A_1725 = arith.maximumf %scan3A_1717, %get3A_1724 : vector<16xf32>
        %get3A_1726 = arith.index_cast %scan3A_1716 : i32 to index
        %get3A_1727 = arith.constant 16 : index
        %get3A_1728 = tpu.vector_load %arg6[%get3A_1726, %get3A_1727] {strides = array<i32>} : memref<400x64xf32, #tpu.memory_space<vmem>>, vector<1x16xf32>,
        %get3A_1729 = vector.shape_cast %get3A_1728 : vector<1x16xf32> to vector<16xf32>
        %max3A_1730 = arith.maximumf %scan3A_1718, %get3A_1729 : vector<16xf32>
        %get3A_1731 = arith.index_cast %scan3A_1716 : i32 to index
        %get3A_1732 = arith.constant 32 : index
        %get3A_1733 = tpu.vector_load %arg6[%get3A_1731, %get3A_1732] {strides = array<i32>} : memref<400x64xf32, #tpu.memory_space<vmem>>, vector<1x16xf32>,
        %get3A_1734 = vector.shape_cast %get3A_1733 : vector<1x16xf32> to vector<16xf32>
        %max3A_1735 = arith.maximumf %scan3A_1719, %get3A_1734 : vector<16xf32>
        %get3A_1736 = arith.index_cast %scan3A_1716 : i32 to index
        %get3A_1737 = arith.constant 48 : index
        %get3A_1738 = tpu.vector_load %arg6[%get3A_1736, %get3A_1737] {strides = array<i32>} : memref<400x64xf32, #tpu.memory_space<vmem>>, vector<1x16xf32>,
        %get3A_1739 = vector.shape_cast %get3A_1738 : vector<1x16xf32> to vector<16xf32>
        %max3A_1740 = arith.maximumf %scan3A_1720, %get3A_1739 : vector<16xf32>
        %scan3A_1741 = arith.constant 1 : i32
        %scan3A_1742 = arith.addi %scan3A_1716, %scan3A_1741 : i32
        %get3A_1743 = arith.index_cast %scan3A_1742 : i32 to index
        %get3A_1744 = arith.constant 0 : index
        %get3A_1745 = tpu.vector_load %arg6[%get3A_1743, %get3A_1744] {strides = array<i32>} : memref<400x64xf32, #tpu.memory_space<vmem>>, vector<1x16xf32>,
        %get3A_1746 = vector.shape_cast %get3A_1745 : vector<1x16xf32> to vector<16xf32>
        %max3A_1747 = arith.maximumf %max3A_1725, %get3A_1746 : vector<16xf32>
        %get3A_1748 = arith.index_cast %scan3A_1742 : i32 to index
        %get3A_1749 = arith.constant 16 : index
        %get3A_1750 = tpu.vector_load %arg6[%get3A_1748, %get3A_1749] {strides = array<i32>} : memref<400x64xf32, #tpu.memory_space<vmem>>, vector<1x16xf32>,
        %get3A_1751 = vector.shape_cast %get3A_1750 : vector<1x16xf32> to vector<16xf32>
        %max3A_1752 = arith.maximumf %max3A_1730, %get3A_1751 : vector<16xf32>
        %get3A_1753 = arith.index_cast %scan3A_1742 : i32 to index
        %get3A_1754 = arith.constant 32 : index
        %get3A_1755 = tpu.vector_load %arg6[%get3A_1753, %get3A_1754] {strides = array<i32>} : memref<400x64xf32, #tpu.memory_space<vmem>>, vector<1x16xf32>,
        %get3A_1756 = vector.shape_cast %get3A_1755 : vector<1x16xf32> to vector<16xf32>
        %max3A_1757 = arith.maximumf %max3A_1735, %get3A_1756 : vector<16xf32>
        %get3A_1758 = arith.index_cast %scan3A_1742 : i32 to index
        %get3A_1759 = arith.constant 48 : index
        %get3A_1760 = tpu.vector_load %arg6[%get3A_1758, %get3A_1759] {strides = array<i32>} : memref<400x64xf32, #tpu.memory_space<vmem>>, vector<1x16xf32>,
        %get3A_1761 = vector.shape_cast %get3A_1760 : vector<1x16xf32> to vector<16xf32>
        %max3A_1762 = arith.maximumf %max3A_1740, %get3A_1761 : vector<16xf32>
        %scan3A_1763 = arith.constant 2 : i32
        %scan3A_1764 = arith.addi %scan3A_1716, %scan3A_1763 : i32
        %get3A_1765 = arith.index_cast %scan3A_1764 : i32 to index
        %get3A_1766 = arith.constant 0 : index
        %get3A_1767 = tpu.vector_load %arg6[%get3A_1765, %get3A_1766] {strides = array<i32>} : memref<400x64xf32, #tpu.memory_space<vmem>>, vector<1x16xf32>,
        %get3A_1768 = vector.shape_cast %get3A_1767 : vector<1x16xf32> to vector<16xf32>
        %max3A_1769 = arith.maximumf %max3A_1747, %get3A_1768 : vector<16xf32>
        %get3A_1770 = arith.index_cast %scan3A_1764 : i32 to index
        %get3A_1771 = arith.constant 16 : index
        %get3A_1772 = tpu.vector_load %arg6[%get3A_1770, %get3A_1771] {strides = array<i32>} : memref<400x64xf32, #tpu.memory_space<vmem>>, vector<1x16xf32>,
        %get3A_1773 = vector.shape_cast %get3A_1772 : vector<1x16xf32> to vector<16xf32>
        %max3A_1774 = arith.maximumf %max3A_1752, %get3A_1773 : vector<16xf32>
        %get3A_1775 = arith.index_cast %scan3A_1764 : i32 to index
        %get3A_1776 = arith.constant 32 : index
        %get3A_1777 = tpu.vector_load %arg6[%get3A_1775, %get3A_1776] {strides = array<i32>} : memref<400x64xf32, #tpu.memory_space<vmem>>, vector<1x16xf32>,
        %get3A_1778 = vector.shape_cast %get3A_1777 : vector<1x16xf32> to vector<16xf32>
        %max3A_1779 = arith.maximumf %max3A_1757, %get3A_1778 : vector<16xf32>
        %get3A_1780 = arith.index_cast %scan3A_1764 : i32 to index
        %get3A_1781 = arith.constant 48 : index
        %get3A_1782 = tpu.vector_load %arg6[%get3A_1780, %get3A_1781] {strides = array<i32>} : memref<400x64xf32, #tpu.memory_space<vmem>>, vector<1x16xf32>,
        %get3A_1783 = vector.shape_cast %get3A_1782 : vector<1x16xf32> to vector<16xf32>
        %max3A_1784 = arith.maximumf %max3A_1762, %get3A_1783 : vector<16xf32>
        %scan3A_1785 = arith.constant 3 : i32
        %scan3A_1786 = arith.addi %scan3A_1716, %scan3A_1785 : i32
        %get3A_1787 = arith.index_cast %scan3A_1786 : i32 to index
        %get3A_1788 = arith.constant 0 : index
        %get3A_1789 = tpu.vector_load %arg6[%get3A_1787, %get3A_1788] {strides = array<i32>} : memref<400x64xf32, #tpu.memory_space<vmem>>, vector<1x16xf32>,
        %get3A_1790 = vector.shape_cast %get3A_1789 : vector<1x16xf32> to vector<16xf32>
        %max3A_1791 = arith.maximumf %max3A_1769, %get3A_1790 : vector<16xf32>
        %get3A_1792 = arith.index_cast %scan3A_1786 : i32 to index
        %get3A_1793 = arith.constant 16 : index
        %get3A_1794 = tpu.vector_load %arg6[%get3A_1792, %get3A_1793] {strides = array<i32>} : memref<400x64xf32, #tpu.memory_space<vmem>>, vector<1x16xf32>,
        %get3A_1795 = vector.shape_cast %get3A_1794 : vector<1x16xf32> to vector<16xf32>
        %max3A_1796 = arith.maximumf %max3A_1774, %get3A_1795 : vector<16xf32>
        %get3A_1797 = arith.index_cast %scan3A_1786 : i32 to index
        %get3A_1798 = arith.constant 32 : index
        %get3A_1799 = tpu.vector_load %arg6[%get3A_1797, %get3A_1798] {strides = array<i32>} : memref<400x64xf32, #tpu.memory_space<vmem>>, vector<1x16xf32>,
        %get3A_1800 = vector.shape_cast %get3A_1799 : vector<1x16xf32> to vector<16xf32>
        %max3A_1801 = arith.maximumf %max3A_1779, %get3A_1800 : vector<16xf32>
        %get3A_1802 = arith.index_cast %scan3A_1786 : i32 to index
        %get3A_1803 = arith.constant 48 : index
        %get3A_1804 = tpu.vector_load %arg6[%get3A_1802, %get3A_1803] {strides = array<i32>} : memref<400x64xf32, #tpu.memory_space<vmem>>, vector<1x16xf32>,
        %get3A_1805 = vector.shape_cast %get3A_1804 : vector<1x16xf32> to vector<16xf32>
        %max3A_1806 = arith.maximumf %max3A_1784, %get3A_1805 : vector<16xf32>
        %scan3A_1807 = arith.constant 4 : i32
        %scan3A_1808 = arith.addi %scan3A_1716, %scan3A_1807 : i32
        %get3A_1809 = arith.index_cast %scan3A_1808 : i32 to index
        %get3A_1810 = arith.constant 0 : index
        %get3A_1811 = tpu.vector_load %arg6[%get3A_1809, %get3A_1810] {strides = array<i32>} : memref<400x64xf32, #tpu.memory_space<vmem>>, vector<1x16xf32>,
        %get3A_1812 = vector.shape_cast %get3A_1811 : vector<1x16xf32> to vector<16xf32>
        %max3A_1813 = arith.maximumf %max3A_1791, %get3A_1812 : vector<16xf32>
        %get3A_1814 = arith.index_cast %scan3A_1808 : i32 to index
        %get3A_1815 = arith.constant 16 : index
        %get3A_1816 = tpu.vector_load %arg6[%get3A_1814, %get3A_1815] {strides = array<i32>} : memref<400x64xf32, #tpu.memory_space<vmem>>, vector<1x16xf32>,
        %get3A_1817 = vector.shape_cast %get3A_1816 : vector<1x16xf32> to vector<16xf32>
        %max3A_1818 = arith.maximumf %max3A_1796, %get3A_1817 : vector<16xf32>
        %get3A_1819 = arith.index_cast %scan3A_1808 : i32 to index
        %get3A_1820 = arith.constant 32 : index
        %get3A_1821 = tpu.vector_load %arg6[%get3A_1819, %get3A_1820] {strides = array<i32>} : memref<400x64xf32, #tpu.memory_space<vmem>>, vector<1x16xf32>,
        %get3A_1822 = vector.shape_cast %get3A_1821 : vector<1x16xf32> to vector<16xf32>
        %max3A_1823 = arith.maximumf %max3A_1801, %get3A_1822 : vector<16xf32>
        %get3A_1824 = arith.index_cast %scan3A_1808 : i32 to index
        %get3A_1825 = arith.constant 48 : index
        %get3A_1826 = tpu.vector_load %arg6[%get3A_1824, %get3A_1825] {strides = array<i32>} : memref<400x64xf32, #tpu.memory_space<vmem>>, vector<1x16xf32>,
        %get3A_1827 = vector.shape_cast %get3A_1826 : vector<1x16xf32> to vector<16xf32>
        %max3A_1828 = arith.maximumf %max3A_1806, %get3A_1827 : vector<16xf32>
        %scan3A_1829 = arith.constant 5 : i32
        %scan3A_1830 = arith.addi %scan3A_1716, %scan3A_1829 : i32
        %get3A_1831 = arith.index_cast %scan3A_1830 : i32 to index
        %get3A_1832 = arith.constant 0 : index
        %get3A_1833 = tpu.vector_load %arg6[%get3A_1831, %get3A_1832] {strides = array<i32>} : memref<400x64xf32, #tpu.memory_space<vmem>>, vector<1x16xf32>,
        %get3A_1834 = vector.shape_cast %get3A_1833 : vector<1x16xf32> to vector<16xf32>
        %max3A_1835 = arith.maximumf %max3A_1813, %get3A_1834 : vector<16xf32>
        %get3A_1836 = arith.index_cast %scan3A_1830 : i32 to index
        %get3A_1837 = arith.constant 16 : index
        %get3A_1838 = tpu.vector_load %arg6[%get3A_1836, %get3A_1837] {strides = array<i32>} : memref<400x64xf32, #tpu.memory_space<vmem>>, vector<1x16xf32>,
        %get3A_1839 = vector.shape_cast %get3A_1838 : vector<1x16xf32> to vector<16xf32>
        %max3A_1840 = arith.maximumf %max3A_1818, %get3A_1839 : vector<16xf32>
        %get3A_1841 = arith.index_cast %scan3A_1830 : i32 to index
        %get3A_1842 = arith.constant 32 : index
        %get3A_1843 = tpu.vector_load %arg6[%get3A_1841, %get3A_1842] {strides = array<i32>} : memref<400x64xf32, #tpu.memory_space<vmem>>, vector<1x16xf32>,
        %get3A_1844 = vector.shape_cast %get3A_1843 : vector<1x16xf32> to vector<16xf32>
        %max3A_1845 = arith.maximumf %max3A_1823, %get3A_1844 : vector<16xf32>
        %get3A_1846 = arith.index_cast %scan3A_1830 : i32 to index
        %get3A_1847 = arith.constant 48 : index
        %get3A_1848 = tpu.vector_load %arg6[%get3A_1846, %get3A_1847] {strides = array<i32>} : memref<400x64xf32, #tpu.memory_space<vmem>>, vector<1x16xf32>,
        %get3A_1849 = vector.shape_cast %get3A_1848 : vector<1x16xf32> to vector<16xf32>
        %max3A_1850 = arith.maximumf %max3A_1828, %get3A_1849 : vector<16xf32>
        %scan3A_1851 = arith.constant 6 : i32
        %scan3A_1852 = arith.addi %scan3A_1716, %scan3A_1851 : i32
        %get3A_1853 = arith.index_cast %scan3A_1852 : i32 to index
        %get3A_1854 = arith.constant 0 : index
        %get3A_1855 = tpu.vector_load %arg6[%get3A_1853, %get3A_1854] {strides = array<i32>} : memref<400x64xf32, #tpu.memory_space<vmem>>, vector<1x16xf32>,
        %get3A_1856 = vector.shape_cast %get3A_1855 : vector<1x16xf32> to vector<16xf32>
        %max3A_1857 = arith.maximumf %max3A_1835, %get3A_1856 : vector<16xf32>
        %get3A_1858 = arith.index_cast %scan3A_1852 : i32 to index
        %get3A_1859 = arith.constant 16 : index
        %get3A_1860 = tpu.vector_load %arg6[%get3A_1858, %get3A_1859] {strides = array<i32>} : memref<400x64xf32, #tpu.memory_space<vmem>>, vector<1x16xf32>,
        %get3A_1861 = vector.shape_cast %get3A_1860 : vector<1x16xf32> to vector<16xf32>
        %max3A_1862 = arith.maximumf %max3A_1840, %get3A_1861 : vector<16xf32>
        %get3A_1863 = arith.index_cast %scan3A_1852 : i32 to index
        %get3A_1864 = arith.constant 32 : index
        %get3A_1865 = tpu.vector_load %arg6[%get3A_1863, %get3A_1864] {strides = array<i32>} : memref<400x64xf32, #tpu.memory_space<vmem>>, vector<1x16xf32>,
        %get3A_1866 = vector.shape_cast %get3A_1865 : vector<1x16xf32> to vector<16xf32>
        %max3A_1867 = arith.maximumf %max3A_1845, %get3A_1866 : vector<16xf32>
        %get3A_1868 = arith.index_cast %scan3A_1852 : i32 to index
        %get3A_1869 = arith.constant 48 : index
        %get3A_1870 = tpu.vector_load %arg6[%get3A_1868, %get3A_1869] {strides = array<i32>} : memref<400x64xf32, #tpu.memory_space<vmem>>, vector<1x16xf32>,
        %get3A_1871 = vector.shape_cast %get3A_1870 : vector<1x16xf32> to vector<16xf32>
        %max3A_1872 = arith.maximumf %max3A_1850, %get3A_1871 : vector<16xf32>
        %scan3A_1873 = arith.constant 7 : i32
        %scan3A_1874 = arith.addi %scan3A_1716, %scan3A_1873 : i32
        %get3A_1875 = arith.index_cast %scan3A_1874 : i32 to index
        %get3A_1876 = arith.constant 0 : index
        %get3A_1877 = tpu.vector_load %arg6[%get3A_1875, %get3A_1876] {strides = array<i32>} : memref<400x64xf32, #tpu.memory_space<vmem>>, vector<1x16xf32>,
        %get3A_1878 = vector.shape_cast %get3A_1877 : vector<1x16xf32> to vector<16xf32>
        %max3A_1879 = arith.maximumf %max3A_1857, %get3A_1878 : vector<16xf32>
        %get3A_1880 = arith.index_cast %scan3A_1874 : i32 to index
        %get3A_1881 = arith.constant 16 : index
        %get3A_1882 = tpu.vector_load %arg6[%get3A_1880, %get3A_1881] {strides = array<i32>} : memref<400x64xf32, #tpu.memory_space<vmem>>, vector<1x16xf32>,
        %get3A_1883 = vector.shape_cast %get3A_1882 : vector<1x16xf32> to vector<16xf32>
        %max3A_1884 = arith.maximumf %max3A_1862, %get3A_1883 : vector<16xf32>
        %get3A_1885 = arith.index_cast %scan3A_1874 : i32 to index
        %get3A_1886 = arith.constant 32 : index
        %get3A_1887 = tpu.vector_load %arg6[%get3A_1885, %get3A_1886] {strides = array<i32>} : memref<400x64xf32, #tpu.memory_space<vmem>>, vector<1x16xf32>,
        %get3A_1888 = vector.shape_cast %get3A_1887 : vector<1x16xf32> to vector<16xf32>
        %max3A_1889 = arith.maximumf %max3A_1867, %get3A_1888 : vector<16xf32>
        %get3A_1890 = arith.index_cast %scan3A_1874 : i32 to index
        %get3A_1891 = arith.constant 48 : index
        %get3A_1892 = tpu.vector_load %arg6[%get3A_1890, %get3A_1891] {strides = array<i32>} : memref<400x64xf32, #tpu.memory_space<vmem>>, vector<1x16xf32>,
        %get3A_1893 = vector.shape_cast %get3A_1892 : vector<1x16xf32> to vector<16xf32>
        %max3A_1894 = arith.maximumf %max3A_1872, %get3A_1893 : vector<16xf32>
        scf.yield %max3A_1879, %max3A_1884, %max3A_1889, %max3A_1894 : vector<16xf32>, vector<16xf32>, vector<16xf32>, vector<16xf32>
      }
      %scan3A_482 = arith.constant 192 : i32
      %scan3A_483 = arith.addi %scan3A_477, %scan3A_482 : i32
      %get3A_484 = arith.index_cast %scan3A_483 : i32 to index
      %get3A_485 = arith.constant 0 : index
      %get3A_486 = tpu.vector_load %arg6[%get3A_484, %get3A_485] {strides = array<i32>} : memref<400x64xf32, #tpu.memory_space<vmem>>, vector<1x16xf32>,
      %get3A_487 = vector.shape_cast %get3A_486 : vector<1x16xf32> to vector<16xf32>
      %max3A_488 = arith.maximumf %scan3A_481#0, %get3A_487 : vector<16xf32>
      %get3A_489 = arith.index_cast %scan3A_483 : i32 to index
      %get3A_490 = arith.constant 16 : index
      %get3A_491 = tpu.vector_load %arg6[%get3A_489, %get3A_490] {strides = array<i32>} : memref<400x64xf32, #tpu.memory_space<vmem>>, vector<1x16xf32>,
      %get3A_492 = vector.shape_cast %get3A_491 : vector<1x16xf32> to vector<16xf32>
      %max3A_493 = arith.maximumf %scan3A_481#1, %get3A_492 : vector<16xf32>
      %get3A_494 = arith.index_cast %scan3A_483 : i32 to index
      %get3A_495 = arith.constant 32 : index
      %get3A_496 = tpu.vector_load %arg6[%get3A_494, %get3A_495] {strides = array<i32>} : memref<400x64xf32, #tpu.memory_space<vmem>>, vector<1x16xf32>,
      %get3A_497 = vector.shape_cast %get3A_496 : vector<1x16xf32> to vector<16xf32>
      %max3A_498 = arith.maximumf %scan3A_481#2, %get3A_497 : vector<16xf32>
      %get3A_499 = arith.index_cast %scan3A_483 : i32 to index
      %get3A_500 = arith.constant 48 : index
      %get3A_501 = tpu.vector_load %arg6[%get3A_499, %get3A_500] {strides = array<i32>} : memref<400x64xf32, #tpu.memory_space<vmem>>, vector<1x16xf32>,
      %get3A_502 = vector.shape_cast %get3A_501 : vector<1x16xf32> to vector<16xf32>
      %max3A_503 = arith.maximumf %scan3A_481#3, %get3A_502 : vector<16xf32>
      %scan3A_504 = arith.constant 193 : i32
      %scan3A_505 = arith.addi %scan3A_477, %scan3A_504 : i32
      %get3A_506 = arith.index_cast %scan3A_505 : i32 to index
      %get3A_507 = arith.constant 0 : index
      %get3A_508 = tpu.vector_load %arg6[%get3A_506, %get3A_507] {strides = array<i32>} : memref<400x64xf32, #tpu.memory_space<vmem>>, vector<1x16xf32>,
      %get3A_509 = vector.shape_cast %get3A_508 : vector<1x16xf32> to vector<16xf32>
      %max3A_510 = arith.maximumf %max3A_488, %get3A_509 : vector<16xf32>
      %get3A_511 = arith.index_cast %scan3A_505 : i32 to index
      %get3A_512 = arith.constant 16 : index
      %get3A_513 = tpu.vector_load %arg6[%get3A_511, %get3A_512] {strides = array<i32>} : memref<400x64xf32, #tpu.memory_space<vmem>>, vector<1x16xf32>,
      %get3A_514 = vector.shape_cast %get3A_513 : vector<1x16xf32> to vector<16xf32>
      %max3A_515 = arith.maximumf %max3A_493, %get3A_514 : vector<16xf32>
      %get3A_516 = arith.index_cast %scan3A_505 : i32 to index
      %get3A_517 = arith.constant 32 : index
      %get3A_518 = tpu.vector_load %arg6[%get3A_516, %get3A_517] {strides = array<i32>} : memref<400x64xf32, #tpu.memory_space<vmem>>, vector<1x16xf32>,
      %get3A_519 = vector.shape_cast %get3A_518 : vector<1x16xf32> to vector<16xf32>
      %max3A_520 = arith.maximumf %max3A_498, %get3A_519 : vector<16xf32>
      %get3A_521 = arith.index_cast %scan3A_505 : i32 to index
      %get3A_522 = arith.constant 48 : index
      %get3A_523 = tpu.vector_load %arg6[%get3A_521, %get3A_522] {strides = array<i32>} : memref<400x64xf32, #tpu.memory_space<vmem>>, vector<1x16xf32>,
      %get3A_524 = vector.shape_cast %get3A_523 : vector<1x16xf32> to vector<16xf32>
      %max3A_525 = arith.maximumf %max3A_503, %get3A_524 : vector<16xf32>
      %scan3A_526 = arith.constant 194 : i32
      %scan3A_527 = arith.addi %scan3A_477, %scan3A_526 : i32
      %get3A_528 = arith.index_cast %scan3A_527 : i32 to index
      %get3A_529 = arith.constant 0 : index
      %get3A_530 = tpu.vector_load %arg6[%get3A_528, %get3A_529] {strides = array<i32>} : memref<400x64xf32, #tpu.memory_space<vmem>>, vector<1x16xf32>,
      %get3A_531 = vector.shape_cast %get3A_530 : vector<1x16xf32> to vector<16xf32>
      %max3A_532 = arith.maximumf %max3A_510, %get3A_531 : vector<16xf32>
      %get3A_533 = arith.index_cast %scan3A_527 : i32 to index
      %get3A_534 = arith.constant 16 : index
      %get3A_535 = tpu.vector_load %arg6[%get3A_533, %get3A_534] {strides = array<i32>} : memref<400x64xf32, #tpu.memory_space<vmem>>, vector<1x16xf32>,
      %get3A_536 = vector.shape_cast %get3A_535 : vector<1x16xf32> to vector<16xf32>
      %max3A_537 = arith.maximumf %max3A_515, %get3A_536 : vector<16xf32>
      %get3A_538 = arith.index_cast %scan3A_527 : i32 to index
      %get3A_539 = arith.constant 32 : index
      %get3A_540 = tpu.vector_load %arg6[%get3A_538, %get3A_539] {strides = array<i32>} : memref<400x64xf32, #tpu.memory_space<vmem>>, vector<1x16xf32>,
      %get3A_541 = vector.shape_cast %get3A_540 : vector<1x16xf32> to vector<16xf32>
      %max3A_542 = arith.maximumf %max3A_520, %get3A_541 : vector<16xf32>
      %get3A_543 = arith.index_cast %scan3A_527 : i32 to index
      %get3A_544 = arith.constant 48 : index
      %get3A_545 = tpu.vector_load %arg6[%get3A_543, %get3A_544] {strides = array<i32>} : memref<400x64xf32, #tpu.memory_space<vmem>>, vector<1x16xf32>,
      %get3A_546 = vector.shape_cast %get3A_545 : vector<1x16xf32> to vector<16xf32>
      %max3A_547 = arith.maximumf %max3A_525, %get3A_546 : vector<16xf32>
      %scan3A_548 = arith.constant 195 : i32
      %scan3A_549 = arith.addi %scan3A_477, %scan3A_548 : i32
      %get3A_550 = arith.index_cast %scan3A_549 : i32 to index
      %get3A_551 = arith.constant 0 : index
      %get3A_552 = tpu.vector_load %arg6[%get3A_550, %get3A_551] {strides = array<i32>} : memref<400x64xf32, #tpu.memory_space<vmem>>, vector<1x16xf32>,
      %get3A_553 = vector.shape_cast %get3A_552 : vector<1x16xf32> to vector<16xf32>
      %max3A_554 = arith.maximumf %max3A_532, %get3A_553 : vector<16xf32>
      %get3A_555 = arith.index_cast %scan3A_549 : i32 to index
      %get3A_556 = arith.constant 16 : index
      %get3A_557 = tpu.vector_load %arg6[%get3A_555, %get3A_556] {strides = array<i32>} : memref<400x64xf32, #tpu.memory_space<vmem>>, vector<1x16xf32>,
      %get3A_558 = vector.shape_cast %get3A_557 : vector<1x16xf32> to vector<16xf32>
      %max3A_559 = arith.maximumf %max3A_537, %get3A_558 : vector<16xf32>
      %get3A_560 = arith.index_cast %scan3A_549 : i32 to index
      %get3A_561 = arith.constant 32 : index
      %get3A_562 = tpu.vector_load %arg6[%get3A_560, %get3A_561] {strides = array<i32>} : memref<400x64xf32, #tpu.memory_space<vmem>>, vector<1x16xf32>,
      %get3A_563 = vector.shape_cast %get3A_562 : vector<1x16xf32> to vector<16xf32>
      %max3A_564 = arith.maximumf %max3A_542, %get3A_563 : vector<16xf32>
      %get3A_565 = arith.index_cast %scan3A_549 : i32 to index
      %get3A_566 = arith.constant 48 : index
      %get3A_567 = tpu.vector_load %arg6[%get3A_565, %get3A_566] {strides = array<i32>} : memref<400x64xf32, #tpu.memory_space<vmem>>, vector<1x16xf32>,
      %get3A_568 = vector.shape_cast %get3A_567 : vector<1x16xf32> to vector<16xf32>
      %max3A_569 = arith.maximumf %max3A_547, %get3A_568 : vector<16xf32>
      %scan3A_570 = arith.constant 196 : i32
      %scan3A_571 = arith.addi %scan3A_477, %scan3A_570 : i32
      %get3A_572 = arith.index_cast %scan3A_571 : i32 to index
      %get3A_573 = arith.constant 0 : index
      %get3A_574 = tpu.vector_load %arg6[%get3A_572, %get3A_573] {strides = array<i32>} : memref<400x64xf32, #tpu.memory_space<vmem>>, vector<1x16xf32>,
      %get3A_575 = vector.shape_cast %get3A_574 : vector<1x16xf32> to vector<16xf32>
      %max3A_576 = arith.maximumf %max3A_554, %get3A_575 : vector<16xf32>
      %get3A_577 = arith.index_cast %scan3A_571 : i32 to index
      %get3A_578 = arith.constant 16 : index
      %get3A_579 = tpu.vector_load %arg6[%get3A_577, %get3A_578] {strides = array<i32>} : memref<400x64xf32, #tpu.memory_space<vmem>>, vector<1x16xf32>,
      %get3A_580 = vector.shape_cast %get3A_579 : vector<1x16xf32> to vector<16xf32>
      %max3A_581 = arith.maximumf %max3A_559, %get3A_580 : vector<16xf32>
      %get3A_582 = arith.index_cast %scan3A_571 : i32 to index
      %get3A_583 = arith.constant 32 : index
      %get3A_584 = tpu.vector_load %arg6[%get3A_582, %get3A_583] {strides = array<i32>} : memref<400x64xf32, #tpu.memory_space<vmem>>, vector<1x16xf32>,
      %get3A_585 = vector.shape_cast %get3A_584 : vector<1x16xf32> to vector<16xf32>
      %max3A_586 = arith.maximumf %max3A_564, %get3A_585 : vector<16xf32>
      %get3A_587 = arith.index_cast %scan3A_571 : i32 to index
      %get3A_588 = arith.constant 48 : index
      %get3A_589 = tpu.vector_load %arg6[%get3A_587, %get3A_588] {strides = array<i32>} : memref<400x64xf32, #tpu.memory_space<vmem>>, vector<1x16xf32>,
      %get3A_590 = vector.shape_cast %get3A_589 : vector<1x16xf32> to vector<16xf32>
      %max3A_591 = arith.maximumf %max3A_569, %get3A_590 : vector<16xf32>
      %scan3A_592 = arith.constant 197 : i32
      %scan3A_593 = arith.addi %scan3A_477, %scan3A_592 : i32
      %get3A_594 = arith.index_cast %scan3A_593 : i32 to index
      %get3A_595 = arith.constant 0 : index
      %get3A_596 = tpu.vector_load %arg6[%get3A_594, %get3A_595] {strides = array<i32>} : memref<400x64xf32, #tpu.memory_space<vmem>>, vector<1x16xf32>,
      %get3A_597 = vector.shape_cast %get3A_596 : vector<1x16xf32> to vector<16xf32>
      %max3A_598 = arith.maximumf %max3A_576, %get3A_597 : vector<16xf32>
      %get3A_599 = arith.index_cast %scan3A_593 : i32 to index
      %get3A_600 = arith.constant 16 : index
      %get3A_601 = tpu.vector_load %arg6[%get3A_599, %get3A_600] {strides = array<i32>} : memref<400x64xf32, #tpu.memory_space<vmem>>, vector<1x16xf32>,
      %get3A_602 = vector.shape_cast %get3A_601 : vector<1x16xf32> to vector<16xf32>
      %max3A_603 = arith.maximumf %max3A_581, %get3A_602 : vector<16xf32>
      %get3A_604 = arith.index_cast %scan3A_593 : i32 to index
      %get3A_605 = arith.constant 32 : index
      %get3A_606 = tpu.vector_load %arg6[%get3A_604, %get3A_605] {strides = array<i32>} : memref<400x64xf32, #tpu.memory_space<vmem>>, vector<1x16xf32>,
      %get3A_607 = vector.shape_cast %get3A_606 : vector<1x16xf32> to vector<16xf32>
      %max3A_608 = arith.maximumf %max3A_586, %get3A_607 : vector<16xf32>
      %get3A_609 = arith.index_cast %scan3A_593 : i32 to index
      %get3A_610 = arith.constant 48 : index
      %get3A_611 = tpu.vector_load %arg6[%get3A_609, %get3A_610] {strides = array<i32>} : memref<400x64xf32, #tpu.memory_space<vmem>>, vector<1x16xf32>,
      %get3A_612 = vector.shape_cast %get3A_611 : vector<1x16xf32> to vector<16xf32>
      %max3A_613 = arith.maximumf %max3A_591, %get3A_612 : vector<16xf32>
      %scan3A_614 = arith.constant 198 : i32
      %scan3A_615 = arith.addi %scan3A_477, %scan3A_614 : i32
      %get3A_616 = arith.index_cast %scan3A_615 : i32 to index
      %get3A_617 = arith.constant 0 : index
      %get3A_618 = tpu.vector_load %arg6[%get3A_616, %get3A_617] {strides = array<i32>} : memref<400x64xf32, #tpu.memory_space<vmem>>, vector<1x16xf32>,
      %get3A_619 = vector.shape_cast %get3A_618 : vector<1x16xf32> to vector<16xf32>
      %max3A_620 = arith.maximumf %max3A_598, %get3A_619 : vector<16xf32>
      %get3A_621 = arith.index_cast %scan3A_615 : i32 to index
      %get3A_622 = arith.constant 16 : index
      %get3A_623 = tpu.vector_load %arg6[%get3A_621, %get3A_622] {strides = array<i32>} : memref<400x64xf32, #tpu.memory_space<vmem>>, vector<1x16xf32>,
      %get3A_624 = vector.shape_cast %get3A_623 : vector<1x16xf32> to vector<16xf32>
      %max3A_625 = arith.maximumf %max3A_603, %get3A_624 : vector<16xf32>
      %get3A_626 = arith.index_cast %scan3A_615 : i32 to index
      %get3A_627 = arith.constant 32 : index
      %get3A_628 = tpu.vector_load %arg6[%get3A_626, %get3A_627] {strides = array<i32>} : memref<400x64xf32, #tpu.memory_space<vmem>>, vector<1x16xf32>,
      %get3A_629 = vector.shape_cast %get3A_628 : vector<1x16xf32> to vector<16xf32>
      %max3A_630 = arith.maximumf %max3A_608, %get3A_629 : vector<16xf32>
      %get3A_631 = arith.index_cast %scan3A_615 : i32 to index
      %get3A_632 = arith.constant 48 : index
      %get3A_633 = tpu.vector_load %arg6[%get3A_631, %get3A_632] {strides = array<i32>} : memref<400x64xf32, #tpu.memory_space<vmem>>, vector<1x16xf32>,
      %get3A_634 = vector.shape_cast %get3A_633 : vector<1x16xf32> to vector<16xf32>
      %max3A_635 = arith.maximumf %max3A_613, %get3A_634 : vector<16xf32>
      %scan3A_636 = arith.constant 199 : i32
      %swap3A_637 = arith.index_cast %add3A_456 : i32 to index
      %swap3A_638 = arith.constant 0 : index
      %swap3A_639 = tpu.vector_load %arg9[%swap3A_637, %swap3A_638] {strides = array<i32>} : memref<128x64xf32, #tpu.memory_space<vmem>>, vector<1x16xf32>,
      %swap3A_640 = vector.shape_cast %swap3A_639 : vector<1x16xf32> to vector<16xf32>
      %swap3A_641 = vector.shape_cast %max3A_620 : vector<16xf32> to vector<1x16xf32>
      tpu.vector_store %arg9[%swap3A_637, %swap3A_638], %swap3A_641 {strides = array<i32>} : memref<128x64xf32, #tpu.memory_space<vmem>>, vector<1x16xf32>,
      %swap3A_642 = arith.index_cast %add3A_456 : i32 to index
      %swap3A_643 = arith.constant 16 : index
      %swap3A_644 = tpu.vector_load %arg9[%swap3A_642, %swap3A_643] {strides = array<i32>} : memref<128x64xf32, #tpu.memory_space<vmem>>, vector<1x16xf32>,
      %swap3A_645 = vector.shape_cast %swap3A_644 : vector<1x16xf32> to vector<16xf32>
      %swap3A_646 = vector.shape_cast %max3A_625 : vector<16xf32> to vector<1x16xf32>
      tpu.vector_store %arg9[%swap3A_642, %swap3A_643], %swap3A_646 {strides = array<i32>} : memref<128x64xf32, #tpu.memory_space<vmem>>, vector<1x16xf32>,
      %swap3A_647 = arith.index_cast %add3A_456 : i32 to index
      %swap3A_648 = arith.constant 32 : index
      %swap3A_649 = tpu.vector_load %arg9[%swap3A_647, %swap3A_648] {strides = array<i32>} : memref<128x64xf32, #tpu.memory_space<vmem>>, vector<1x16xf32>,
      %swap3A_650 = vector.shape_cast %swap3A_649 : vector<1x16xf32> to vector<16xf32>
      %swap3A_651 = vector.shape_cast %max3A_630 : vector<16xf32> to vector<1x16xf32>
      tpu.vector_store %arg9[%swap3A_647, %swap3A_648], %swap3A_651 {strides = array<i32>} : memref<128x64xf32, #tpu.memory_space<vmem>>, vector<1x16xf32>,
      %swap3A_652 = arith.index_cast %add3A_456 : i32 to index
      %swap3A_653 = arith.constant 48 : index
      %swap3A_654 = tpu.vector_load %arg9[%swap3A_652, %swap3A_653] {strides = array<i32>} : memref<128x64xf32, #tpu.memory_space<vmem>>, vector<1x16xf32>,
      %swap3A_655 = vector.shape_cast %swap3A_654 : vector<1x16xf32> to vector<16xf32>
      %swap3A_656 = vector.shape_cast %max3A_635 : vector<16xf32> to vector<1x16xf32>
      tpu.vector_store %arg9[%swap3A_652, %swap3A_653], %swap3A_656 {strides = array<i32>} : memref<128x64xf32, #tpu.memory_space<vmem>>, vector<1x16xf32>,
      %mul3A_657 = arith.constant 2 : i32
      %mul3A_658 = arith.muli %add3A_446, %mul3A_657 : i32
      %add3A_659 = arith.constant 1 : i32
      %add3A_660 = arith.addi %mul3A_658, %add3A_659 : i32
      %get3A_661 = arith.constant 200 : i32
      %get3A_662 = arith.index_cast %get3A_661 : i32 to index
      %get3A_663 = arith.constant 0 : index
      %get3A_664 = tpu.vector_load %arg6[%get3A_662, %get3A_663] {strides = array<i32>} : memref<400x64xf32, #tpu.memory_space<vmem>>, vector<1x16xf32>,
      %get3A_665 = vector.shape_cast %get3A_664 : vector<1x16xf32> to vector<16xf32>
      %get3A_666 = arith.constant 200 : i32
      %get3A_667 = arith.index_cast %get3A_666 : i32 to index
      %get3A_668 = arith.constant 16 : index
      %get3A_669 = tpu.vector_load %arg6[%get3A_667, %get3A_668] {strides = array<i32>} : memref<400x64xf32, #tpu.memory_space<vmem>>, vector<1x16xf32>,
      %get3A_670 = vector.shape_cast %get3A_669 : vector<1x16xf32> to vector<16xf32>
      %get3A_671 = arith.constant 200 : i32
      %get3A_672 = arith.index_cast %get3A_671 : i32 to index
      %get3A_673 = arith.constant 32 : index
      %get3A_674 = tpu.vector_load %arg6[%get3A_672, %get3A_673] {strides = array<i32>} : memref<400x64xf32, #tpu.memory_space<vmem>>, vector<1x16xf32>,
      %get3A_675 = vector.shape_cast %get3A_674 : vector<1x16xf32> to vector<16xf32>
      %get3A_676 = arith.constant 200 : i32
      %get3A_677 = arith.index_cast %get3A_676 : i32 to index
      %get3A_678 = arith.constant 48 : index
      %get3A_679 = tpu.vector_load %arg6[%get3A_677, %get3A_678] {strides = array<i32>} : memref<400x64xf32, #tpu.memory_space<vmem>>, vector<1x16xf32>,
      %get3A_680 = vector.shape_cast %get3A_679 : vector<1x16xf32> to vector<16xf32>
      %scan3A_681 = arith.constant 201 : i32
      %scan3A_682 = arith.constant 192 : i32
      %scan3A_683 = arith.addi %scan3A_681, %scan3A_682 : i32
      %scan3A_684 = arith.constant 8 : i32
      %scan3A_685:4 = scf.for %scan3A_1716 = %scan3A_681 to %scan3A_683 step %scan3A_684 iter_args(%scan3A_1717 = %get3A_665, %scan3A_1718 = %get3A_670, %scan3A_1719 = %get3A_675, %scan3A_1720 = %get3A_680) -> (vector<16xf32>, vector<16xf32>, vector<16xf32>, vector<16xf32>)  : i32 {
        %get3A_1721 = arith.index_cast %scan3A_1716 : i32 to index
        %get3A_1722 = arith.constant 0 : index
        %get3A_1723 = tpu.vector_load %arg6[%get3A_1721, %get3A_1722] {strides = array<i32>} : memref<400x64xf32, #tpu.memory_space<vmem>>, vector<1x16xf32>,
        %get3A_1724 = vector.shape_cast %get3A_1723 : vector<1x16xf32> to vector<16xf32>
        %max3A_1725 = arith.maximumf %scan3A_1717, %get3A_1724 : vector<16xf32>
        %get3A_1726 = arith.index_cast %scan3A_1716 : i32 to index
        %get3A_1727 = arith.constant 16 : index
        %get3A_1728 = tpu.vector_load %arg6[%get3A_1726, %get3A_1727] {strides = array<i32>} : memref<400x64xf32, #tpu.memory_space<vmem>>, vector<1x16xf32>,
        %get3A_1729 = vector.shape_cast %get3A_1728 : vector<1x16xf32> to vector<16xf32>
        %max3A_1730 = arith.maximumf %scan3A_1718, %get3A_1729 : vector<16xf32>
        %get3A_1731 = arith.index_cast %scan3A_1716 : i32 to index
        %get3A_1732 = arith.constant 32 : index
        %get3A_1733 = tpu.vector_load %arg6[%get3A_1731, %get3A_1732] {strides = array<i32>} : memref<400x64xf32, #tpu.memory_space<vmem>>, vector<1x16xf32>,
        %get3A_1734 = vector.shape_cast %get3A_1733 : vector<1x16xf32> to vector<16xf32>
        %max3A_1735 = arith.maximumf %scan3A_1719, %get3A_1734 : vector<16xf32>
        %get3A_1736 = arith.index_cast %scan3A_1716 : i32 to index
        %get3A_1737 = arith.constant 48 : index
        %get3A_1738 = tpu.vector_load %arg6[%get3A_1736, %get3A_1737] {strides = array<i32>} : memref<400x64xf32, #tpu.memory_space<vmem>>, vector<1x16xf32>,
        %get3A_1739 = vector.shape_cast %get3A_1738 : vector<1x16xf32> to vector<16xf32>
        %max3A_1740 = arith.maximumf %scan3A_1720, %get3A_1739 : vector<16xf32>
        %scan3A_1741 = arith.constant 1 : i32
        %scan3A_1742 = arith.addi %scan3A_1716, %scan3A_1741 : i32
        %get3A_1743 = arith.index_cast %scan3A_1742 : i32 to index
        %get3A_1744 = arith.constant 0 : index
        %get3A_1745 = tpu.vector_load %arg6[%get3A_1743, %get3A_1744] {strides = array<i32>} : memref<400x64xf32, #tpu.memory_space<vmem>>, vector<1x16xf32>,
        %get3A_1746 = vector.shape_cast %get3A_1745 : vector<1x16xf32> to vector<16xf32>
        %max3A_1747 = arith.maximumf %max3A_1725, %get3A_1746 : vector<16xf32>
        %get3A_1748 = arith.index_cast %scan3A_1742 : i32 to index
        %get3A_1749 = arith.constant 16 : index
        %get3A_1750 = tpu.vector_load %arg6[%get3A_1748, %get3A_1749] {strides = array<i32>} : memref<400x64xf32, #tpu.memory_space<vmem>>, vector<1x16xf32>,
        %get3A_1751 = vector.shape_cast %get3A_1750 : vector<1x16xf32> to vector<16xf32>
        %max3A_1752 = arith.maximumf %max3A_1730, %get3A_1751 : vector<16xf32>
        %get3A_1753 = arith.index_cast %scan3A_1742 : i32 to index
        %get3A_1754 = arith.constant 32 : index
        %get3A_1755 = tpu.vector_load %arg6[%get3A_1753, %get3A_1754] {strides = array<i32>} : memref<400x64xf32, #tpu.memory_space<vmem>>, vector<1x16xf32>,
        %get3A_1756 = vector.shape_cast %get3A_1755 : vector<1x16xf32> to vector<16xf32>
        %max3A_1757 = arith.maximumf %max3A_1735, %get3A_1756 : vector<16xf32>
        %get3A_1758 = arith.index_cast %scan3A_1742 : i32 to index
        %get3A_1759 = arith.constant 48 : index
        %get3A_1760 = tpu.vector_load %arg6[%get3A_1758, %get3A_1759] {strides = array<i32>} : memref<400x64xf32, #tpu.memory_space<vmem>>, vector<1x16xf32>,
        %get3A_1761 = vector.shape_cast %get3A_1760 : vector<1x16xf32> to vector<16xf32>
        %max3A_1762 = arith.maximumf %max3A_1740, %get3A_1761 : vector<16xf32>
        %scan3A_1763 = arith.constant 2 : i32
        %scan3A_1764 = arith.addi %scan3A_1716, %scan3A_1763 : i32
        %get3A_1765 = arith.index_cast %scan3A_1764 : i32 to index
        %get3A_1766 = arith.constant 0 : index
        %get3A_1767 = tpu.vector_load %arg6[%get3A_1765, %get3A_1766] {strides = array<i32>} : memref<400x64xf32, #tpu.memory_space<vmem>>, vector<1x16xf32>,
        %get3A_1768 = vector.shape_cast %get3A_1767 : vector<1x16xf32> to vector<16xf32>
        %max3A_1769 = arith.maximumf %max3A_1747, %get3A_1768 : vector<16xf32>
        %get3A_1770 = arith.index_cast %scan3A_1764 : i32 to index
        %get3A_1771 = arith.constant 16 : index
        %get3A_1772 = tpu.vector_load %arg6[%get3A_1770, %get3A_1771] {strides = array<i32>} : memref<400x64xf32, #tpu.memory_space<vmem>>, vector<1x16xf32>,
        %get3A_1773 = vector.shape_cast %get3A_1772 : vector<1x16xf32> to vector<16xf32>
        %max3A_1774 = arith.maximumf %max3A_1752, %get3A_1773 : vector<16xf32>
        %get3A_1775 = arith.index_cast %scan3A_1764 : i32 to index
        %get3A_1776 = arith.constant 32 : index
        %get3A_1777 = tpu.vector_load %arg6[%get3A_1775, %get3A_1776] {strides = array<i32>} : memref<400x64xf32, #tpu.memory_space<vmem>>, vector<1x16xf32>,
        %get3A_1778 = vector.shape_cast %get3A_1777 : vector<1x16xf32> to vector<16xf32>
        %max3A_1779 = arith.maximumf %max3A_1757, %get3A_1778 : vector<16xf32>
        %get3A_1780 = arith.index_cast %scan3A_1764 : i32 to index
        %get3A_1781 = arith.constant 48 : index
        %get3A_1782 = tpu.vector_load %arg6[%get3A_1780, %get3A_1781] {strides = array<i32>} : memref<400x64xf32, #tpu.memory_space<vmem>>, vector<1x16xf32>,
        %get3A_1783 = vector.shape_cast %get3A_1782 : vector<1x16xf32> to vector<16xf32>
        %max3A_1784 = arith.maximumf %max3A_1762, %get3A_1783 : vector<16xf32>
        %scan3A_1785 = arith.constant 3 : i32
        %scan3A_1786 = arith.addi %scan3A_1716, %scan3A_1785 : i32
        %get3A_1787 = arith.index_cast %scan3A_1786 : i32 to index
        %get3A_1788 = arith.constant 0 : index
        %get3A_1789 = tpu.vector_load %arg6[%get3A_1787, %get3A_1788] {strides = array<i32>} : memref<400x64xf32, #tpu.memory_space<vmem>>, vector<1x16xf32>,
        %get3A_1790 = vector.shape_cast %get3A_1789 : vector<1x16xf32> to vector<16xf32>
        %max3A_1791 = arith.maximumf %max3A_1769, %get3A_1790 : vector<16xf32>
        %get3A_1792 = arith.index_cast %scan3A_1786 : i32 to index
        %get3A_1793 = arith.constant 16 : index
        %get3A_1794 = tpu.vector_load %arg6[%get3A_1792, %get3A_1793] {strides = array<i32>} : memref<400x64xf32, #tpu.memory_space<vmem>>, vector<1x16xf32>,
        %get3A_1795 = vector.shape_cast %get3A_1794 : vector<1x16xf32> to vector<16xf32>
        %max3A_1796 = arith.maximumf %max3A_1774, %get3A_1795 : vector<16xf32>
        %get3A_1797 = arith.index_cast %scan3A_1786 : i32 to index
        %get3A_1798 = arith.constant 32 : index
        %get3A_1799 = tpu.vector_load %arg6[%get3A_1797, %get3A_1798] {strides = array<i32>} : memref<400x64xf32, #tpu.memory_space<vmem>>, vector<1x16xf32>,
        %get3A_1800 = vector.shape_cast %get3A_1799 : vector<1x16xf32> to vector<16xf32>
        %max3A_1801 = arith.maximumf %max3A_1779, %get3A_1800 : vector<16xf32>
        %get3A_1802 = arith.index_cast %scan3A_1786 : i32 to index
        %get3A_1803 = arith.constant 48 : index
        %get3A_1804 = tpu.vector_load %arg6[%get3A_1802, %get3A_1803] {strides = array<i32>} : memref<400x64xf32, #tpu.memory_space<vmem>>, vector<1x16xf32>,
        %get3A_1805 = vector.shape_cast %get3A_1804 : vector<1x16xf32> to vector<16xf32>
        %max3A_1806 = arith.maximumf %max3A_1784, %get3A_1805 : vector<16xf32>
        %scan3A_1807 = arith.constant 4 : i32
        %scan3A_1808 = arith.addi %scan3A_1716, %scan3A_1807 : i32
        %get3A_1809 = arith.index_cast %scan3A_1808 : i32 to index
        %get3A_1810 = arith.constant 0 : index
        %get3A_1811 = tpu.vector_load %arg6[%get3A_1809, %get3A_1810] {strides = array<i32>} : memref<400x64xf32, #tpu.memory_space<vmem>>, vector<1x16xf32>,
        %get3A_1812 = vector.shape_cast %get3A_1811 : vector<1x16xf32> to vector<16xf32>
        %max3A_1813 = arith.maximumf %max3A_1791, %get3A_1812 : vector<16xf32>
        %get3A_1814 = arith.index_cast %scan3A_1808 : i32 to index
        %get3A_1815 = arith.constant 16 : index
        %get3A_1816 = tpu.vector_load %arg6[%get3A_1814, %get3A_1815] {strides = array<i32>} : memref<400x64xf32, #tpu.memory_space<vmem>>, vector<1x16xf32>,
        %get3A_1817 = vector.shape_cast %get3A_1816 : vector<1x16xf32> to vector<16xf32>
        %max3A_1818 = arith.maximumf %max3A_1796, %get3A_1817 : vector<16xf32>
        %get3A_1819 = arith.index_cast %scan3A_1808 : i32 to index
        %get3A_1820 = arith.constant 32 : index
        %get3A_1821 = tpu.vector_load %arg6[%get3A_1819, %get3A_1820] {strides = array<i32>} : memref<400x64xf32, #tpu.memory_space<vmem>>, vector<1x16xf32>,
        %get3A_1822 = vector.shape_cast %get3A_1821 : vector<1x16xf32> to vector<16xf32>
        %max3A_1823 = arith.maximumf %max3A_1801, %get3A_1822 : vector<16xf32>
        %get3A_1824 = arith.index_cast %scan3A_1808 : i32 to index
        %get3A_1825 = arith.constant 48 : index
        %get3A_1826 = tpu.vector_load %arg6[%get3A_1824, %get3A_1825] {strides = array<i32>} : memref<400x64xf32, #tpu.memory_space<vmem>>, vector<1x16xf32>,
        %get3A_1827 = vector.shape_cast %get3A_1826 : vector<1x16xf32> to vector<16xf32>
        %max3A_1828 = arith.maximumf %max3A_1806, %get3A_1827 : vector<16xf32>
        %scan3A_1829 = arith.constant 5 : i32
        %scan3A_1830 = arith.addi %scan3A_1716, %scan3A_1829 : i32
        %get3A_1831 = arith.index_cast %scan3A_1830 : i32 to index
        %get3A_1832 = arith.constant 0 : index
        %get3A_1833 = tpu.vector_load %arg6[%get3A_1831, %get3A_1832] {strides = array<i32>} : memref<400x64xf32, #tpu.memory_space<vmem>>, vector<1x16xf32>,
        %get3A_1834 = vector.shape_cast %get3A_1833 : vector<1x16xf32> to vector<16xf32>
        %max3A_1835 = arith.maximumf %max3A_1813, %get3A_1834 : vector<16xf32>
        %get3A_1836 = arith.index_cast %scan3A_1830 : i32 to index
        %get3A_1837 = arith.constant 16 : index
        %get3A_1838 = tpu.vector_load %arg6[%get3A_1836, %get3A_1837] {strides = array<i32>} : memref<400x64xf32, #tpu.memory_space<vmem>>, vector<1x16xf32>,
        %get3A_1839 = vector.shape_cast %get3A_1838 : vector<1x16xf32> to vector<16xf32>
        %max3A_1840 = arith.maximumf %max3A_1818, %get3A_1839 : vector<16xf32>
        %get3A_1841 = arith.index_cast %scan3A_1830 : i32 to index
        %get3A_1842 = arith.constant 32 : index
        %get3A_1843 = tpu.vector_load %arg6[%get3A_1841, %get3A_1842] {strides = array<i32>} : memref<400x64xf32, #tpu.memory_space<vmem>>, vector<1x16xf32>,
        %get3A_1844 = vector.shape_cast %get3A_1843 : vector<1x16xf32> to vector<16xf32>
        %max3A_1845 = arith.maximumf %max3A_1823, %get3A_1844 : vector<16xf32>
        %get3A_1846 = arith.index_cast %scan3A_1830 : i32 to index
        %get3A_1847 = arith.constant 48 : index
        %get3A_1848 = tpu.vector_load %arg6[%get3A_1846, %get3A_1847] {strides = array<i32>} : memref<400x64xf32, #tpu.memory_space<vmem>>, vector<1x16xf32>,
        %get3A_1849 = vector.shape_cast %get3A_1848 : vector<1x16xf32> to vector<16xf32>
        %max3A_1850 = arith.maximumf %max3A_1828, %get3A_1849 : vector<16xf32>
        %scan3A_1851 = arith.constant 6 : i32
        %scan3A_1852 = arith.addi %scan3A_1716, %scan3A_1851 : i32
        %get3A_1853 = arith.index_cast %scan3A_1852 : i32 to index
        %get3A_1854 = arith.constant 0 : index
        %get3A_1855 = tpu.vector_load %arg6[%get3A_1853, %get3A_1854] {strides = array<i32>} : memref<400x64xf32, #tpu.memory_space<vmem>>, vector<1x16xf32>,
        %get3A_1856 = vector.shape_cast %get3A_1855 : vector<1x16xf32> to vector<16xf32>
        %max3A_1857 = arith.maximumf %max3A_1835, %get3A_1856 : vector<16xf32>
        %get3A_1858 = arith.index_cast %scan3A_1852 : i32 to index
        %get3A_1859 = arith.constant 16 : index
        %get3A_1860 = tpu.vector_load %arg6[%get3A_1858, %get3A_1859] {strides = array<i32>} : memref<400x64xf32, #tpu.memory_space<vmem>>, vector<1x16xf32>,
        %get3A_1861 = vector.shape_cast %get3A_1860 : vector<1x16xf32> to vector<16xf32>
        %max3A_1862 = arith.maximumf %max3A_1840, %get3A_1861 : vector<16xf32>
        %get3A_1863 = arith.index_cast %scan3A_1852 : i32 to index
        %get3A_1864 = arith.constant 32 : index
        %get3A_1865 = tpu.vector_load %arg6[%get3A_1863, %get3A_1864] {strides = array<i32>} : memref<400x64xf32, #tpu.memory_space<vmem>>, vector<1x16xf32>,
        %get3A_1866 = vector.shape_cast %get3A_1865 : vector<1x16xf32> to vector<16xf32>
        %max3A_1867 = arith.maximumf %max3A_1845, %get3A_1866 : vector<16xf32>
        %get3A_1868 = arith.index_cast %scan3A_1852 : i32 to index
        %get3A_1869 = arith.constant 48 : index
        %get3A_1870 = tpu.vector_load %arg6[%get3A_1868, %get3A_1869] {strides = array<i32>} : memref<400x64xf32, #tpu.memory_space<vmem>>, vector<1x16xf32>,
        %get3A_1871 = vector.shape_cast %get3A_1870 : vector<1x16xf32> to vector<16xf32>
        %max3A_1872 = arith.maximumf %max3A_1850, %get3A_1871 : vector<16xf32>
        %scan3A_1873 = arith.constant 7 : i32
        %scan3A_1874 = arith.addi %scan3A_1716, %scan3A_1873 : i32
        %get3A_1875 = arith.index_cast %scan3A_1874 : i32 to index
        %get3A_1876 = arith.constant 0 : index
        %get3A_1877 = tpu.vector_load %arg6[%get3A_1875, %get3A_1876] {strides = array<i32>} : memref<400x64xf32, #tpu.memory_space<vmem>>, vector<1x16xf32>,
        %get3A_1878 = vector.shape_cast %get3A_1877 : vector<1x16xf32> to vector<16xf32>
        %max3A_1879 = arith.maximumf %max3A_1857, %get3A_1878 : vector<16xf32>
        %get3A_1880 = arith.index_cast %scan3A_1874 : i32 to index
        %get3A_1881 = arith.constant 16 : index
        %get3A_1882 = tpu.vector_load %arg6[%get3A_1880, %get3A_1881] {strides = array<i32>} : memref<400x64xf32, #tpu.memory_space<vmem>>, vector<1x16xf32>,
        %get3A_1883 = vector.shape_cast %get3A_1882 : vector<1x16xf32> to vector<16xf32>
        %max3A_1884 = arith.maximumf %max3A_1862, %get3A_1883 : vector<16xf32>
        %get3A_1885 = arith.index_cast %scan3A_1874 : i32 to index
        %get3A_1886 = arith.constant 32 : index
        %get3A_1887 = tpu.vector_load %arg6[%get3A_1885, %get3A_1886] {strides = array<i32>} : memref<400x64xf32, #tpu.memory_space<vmem>>, vector<1x16xf32>,
        %get3A_1888 = vector.shape_cast %get3A_1887 : vector<1x16xf32> to vector<16xf32>
        %max3A_1889 = arith.maximumf %max3A_1867, %get3A_1888 : vector<16xf32>
        %get3A_1890 = arith.index_cast %scan3A_1874 : i32 to index
        %get3A_1891 = arith.constant 48 : index
        %get3A_1892 = tpu.vector_load %arg6[%get3A_1890, %get3A_1891] {strides = array<i32>} : memref<400x64xf32, #tpu.memory_space<vmem>>, vector<1x16xf32>,
        %get3A_1893 = vector.shape_cast %get3A_1892 : vector<1x16xf32> to vector<16xf32>
        %max3A_1894 = arith.maximumf %max3A_1872, %get3A_1893 : vector<16xf32>
        scf.yield %max3A_1879, %max3A_1884, %max3A_1889, %max3A_1894 : vector<16xf32>, vector<16xf32>, vector<16xf32>, vector<16xf32>
      }
      %scan3A_686 = arith.constant 192 : i32
      %scan3A_687 = arith.addi %scan3A_681, %scan3A_686 : i32
      %get3A_688 = arith.index_cast %scan3A_687 : i32 to index
      %get3A_689 = arith.constant 0 : index
      %get3A_690 = tpu.vector_load %arg6[%get3A_688, %get3A_689] {strides = array<i32>} : memref<400x64xf32, #tpu.memory_space<vmem>>, vector<1x16xf32>,
      %get3A_691 = vector.shape_cast %get3A_690 : vector<1x16xf32> to vector<16xf32>
      %max3A_692 = arith.maximumf %scan3A_685#0, %get3A_691 : vector<16xf32>
      %get3A_693 = arith.index_cast %scan3A_687 : i32 to index
      %get3A_694 = arith.constant 16 : index
      %get3A_695 = tpu.vector_load %arg6[%get3A_693, %get3A_694] {strides = array<i32>} : memref<400x64xf32, #tpu.memory_space<vmem>>, vector<1x16xf32>,
      %get3A_696 = vector.shape_cast %get3A_695 : vector<1x16xf32> to vector<16xf32>
      %max3A_697 = arith.maximumf %scan3A_685#1, %get3A_696 : vector<16xf32>
      %get3A_698 = arith.index_cast %scan3A_687 : i32 to index
      %get3A_699 = arith.constant 32 : index
      %get3A_700 = tpu.vector_load %arg6[%get3A_698, %get3A_699] {strides = array<i32>} : memref<400x64xf32, #tpu.memory_space<vmem>>, vector<1x16xf32>,
      %get3A_701 = vector.shape_cast %get3A_700 : vector<1x16xf32> to vector<16xf32>
      %max3A_702 = arith.maximumf %scan3A_685#2, %get3A_701 : vector<16xf32>
      %get3A_703 = arith.index_cast %scan3A_687 : i32 to index
      %get3A_704 = arith.constant 48 : index
      %get3A_705 = tpu.vector_load %arg6[%get3A_703, %get3A_704] {strides = array<i32>} : memref<400x64xf32, #tpu.memory_space<vmem>>, vector<1x16xf32>,
      %get3A_706 = vector.shape_cast %get3A_705 : vector<1x16xf32> to vector<16xf32>
      %max3A_707 = arith.maximumf %scan3A_685#3, %get3A_706 : vector<16xf32>
      %scan3A_708 = arith.constant 193 : i32
      %scan3A_709 = arith.addi %scan3A_681, %scan3A_708 : i32
      %get3A_710 = arith.index_cast %scan3A_709 : i32 to index
      %get3A_711 = arith.constant 0 : index
      %get3A_712 = tpu.vector_load %arg6[%get3A_710, %get3A_711] {strides = array<i32>} : memref<400x64xf32, #tpu.memory_space<vmem>>, vector<1x16xf32>,
      %get3A_713 = vector.shape_cast %get3A_712 : vector<1x16xf32> to vector<16xf32>
      %max3A_714 = arith.maximumf %max3A_692, %get3A_713 : vector<16xf32>
      %get3A_715 = arith.index_cast %scan3A_709 : i32 to index
      %get3A_716 = arith.constant 16 : index
      %get3A_717 = tpu.vector_load %arg6[%get3A_715, %get3A_716] {strides = array<i32>} : memref<400x64xf32, #tpu.memory_space<vmem>>, vector<1x16xf32>,
      %get3A_718 = vector.shape_cast %get3A_717 : vector<1x16xf32> to vector<16xf32>
      %max3A_719 = arith.maximumf %max3A_697, %get3A_718 : vector<16xf32>
      %get3A_720 = arith.index_cast %scan3A_709 : i32 to index
      %get3A_721 = arith.constant 32 : index
      %get3A_722 = tpu.vector_load %arg6[%get3A_720, %get3A_721] {strides = array<i32>} : memref<400x64xf32, #tpu.memory_space<vmem>>, vector<1x16xf32>,
      %get3A_723 = vector.shape_cast %get3A_722 : vector<1x16xf32> to vector<16xf32>
      %max3A_724 = arith.maximumf %max3A_702, %get3A_723 : vector<16xf32>
      %get3A_725 = arith.index_cast %scan3A_709 : i32 to index
      %get3A_726 = arith.constant 48 : index
      %get3A_727 = tpu.vector_load %arg6[%get3A_725, %get3A_726] {strides = array<i32>} : memref<400x64xf32, #tpu.memory_space<vmem>>, vector<1x16xf32>,
      %get3A_728 = vector.shape_cast %get3A_727 : vector<1x16xf32> to vector<16xf32>
      %max3A_729 = arith.maximumf %max3A_707, %get3A_728 : vector<16xf32>
      %scan3A_730 = arith.constant 194 : i32
      %scan3A_731 = arith.addi %scan3A_681, %scan3A_730 : i32
      %get3A_732 = arith.index_cast %scan3A_731 : i32 to index
      %get3A_733 = arith.constant 0 : index
      %get3A_734 = tpu.vector_load %arg6[%get3A_732, %get3A_733] {strides = array<i32>} : memref<400x64xf32, #tpu.memory_space<vmem>>, vector<1x16xf32>,
      %get3A_735 = vector.shape_cast %get3A_734 : vector<1x16xf32> to vector<16xf32>
      %max3A_736 = arith.maximumf %max3A_714, %get3A_735 : vector<16xf32>
      %get3A_737 = arith.index_cast %scan3A_731 : i32 to index
      %get3A_738 = arith.constant 16 : index
      %get3A_739 = tpu.vector_load %arg6[%get3A_737, %get3A_738] {strides = array<i32>} : memref<400x64xf32, #tpu.memory_space<vmem>>, vector<1x16xf32>,
      %get3A_740 = vector.shape_cast %get3A_739 : vector<1x16xf32> to vector<16xf32>
      %max3A_741 = arith.maximumf %max3A_719, %get3A_740 : vector<16xf32>
      %get3A_742 = arith.index_cast %scan3A_731 : i32 to index
      %get3A_743 = arith.constant 32 : index
      %get3A_744 = tpu.vector_load %arg6[%get3A_742, %get3A_743] {strides = array<i32>} : memref<400x64xf32, #tpu.memory_space<vmem>>, vector<1x16xf32>,
      %get3A_745 = vector.shape_cast %get3A_744 : vector<1x16xf32> to vector<16xf32>
      %max3A_746 = arith.maximumf %max3A_724, %get3A_745 : vector<16xf32>
      %get3A_747 = arith.index_cast %scan3A_731 : i32 to index
      %get3A_748 = arith.constant 48 : index
      %get3A_749 = tpu.vector_load %arg6[%get3A_747, %get3A_748] {strides = array<i32>} : memref<400x64xf32, #tpu.memory_space<vmem>>, vector<1x16xf32>,
      %get3A_750 = vector.shape_cast %get3A_749 : vector<1x16xf32> to vector<16xf32>
      %max3A_751 = arith.maximumf %max3A_729, %get3A_750 : vector<16xf32>
      %scan3A_752 = arith.constant 195 : i32
      %scan3A_753 = arith.addi %scan3A_681, %scan3A_752 : i32
      %get3A_754 = arith.index_cast %scan3A_753 : i32 to index
      %get3A_755 = arith.constant 0 : index
      %get3A_756 = tpu.vector_load %arg6[%get3A_754, %get3A_755] {strides = array<i32>} : memref<400x64xf32, #tpu.memory_space<vmem>>, vector<1x16xf32>,
      %get3A_757 = vector.shape_cast %get3A_756 : vector<1x16xf32> to vector<16xf32>
      %max3A_758 = arith.maximumf %max3A_736, %get3A_757 : vector<16xf32>
      %get3A_759 = arith.index_cast %scan3A_753 : i32 to index
      %get3A_760 = arith.constant 16 : index
      %get3A_761 = tpu.vector_load %arg6[%get3A_759, %get3A_760] {strides = array<i32>} : memref<400x64xf32, #tpu.memory_space<vmem>>, vector<1x16xf32>,
      %get3A_762 = vector.shape_cast %get3A_761 : vector<1x16xf32> to vector<16xf32>
      %max3A_763 = arith.maximumf %max3A_741, %get3A_762 : vector<16xf32>
      %get3A_764 = arith.index_cast %scan3A_753 : i32 to index
      %get3A_765 = arith.constant 32 : index
      %get3A_766 = tpu.vector_load %arg6[%get3A_764, %get3A_765] {strides = array<i32>} : memref<400x64xf32, #tpu.memory_space<vmem>>, vector<1x16xf32>,
      %get3A_767 = vector.shape_cast %get3A_766 : vector<1x16xf32> to vector<16xf32>
      %max3A_768 = arith.maximumf %max3A_746, %get3A_767 : vector<16xf32>
      %get3A_769 = arith.index_cast %scan3A_753 : i32 to index
      %get3A_770 = arith.constant 48 : index
      %get3A_771 = tpu.vector_load %arg6[%get3A_769, %get3A_770] {strides = array<i32>} : memref<400x64xf32, #tpu.memory_space<vmem>>, vector<1x16xf32>,
      %get3A_772 = vector.shape_cast %get3A_771 : vector<1x16xf32> to vector<16xf32>
      %max3A_773 = arith.maximumf %max3A_751, %get3A_772 : vector<16xf32>
      %scan3A_774 = arith.constant 196 : i32
      %scan3A_775 = arith.addi %scan3A_681, %scan3A_774 : i32
      %get3A_776 = arith.index_cast %scan3A_775 : i32 to index
      %get3A_777 = arith.constant 0 : index
      %get3A_778 = tpu.vector_load %arg6[%get3A_776, %get3A_777] {strides = array<i32>} : memref<400x64xf32, #tpu.memory_space<vmem>>, vector<1x16xf32>,
      %get3A_779 = vector.shape_cast %get3A_778 : vector<1x16xf32> to vector<16xf32>
      %max3A_780 = arith.maximumf %max3A_758, %get3A_779 : vector<16xf32>
      %get3A_781 = arith.index_cast %scan3A_775 : i32 to index
      %get3A_782 = arith.constant 16 : index
      %get3A_783 = tpu.vector_load %arg6[%get3A_781, %get3A_782] {strides = array<i32>} : memref<400x64xf32, #tpu.memory_space<vmem>>, vector<1x16xf32>,
      %get3A_784 = vector.shape_cast %get3A_783 : vector<1x16xf32> to vector<16xf32>
      %max3A_785 = arith.maximumf %max3A_763, %get3A_784 : vector<16xf32>
      %get3A_786 = arith.index_cast %scan3A_775 : i32 to index
      %get3A_787 = arith.constant 32 : index
      %get3A_788 = tpu.vector_load %arg6[%get3A_786, %get3A_787] {strides = array<i32>} : memref<400x64xf32, #tpu.memory_space<vmem>>, vector<1x16xf32>,
      %get3A_789 = vector.shape_cast %get3A_788 : vector<1x16xf32> to vector<16xf32>
      %max3A_790 = arith.maximumf %max3A_768, %get3A_789 : vector<16xf32>
      %get3A_791 = arith.index_cast %scan3A_775 : i32 to index
      %get3A_792 = arith.constant 48 : index
      %get3A_793 = tpu.vector_load %arg6[%get3A_791, %get3A_792] {strides = array<i32>} : memref<400x64xf32, #tpu.memory_space<vmem>>, vector<1x16xf32>,
      %get3A_794 = vector.shape_cast %get3A_793 : vector<1x16xf32> to vector<16xf32>
      %max3A_795 = arith.maximumf %max3A_773, %get3A_794 : vector<16xf32>
      %scan3A_796 = arith.constant 197 : i32
      %scan3A_797 = arith.addi %scan3A_681, %scan3A_796 : i32
      %get3A_798 = arith.index_cast %scan3A_797 : i32 to index
      %get3A_799 = arith.constant 0 : index
      %get3A_800 = tpu.vector_load %arg6[%get3A_798, %get3A_799] {strides = array<i32>} : memref<400x64xf32, #tpu.memory_space<vmem>>, vector<1x16xf32>,
      %get3A_801 = vector.shape_cast %get3A_800 : vector<1x16xf32> to vector<16xf32>
      %max3A_802 = arith.maximumf %max3A_780, %get3A_801 : vector<16xf32>
      %get3A_803 = arith.index_cast %scan3A_797 : i32 to index
      %get3A_804 = arith.constant 16 : index
      %get3A_805 = tpu.vector_load %arg6[%get3A_803, %get3A_804] {strides = array<i32>} : memref<400x64xf32, #tpu.memory_space<vmem>>, vector<1x16xf32>,
      %get3A_806 = vector.shape_cast %get3A_805 : vector<1x16xf32> to vector<16xf32>
      %max3A_807 = arith.maximumf %max3A_785, %get3A_806 : vector<16xf32>
      %get3A_808 = arith.index_cast %scan3A_797 : i32 to index
      %get3A_809 = arith.constant 32 : index
      %get3A_810 = tpu.vector_load %arg6[%get3A_808, %get3A_809] {strides = array<i32>} : memref<400x64xf32, #tpu.memory_space<vmem>>, vector<1x16xf32>,
      %get3A_811 = vector.shape_cast %get3A_810 : vector<1x16xf32> to vector<16xf32>
      %max3A_812 = arith.maximumf %max3A_790, %get3A_811 : vector<16xf32>
      %get3A_813 = arith.index_cast %scan3A_797 : i32 to index
      %get3A_814 = arith.constant 48 : index
      %get3A_815 = tpu.vector_load %arg6[%get3A_813, %get3A_814] {strides = array<i32>} : memref<400x64xf32, #tpu.memory_space<vmem>>, vector<1x16xf32>,
      %get3A_816 = vector.shape_cast %get3A_815 : vector<1x16xf32> to vector<16xf32>
      %max3A_817 = arith.maximumf %max3A_795, %get3A_816 : vector<16xf32>
      %scan3A_818 = arith.constant 198 : i32
      %scan3A_819 = arith.addi %scan3A_681, %scan3A_818 : i32
      %get3A_820 = arith.index_cast %scan3A_819 : i32 to index
      %get3A_821 = arith.constant 0 : index
      %get3A_822 = tpu.vector_load %arg6[%get3A_820, %get3A_821] {strides = array<i32>} : memref<400x64xf32, #tpu.memory_space<vmem>>, vector<1x16xf32>,
      %get3A_823 = vector.shape_cast %get3A_822 : vector<1x16xf32> to vector<16xf32>
      %max3A_824 = arith.maximumf %max3A_802, %get3A_823 : vector<16xf32>
      %get3A_825 = arith.index_cast %scan3A_819 : i32 to index
      %get3A_826 = arith.constant 16 : index
      %get3A_827 = tpu.vector_load %arg6[%get3A_825, %get3A_826] {strides = array<i32>} : memref<400x64xf32, #tpu.memory_space<vmem>>, vector<1x16xf32>,
      %get3A_828 = vector.shape_cast %get3A_827 : vector<1x16xf32> to vector<16xf32>
      %max3A_829 = arith.maximumf %max3A_807, %get3A_828 : vector<16xf32>
      %get3A_830 = arith.index_cast %scan3A_819 : i32 to index
      %get3A_831 = arith.constant 32 : index
      %get3A_832 = tpu.vector_load %arg6[%get3A_830, %get3A_831] {strides = array<i32>} : memref<400x64xf32, #tpu.memory_space<vmem>>, vector<1x16xf32>,
      %get3A_833 = vector.shape_cast %get3A_832 : vector<1x16xf32> to vector<16xf32>
      %max3A_834 = arith.maximumf %max3A_812, %get3A_833 : vector<16xf32>
      %get3A_835 = arith.index_cast %scan3A_819 : i32 to index
      %get3A_836 = arith.constant 48 : index
      %get3A_837 = tpu.vector_load %arg6[%get3A_835, %get3A_836] {strides = array<i32>} : memref<400x64xf32, #tpu.memory_space<vmem>>, vector<1x16xf32>,
      %get3A_838 = vector.shape_cast %get3A_837 : vector<1x16xf32> to vector<16xf32>
      %max3A_839 = arith.maximumf %max3A_817, %get3A_838 : vector<16xf32>
      %scan3A_840 = arith.constant 199 : i32
      %swap3A_841 = arith.index_cast %add3A_660 : i32 to index
      %swap3A_842 = arith.constant 0 : index
      %swap3A_843 = tpu.vector_load %arg9[%swap3A_841, %swap3A_842] {strides = array<i32>} : memref<128x64xf32, #tpu.memory_space<vmem>>, vector<1x16xf32>,
      %swap3A_844 = vector.shape_cast %swap3A_843 : vector<1x16xf32> to vector<16xf32>
      %swap3A_845 = vector.shape_cast %max3A_824 : vector<16xf32> to vector<1x16xf32>
      tpu.vector_store %arg9[%swap3A_841, %swap3A_842], %swap3A_845 {strides = array<i32>} : memref<128x64xf32, #tpu.memory_space<vmem>>, vector<1x16xf32>,
      %swap3A_846 = arith.index_cast %add3A_660 : i32 to index
      %swap3A_847 = arith.constant 16 : index
      %swap3A_848 = tpu.vector_load %arg9[%swap3A_846, %swap3A_847] {strides = array<i32>} : memref<128x64xf32, #tpu.memory_space<vmem>>, vector<1x16xf32>,
      %swap3A_849 = vector.shape_cast %swap3A_848 : vector<1x16xf32> to vector<16xf32>
      %swap3A_850 = vector.shape_cast %max3A_829 : vector<16xf32> to vector<1x16xf32>
      tpu.vector_store %arg9[%swap3A_846, %swap3A_847], %swap3A_850 {strides = array<i32>} : memref<128x64xf32, #tpu.memory_space<vmem>>, vector<1x16xf32>,
      %swap3A_851 = arith.index_cast %add3A_660 : i32 to index
      %swap3A_852 = arith.constant 32 : index
      %swap3A_853 = tpu.vector_load %arg9[%swap3A_851, %swap3A_852] {strides = array<i32>} : memref<128x64xf32, #tpu.memory_space<vmem>>, vector<1x16xf32>,
      %swap3A_854 = vector.shape_cast %swap3A_853 : vector<1x16xf32> to vector<16xf32>
      %swap3A_855 = vector.shape_cast %max3A_834 : vector<16xf32> to vector<1x16xf32>
      tpu.vector_store %arg9[%swap3A_851, %swap3A_852], %swap3A_855 {strides = array<i32>} : memref<128x64xf32, #tpu.memory_space<vmem>>, vector<1x16xf32>,
      %swap3A_856 = arith.index_cast %add3A_660 : i32 to index
      %swap3A_857 = arith.constant 48 : index
      %swap3A_858 = tpu.vector_load %arg9[%swap3A_856, %swap3A_857] {strides = array<i32>} : memref<128x64xf32, #tpu.memory_space<vmem>>, vector<1x16xf32>,
      %swap3A_859 = vector.shape_cast %swap3A_858 : vector<1x16xf32> to vector<16xf32>
      %swap3A_860 = vector.shape_cast %max3A_839 : vector<16xf32> to vector<1x16xf32>
      tpu.vector_store %arg9[%swap3A_856, %swap3A_857], %swap3A_860 {strides = array<i32>} : memref<128x64xf32, #tpu.memory_space<vmem>>, vector<1x16xf32>,
      %add3A_861 = arith.constant 1 : i32
      %add3A_862 = arith.addi %mul3A_437, %add3A_861 : i32
      %add3A_863 = arith.constant 3 : i32
      %add3A_864 = arith.addi %add3A_862, %add3A_863 : i32
      %sub3A_865 = arith.constant 1 : i32
      %sub3A_866 = arith.subi %add3A_864, %sub3A_865 : i32
      %lt3A_867 = arith.constant 64 : i32
      %lt3A_868 = arith.cmpi slt, %sub3A_866, %lt3A_867 : i32
      %convert_element_type3A_869 = arith.extui %lt3A_868 : i1 to i32
      %cond3A_870 = arith.constant 0 : i32
      %cond3A_871 = arith.cmpi ne, %convert_element_type3A_869, %cond3A_870 : i32
      scf.if %cond3A_871 {
        %add3A_1716 = arith.constant 1 : i32
        %add3A_1717 = arith.addi %mul3A_437, %add3A_1716 : i32
        %add3A_1718 = arith.constant 3 : i32
        %add3A_1719 = arith.addi %add3A_1717, %add3A_1718 : i32
        %sub3A_1720 = arith.constant 1 : i32
        %sub3A_1721 = arith.subi %add3A_1719, %sub3A_1720 : i32
        %dma_start3A_1722 = arith.constant 0 : i32
        %dma_start3A_1723 = tpu.memref_slice %arg5[%sub3A_1721, %dma_start3A_1722] : memref<64x400xi32, #tpu.memory_space<vmem>> -> memref<1x400xi32, #tpu.memory_space<vmem>>
        %dma_start3A_1724 = tpu.memref_squeeze %dma_start3A_1723 : memref<1x400xi32, #tpu.memory_space<vmem>> -> memref<400xi32, #tpu.memory_space<vmem>>
        %dma_start3A_1725 = arith.constant 0 : i32
        %dma_start3A_1726 = arith.constant 0 : i32
        %dma_start3A_1727 = tpu.memref_slice %arg3[%dma_start3A_1725, %dma_start3A_1726] : memref<1000000x64xf32, #tpu.memory_space<hbm>> -> memref<1000000x64xf32, #tpu.memory_space<hbm>>
        tpu.enqueue_indirect_dma source(%dma_start3A_1727 : memref<1000000x64xf32, #tpu.memory_space<hbm>>) target(%arg6 : memref<400x64xf32, #tpu.memory_space<vmem>>) offsets(%dma_start3A_1724 : memref<400xi32, #tpu.memory_space<vmem>>) semaphore(%arg10 : memref<!tpu.dma_semaphore, #tpu.memory_space<semaphore_mem>>)
      } else {
      }
      %add3A_872 = arith.constant 1 : i32
      %add3A_873 = arith.addi %mul3A_437, %add3A_872 : i32
      %dma_wait3A_874 = arith.constant 0 : i32
      %dma_wait3A_875 = arith.constant 0 : i32
      %dma_wait3A_876 = tpu.memref_slice %arg3[%dma_wait3A_874, %dma_wait3A_875] : memref<1000000x64xf32, #tpu.memory_space<hbm>> -> memref<400x64xf32, #tpu.memory_space<hbm>>
      %dma_wait3A_877 = arith.constant 0 : i32
      %dma_wait3A_878 = arith.constant 0 : i32
      %dma_wait3A_879 = tpu.memref_slice %arg3[%dma_wait3A_877, %dma_wait3A_878] : memref<1000000x64xf32, #tpu.memory_space<hbm>> -> memref<400x64xf32, #tpu.memory_space<hbm>>
      tpu.wait_dma2 semaphore(%arg11 : memref<!tpu.dma_semaphore, #tpu.memory_space<semaphore_mem>>) src(%dma_wait3A_879 : memref<400x64xf32, #tpu.memory_space<hbm>>) dst(%arg7 : memref<400x64xf32, #tpu.memory_space<vmem>>)
      %mul3A_880 = arith.constant 2 : i32
      %mul3A_881 = arith.muli %add3A_873, %mul3A_880 : i32
      %add3A_882 = arith.constant 0 : i32
      %add3A_883 = arith.addi %mul3A_881, %add3A_882 : i32
      %get3A_884 = arith.constant 0 : i32
      %get3A_885 = arith.index_cast %get3A_884 : i32 to index
      %get3A_886 = arith.constant 0 : index
      %get3A_887 = tpu.vector_load %arg7[%get3A_885, %get3A_886] {strides = array<i32>} : memref<400x64xf32, #tpu.memory_space<vmem>>, vector<1x16xf32>,
      %get3A_888 = vector.shape_cast %get3A_887 : vector<1x16xf32> to vector<16xf32>
      %get3A_889 = arith.constant 0 : i32
      %get3A_890 = arith.index_cast %get3A_889 : i32 to index
      %get3A_891 = arith.constant 16 : index
      %get3A_892 = tpu.vector_load %arg7[%get3A_890, %get3A_891] {strides = array<i32>} : memref<400x64xf32, #tpu.memory_space<vmem>>, vector<1x16xf32>,
      %get3A_893 = vector.shape_cast %get3A_892 : vector<1x16xf32> to vector<16xf32>
      %get3A_894 = arith.constant 0 : i32
      %get3A_895 = arith.index_cast %get3A_894 : i32 to index
      %get3A_896 = arith.constant 32 : index
      %get3A_897 = tpu.vector_load %arg7[%get3A_895, %get3A_896] {strides = array<i32>} : memref<400x64xf32, #tpu.memory_space<vmem>>, vector<1x16xf32>,
      %get3A_898 = vector.shape_cast %get3A_897 : vector<1x16xf32> to vector<16xf32>
      %get3A_899 = arith.constant 0 : i32
      %get3A_900 = arith.index_cast %get3A_899 : i32 to index
      %get3A_901 = arith.constant 48 : index
      %get3A_902 = tpu.vector_load %arg7[%get3A_900, %get3A_901] {strides = array<i32>} : memref<400x64xf32, #tpu.memory_space<vmem>>, vector<1x16xf32>,
      %get3A_903 = vector.shape_cast %get3A_902 : vector<1x16xf32> to vector<16xf32>
      %scan3A_904 = arith.constant 1 : i32
      %scan3A_905 = arith.constant 192 : i32
      %scan3A_906 = arith.addi %scan3A_904, %scan3A_905 : i32
      %scan3A_907 = arith.constant 8 : i32
      %scan3A_908:4 = scf.for %scan3A_1716 = %scan3A_904 to %scan3A_906 step %scan3A_907 iter_args(%scan3A_1717 = %get3A_888, %scan3A_1718 = %get3A_893, %scan3A_1719 = %get3A_898, %scan3A_1720 = %get3A_903) -> (vector<16xf32>, vector<16xf32>, vector<16xf32>, vector<16xf32>)  : i32 {
        %get3A_1721 = arith.index_cast %scan3A_1716 : i32 to index
        %get3A_1722 = arith.constant 0 : index
        %get3A_1723 = tpu.vector_load %arg7[%get3A_1721, %get3A_1722] {strides = array<i32>} : memref<400x64xf32, #tpu.memory_space<vmem>>, vector<1x16xf32>,
        %get3A_1724 = vector.shape_cast %get3A_1723 : vector<1x16xf32> to vector<16xf32>
        %max3A_1725 = arith.maximumf %scan3A_1717, %get3A_1724 : vector<16xf32>
        %get3A_1726 = arith.index_cast %scan3A_1716 : i32 to index
        %get3A_1727 = arith.constant 16 : index
        %get3A_1728 = tpu.vector_load %arg7[%get3A_1726, %get3A_1727] {strides = array<i32>} : memref<400x64xf32, #tpu.memory_space<vmem>>, vector<1x16xf32>,
        %get3A_1729 = vector.shape_cast %get3A_1728 : vector<1x16xf32> to vector<16xf32>
        %max3A_1730 = arith.maximumf %scan3A_1718, %get3A_1729 : vector<16xf32>
        %get3A_1731 = arith.index_cast %scan3A_1716 : i32 to index
        %get3A_1732 = arith.constant 32 : index
        %get3A_1733 = tpu.vector_load %arg7[%get3A_1731, %get3A_1732] {strides = array<i32>} : memref<400x64xf32, #tpu.memory_space<vmem>>, vector<1x16xf32>,
        %get3A_1734 = vector.shape_cast %get3A_1733 : vector<1x16xf32> to vector<16xf32>
        %max3A_1735 = arith.maximumf %scan3A_1719, %get3A_1734 : vector<16xf32>
        %get3A_1736 = arith.index_cast %scan3A_1716 : i32 to index
        %get3A_1737 = arith.constant 48 : index
        %get3A_1738 = tpu.vector_load %arg7[%get3A_1736, %get3A_1737] {strides = array<i32>} : memref<400x64xf32, #tpu.memory_space<vmem>>, vector<1x16xf32>,
        %get3A_1739 = vector.shape_cast %get3A_1738 : vector<1x16xf32> to vector<16xf32>
        %max3A_1740 = arith.maximumf %scan3A_1720, %get3A_1739 : vector<16xf32>
        %scan3A_1741 = arith.constant 1 : i32
        %scan3A_1742 = arith.addi %scan3A_1716, %scan3A_1741 : i32
        %get3A_1743 = arith.index_cast %scan3A_1742 : i32 to index
        %get3A_1744 = arith.constant 0 : index
        %get3A_1745 = tpu.vector_load %arg7[%get3A_1743, %get3A_1744] {strides = array<i32>} : memref<400x64xf32, #tpu.memory_space<vmem>>, vector<1x16xf32>,
        %get3A_1746 = vector.shape_cast %get3A_1745 : vector<1x16xf32> to vector<16xf32>
        %max3A_1747 = arith.maximumf %max3A_1725, %get3A_1746 : vector<16xf32>
        %get3A_1748 = arith.index_cast %scan3A_1742 : i32 to index
        %get3A_1749 = arith.constant 16 : index
        %get3A_1750 = tpu.vector_load %arg7[%get3A_1748, %get3A_1749] {strides = array<i32>} : memref<400x64xf32, #tpu.memory_space<vmem>>, vector<1x16xf32>,
        %get3A_1751 = vector.shape_cast %get3A_1750 : vector<1x16xf32> to vector<16xf32>
        %max3A_1752 = arith.maximumf %max3A_1730, %get3A_1751 : vector<16xf32>
        %get3A_1753 = arith.index_cast %scan3A_1742 : i32 to index
        %get3A_1754 = arith.constant 32 : index
        %get3A_1755 = tpu.vector_load %arg7[%get3A_1753, %get3A_1754] {strides = array<i32>} : memref<400x64xf32, #tpu.memory_space<vmem>>, vector<1x16xf32>,
        %get3A_1756 = vector.shape_cast %get3A_1755 : vector<1x16xf32> to vector<16xf32>
        %max3A_1757 = arith.maximumf %max3A_1735, %get3A_1756 : vector<16xf32>
        %get3A_1758 = arith.index_cast %scan3A_1742 : i32 to index
        %get3A_1759 = arith.constant 48 : index
        %get3A_1760 = tpu.vector_load %arg7[%get3A_1758, %get3A_1759] {strides = array<i32>} : memref<400x64xf32, #tpu.memory_space<vmem>>, vector<1x16xf32>,
        %get3A_1761 = vector.shape_cast %get3A_1760 : vector<1x16xf32> to vector<16xf32>
        %max3A_1762 = arith.maximumf %max3A_1740, %get3A_1761 : vector<16xf32>
        %scan3A_1763 = arith.constant 2 : i32
        %scan3A_1764 = arith.addi %scan3A_1716, %scan3A_1763 : i32
        %get3A_1765 = arith.index_cast %scan3A_1764 : i32 to index
        %get3A_1766 = arith.constant 0 : index
        %get3A_1767 = tpu.vector_load %arg7[%get3A_1765, %get3A_1766] {strides = array<i32>} : memref<400x64xf32, #tpu.memory_space<vmem>>, vector<1x16xf32>,
        %get3A_1768 = vector.shape_cast %get3A_1767 : vector<1x16xf32> to vector<16xf32>
        %max3A_1769 = arith.maximumf %max3A_1747, %get3A_1768 : vector<16xf32>
        %get3A_1770 = arith.index_cast %scan3A_1764 : i32 to index
        %get3A_1771 = arith.constant 16 : index
        %get3A_1772 = tpu.vector_load %arg7[%get3A_1770, %get3A_1771] {strides = array<i32>} : memref<400x64xf32, #tpu.memory_space<vmem>>, vector<1x16xf32>,
        %get3A_1773 = vector.shape_cast %get3A_1772 : vector<1x16xf32> to vector<16xf32>
        %max3A_1774 = arith.maximumf %max3A_1752, %get3A_1773 : vector<16xf32>
        %get3A_1775 = arith.index_cast %scan3A_1764 : i32 to index
        %get3A_1776 = arith.constant 32 : index
        %get3A_1777 = tpu.vector_load %arg7[%get3A_1775, %get3A_1776] {strides = array<i32>} : memref<400x64xf32, #tpu.memory_space<vmem>>, vector<1x16xf32>,
        %get3A_1778 = vector.shape_cast %get3A_1777 : vector<1x16xf32> to vector<16xf32>
        %max3A_1779 = arith.maximumf %max3A_1757, %get3A_1778 : vector<16xf32>
        %get3A_1780 = arith.index_cast %scan3A_1764 : i32 to index
        %get3A_1781 = arith.constant 48 : index
        %get3A_1782 = tpu.vector_load %arg7[%get3A_1780, %get3A_1781] {strides = array<i32>} : memref<400x64xf32, #tpu.memory_space<vmem>>, vector<1x16xf32>,
        %get3A_1783 = vector.shape_cast %get3A_1782 : vector<1x16xf32> to vector<16xf32>
        %max3A_1784 = arith.maximumf %max3A_1762, %get3A_1783 : vector<16xf32>
        %scan3A_1785 = arith.constant 3 : i32
        %scan3A_1786 = arith.addi %scan3A_1716, %scan3A_1785 : i32
        %get3A_1787 = arith.index_cast %scan3A_1786 : i32 to index
        %get3A_1788 = arith.constant 0 : index
        %get3A_1789 = tpu.vector_load %arg7[%get3A_1787, %get3A_1788] {strides = array<i32>} : memref<400x64xf32, #tpu.memory_space<vmem>>, vector<1x16xf32>,
        %get3A_1790 = vector.shape_cast %get3A_1789 : vector<1x16xf32> to vector<16xf32>
        %max3A_1791 = arith.maximumf %max3A_1769, %get3A_1790 : vector<16xf32>
        %get3A_1792 = arith.index_cast %scan3A_1786 : i32 to index
        %get3A_1793 = arith.constant 16 : index
        %get3A_1794 = tpu.vector_load %arg7[%get3A_1792, %get3A_1793] {strides = array<i32>} : memref<400x64xf32, #tpu.memory_space<vmem>>, vector<1x16xf32>,
        %get3A_1795 = vector.shape_cast %get3A_1794 : vector<1x16xf32> to vector<16xf32>
        %max3A_1796 = arith.maximumf %max3A_1774, %get3A_1795 : vector<16xf32>
        %get3A_1797 = arith.index_cast %scan3A_1786 : i32 to index
        %get3A_1798 = arith.constant 32 : index
        %get3A_1799 = tpu.vector_load %arg7[%get3A_1797, %get3A_1798] {strides = array<i32>} : memref<400x64xf32, #tpu.memory_space<vmem>>, vector<1x16xf32>,
        %get3A_1800 = vector.shape_cast %get3A_1799 : vector<1x16xf32> to vector<16xf32>
        %max3A_1801 = arith.maximumf %max3A_1779, %get3A_1800 : vector<16xf32>
        %get3A_1802 = arith.index_cast %scan3A_1786 : i32 to index
        %get3A_1803 = arith.constant 48 : index
        %get3A_1804 = tpu.vector_load %arg7[%get3A_1802, %get3A_1803] {strides = array<i32>} : memref<400x64xf32, #tpu.memory_space<vmem>>, vector<1x16xf32>,
        %get3A_1805 = vector.shape_cast %get3A_1804 : vector<1x16xf32> to vector<16xf32>
        %max3A_1806 = arith.maximumf %max3A_1784, %get3A_1805 : vector<16xf32>
        %scan3A_1807 = arith.constant 4 : i32
        %scan3A_1808 = arith.addi %scan3A_1716, %scan3A_1807 : i32
        %get3A_1809 = arith.index_cast %scan3A_1808 : i32 to index
        %get3A_1810 = arith.constant 0 : index
        %get3A_1811 = tpu.vector_load %arg7[%get3A_1809, %get3A_1810] {strides = array<i32>} : memref<400x64xf32, #tpu.memory_space<vmem>>, vector<1x16xf32>,
        %get3A_1812 = vector.shape_cast %get3A_1811 : vector<1x16xf32> to vector<16xf32>
        %max3A_1813 = arith.maximumf %max3A_1791, %get3A_1812 : vector<16xf32>
        %get3A_1814 = arith.index_cast %scan3A_1808 : i32 to index
        %get3A_1815 = arith.constant 16 : index
        %get3A_1816 = tpu.vector_load %arg7[%get3A_1814, %get3A_1815] {strides = array<i32>} : memref<400x64xf32, #tpu.memory_space<vmem>>, vector<1x16xf32>,
        %get3A_1817 = vector.shape_cast %get3A_1816 : vector<1x16xf32> to vector<16xf32>
        %max3A_1818 = arith.maximumf %max3A_1796, %get3A_1817 : vector<16xf32>
        %get3A_1819 = arith.index_cast %scan3A_1808 : i32 to index
        %get3A_1820 = arith.constant 32 : index
        %get3A_1821 = tpu.vector_load %arg7[%get3A_1819, %get3A_1820] {strides = array<i32>} : memref<400x64xf32, #tpu.memory_space<vmem>>, vector<1x16xf32>,
        %get3A_1822 = vector.shape_cast %get3A_1821 : vector<1x16xf32> to vector<16xf32>
        %max3A_1823 = arith.maximumf %max3A_1801, %get3A_1822 : vector<16xf32>
        %get3A_1824 = arith.index_cast %scan3A_1808 : i32 to index
        %get3A_1825 = arith.constant 48 : index
        %get3A_1826 = tpu.vector_load %arg7[%get3A_1824, %get3A_1825] {strides = array<i32>} : memref<400x64xf32, #tpu.memory_space<vmem>>, vector<1x16xf32>,
        %get3A_1827 = vector.shape_cast %get3A_1826 : vector<1x16xf32> to vector<16xf32>
        %max3A_1828 = arith.maximumf %max3A_1806, %get3A_1827 : vector<16xf32>
        %scan3A_1829 = arith.constant 5 : i32
        %scan3A_1830 = arith.addi %scan3A_1716, %scan3A_1829 : i32
        %get3A_1831 = arith.index_cast %scan3A_1830 : i32 to index
        %get3A_1832 = arith.constant 0 : index
        %get3A_1833 = tpu.vector_load %arg7[%get3A_1831, %get3A_1832] {strides = array<i32>} : memref<400x64xf32, #tpu.memory_space<vmem>>, vector<1x16xf32>,
        %get3A_1834 = vector.shape_cast %get3A_1833 : vector<1x16xf32> to vector<16xf32>
        %max3A_1835 = arith.maximumf %max3A_1813, %get3A_1834 : vector<16xf32>
        %get3A_1836 = arith.index_cast %scan3A_1830 : i32 to index
        %get3A_1837 = arith.constant 16 : index
        %get3A_1838 = tpu.vector_load %arg7[%get3A_1836, %get3A_1837] {strides = array<i32>} : memref<400x64xf32, #tpu.memory_space<vmem>>, vector<1x16xf32>,
        %get3A_1839 = vector.shape_cast %get3A_1838 : vector<1x16xf32> to vector<16xf32>
        %max3A_1840 = arith.maximumf %max3A_1818, %get3A_1839 : vector<16xf32>
        %get3A_1841 = arith.index_cast %scan3A_1830 : i32 to index
        %get3A_1842 = arith.constant 32 : index
        %get3A_1843 = tpu.vector_load %arg7[%get3A_1841, %get3A_1842] {strides = array<i32>} : memref<400x64xf32, #tpu.memory_space<vmem>>, vector<1x16xf32>,
        %get3A_1844 = vector.shape_cast %get3A_1843 : vector<1x16xf32> to vector<16xf32>
        %max3A_1845 = arith.maximumf %max3A_1823, %get3A_1844 : vector<16xf32>
        %get3A_1846 = arith.index_cast %scan3A_1830 : i32 to index
        %get3A_1847 = arith.constant 48 : index
        %get3A_1848 = tpu.vector_load %arg7[%get3A_1846, %get3A_1847] {strides = array<i32>} : memref<400x64xf32, #tpu.memory_space<vmem>>, vector<1x16xf32>,
        %get3A_1849 = vector.shape_cast %get3A_1848 : vector<1x16xf32> to vector<16xf32>
        %max3A_1850 = arith.maximumf %max3A_1828, %get3A_1849 : vector<16xf32>
        %scan3A_1851 = arith.constant 6 : i32
        %scan3A_1852 = arith.addi %scan3A_1716, %scan3A_1851 : i32
        %get3A_1853 = arith.index_cast %scan3A_1852 : i32 to index
        %get3A_1854 = arith.constant 0 : index
        %get3A_1855 = tpu.vector_load %arg7[%get3A_1853, %get3A_1854] {strides = array<i32>} : memref<400x64xf32, #tpu.memory_space<vmem>>, vector<1x16xf32>,
        %get3A_1856 = vector.shape_cast %get3A_1855 : vector<1x16xf32> to vector<16xf32>
        %max3A_1857 = arith.maximumf %max3A_1835, %get3A_1856 : vector<16xf32>
        %get3A_1858 = arith.index_cast %scan3A_1852 : i32 to index
        %get3A_1859 = arith.constant 16 : index
        %get3A_1860 = tpu.vector_load %arg7[%get3A_1858, %get3A_1859] {strides = array<i32>} : memref<400x64xf32, #tpu.memory_space<vmem>>, vector<1x16xf32>,
        %get3A_1861 = vector.shape_cast %get3A_1860 : vector<1x16xf32> to vector<16xf32>
        %max3A_1862 = arith.maximumf %max3A_1840, %get3A_1861 : vector<16xf32>
        %get3A_1863 = arith.index_cast %scan3A_1852 : i32 to index
        %get3A_1864 = arith.constant 32 : index
        %get3A_1865 = tpu.vector_load %arg7[%get3A_1863, %get3A_1864] {strides = array<i32>} : memref<400x64xf32, #tpu.memory_space<vmem>>, vector<1x16xf32>,
        %get3A_1866 = vector.shape_cast %get3A_1865 : vector<1x16xf32> to vector<16xf32>
        %max3A_1867 = arith.maximumf %max3A_1845, %get3A_1866 : vector<16xf32>
        %get3A_1868 = arith.index_cast %scan3A_1852 : i32 to index
        %get3A_1869 = arith.constant 48 : index
        %get3A_1870 = tpu.vector_load %arg7[%get3A_1868, %get3A_1869] {strides = array<i32>} : memref<400x64xf32, #tpu.memory_space<vmem>>, vector<1x16xf32>,
        %get3A_1871 = vector.shape_cast %get3A_1870 : vector<1x16xf32> to vector<16xf32>
        %max3A_1872 = arith.maximumf %max3A_1850, %get3A_1871 : vector<16xf32>
        %scan3A_1873 = arith.constant 7 : i32
        %scan3A_1874 = arith.addi %scan3A_1716, %scan3A_1873 : i32
        %get3A_1875 = arith.index_cast %scan3A_1874 : i32 to index
        %get3A_1876 = arith.constant 0 : index
        %get3A_1877 = tpu.vector_load %arg7[%get3A_1875, %get3A_1876] {strides = array<i32>} : memref<400x64xf32, #tpu.memory_space<vmem>>, vector<1x16xf32>,
        %get3A_1878 = vector.shape_cast %get3A_1877 : vector<1x16xf32> to vector<16xf32>
        %max3A_1879 = arith.maximumf %max3A_1857, %get3A_1878 : vector<16xf32>
        %get3A_1880 = arith.index_cast %scan3A_1874 : i32 to index
        %get3A_1881 = arith.constant 16 : index
        %get3A_1882 = tpu.vector_load %arg7[%get3A_1880, %get3A_1881] {strides = array<i32>} : memref<400x64xf32, #tpu.memory_space<vmem>>, vector<1x16xf32>,
        %get3A_1883 = vector.shape_cast %get3A_1882 : vector<1x16xf32> to vector<16xf32>
        %max3A_1884 = arith.maximumf %max3A_1862, %get3A_1883 : vector<16xf32>
        %get3A_1885 = arith.index_cast %scan3A_1874 : i32 to index
        %get3A_1886 = arith.constant 32 : index
        %get3A_1887 = tpu.vector_load %arg7[%get3A_1885, %get3A_1886] {strides = array<i32>} : memref<400x64xf32, #tpu.memory_space<vmem>>, vector<1x16xf32>,
        %get3A_1888 = vector.shape_cast %get3A_1887 : vector<1x16xf32> to vector<16xf32>
        %max3A_1889 = arith.maximumf %max3A_1867, %get3A_1888 : vector<16xf32>
        %get3A_1890 = arith.index_cast %scan3A_1874 : i32 to index
        %get3A_1891 = arith.constant 48 : index
        %get3A_1892 = tpu.vector_load %arg7[%get3A_1890, %get3A_1891] {strides = array<i32>} : memref<400x64xf32, #tpu.memory_space<vmem>>, vector<1x16xf32>,
        %get3A_1893 = vector.shape_cast %get3A_1892 : vector<1x16xf32> to vector<16xf32>
        %max3A_1894 = arith.maximumf %max3A_1872, %get3A_1893 : vector<16xf32>
        scf.yield %max3A_1879, %max3A_1884, %max3A_1889, %max3A_1894 : vector<16xf32>, vector<16xf32>, vector<16xf32>, vector<16xf32>
      }
      %scan3A_909 = arith.constant 192 : i32
      %scan3A_910 = arith.addi %scan3A_904, %scan3A_909 : i32
      %get3A_911 = arith.index_cast %scan3A_910 : i32 to index
      %get3A_912 = arith.constant 0 : index
      %get3A_913 = tpu.vector_load %arg7[%get3A_911, %get3A_912] {strides = array<i32>} : memref<400x64xf32, #tpu.memory_space<vmem>>, vector<1x16xf32>,
      %get3A_914 = vector.shape_cast %get3A_913 : vector<1x16xf32> to vector<16xf32>
      %max3A_915 = arith.maximumf %scan3A_908#0, %get3A_914 : vector<16xf32>
      %get3A_916 = arith.index_cast %scan3A_910 : i32 to index
      %get3A_917 = arith.constant 16 : index
      %get3A_918 = tpu.vector_load %arg7[%get3A_916, %get3A_917] {strides = array<i32>} : memref<400x64xf32, #tpu.memory_space<vmem>>, vector<1x16xf32>,
      %get3A_919 = vector.shape_cast %get3A_918 : vector<1x16xf32> to vector<16xf32>
      %max3A_920 = arith.maximumf %scan3A_908#1, %get3A_919 : vector<16xf32>
      %get3A_921 = arith.index_cast %scan3A_910 : i32 to index
      %get3A_922 = arith.constant 32 : index
      %get3A_923 = tpu.vector_load %arg7[%get3A_921, %get3A_922] {strides = array<i32>} : memref<400x64xf32, #tpu.memory_space<vmem>>, vector<1x16xf32>,
      %get3A_924 = vector.shape_cast %get3A_923 : vector<1x16xf32> to vector<16xf32>
      %max3A_925 = arith.maximumf %scan3A_908#2, %get3A_924 : vector<16xf32>
      %get3A_926 = arith.index_cast %scan3A_910 : i32 to index
      %get3A_927 = arith.constant 48 : index
      %get3A_928 = tpu.vector_load %arg7[%get3A_926, %get3A_927] {strides = array<i32>} : memref<400x64xf32, #tpu.memory_space<vmem>>, vector<1x16xf32>,
      %get3A_929 = vector.shape_cast %get3A_928 : vector<1x16xf32> to vector<16xf32>
      %max3A_930 = arith.maximumf %scan3A_908#3, %get3A_929 : vector<16xf32>
      %scan3A_931 = arith.constant 193 : i32
      %scan3A_932 = arith.addi %scan3A_904, %scan3A_931 : i32
      %get3A_933 = arith.index_cast %scan3A_932 : i32 to index
      %get3A_934 = arith.constant 0 : index
      %get3A_935 = tpu.vector_load %arg7[%get3A_933, %get3A_934] {strides = array<i32>} : memref<400x64xf32, #tpu.memory_space<vmem>>, vector<1x16xf32>,
      %get3A_936 = vector.shape_cast %get3A_935 : vector<1x16xf32> to vector<16xf32>
      %max3A_937 = arith.maximumf %max3A_915, %get3A_936 : vector<16xf32>
      %get3A_938 = arith.index_cast %scan3A_932 : i32 to index
      %get3A_939 = arith.constant 16 : index
      %get3A_940 = tpu.vector_load %arg7[%get3A_938, %get3A_939] {strides = array<i32>} : memref<400x64xf32, #tpu.memory_space<vmem>>, vector<1x16xf32>,
      %get3A_941 = vector.shape_cast %get3A_940 : vector<1x16xf32> to vector<16xf32>
      %max3A_942 = arith.maximumf %max3A_920, %get3A_941 : vector<16xf32>
      %get3A_943 = arith.index_cast %scan3A_932 : i32 to index
      %get3A_944 = arith.constant 32 : index
      %get3A_945 = tpu.vector_load %arg7[%get3A_943, %get3A_944] {strides = array<i32>} : memref<400x64xf32, #tpu.memory_space<vmem>>, vector<1x16xf32>,
      %get3A_946 = vector.shape_cast %get3A_945 : vector<1x16xf32> to vector<16xf32>
      %max3A_947 = arith.maximumf %max3A_925, %get3A_946 : vector<16xf32>
      %get3A_948 = arith.index_cast %scan3A_932 : i32 to index
      %get3A_949 = arith.constant 48 : index
      %get3A_950 = tpu.vector_load %arg7[%get3A_948, %get3A_949] {strides = array<i32>} : memref<400x64xf32, #tpu.memory_space<vmem>>, vector<1x16xf32>,
      %get3A_951 = vector.shape_cast %get3A_950 : vector<1x16xf32> to vector<16xf32>
      %max3A_952 = arith.maximumf %max3A_930, %get3A_951 : vector<16xf32>
      %scan3A_953 = arith.constant 194 : i32
      %scan3A_954 = arith.addi %scan3A_904, %scan3A_953 : i32
      %get3A_955 = arith.index_cast %scan3A_954 : i32 to index
      %get3A_956 = arith.constant 0 : index
      %get3A_957 = tpu.vector_load %arg7[%get3A_955, %get3A_956] {strides = array<i32>} : memref<400x64xf32, #tpu.memory_space<vmem>>, vector<1x16xf32>,
      %get3A_958 = vector.shape_cast %get3A_957 : vector<1x16xf32> to vector<16xf32>
      %max3A_959 = arith.maximumf %max3A_937, %get3A_958 : vector<16xf32>
      %get3A_960 = arith.index_cast %scan3A_954 : i32 to index
      %get3A_961 = arith.constant 16 : index
      %get3A_962 = tpu.vector_load %arg7[%get3A_960, %get3A_961] {strides = array<i32>} : memref<400x64xf32, #tpu.memory_space<vmem>>, vector<1x16xf32>,
      %get3A_963 = vector.shape_cast %get3A_962 : vector<1x16xf32> to vector<16xf32>
      %max3A_964 = arith.maximumf %max3A_942, %get3A_963 : vector<16xf32>
      %get3A_965 = arith.index_cast %scan3A_954 : i32 to index
      %get3A_966 = arith.constant 32 : index
      %get3A_967 = tpu.vector_load %arg7[%get3A_965, %get3A_966] {strides = array<i32>} : memref<400x64xf32, #tpu.memory_space<vmem>>, vector<1x16xf32>,
      %get3A_968 = vector.shape_cast %get3A_967 : vector<1x16xf32> to vector<16xf32>
      %max3A_969 = arith.maximumf %max3A_947, %get3A_968 : vector<16xf32>
      %get3A_970 = arith.index_cast %scan3A_954 : i32 to index
      %get3A_971 = arith.constant 48 : index
      %get3A_972 = tpu.vector_load %arg7[%get3A_970, %get3A_971] {strides = array<i32>} : memref<400x64xf32, #tpu.memory_space<vmem>>, vector<1x16xf32>,
      %get3A_973 = vector.shape_cast %get3A_972 : vector<1x16xf32> to vector<16xf32>
      %max3A_974 = arith.maximumf %max3A_952, %get3A_973 : vector<16xf32>
      %scan3A_975 = arith.constant 195 : i32
      %scan3A_976 = arith.addi %scan3A_904, %scan3A_975 : i32
      %get3A_977 = arith.index_cast %scan3A_976 : i32 to index
      %get3A_978 = arith.constant 0 : index
      %get3A_979 = tpu.vector_load %arg7[%get3A_977, %get3A_978] {strides = array<i32>} : memref<400x64xf32, #tpu.memory_space<vmem>>, vector<1x16xf32>,
      %get3A_980 = vector.shape_cast %get3A_979 : vector<1x16xf32> to vector<16xf32>
      %max3A_981 = arith.maximumf %max3A_959, %get3A_980 : vector<16xf32>
      %get3A_982 = arith.index_cast %scan3A_976 : i32 to index
      %get3A_983 = arith.constant 16 : index
      %get3A_984 = tpu.vector_load %arg7[%get3A_982, %get3A_983] {strides = array<i32>} : memref<400x64xf32, #tpu.memory_space<vmem>>, vector<1x16xf32>,
      %get3A_985 = vector.shape_cast %get3A_984 : vector<1x16xf32> to vector<16xf32>
      %max3A_986 = arith.maximumf %max3A_964, %get3A_985 : vector<16xf32>
      %get3A_987 = arith.index_cast %scan3A_976 : i32 to index
      %get3A_988 = arith.constant 32 : index
      %get3A_989 = tpu.vector_load %arg7[%get3A_987, %get3A_988] {strides = array<i32>} : memref<400x64xf32, #tpu.memory_space<vmem>>, vector<1x16xf32>,
      %get3A_990 = vector.shape_cast %get3A_989 : vector<1x16xf32> to vector<16xf32>
      %max3A_991 = arith.maximumf %max3A_969, %get3A_990 : vector<16xf32>
      %get3A_992 = arith.index_cast %scan3A_976 : i32 to index
      %get3A_993 = arith.constant 48 : index
      %get3A_994 = tpu.vector_load %arg7[%get3A_992, %get3A_993] {strides = array<i32>} : memref<400x64xf32, #tpu.memory_space<vmem>>, vector<1x16xf32>,
      %get3A_995 = vector.shape_cast %get3A_994 : vector<1x16xf32> to vector<16xf32>
      %max3A_996 = arith.maximumf %max3A_974, %get3A_995 : vector<16xf32>
      %scan3A_997 = arith.constant 196 : i32
      %scan3A_998 = arith.addi %scan3A_904, %scan3A_997 : i32
      %get3A_999 = arith.index_cast %scan3A_998 : i32 to index
      %get3A_1000 = arith.constant 0 : index
      %get3A_1001 = tpu.vector_load %arg7[%get3A_999, %get3A_1000] {strides = array<i32>} : memref<400x64xf32, #tpu.memory_space<vmem>>, vector<1x16xf32>,
      %get3A_1002 = vector.shape_cast %get3A_1001 : vector<1x16xf32> to vector<16xf32>
      %max3A_1003 = arith.maximumf %max3A_981, %get3A_1002 : vector<16xf32>
      %get3A_1004 = arith.index_cast %scan3A_998 : i32 to index
      %get3A_1005 = arith.constant 16 : index
      %get3A_1006 = tpu.vector_load %arg7[%get3A_1004, %get3A_1005] {strides = array<i32>} : memref<400x64xf32, #tpu.memory_space<vmem>>, vector<1x16xf32>,
      %get3A_1007 = vector.shape_cast %get3A_1006 : vector<1x16xf32> to vector<16xf32>
      %max3A_1008 = arith.maximumf %max3A_986, %get3A_1007 : vector<16xf32>
      %get3A_1009 = arith.index_cast %scan3A_998 : i32 to index
      %get3A_1010 = arith.constant 32 : index
      %get3A_1011 = tpu.vector_load %arg7[%get3A_1009, %get3A_1010] {strides = array<i32>} : memref<400x64xf32, #tpu.memory_space<vmem>>, vector<1x16xf32>,
      %get3A_1012 = vector.shape_cast %get3A_1011 : vector<1x16xf32> to vector<16xf32>
      %max3A_1013 = arith.maximumf %max3A_991, %get3A_1012 : vector<16xf32>
      %get3A_1014 = arith.index_cast %scan3A_998 : i32 to index
      %get3A_1015 = arith.constant 48 : index
      %get3A_1016 = tpu.vector_load %arg7[%get3A_1014, %get3A_1015] {strides = array<i32>} : memref<400x64xf32, #tpu.memory_space<vmem>>, vector<1x16xf32>,
      %get3A_1017 = vector.shape_cast %get3A_1016 : vector<1x16xf32> to vector<16xf32>
      %max3A_1018 = arith.maximumf %max3A_996, %get3A_1017 : vector<16xf32>
      %scan3A_1019 = arith.constant 197 : i32
      %scan3A_1020 = arith.addi %scan3A_904, %scan3A_1019 : i32
      %get3A_1021 = arith.index_cast %scan3A_1020 : i32 to index
      %get3A_1022 = arith.constant 0 : index
      %get3A_1023 = tpu.vector_load %arg7[%get3A_1021, %get3A_1022] {strides = array<i32>} : memref<400x64xf32, #tpu.memory_space<vmem>>, vector<1x16xf32>,
      %get3A_1024 = vector.shape_cast %get3A_1023 : vector<1x16xf32> to vector<16xf32>
      %max3A_1025 = arith.maximumf %max3A_1003, %get3A_1024 : vector<16xf32>
      %get3A_1026 = arith.index_cast %scan3A_1020 : i32 to index
      %get3A_1027 = arith.constant 16 : index
      %get3A_1028 = tpu.vector_load %arg7[%get3A_1026, %get3A_1027] {strides = array<i32>} : memref<400x64xf32, #tpu.memory_space<vmem>>, vector<1x16xf32>,
      %get3A_1029 = vector.shape_cast %get3A_1028 : vector<1x16xf32> to vector<16xf32>
      %max3A_1030 = arith.maximumf %max3A_1008, %get3A_1029 : vector<16xf32>
      %get3A_1031 = arith.index_cast %scan3A_1020 : i32 to index
      %get3A_1032 = arith.constant 32 : index
      %get3A_1033 = tpu.vector_load %arg7[%get3A_1031, %get3A_1032] {strides = array<i32>} : memref<400x64xf32, #tpu.memory_space<vmem>>, vector<1x16xf32>,
      %get3A_1034 = vector.shape_cast %get3A_1033 : vector<1x16xf32> to vector<16xf32>
      %max3A_1035 = arith.maximumf %max3A_1013, %get3A_1034 : vector<16xf32>
      %get3A_1036 = arith.index_cast %scan3A_1020 : i32 to index
      %get3A_1037 = arith.constant 48 : index
      %get3A_1038 = tpu.vector_load %arg7[%get3A_1036, %get3A_1037] {strides = array<i32>} : memref<400x64xf32, #tpu.memory_space<vmem>>, vector<1x16xf32>,
      %get3A_1039 = vector.shape_cast %get3A_1038 : vector<1x16xf32> to vector<16xf32>
      %max3A_1040 = arith.maximumf %max3A_1018, %get3A_1039 : vector<16xf32>
      %scan3A_1041 = arith.constant 198 : i32
      %scan3A_1042 = arith.addi %scan3A_904, %scan3A_1041 : i32
      %get3A_1043 = arith.index_cast %scan3A_1042 : i32 to index
      %get3A_1044 = arith.constant 0 : index
      %get3A_1045 = tpu.vector_load %arg7[%get3A_1043, %get3A_1044] {strides = array<i32>} : memref<400x64xf32, #tpu.memory_space<vmem>>, vector<1x16xf32>,
      %get3A_1046 = vector.shape_cast %get3A_1045 : vector<1x16xf32> to vector<16xf32>
      %max3A_1047 = arith.maximumf %max3A_1025, %get3A_1046 : vector<16xf32>
      %get3A_1048 = arith.index_cast %scan3A_1042 : i32 to index
      %get3A_1049 = arith.constant 16 : index
      %get3A_1050 = tpu.vector_load %arg7[%get3A_1048, %get3A_1049] {strides = array<i32>} : memref<400x64xf32, #tpu.memory_space<vmem>>, vector<1x16xf32>,
      %get3A_1051 = vector.shape_cast %get3A_1050 : vector<1x16xf32> to vector<16xf32>
      %max3A_1052 = arith.maximumf %max3A_1030, %get3A_1051 : vector<16xf32>
      %get3A_1053 = arith.index_cast %scan3A_1042 : i32 to index
      %get3A_1054 = arith.constant 32 : index
      %get3A_1055 = tpu.vector_load %arg7[%get3A_1053, %get3A_1054] {strides = array<i32>} : memref<400x64xf32, #tpu.memory_space<vmem>>, vector<1x16xf32>,
      %get3A_1056 = vector.shape_cast %get3A_1055 : vector<1x16xf32> to vector<16xf32>
      %max3A_1057 = arith.maximumf %max3A_1035, %get3A_1056 : vector<16xf32>
      %get3A_1058 = arith.index_cast %scan3A_1042 : i32 to index
      %get3A_1059 = arith.constant 48 : index
      %get3A_1060 = tpu.vector_load %arg7[%get3A_1058, %get3A_1059] {strides = array<i32>} : memref<400x64xf32, #tpu.memory_space<vmem>>, vector<1x16xf32>,
      %get3A_1061 = vector.shape_cast %get3A_1060 : vector<1x16xf32> to vector<16xf32>
      %max3A_1062 = arith.maximumf %max3A_1040, %get3A_1061 : vector<16xf32>
      %scan3A_1063 = arith.constant 199 : i32
      %swap3A_1064 = arith.index_cast %add3A_883 : i32 to index
      %swap3A_1065 = arith.constant 0 : index
      %swap3A_1066 = tpu.vector_load %arg9[%swap3A_1064, %swap3A_1065] {strides = array<i32>} : memref<128x64xf32, #tpu.memory_space<vmem>>, vector<1x16xf32>,
      %swap3A_1067 = vector.shape_cast %swap3A_1066 : vector<1x16xf32> to vector<16xf32>
      %swap3A_1068 = vector.shape_cast %max3A_1047 : vector<16xf32> to vector<1x16xf32>
      tpu.vector_store %arg9[%swap3A_1064, %swap3A_1065], %swap3A_1068 {strides = array<i32>} : memref<128x64xf32, #tpu.memory_space<vmem>>, vector<1x16xf32>,
      %swap3A_1069 = arith.index_cast %add3A_883 : i32 to index
      %swap3A_1070 = arith.constant 16 : index
      %swap3A_1071 = tpu.vector_load %arg9[%swap3A_1069, %swap3A_1070] {strides = array<i32>} : memref<128x64xf32, #tpu.memory_space<vmem>>, vector<1x16xf32>,
      %swap3A_1072 = vector.shape_cast %swap3A_1071 : vector<1x16xf32> to vector<16xf32>
      %swap3A_1073 = vector.shape_cast %max3A_1052 : vector<16xf32> to vector<1x16xf32>
      tpu.vector_store %arg9[%swap3A_1069, %swap3A_1070], %swap3A_1073 {strides = array<i32>} : memref<128x64xf32, #tpu.memory_space<vmem>>, vector<1x16xf32>,
      %swap3A_1074 = arith.index_cast %add3A_883 : i32 to index
      %swap3A_1075 = arith.constant 32 : index
      %swap3A_1076 = tpu.vector_load %arg9[%swap3A_1074, %swap3A_1075] {strides = array<i32>} : memref<128x64xf32, #tpu.memory_space<vmem>>, vector<1x16xf32>,
      %swap3A_1077 = vector.shape_cast %swap3A_1076 : vector<1x16xf32> to vector<16xf32>
      %swap3A_1078 = vector.shape_cast %max3A_1057 : vector<16xf32> to vector<1x16xf32>
      tpu.vector_store %arg9[%swap3A_1074, %swap3A_1075], %swap3A_1078 {strides = array<i32>} : memref<128x64xf32, #tpu.memory_space<vmem>>, vector<1x16xf32>,
      %swap3A_1079 = arith.index_cast %add3A_883 : i32 to index
      %swap3A_1080 = arith.constant 48 : index
      %swap3A_1081 = tpu.vector_load %arg9[%swap3A_1079, %swap3A_1080] {strides = array<i32>} : memref<128x64xf32, #tpu.memory_space<vmem>>, vector<1x16xf32>,
      %swap3A_1082 = vector.shape_cast %swap3A_1081 : vector<1x16xf32> to vector<16xf32>
      %swap3A_1083 = vector.shape_cast %max3A_1062 : vector<16xf32> to vector<1x16xf32>
      tpu.vector_store %arg9[%swap3A_1079, %swap3A_1080], %swap3A_1083 {strides = array<i32>} : memref<128x64xf32, #tpu.memory_space<vmem>>, vector<1x16xf32>,
      %mul3A_1084 = arith.constant 2 : i32
      %mul3A_1085 = arith.muli %add3A_873, %mul3A_1084 : i32
      %add3A_1086 = arith.constant 1 : i32
      %add3A_1087 = arith.addi %mul3A_1085, %add3A_1086 : i32
      %get3A_1088 = arith.constant 200 : i32
      %get3A_1089 = arith.index_cast %get3A_1088 : i32 to index
      %get3A_1090 = arith.constant 0 : index
      %get3A_1091 = tpu.vector_load %arg7[%get3A_1089, %get3A_1090] {strides = array<i32>} : memref<400x64xf32, #tpu.memory_space<vmem>>, vector<1x16xf32>,
      %get3A_1092 = vector.shape_cast %get3A_1091 : vector<1x16xf32> to vector<16xf32>
      %get3A_1093 = arith.constant 200 : i32
      %get3A_1094 = arith.index_cast %get3A_1093 : i32 to index
      %get3A_1095 = arith.constant 16 : index
      %get3A_1096 = tpu.vector_load %arg7[%get3A_1094, %get3A_1095] {strides = array<i32>} : memref<400x64xf32, #tpu.memory_space<vmem>>, vector<1x16xf32>,
      %get3A_1097 = vector.shape_cast %get3A_1096 : vector<1x16xf32> to vector<16xf32>
      %get3A_1098 = arith.constant 200 : i32
      %get3A_1099 = arith.index_cast %get3A_1098 : i32 to index
      %get3A_1100 = arith.constant 32 : index
      %get3A_1101 = tpu.vector_load %arg7[%get3A_1099, %get3A_1100] {strides = array<i32>} : memref<400x64xf32, #tpu.memory_space<vmem>>, vector<1x16xf32>,
      %get3A_1102 = vector.shape_cast %get3A_1101 : vector<1x16xf32> to vector<16xf32>
      %get3A_1103 = arith.constant 200 : i32
      %get3A_1104 = arith.index_cast %get3A_1103 : i32 to index
      %get3A_1105 = arith.constant 48 : index
      %get3A_1106 = tpu.vector_load %arg7[%get3A_1104, %get3A_1105] {strides = array<i32>} : memref<400x64xf32, #tpu.memory_space<vmem>>, vector<1x16xf32>,
      %get3A_1107 = vector.shape_cast %get3A_1106 : vector<1x16xf32> to vector<16xf32>
      %scan3A_1108 = arith.constant 201 : i32
      %scan3A_1109 = arith.constant 192 : i32
      %scan3A_1110 = arith.addi %scan3A_1108, %scan3A_1109 : i32
      %scan3A_1111 = arith.constant 8 : i32
      %scan3A_1112:4 = scf.for %scan3A_1716 = %scan3A_1108 to %scan3A_1110 step %scan3A_1111 iter_args(%scan3A_1717 = %get3A_1092, %scan3A_1718 = %get3A_1097, %scan3A_1719 = %get3A_1102, %scan3A_1720 = %get3A_1107) -> (vector<16xf32>, vector<16xf32>, vector<16xf32>, vector<16xf32>)  : i32 {
        %get3A_1721 = arith.index_cast %scan3A_1716 : i32 to index
        %get3A_1722 = arith.constant 0 : index
        %get3A_1723 = tpu.vector_load %arg7[%get3A_1721, %get3A_1722] {strides = array<i32>} : memref<400x64xf32, #tpu.memory_space<vmem>>, vector<1x16xf32>,
        %get3A_1724 = vector.shape_cast %get3A_1723 : vector<1x16xf32> to vector<16xf32>
        %max3A_1725 = arith.maximumf %scan3A_1717, %get3A_1724 : vector<16xf32>
        %get3A_1726 = arith.index_cast %scan3A_1716 : i32 to index
        %get3A_1727 = arith.constant 16 : index
        %get3A_1728 = tpu.vector_load %arg7[%get3A_1726, %get3A_1727] {strides = array<i32>} : memref<400x64xf32, #tpu.memory_space<vmem>>, vector<1x16xf32>,
        %get3A_1729 = vector.shape_cast %get3A_1728 : vector<1x16xf32> to vector<16xf32>
        %max3A_1730 = arith.maximumf %scan3A_1718, %get3A_1729 : vector<16xf32>
        %get3A_1731 = arith.index_cast %scan3A_1716 : i32 to index
        %get3A_1732 = arith.constant 32 : index
        %get3A_1733 = tpu.vector_load %arg7[%get3A_1731, %get3A_1732] {strides = array<i32>} : memref<400x64xf32, #tpu.memory_space<vmem>>, vector<1x16xf32>,
        %get3A_1734 = vector.shape_cast %get3A_1733 : vector<1x16xf32> to vector<16xf32>
        %max3A_1735 = arith.maximumf %scan3A_1719, %get3A_1734 : vector<16xf32>
        %get3A_1736 = arith.index_cast %scan3A_1716 : i32 to index
        %get3A_1737 = arith.constant 48 : index
        %get3A_1738 = tpu.vector_load %arg7[%get3A_1736, %get3A_1737] {strides = array<i32>} : memref<400x64xf32, #tpu.memory_space<vmem>>, vector<1x16xf32>,
        %get3A_1739 = vector.shape_cast %get3A_1738 : vector<1x16xf32> to vector<16xf32>
        %max3A_1740 = arith.maximumf %scan3A_1720, %get3A_1739 : vector<16xf32>
        %scan3A_1741 = arith.constant 1 : i32
        %scan3A_1742 = arith.addi %scan3A_1716, %scan3A_1741 : i32
        %get3A_1743 = arith.index_cast %scan3A_1742 : i32 to index
        %get3A_1744 = arith.constant 0 : index
        %get3A_1745 = tpu.vector_load %arg7[%get3A_1743, %get3A_1744] {strides = array<i32>} : memref<400x64xf32, #tpu.memory_space<vmem>>, vector<1x16xf32>,
        %get3A_1746 = vector.shape_cast %get3A_1745 : vector<1x16xf32> to vector<16xf32>
        %max3A_1747 = arith.maximumf %max3A_1725, %get3A_1746 : vector<16xf32>
        %get3A_1748 = arith.index_cast %scan3A_1742 : i32 to index
        %get3A_1749 = arith.constant 16 : index
        %get3A_1750 = tpu.vector_load %arg7[%get3A_1748, %get3A_1749] {strides = array<i32>} : memref<400x64xf32, #tpu.memory_space<vmem>>, vector<1x16xf32>,
        %get3A_1751 = vector.shape_cast %get3A_1750 : vector<1x16xf32> to vector<16xf32>
        %max3A_1752 = arith.maximumf %max3A_1730, %get3A_1751 : vector<16xf32>
        %get3A_1753 = arith.index_cast %scan3A_1742 : i32 to index
        %get3A_1754 = arith.constant 32 : index
        %get3A_1755 = tpu.vector_load %arg7[%get3A_1753, %get3A_1754] {strides = array<i32>} : memref<400x64xf32, #tpu.memory_space<vmem>>, vector<1x16xf32>,
        %get3A_1756 = vector.shape_cast %get3A_1755 : vector<1x16xf32> to vector<16xf32>
        %max3A_1757 = arith.maximumf %max3A_1735, %get3A_1756 : vector<16xf32>
        %get3A_1758 = arith.index_cast %scan3A_1742 : i32 to index
        %get3A_1759 = arith.constant 48 : index
        %get3A_1760 = tpu.vector_load %arg7[%get3A_1758, %get3A_1759] {strides = array<i32>} : memref<400x64xf32, #tpu.memory_space<vmem>>, vector<1x16xf32>,
        %get3A_1761 = vector.shape_cast %get3A_1760 : vector<1x16xf32> to vector<16xf32>
        %max3A_1762 = arith.maximumf %max3A_1740, %get3A_1761 : vector<16xf32>
        %scan3A_1763 = arith.constant 2 : i32
        %scan3A_1764 = arith.addi %scan3A_1716, %scan3A_1763 : i32
        %get3A_1765 = arith.index_cast %scan3A_1764 : i32 to index
        %get3A_1766 = arith.constant 0 : index
        %get3A_1767 = tpu.vector_load %arg7[%get3A_1765, %get3A_1766] {strides = array<i32>} : memref<400x64xf32, #tpu.memory_space<vmem>>, vector<1x16xf32>,
        %get3A_1768 = vector.shape_cast %get3A_1767 : vector<1x16xf32> to vector<16xf32>
        %max3A_1769 = arith.maximumf %max3A_1747, %get3A_1768 : vector<16xf32>
        %get3A_1770 = arith.index_cast %scan3A_1764 : i32 to index
        %get3A_1771 = arith.constant 16 : index
        %get3A_1772 = tpu.vector_load %arg7[%get3A_1770, %get3A_1771] {strides = array<i32>} : memref<400x64xf32, #tpu.memory_space<vmem>>, vector<1x16xf32>,
        %get3A_1773 = vector.shape_cast %get3A_1772 : vector<1x16xf32> to vector<16xf32>
        %max3A_1774 = arith.maximumf %max3A_1752, %get3A_1773 : vector<16xf32>
        %get3A_1775 = arith.index_cast %scan3A_1764 : i32 to index
        %get3A_1776 = arith.constant 32 : index
        %get3A_1777 = tpu.vector_load %arg7[%get3A_1775, %get3A_1776] {strides = array<i32>} : memref<400x64xf32, #tpu.memory_space<vmem>>, vector<1x16xf32>,
        %get3A_1778 = vector.shape_cast %get3A_1777 : vector<1x16xf32> to vector<16xf32>
        %max3A_1779 = arith.maximumf %max3A_1757, %get3A_1778 : vector<16xf32>
        %get3A_1780 = arith.index_cast %scan3A_1764 : i32 to index
        %get3A_1781 = arith.constant 48 : index
        %get3A_1782 = tpu.vector_load %arg7[%get3A_1780, %get3A_1781] {strides = array<i32>} : memref<400x64xf32, #tpu.memory_space<vmem>>, vector<1x16xf32>,
        %get3A_1783 = vector.shape_cast %get3A_1782 : vector<1x16xf32> to vector<16xf32>
        %max3A_1784 = arith.maximumf %max3A_1762, %get3A_1783 : vector<16xf32>
        %scan3A_1785 = arith.constant 3 : i32
        %scan3A_1786 = arith.addi %scan3A_1716, %scan3A_1785 : i32
        %get3A_1787 = arith.index_cast %scan3A_1786 : i32 to index
        %get3A_1788 = arith.constant 0 : index
        %get3A_1789 = tpu.vector_load %arg7[%get3A_1787, %get3A_1788] {strides = array<i32>} : memref<400x64xf32, #tpu.memory_space<vmem>>, vector<1x16xf32>,
        %get3A_1790 = vector.shape_cast %get3A_1789 : vector<1x16xf32> to vector<16xf32>
        %max3A_1791 = arith.maximumf %max3A_1769, %get3A_1790 : vector<16xf32>
        %get3A_1792 = arith.index_cast %scan3A_1786 : i32 to index
        %get3A_1793 = arith.constant 16 : index
        %get3A_1794 = tpu.vector_load %arg7[%get3A_1792, %get3A_1793] {strides = array<i32>} : memref<400x64xf32, #tpu.memory_space<vmem>>, vector<1x16xf32>,
        %get3A_1795 = vector.shape_cast %get3A_1794 : vector<1x16xf32> to vector<16xf32>
        %max3A_1796 = arith.maximumf %max3A_1774, %get3A_1795 : vector<16xf32>
        %get3A_1797 = arith.index_cast %scan3A_1786 : i32 to index
        %get3A_1798 = arith.constant 32 : index
        %get3A_1799 = tpu.vector_load %arg7[%get3A_1797, %get3A_1798] {strides = array<i32>} : memref<400x64xf32, #tpu.memory_space<vmem>>, vector<1x16xf32>,
        %get3A_1800 = vector.shape_cast %get3A_1799 : vector<1x16xf32> to vector<16xf32>
        %max3A_1801 = arith.maximumf %max3A_1779, %get3A_1800 : vector<16xf32>
        %get3A_1802 = arith.index_cast %scan3A_1786 : i32 to index
        %get3A_1803 = arith.constant 48 : index
        %get3A_1804 = tpu.vector_load %arg7[%get3A_1802, %get3A_1803] {strides = array<i32>} : memref<400x64xf32, #tpu.memory_space<vmem>>, vector<1x16xf32>,
        %get3A_1805 = vector.shape_cast %get3A_1804 : vector<1x16xf32> to vector<16xf32>
        %max3A_1806 = arith.maximumf %max3A_1784, %get3A_1805 : vector<16xf32>
        %scan3A_1807 = arith.constant 4 : i32
        %scan3A_1808 = arith.addi %scan3A_1716, %scan3A_1807 : i32
        %get3A_1809 = arith.index_cast %scan3A_1808 : i32 to index
        %get3A_1810 = arith.constant 0 : index
        %get3A_1811 = tpu.vector_load %arg7[%get3A_1809, %get3A_1810] {strides = array<i32>} : memref<400x64xf32, #tpu.memory_space<vmem>>, vector<1x16xf32>,
        %get3A_1812 = vector.shape_cast %get3A_1811 : vector<1x16xf32> to vector<16xf32>
        %max3A_1813 = arith.maximumf %max3A_1791, %get3A_1812 : vector<16xf32>
        %get3A_1814 = arith.index_cast %scan3A_1808 : i32 to index
        %get3A_1815 = arith.constant 16 : index
        %get3A_1816 = tpu.vector_load %arg7[%get3A_1814, %get3A_1815] {strides = array<i32>} : memref<400x64xf32, #tpu.memory_space<vmem>>, vector<1x16xf32>,
        %get3A_1817 = vector.shape_cast %get3A_1816 : vector<1x16xf32> to vector<16xf32>
        %max3A_1818 = arith.maximumf %max3A_1796, %get3A_1817 : vector<16xf32>
        %get3A_1819 = arith.index_cast %scan3A_1808 : i32 to index
        %get3A_1820 = arith.constant 32 : index
        %get3A_1821 = tpu.vector_load %arg7[%get3A_1819, %get3A_1820] {strides = array<i32>} : memref<400x64xf32, #tpu.memory_space<vmem>>, vector<1x16xf32>,
        %get3A_1822 = vector.shape_cast %get3A_1821 : vector<1x16xf32> to vector<16xf32>
        %max3A_1823 = arith.maximumf %max3A_1801, %get3A_1822 : vector<16xf32>
        %get3A_1824 = arith.index_cast %scan3A_1808 : i32 to index
        %get3A_1825 = arith.constant 48 : index
        %get3A_1826 = tpu.vector_load %arg7[%get3A_1824, %get3A_1825] {strides = array<i32>} : memref<400x64xf32, #tpu.memory_space<vmem>>, vector<1x16xf32>,
        %get3A_1827 = vector.shape_cast %get3A_1826 : vector<1x16xf32> to vector<16xf32>
        %max3A_1828 = arith.maximumf %max3A_1806, %get3A_1827 : vector<16xf32>
        %scan3A_1829 = arith.constant 5 : i32
        %scan3A_1830 = arith.addi %scan3A_1716, %scan3A_1829 : i32
        %get3A_1831 = arith.index_cast %scan3A_1830 : i32 to index
        %get3A_1832 = arith.constant 0 : index
        %get3A_1833 = tpu.vector_load %arg7[%get3A_1831, %get3A_1832] {strides = array<i32>} : memref<400x64xf32, #tpu.memory_space<vmem>>, vector<1x16xf32>,
        %get3A_1834 = vector.shape_cast %get3A_1833 : vector<1x16xf32> to vector<16xf32>
        %max3A_1835 = arith.maximumf %max3A_1813, %get3A_1834 : vector<16xf32>
        %get3A_1836 = arith.index_cast %scan3A_1830 : i32 to index
        %get3A_1837 = arith.constant 16 : index
        %get3A_1838 = tpu.vector_load %arg7[%get3A_1836, %get3A_1837] {strides = array<i32>} : memref<400x64xf32, #tpu.memory_space<vmem>>, vector<1x16xf32>,
        %get3A_1839 = vector.shape_cast %get3A_1838 : vector<1x16xf32> to vector<16xf32>
        %max3A_1840 = arith.maximumf %max3A_1818, %get3A_1839 : vector<16xf32>
        %get3A_1841 = arith.index_cast %scan3A_1830 : i32 to index
        %get3A_1842 = arith.constant 32 : index
        %get3A_1843 = tpu.vector_load %arg7[%get3A_1841, %get3A_1842] {strides = array<i32>} : memref<400x64xf32, #tpu.memory_space<vmem>>, vector<1x16xf32>,
        %get3A_1844 = vector.shape_cast %get3A_1843 : vector<1x16xf32> to vector<16xf32>
        %max3A_1845 = arith.maximumf %max3A_1823, %get3A_1844 : vector<16xf32>
        %get3A_1846 = arith.index_cast %scan3A_1830 : i32 to index
        %get3A_1847 = arith.constant 48 : index
        %get3A_1848 = tpu.vector_load %arg7[%get3A_1846, %get3A_1847] {strides = array<i32>} : memref<400x64xf32, #tpu.memory_space<vmem>>, vector<1x16xf32>,
        %get3A_1849 = vector.shape_cast %get3A_1848 : vector<1x16xf32> to vector<16xf32>
        %max3A_1850 = arith.maximumf %max3A_1828, %get3A_1849 : vector<16xf32>
        %scan3A_1851 = arith.constant 6 : i32
        %scan3A_1852 = arith.addi %scan3A_1716, %scan3A_1851 : i32
        %get3A_1853 = arith.index_cast %scan3A_1852 : i32 to index
        %get3A_1854 = arith.constant 0 : index
        %get3A_1855 = tpu.vector_load %arg7[%get3A_1853, %get3A_1854] {strides = array<i32>} : memref<400x64xf32, #tpu.memory_space<vmem>>, vector<1x16xf32>,
        %get3A_1856 = vector.shape_cast %get3A_1855 : vector<1x16xf32> to vector<16xf32>
        %max3A_1857 = arith.maximumf %max3A_1835, %get3A_1856 : vector<16xf32>
        %get3A_1858 = arith.index_cast %scan3A_1852 : i32 to index
        %get3A_1859 = arith.constant 16 : index
        %get3A_1860 = tpu.vector_load %arg7[%get3A_1858, %get3A_1859] {strides = array<i32>} : memref<400x64xf32, #tpu.memory_space<vmem>>, vector<1x16xf32>,
        %get3A_1861 = vector.shape_cast %get3A_1860 : vector<1x16xf32> to vector<16xf32>
        %max3A_1862 = arith.maximumf %max3A_1840, %get3A_1861 : vector<16xf32>
        %get3A_1863 = arith.index_cast %scan3A_1852 : i32 to index
        %get3A_1864 = arith.constant 32 : index
        %get3A_1865 = tpu.vector_load %arg7[%get3A_1863, %get3A_1864] {strides = array<i32>} : memref<400x64xf32, #tpu.memory_space<vmem>>, vector<1x16xf32>,
        %get3A_1866 = vector.shape_cast %get3A_1865 : vector<1x16xf32> to vector<16xf32>
        %max3A_1867 = arith.maximumf %max3A_1845, %get3A_1866 : vector<16xf32>
        %get3A_1868 = arith.index_cast %scan3A_1852 : i32 to index
        %get3A_1869 = arith.constant 48 : index
        %get3A_1870 = tpu.vector_load %arg7[%get3A_1868, %get3A_1869] {strides = array<i32>} : memref<400x64xf32, #tpu.memory_space<vmem>>, vector<1x16xf32>,
        %get3A_1871 = vector.shape_cast %get3A_1870 : vector<1x16xf32> to vector<16xf32>
        %max3A_1872 = arith.maximumf %max3A_1850, %get3A_1871 : vector<16xf32>
        %scan3A_1873 = arith.constant 7 : i32
        %scan3A_1874 = arith.addi %scan3A_1716, %scan3A_1873 : i32
        %get3A_1875 = arith.index_cast %scan3A_1874 : i32 to index
        %get3A_1876 = arith.constant 0 : index
        %get3A_1877 = tpu.vector_load %arg7[%get3A_1875, %get3A_1876] {strides = array<i32>} : memref<400x64xf32, #tpu.memory_space<vmem>>, vector<1x16xf32>,
        %get3A_1878 = vector.shape_cast %get3A_1877 : vector<1x16xf32> to vector<16xf32>
        %max3A_1879 = arith.maximumf %max3A_1857, %get3A_1878 : vector<16xf32>
        %get3A_1880 = arith.index_cast %scan3A_1874 : i32 to index
        %get3A_1881 = arith.constant 16 : index
        %get3A_1882 = tpu.vector_load %arg7[%get3A_1880, %get3A_1881] {strides = array<i32>} : memref<400x64xf32, #tpu.memory_space<vmem>>, vector<1x16xf32>,
        %get3A_1883 = vector.shape_cast %get3A_1882 : vector<1x16xf32> to vector<16xf32>
        %max3A_1884 = arith.maximumf %max3A_1862, %get3A_1883 : vector<16xf32>
        %get3A_1885 = arith.index_cast %scan3A_1874 : i32 to index
        %get3A_1886 = arith.constant 32 : index
        %get3A_1887 = tpu.vector_load %arg7[%get3A_1885, %get3A_1886] {strides = array<i32>} : memref<400x64xf32, #tpu.memory_space<vmem>>, vector<1x16xf32>,
        %get3A_1888 = vector.shape_cast %get3A_1887 : vector<1x16xf32> to vector<16xf32>
        %max3A_1889 = arith.maximumf %max3A_1867, %get3A_1888 : vector<16xf32>
        %get3A_1890 = arith.index_cast %scan3A_1874 : i32 to index
        %get3A_1891 = arith.constant 48 : index
        %get3A_1892 = tpu.vector_load %arg7[%get3A_1890, %get3A_1891] {strides = array<i32>} : memref<400x64xf32, #tpu.memory_space<vmem>>, vector<1x16xf32>,
        %get3A_1893 = vector.shape_cast %get3A_1892 : vector<1x16xf32> to vector<16xf32>
        %max3A_1894 = arith.maximumf %max3A_1872, %get3A_1893 : vector<16xf32>
        scf.yield %max3A_1879, %max3A_1884, %max3A_1889, %max3A_1894 : vector<16xf32>, vector<16xf32>, vector<16xf32>, vector<16xf32>
      }
      %scan3A_1113 = arith.constant 192 : i32
      %scan3A_1114 = arith.addi %scan3A_1108, %scan3A_1113 : i32
      %get3A_1115 = arith.index_cast %scan3A_1114 : i32 to index
      %get3A_1116 = arith.constant 0 : index
      %get3A_1117 = tpu.vector_load %arg7[%get3A_1115, %get3A_1116] {strides = array<i32>} : memref<400x64xf32, #tpu.memory_space<vmem>>, vector<1x16xf32>,
      %get3A_1118 = vector.shape_cast %get3A_1117 : vector<1x16xf32> to vector<16xf32>
      %max3A_1119 = arith.maximumf %scan3A_1112#0, %get3A_1118 : vector<16xf32>
      %get3A_1120 = arith.index_cast %scan3A_1114 : i32 to index
      %get3A_1121 = arith.constant 16 : index
      %get3A_1122 = tpu.vector_load %arg7[%get3A_1120, %get3A_1121] {strides = array<i32>} : memref<400x64xf32, #tpu.memory_space<vmem>>, vector<1x16xf32>,
      %get3A_1123 = vector.shape_cast %get3A_1122 : vector<1x16xf32> to vector<16xf32>
      %max3A_1124 = arith.maximumf %scan3A_1112#1, %get3A_1123 : vector<16xf32>
      %get3A_1125 = arith.index_cast %scan3A_1114 : i32 to index
      %get3A_1126 = arith.constant 32 : index
      %get3A_1127 = tpu.vector_load %arg7[%get3A_1125, %get3A_1126] {strides = array<i32>} : memref<400x64xf32, #tpu.memory_space<vmem>>, vector<1x16xf32>,
      %get3A_1128 = vector.shape_cast %get3A_1127 : vector<1x16xf32> to vector<16xf32>
      %max3A_1129 = arith.maximumf %scan3A_1112#2, %get3A_1128 : vector<16xf32>
      %get3A_1130 = arith.index_cast %scan3A_1114 : i32 to index
      %get3A_1131 = arith.constant 48 : index
      %get3A_1132 = tpu.vector_load %arg7[%get3A_1130, %get3A_1131] {strides = array<i32>} : memref<400x64xf32, #tpu.memory_space<vmem>>, vector<1x16xf32>,
      %get3A_1133 = vector.shape_cast %get3A_1132 : vector<1x16xf32> to vector<16xf32>
      %max3A_1134 = arith.maximumf %scan3A_1112#3, %get3A_1133 : vector<16xf32>
      %scan3A_1135 = arith.constant 193 : i32
      %scan3A_1136 = arith.addi %scan3A_1108, %scan3A_1135 : i32
      %get3A_1137 = arith.index_cast %scan3A_1136 : i32 to index
      %get3A_1138 = arith.constant 0 : index
      %get3A_1139 = tpu.vector_load %arg7[%get3A_1137, %get3A_1138] {strides = array<i32>} : memref<400x64xf32, #tpu.memory_space<vmem>>, vector<1x16xf32>,
      %get3A_1140 = vector.shape_cast %get3A_1139 : vector<1x16xf32> to vector<16xf32>
      %max3A_1141 = arith.maximumf %max3A_1119, %get3A_1140 : vector<16xf32>
      %get3A_1142 = arith.index_cast %scan3A_1136 : i32 to index
      %get3A_1143 = arith.constant 16 : index
      %get3A_1144 = tpu.vector_load %arg7[%get3A_1142, %get3A_1143] {strides = array<i32>} : memref<400x64xf32, #tpu.memory_space<vmem>>, vector<1x16xf32>,
      %get3A_1145 = vector.shape_cast %get3A_1144 : vector<1x16xf32> to vector<16xf32>
      %max3A_1146 = arith.maximumf %max3A_1124, %get3A_1145 : vector<16xf32>
      %get3A_1147 = arith.index_cast %scan3A_1136 : i32 to index
      %get3A_1148 = arith.constant 32 : index
      %get3A_1149 = tpu.vector_load %arg7[%get3A_1147, %get3A_1148] {strides = array<i32>} : memref<400x64xf32, #tpu.memory_space<vmem>>, vector<1x16xf32>,
      %get3A_1150 = vector.shape_cast %get3A_1149 : vector<1x16xf32> to vector<16xf32>
      %max3A_1151 = arith.maximumf %max3A_1129, %get3A_1150 : vector<16xf32>
      %get3A_1152 = arith.index_cast %scan3A_1136 : i32 to index
      %get3A_1153 = arith.constant 48 : index
      %get3A_1154 = tpu.vector_load %arg7[%get3A_1152, %get3A_1153] {strides = array<i32>} : memref<400x64xf32, #tpu.memory_space<vmem>>, vector<1x16xf32>,
      %get3A_1155 = vector.shape_cast %get3A_1154 : vector<1x16xf32> to vector<16xf32>
      %max3A_1156 = arith.maximumf %max3A_1134, %get3A_1155 : vector<16xf32>
      %scan3A_1157 = arith.constant 194 : i32
      %scan3A_1158 = arith.addi %scan3A_1108, %scan3A_1157 : i32
      %get3A_1159 = arith.index_cast %scan3A_1158 : i32 to index
      %get3A_1160 = arith.constant 0 : index
      %get3A_1161 = tpu.vector_load %arg7[%get3A_1159, %get3A_1160] {strides = array<i32>} : memref<400x64xf32, #tpu.memory_space<vmem>>, vector<1x16xf32>,
      %get3A_1162 = vector.shape_cast %get3A_1161 : vector<1x16xf32> to vector<16xf32>
      %max3A_1163 = arith.maximumf %max3A_1141, %get3A_1162 : vector<16xf32>
      %get3A_1164 = arith.index_cast %scan3A_1158 : i32 to index
      %get3A_1165 = arith.constant 16 : index
      %get3A_1166 = tpu.vector_load %arg7[%get3A_1164, %get3A_1165] {strides = array<i32>} : memref<400x64xf32, #tpu.memory_space<vmem>>, vector<1x16xf32>,
      %get3A_1167 = vector.shape_cast %get3A_1166 : vector<1x16xf32> to vector<16xf32>
      %max3A_1168 = arith.maximumf %max3A_1146, %get3A_1167 : vector<16xf32>
      %get3A_1169 = arith.index_cast %scan3A_1158 : i32 to index
      %get3A_1170 = arith.constant 32 : index
      %get3A_1171 = tpu.vector_load %arg7[%get3A_1169, %get3A_1170] {strides = array<i32>} : memref<400x64xf32, #tpu.memory_space<vmem>>, vector<1x16xf32>,
      %get3A_1172 = vector.shape_cast %get3A_1171 : vector<1x16xf32> to vector<16xf32>
      %max3A_1173 = arith.maximumf %max3A_1151, %get3A_1172 : vector<16xf32>
      %get3A_1174 = arith.index_cast %scan3A_1158 : i32 to index
      %get3A_1175 = arith.constant 48 : index
      %get3A_1176 = tpu.vector_load %arg7[%get3A_1174, %get3A_1175] {strides = array<i32>} : memref<400x64xf32, #tpu.memory_space<vmem>>, vector<1x16xf32>,
      %get3A_1177 = vector.shape_cast %get3A_1176 : vector<1x16xf32> to vector<16xf32>
      %max3A_1178 = arith.maximumf %max3A_1156, %get3A_1177 : vector<16xf32>
      %scan3A_1179 = arith.constant 195 : i32
      %scan3A_1180 = arith.addi %scan3A_1108, %scan3A_1179 : i32
      %get3A_1181 = arith.index_cast %scan3A_1180 : i32 to index
      %get3A_1182 = arith.constant 0 : index
      %get3A_1183 = tpu.vector_load %arg7[%get3A_1181, %get3A_1182] {strides = array<i32>} : memref<400x64xf32, #tpu.memory_space<vmem>>, vector<1x16xf32>,
      %get3A_1184 = vector.shape_cast %get3A_1183 : vector<1x16xf32> to vector<16xf32>
      %max3A_1185 = arith.maximumf %max3A_1163, %get3A_1184 : vector<16xf32>
      %get3A_1186 = arith.index_cast %scan3A_1180 : i32 to index
      %get3A_1187 = arith.constant 16 : index
      %get3A_1188 = tpu.vector_load %arg7[%get3A_1186, %get3A_1187] {strides = array<i32>} : memref<400x64xf32, #tpu.memory_space<vmem>>, vector<1x16xf32>,
      %get3A_1189 = vector.shape_cast %get3A_1188 : vector<1x16xf32> to vector<16xf32>
      %max3A_1190 = arith.maximumf %max3A_1168, %get3A_1189 : vector<16xf32>
      %get3A_1191 = arith.index_cast %scan3A_1180 : i32 to index
      %get3A_1192 = arith.constant 32 : index
      %get3A_1193 = tpu.vector_load %arg7[%get3A_1191, %get3A_1192] {strides = array<i32>} : memref<400x64xf32, #tpu.memory_space<vmem>>, vector<1x16xf32>,
      %get3A_1194 = vector.shape_cast %get3A_1193 : vector<1x16xf32> to vector<16xf32>
      %max3A_1195 = arith.maximumf %max3A_1173, %get3A_1194 : vector<16xf32>
      %get3A_1196 = arith.index_cast %scan3A_1180 : i32 to index
      %get3A_1197 = arith.constant 48 : index
      %get3A_1198 = tpu.vector_load %arg7[%get3A_1196, %get3A_1197] {strides = array<i32>} : memref<400x64xf32, #tpu.memory_space<vmem>>, vector<1x16xf32>,
      %get3A_1199 = vector.shape_cast %get3A_1198 : vector<1x16xf32> to vector<16xf32>
      %max3A_1200 = arith.maximumf %max3A_1178, %get3A_1199 : vector<16xf32>
      %scan3A_1201 = arith.constant 196 : i32
      %scan3A_1202 = arith.addi %scan3A_1108, %scan3A_1201 : i32
      %get3A_1203 = arith.index_cast %scan3A_1202 : i32 to index
      %get3A_1204 = arith.constant 0 : index
      %get3A_1205 = tpu.vector_load %arg7[%get3A_1203, %get3A_1204] {strides = array<i32>} : memref<400x64xf32, #tpu.memory_space<vmem>>, vector<1x16xf32>,
      %get3A_1206 = vector.shape_cast %get3A_1205 : vector<1x16xf32> to vector<16xf32>
      %max3A_1207 = arith.maximumf %max3A_1185, %get3A_1206 : vector<16xf32>
      %get3A_1208 = arith.index_cast %scan3A_1202 : i32 to index
      %get3A_1209 = arith.constant 16 : index
      %get3A_1210 = tpu.vector_load %arg7[%get3A_1208, %get3A_1209] {strides = array<i32>} : memref<400x64xf32, #tpu.memory_space<vmem>>, vector<1x16xf32>,
      %get3A_1211 = vector.shape_cast %get3A_1210 : vector<1x16xf32> to vector<16xf32>
      %max3A_1212 = arith.maximumf %max3A_1190, %get3A_1211 : vector<16xf32>
      %get3A_1213 = arith.index_cast %scan3A_1202 : i32 to index
      %get3A_1214 = arith.constant 32 : index
      %get3A_1215 = tpu.vector_load %arg7[%get3A_1213, %get3A_1214] {strides = array<i32>} : memref<400x64xf32, #tpu.memory_space<vmem>>, vector<1x16xf32>,
      %get3A_1216 = vector.shape_cast %get3A_1215 : vector<1x16xf32> to vector<16xf32>
      %max3A_1217 = arith.maximumf %max3A_1195, %get3A_1216 : vector<16xf32>
      %get3A_1218 = arith.index_cast %scan3A_1202 : i32 to index
      %get3A_1219 = arith.constant 48 : index
      %get3A_1220 = tpu.vector_load %arg7[%get3A_1218, %get3A_1219] {strides = array<i32>} : memref<400x64xf32, #tpu.memory_space<vmem>>, vector<1x16xf32>,
      %get3A_1221 = vector.shape_cast %get3A_1220 : vector<1x16xf32> to vector<16xf32>
      %max3A_1222 = arith.maximumf %max3A_1200, %get3A_1221 : vector<16xf32>
      %scan3A_1223 = arith.constant 197 : i32
      %scan3A_1224 = arith.addi %scan3A_1108, %scan3A_1223 : i32
      %get3A_1225 = arith.index_cast %scan3A_1224 : i32 to index
      %get3A_1226 = arith.constant 0 : index
      %get3A_1227 = tpu.vector_load %arg7[%get3A_1225, %get3A_1226] {strides = array<i32>} : memref<400x64xf32, #tpu.memory_space<vmem>>, vector<1x16xf32>,
      %get3A_1228 = vector.shape_cast %get3A_1227 : vector<1x16xf32> to vector<16xf32>
      %max3A_1229 = arith.maximumf %max3A_1207, %get3A_1228 : vector<16xf32>
      %get3A_1230 = arith.index_cast %scan3A_1224 : i32 to index
      %get3A_1231 = arith.constant 16 : index
      %get3A_1232 = tpu.vector_load %arg7[%get3A_1230, %get3A_1231] {strides = array<i32>} : memref<400x64xf32, #tpu.memory_space<vmem>>, vector<1x16xf32>,
      %get3A_1233 = vector.shape_cast %get3A_1232 : vector<1x16xf32> to vector<16xf32>
      %max3A_1234 = arith.maximumf %max3A_1212, %get3A_1233 : vector<16xf32>
      %get3A_1235 = arith.index_cast %scan3A_1224 : i32 to index
      %get3A_1236 = arith.constant 32 : index
      %get3A_1237 = tpu.vector_load %arg7[%get3A_1235, %get3A_1236] {strides = array<i32>} : memref<400x64xf32, #tpu.memory_space<vmem>>, vector<1x16xf32>,
      %get3A_1238 = vector.shape_cast %get3A_1237 : vector<1x16xf32> to vector<16xf32>
      %max3A_1239 = arith.maximumf %max3A_1217, %get3A_1238 : vector<16xf32>
      %get3A_1240 = arith.index_cast %scan3A_1224 : i32 to index
      %get3A_1241 = arith.constant 48 : index
      %get3A_1242 = tpu.vector_load %arg7[%get3A_1240, %get3A_1241] {strides = array<i32>} : memref<400x64xf32, #tpu.memory_space<vmem>>, vector<1x16xf32>,
      %get3A_1243 = vector.shape_cast %get3A_1242 : vector<1x16xf32> to vector<16xf32>
      %max3A_1244 = arith.maximumf %max3A_1222, %get3A_1243 : vector<16xf32>
      %scan3A_1245 = arith.constant 198 : i32
      %scan3A_1246 = arith.addi %scan3A_1108, %scan3A_1245 : i32
      %get3A_1247 = arith.index_cast %scan3A_1246 : i32 to index
      %get3A_1248 = arith.constant 0 : index
      %get3A_1249 = tpu.vector_load %arg7[%get3A_1247, %get3A_1248] {strides = array<i32>} : memref<400x64xf32, #tpu.memory_space<vmem>>, vector<1x16xf32>,
      %get3A_1250 = vector.shape_cast %get3A_1249 : vector<1x16xf32> to vector<16xf32>
      %max3A_1251 = arith.maximumf %max3A_1229, %get3A_1250 : vector<16xf32>
      %get3A_1252 = arith.index_cast %scan3A_1246 : i32 to index
      %get3A_1253 = arith.constant 16 : index
      %get3A_1254 = tpu.vector_load %arg7[%get3A_1252, %get3A_1253] {strides = array<i32>} : memref<400x64xf32, #tpu.memory_space<vmem>>, vector<1x16xf32>,
      %get3A_1255 = vector.shape_cast %get3A_1254 : vector<1x16xf32> to vector<16xf32>
      %max3A_1256 = arith.maximumf %max3A_1234, %get3A_1255 : vector<16xf32>
      %get3A_1257 = arith.index_cast %scan3A_1246 : i32 to index
      %get3A_1258 = arith.constant 32 : index
      %get3A_1259 = tpu.vector_load %arg7[%get3A_1257, %get3A_1258] {strides = array<i32>} : memref<400x64xf32, #tpu.memory_space<vmem>>, vector<1x16xf32>,
      %get3A_1260 = vector.shape_cast %get3A_1259 : vector<1x16xf32> to vector<16xf32>
      %max3A_1261 = arith.maximumf %max3A_1239, %get3A_1260 : vector<16xf32>
      %get3A_1262 = arith.index_cast %scan3A_1246 : i32 to index
      %get3A_1263 = arith.constant 48 : index
      %get3A_1264 = tpu.vector_load %arg7[%get3A_1262, %get3A_1263] {strides = array<i32>} : memref<400x64xf32, #tpu.memory_space<vmem>>, vector<1x16xf32>,
      %get3A_1265 = vector.shape_cast %get3A_1264 : vector<1x16xf32> to vector<16xf32>
      %max3A_1266 = arith.maximumf %max3A_1244, %get3A_1265 : vector<16xf32>
      %scan3A_1267 = arith.constant 199 : i32
      %swap3A_1268 = arith.index_cast %add3A_1087 : i32 to index
      %swap3A_1269 = arith.constant 0 : index
      %swap3A_1270 = tpu.vector_load %arg9[%swap3A_1268, %swap3A_1269] {strides = array<i32>} : memref<128x64xf32, #tpu.memory_space<vmem>>, vector<1x16xf32>,
      %swap3A_1271 = vector.shape_cast %swap3A_1270 : vector<1x16xf32> to vector<16xf32>
      %swap3A_1272 = vector.shape_cast %max3A_1251 : vector<16xf32> to vector<1x16xf32>
      tpu.vector_store %arg9[%swap3A_1268, %swap3A_1269], %swap3A_1272 {strides = array<i32>} : memref<128x64xf32, #tpu.memory_space<vmem>>, vector<1x16xf32>,
      %swap3A_1273 = arith.index_cast %add3A_1087 : i32 to index
      %swap3A_1274 = arith.constant 16 : index
      %swap3A_1275 = tpu.vector_load %arg9[%swap3A_1273, %swap3A_1274] {strides = array<i32>} : memref<128x64xf32, #tpu.memory_space<vmem>>, vector<1x16xf32>,
      %swap3A_1276 = vector.shape_cast %swap3A_1275 : vector<1x16xf32> to vector<16xf32>
      %swap3A_1277 = vector.shape_cast %max3A_1256 : vector<16xf32> to vector<1x16xf32>
      tpu.vector_store %arg9[%swap3A_1273, %swap3A_1274], %swap3A_1277 {strides = array<i32>} : memref<128x64xf32, #tpu.memory_space<vmem>>, vector<1x16xf32>,
      %swap3A_1278 = arith.index_cast %add3A_1087 : i32 to index
      %swap3A_1279 = arith.constant 32 : index
      %swap3A_1280 = tpu.vector_load %arg9[%swap3A_1278, %swap3A_1279] {strides = array<i32>} : memref<128x64xf32, #tpu.memory_space<vmem>>, vector<1x16xf32>,
      %swap3A_1281 = vector.shape_cast %swap3A_1280 : vector<1x16xf32> to vector<16xf32>
      %swap3A_1282 = vector.shape_cast %max3A_1261 : vector<16xf32> to vector<1x16xf32>
      tpu.vector_store %arg9[%swap3A_1278, %swap3A_1279], %swap3A_1282 {strides = array<i32>} : memref<128x64xf32, #tpu.memory_space<vmem>>, vector<1x16xf32>,
      %swap3A_1283 = arith.index_cast %add3A_1087 : i32 to index
      %swap3A_1284 = arith.constant 48 : index
      %swap3A_1285 = tpu.vector_load %arg9[%swap3A_1283, %swap3A_1284] {strides = array<i32>} : memref<128x64xf32, #tpu.memory_space<vmem>>, vector<1x16xf32>,
      %swap3A_1286 = vector.shape_cast %swap3A_1285 : vector<1x16xf32> to vector<16xf32>
      %swap3A_1287 = vector.shape_cast %max3A_1266 : vector<16xf32> to vector<1x16xf32>
      tpu.vector_store %arg9[%swap3A_1283, %swap3A_1284], %swap3A_1287 {strides = array<i32>} : memref<128x64xf32, #tpu.memory_space<vmem>>, vector<1x16xf32>,
      %add3A_1288 = arith.constant 2 : i32
      %add3A_1289 = arith.addi %mul3A_437, %add3A_1288 : i32
      %add3A_1290 = arith.constant 3 : i32
      %add3A_1291 = arith.addi %add3A_1289, %add3A_1290 : i32
      %sub3A_1292 = arith.constant 1 : i32
      %sub3A_1293 = arith.subi %add3A_1291, %sub3A_1292 : i32
      %lt3A_1294 = arith.constant 64 : i32
      %lt3A_1295 = arith.cmpi slt, %sub3A_1293, %lt3A_1294 : i32
      %convert_element_type3A_1296 = arith.extui %lt3A_1295 : i1 to i32
      %cond3A_1297 = arith.constant 0 : i32
      %cond3A_1298 = arith.cmpi ne, %convert_element_type3A_1296, %cond3A_1297 : i32
      scf.if %cond3A_1298 {
        %add3A_1716 = arith.constant 2 : i32
        %add3A_1717 = arith.addi %mul3A_437, %add3A_1716 : i32
        %add3A_1718 = arith.constant 3 : i32
        %add3A_1719 = arith.addi %add3A_1717, %add3A_1718 : i32
        %sub3A_1720 = arith.constant 1 : i32
        %sub3A_1721 = arith.subi %add3A_1719, %sub3A_1720 : i32
        %dma_start3A_1722 = arith.constant 0 : i32
        %dma_start3A_1723 = tpu.memref_slice %arg5[%sub3A_1721, %dma_start3A_1722] : memref<64x400xi32, #tpu.memory_space<vmem>> -> memref<1x400xi32, #tpu.memory_space<vmem>>
        %dma_start3A_1724 = tpu.memref_squeeze %dma_start3A_1723 : memref<1x400xi32, #tpu.memory_space<vmem>> -> memref<400xi32, #tpu.memory_space<vmem>>
        %dma_start3A_1725 = arith.constant 0 : i32
        %dma_start3A_1726 = arith.constant 0 : i32
        %dma_start3A_1727 = tpu.memref_slice %arg3[%dma_start3A_1725, %dma_start3A_1726] : memref<1000000x64xf32, #tpu.memory_space<hbm>> -> memref<1000000x64xf32, #tpu.memory_space<hbm>>
        tpu.enqueue_indirect_dma source(%dma_start3A_1727 : memref<1000000x64xf32, #tpu.memory_space<hbm>>) target(%arg7 : memref<400x64xf32, #tpu.memory_space<vmem>>) offsets(%dma_start3A_1724 : memref<400xi32, #tpu.memory_space<vmem>>) semaphore(%arg11 : memref<!tpu.dma_semaphore, #tpu.memory_space<semaphore_mem>>)
      } else {
      }
      %add3A_1299 = arith.constant 2 : i32
      %add3A_1300 = arith.addi %mul3A_437, %add3A_1299 : i32
      %dma_wait3A_1301 = arith.constant 0 : i32
      %dma_wait3A_1302 = arith.constant 0 : i32
      %dma_wait3A_1303 = tpu.memref_slice %arg3[%dma_wait3A_1301, %dma_wait3A_1302] : memref<1000000x64xf32, #tpu.memory_space<hbm>> -> memref<400x64xf32, #tpu.memory_space<hbm>>
      %dma_wait3A_1304 = arith.constant 0 : i32
      %dma_wait3A_1305 = arith.constant 0 : i32
      %dma_wait3A_1306 = tpu.memref_slice %arg3[%dma_wait3A_1304, %dma_wait3A_1305] : memref<1000000x64xf32, #tpu.memory_space<hbm>> -> memref<400x64xf32, #tpu.memory_space<hbm>>
      tpu.wait_dma2 semaphore(%arg12 : memref<!tpu.dma_semaphore, #tpu.memory_space<semaphore_mem>>) src(%dma_wait3A_1306 : memref<400x64xf32, #tpu.memory_space<hbm>>) dst(%arg8 : memref<400x64xf32, #tpu.memory_space<vmem>>)
      %mul3A_1307 = arith.constant 2 : i32
      %mul3A_1308 = arith.muli %add3A_1300, %mul3A_1307 : i32
      %add3A_1309 = arith.constant 0 : i32
      %add3A_1310 = arith.addi %mul3A_1308, %add3A_1309 : i32
      %get3A_1311 = arith.constant 0 : i32
      %get3A_1312 = arith.index_cast %get3A_1311 : i32 to index
      %get3A_1313 = arith.constant 0 : index
      %get3A_1314 = tpu.vector_load %arg8[%get3A_1312, %get3A_1313] {strides = array<i32>} : memref<400x64xf32, #tpu.memory_space<vmem>>, vector<1x16xf32>,
      %get3A_1315 = vector.shape_cast %get3A_1314 : vector<1x16xf32> to vector<16xf32>
      %get3A_1316 = arith.constant 0 : i32
      %get3A_1317 = arith.index_cast %get3A_1316 : i32 to index
      %get3A_1318 = arith.constant 16 : index
      %get3A_1319 = tpu.vector_load %arg8[%get3A_1317, %get3A_1318] {strides = array<i32>} : memref<400x64xf32, #tpu.memory_space<vmem>>, vector<1x16xf32>,
      %get3A_1320 = vector.shape_cast %get3A_1319 : vector<1x16xf32> to vector<16xf32>
      %get3A_1321 = arith.constant 0 : i32
      %get3A_1322 = arith.index_cast %get3A_1321 : i32 to index
      %get3A_1323 = arith.constant 32 : index
      %get3A_1324 = tpu.vector_load %arg8[%get3A_1322, %get3A_1323] {strides = array<i32>} : memref<400x64xf32, #tpu.memory_space<vmem>>, vector<1x16xf32>,
      %get3A_1325 = vector.shape_cast %get3A_1324 : vector<1x16xf32> to vector<16xf32>
      %get3A_1326 = arith.constant 0 : i32
      %get3A_1327 = arith.index_cast %get3A_1326 : i32 to index
      %get3A_1328 = arith.constant 48 : index
      %get3A_1329 = tpu.vector_load %arg8[%get3A_1327, %get3A_1328] {strides = array<i32>} : memref<400x64xf32, #tpu.memory_space<vmem>>, vector<1x16xf32>,
      %get3A_1330 = vector.shape_cast %get3A_1329 : vector<1x16xf32> to vector<16xf32>
      %scan3A_1331 = arith.constant 1 : i32
      %scan3A_1332 = arith.constant 192 : i32
      %scan3A_1333 = arith.addi %scan3A_1331, %scan3A_1332 : i32
      %scan3A_1334 = arith.constant 8 : i32
      %scan3A_1335:4 = scf.for %scan3A_1716 = %scan3A_1331 to %scan3A_1333 step %scan3A_1334 iter_args(%scan3A_1717 = %get3A_1315, %scan3A_1718 = %get3A_1320, %scan3A_1719 = %get3A_1325, %scan3A_1720 = %get3A_1330) -> (vector<16xf32>, vector<16xf32>, vector<16xf32>, vector<16xf32>)  : i32 {
        %get3A_1721 = arith.index_cast %scan3A_1716 : i32 to index
        %get3A_1722 = arith.constant 0 : index
        %get3A_1723 = tpu.vector_load %arg8[%get3A_1721, %get3A_1722] {strides = array<i32>} : memref<400x64xf32, #tpu.memory_space<vmem>>, vector<1x16xf32>,
        %get3A_1724 = vector.shape_cast %get3A_1723 : vector<1x16xf32> to vector<16xf32>
        %max3A_1725 = arith.maximumf %scan3A_1717, %get3A_1724 : vector<16xf32>
        %get3A_1726 = arith.index_cast %scan3A_1716 : i32 to index
        %get3A_1727 = arith.constant 16 : index
        %get3A_1728 = tpu.vector_load %arg8[%get3A_1726, %get3A_1727] {strides = array<i32>} : memref<400x64xf32, #tpu.memory_space<vmem>>, vector<1x16xf32>,
        %get3A_1729 = vector.shape_cast %get3A_1728 : vector<1x16xf32> to vector<16xf32>
        %max3A_1730 = arith.maximumf %scan3A_1718, %get3A_1729 : vector<16xf32>
        %get3A_1731 = arith.index_cast %scan3A_1716 : i32 to index
        %get3A_1732 = arith.constant 32 : index
        %get3A_1733 = tpu.vector_load %arg8[%get3A_1731, %get3A_1732] {strides = array<i32>} : memref<400x64xf32, #tpu.memory_space<vmem>>, vector<1x16xf32>,
        %get3A_1734 = vector.shape_cast %get3A_1733 : vector<1x16xf32> to vector<16xf32>
        %max3A_1735 = arith.maximumf %scan3A_1719, %get3A_1734 : vector<16xf32>
        %get3A_1736 = arith.index_cast %scan3A_1716 : i32 to index
        %get3A_1737 = arith.constant 48 : index
        %get3A_1738 = tpu.vector_load %arg8[%get3A_1736, %get3A_1737] {strides = array<i32>} : memref<400x64xf32, #tpu.memory_space<vmem>>, vector<1x16xf32>,
        %get3A_1739 = vector.shape_cast %get3A_1738 : vector<1x16xf32> to vector<16xf32>
        %max3A_1740 = arith.maximumf %scan3A_1720, %get3A_1739 : vector<16xf32>
        %scan3A_1741 = arith.constant 1 : i32
        %scan3A_1742 = arith.addi %scan3A_1716, %scan3A_1741 : i32
        %get3A_1743 = arith.index_cast %scan3A_1742 : i32 to index
        %get3A_1744 = arith.constant 0 : index
        %get3A_1745 = tpu.vector_load %arg8[%get3A_1743, %get3A_1744] {strides = array<i32>} : memref<400x64xf32, #tpu.memory_space<vmem>>, vector<1x16xf32>,
        %get3A_1746 = vector.shape_cast %get3A_1745 : vector<1x16xf32> to vector<16xf32>
        %max3A_1747 = arith.maximumf %max3A_1725, %get3A_1746 : vector<16xf32>
        %get3A_1748 = arith.index_cast %scan3A_1742 : i32 to index
        %get3A_1749 = arith.constant 16 : index
        %get3A_1750 = tpu.vector_load %arg8[%get3A_1748, %get3A_1749] {strides = array<i32>} : memref<400x64xf32, #tpu.memory_space<vmem>>, vector<1x16xf32>,
        %get3A_1751 = vector.shape_cast %get3A_1750 : vector<1x16xf32> to vector<16xf32>
        %max3A_1752 = arith.maximumf %max3A_1730, %get3A_1751 : vector<16xf32>
        %get3A_1753 = arith.index_cast %scan3A_1742 : i32 to index
        %get3A_1754 = arith.constant 32 : index
        %get3A_1755 = tpu.vector_load %arg8[%get3A_1753, %get3A_1754] {strides = array<i32>} : memref<400x64xf32, #tpu.memory_space<vmem>>, vector<1x16xf32>,
        %get3A_1756 = vector.shape_cast %get3A_1755 : vector<1x16xf32> to vector<16xf32>
        %max3A_1757 = arith.maximumf %max3A_1735, %get3A_1756 : vector<16xf32>
        %get3A_1758 = arith.index_cast %scan3A_1742 : i32 to index
        %get3A_1759 = arith.constant 48 : index
        %get3A_1760 = tpu.vector_load %arg8[%get3A_1758, %get3A_1759] {strides = array<i32>} : memref<400x64xf32, #tpu.memory_space<vmem>>, vector<1x16xf32>,
        %get3A_1761 = vector.shape_cast %get3A_1760 : vector<1x16xf32> to vector<16xf32>
        %max3A_1762 = arith.maximumf %max3A_1740, %get3A_1761 : vector<16xf32>
        %scan3A_1763 = arith.constant 2 : i32
        %scan3A_1764 = arith.addi %scan3A_1716, %scan3A_1763 : i32
        %get3A_1765 = arith.index_cast %scan3A_1764 : i32 to index
        %get3A_1766 = arith.constant 0 : index
        %get3A_1767 = tpu.vector_load %arg8[%get3A_1765, %get3A_1766] {strides = array<i32>} : memref<400x64xf32, #tpu.memory_space<vmem>>, vector<1x16xf32>,
        %get3A_1768 = vector.shape_cast %get3A_1767 : vector<1x16xf32> to vector<16xf32>
        %max3A_1769 = arith.maximumf %max3A_1747, %get3A_1768 : vector<16xf32>
        %get3A_1770 = arith.index_cast %scan3A_1764 : i32 to index
        %get3A_1771 = arith.constant 16 : index
        %get3A_1772 = tpu.vector_load %arg8[%get3A_1770, %get3A_1771] {strides = array<i32>} : memref<400x64xf32, #tpu.memory_space<vmem>>, vector<1x16xf32>,
        %get3A_1773 = vector.shape_cast %get3A_1772 : vector<1x16xf32> to vector<16xf32>
        %max3A_1774 = arith.maximumf %max3A_1752, %get3A_1773 : vector<16xf32>
        %get3A_1775 = arith.index_cast %scan3A_1764 : i32 to index
        %get3A_1776 = arith.constant 32 : index
        %get3A_1777 = tpu.vector_load %arg8[%get3A_1775, %get3A_1776] {strides = array<i32>} : memref<400x64xf32, #tpu.memory_space<vmem>>, vector<1x16xf32>,
        %get3A_1778 = vector.shape_cast %get3A_1777 : vector<1x16xf32> to vector<16xf32>
        %max3A_1779 = arith.maximumf %max3A_1757, %get3A_1778 : vector<16xf32>
        %get3A_1780 = arith.index_cast %scan3A_1764 : i32 to index
        %get3A_1781 = arith.constant 48 : index
        %get3A_1782 = tpu.vector_load %arg8[%get3A_1780, %get3A_1781] {strides = array<i32>} : memref<400x64xf32, #tpu.memory_space<vmem>>, vector<1x16xf32>,
        %get3A_1783 = vector.shape_cast %get3A_1782 : vector<1x16xf32> to vector<16xf32>
        %max3A_1784 = arith.maximumf %max3A_1762, %get3A_1783 : vector<16xf32>
        %scan3A_1785 = arith.constant 3 : i32
        %scan3A_1786 = arith.addi %scan3A_1716, %scan3A_1785 : i32
        %get3A_1787 = arith.index_cast %scan3A_1786 : i32 to index
        %get3A_1788 = arith.constant 0 : index
        %get3A_1789 = tpu.vector_load %arg8[%get3A_1787, %get3A_1788] {strides = array<i32>} : memref<400x64xf32, #tpu.memory_space<vmem>>, vector<1x16xf32>,
        %get3A_1790 = vector.shape_cast %get3A_1789 : vector<1x16xf32> to vector<16xf32>
        %max3A_1791 = arith.maximumf %max3A_1769, %get3A_1790 : vector<16xf32>
        %get3A_1792 = arith.index_cast %scan3A_1786 : i32 to index
        %get3A_1793 = arith.constant 16 : index
        %get3A_1794 = tpu.vector_load %arg8[%get3A_1792, %get3A_1793] {strides = array<i32>} : memref<400x64xf32, #tpu.memory_space<vmem>>, vector<1x16xf32>,
        %get3A_1795 = vector.shape_cast %get3A_1794 : vector<1x16xf32> to vector<16xf32>
        %max3A_1796 = arith.maximumf %max3A_1774, %get3A_1795 : vector<16xf32>
        %get3A_1797 = arith.index_cast %scan3A_1786 : i32 to index
        %get3A_1798 = arith.constant 32 : index
        %get3A_1799 = tpu.vector_load %arg8[%get3A_1797, %get3A_1798] {strides = array<i32>} : memref<400x64xf32, #tpu.memory_space<vmem>>, vector<1x16xf32>,
        %get3A_1800 = vector.shape_cast %get3A_1799 : vector<1x16xf32> to vector<16xf32>
        %max3A_1801 = arith.maximumf %max3A_1779, %get3A_1800 : vector<16xf32>
        %get3A_1802 = arith.index_cast %scan3A_1786 : i32 to index
        %get3A_1803 = arith.constant 48 : index
        %get3A_1804 = tpu.vector_load %arg8[%get3A_1802, %get3A_1803] {strides = array<i32>} : memref<400x64xf32, #tpu.memory_space<vmem>>, vector<1x16xf32>,
        %get3A_1805 = vector.shape_cast %get3A_1804 : vector<1x16xf32> to vector<16xf32>
        %max3A_1806 = arith.maximumf %max3A_1784, %get3A_1805 : vector<16xf32>
        %scan3A_1807 = arith.constant 4 : i32
        %scan3A_1808 = arith.addi %scan3A_1716, %scan3A_1807 : i32
        %get3A_1809 = arith.index_cast %scan3A_1808 : i32 to index
        %get3A_1810 = arith.constant 0 : index
        %get3A_1811 = tpu.vector_load %arg8[%get3A_1809, %get3A_1810] {strides = array<i32>} : memref<400x64xf32, #tpu.memory_space<vmem>>, vector<1x16xf32>,
        %get3A_1812 = vector.shape_cast %get3A_1811 : vector<1x16xf32> to vector<16xf32>
        %max3A_1813 = arith.maximumf %max3A_1791, %get3A_1812 : vector<16xf32>
        %get3A_1814 = arith.index_cast %scan3A_1808 : i32 to index
        %get3A_1815 = arith.constant 16 : index
        %get3A_1816 = tpu.vector_load %arg8[%get3A_1814, %get3A_1815] {strides = array<i32>} : memref<400x64xf32, #tpu.memory_space<vmem>>, vector<1x16xf32>,
        %get3A_1817 = vector.shape_cast %get3A_1816 : vector<1x16xf32> to vector<16xf32>
        %max3A_1818 = arith.maximumf %max3A_1796, %get3A_1817 : vector<16xf32>
        %get3A_1819 = arith.index_cast %scan3A_1808 : i32 to index
        %get3A_1820 = arith.constant 32 : index
        %get3A_1821 = tpu.vector_load %arg8[%get3A_1819, %get3A_1820] {strides = array<i32>} : memref<400x64xf32, #tpu.memory_space<vmem>>, vector<1x16xf32>,
        %get3A_1822 = vector.shape_cast %get3A_1821 : vector<1x16xf32> to vector<16xf32>
        %max3A_1823 = arith.maximumf %max3A_1801, %get3A_1822 : vector<16xf32>
        %get3A_1824 = arith.index_cast %scan3A_1808 : i32 to index
        %get3A_1825 = arith.constant 48 : index
        %get3A_1826 = tpu.vector_load %arg8[%get3A_1824, %get3A_1825] {strides = array<i32>} : memref<400x64xf32, #tpu.memory_space<vmem>>, vector<1x16xf32>,
        %get3A_1827 = vector.shape_cast %get3A_1826 : vector<1x16xf32> to vector<16xf32>
        %max3A_1828 = arith.maximumf %max3A_1806, %get3A_1827 : vector<16xf32>
        %scan3A_1829 = arith.constant 5 : i32
        %scan3A_1830 = arith.addi %scan3A_1716, %scan3A_1829 : i32
        %get3A_1831 = arith.index_cast %scan3A_1830 : i32 to index
        %get3A_1832 = arith.constant 0 : index
        %get3A_1833 = tpu.vector_load %arg8[%get3A_1831, %get3A_1832] {strides = array<i32>} : memref<400x64xf32, #tpu.memory_space<vmem>>, vector<1x16xf32>,
        %get3A_1834 = vector.shape_cast %get3A_1833 : vector<1x16xf32> to vector<16xf32>
        %max3A_1835 = arith.maximumf %max3A_1813, %get3A_1834 : vector<16xf32>
        %get3A_1836 = arith.index_cast %scan3A_1830 : i32 to index
        %get3A_1837 = arith.constant 16 : index
        %get3A_1838 = tpu.vector_load %arg8[%get3A_1836, %get3A_1837] {strides = array<i32>} : memref<400x64xf32, #tpu.memory_space<vmem>>, vector<1x16xf32>,
        %get3A_1839 = vector.shape_cast %get3A_1838 : vector<1x16xf32> to vector<16xf32>
        %max3A_1840 = arith.maximumf %max3A_1818, %get3A_1839 : vector<16xf32>
        %get3A_1841 = arith.index_cast %scan3A_1830 : i32 to index
        %get3A_1842 = arith.constant 32 : index
        %get3A_1843 = tpu.vector_load %arg8[%get3A_1841, %get3A_1842] {strides = array<i32>} : memref<400x64xf32, #tpu.memory_space<vmem>>, vector<1x16xf32>,
        %get3A_1844 = vector.shape_cast %get3A_1843 : vector<1x16xf32> to vector<16xf32>
        %max3A_1845 = arith.maximumf %max3A_1823, %get3A_1844 : vector<16xf32>
        %get3A_1846 = arith.index_cast %scan3A_1830 : i32 to index
        %get3A_1847 = arith.constant 48 : index
        %get3A_1848 = tpu.vector_load %arg8[%get3A_1846, %get3A_1847] {strides = array<i32>} : memref<400x64xf32, #tpu.memory_space<vmem>>, vector<1x16xf32>,
        %get3A_1849 = vector.shape_cast %get3A_1848 : vector<1x16xf32> to vector<16xf32>
        %max3A_1850 = arith.maximumf %max3A_1828, %get3A_1849 : vector<16xf32>
        %scan3A_1851 = arith.constant 6 : i32
        %scan3A_1852 = arith.addi %scan3A_1716, %scan3A_1851 : i32
        %get3A_1853 = arith.index_cast %scan3A_1852 : i32 to index
        %get3A_1854 = arith.constant 0 : index
        %get3A_1855 = tpu.vector_load %arg8[%get3A_1853, %get3A_1854] {strides = array<i32>} : memref<400x64xf32, #tpu.memory_space<vmem>>, vector<1x16xf32>,
        %get3A_1856 = vector.shape_cast %get3A_1855 : vector<1x16xf32> to vector<16xf32>
        %max3A_1857 = arith.maximumf %max3A_1835, %get3A_1856 : vector<16xf32>
        %get3A_1858 = arith.index_cast %scan3A_1852 : i32 to index
        %get3A_1859 = arith.constant 16 : index
        %get3A_1860 = tpu.vector_load %arg8[%get3A_1858, %get3A_1859] {strides = array<i32>} : memref<400x64xf32, #tpu.memory_space<vmem>>, vector<1x16xf32>,
        %get3A_1861 = vector.shape_cast %get3A_1860 : vector<1x16xf32> to vector<16xf32>
        %max3A_1862 = arith.maximumf %max3A_1840, %get3A_1861 : vector<16xf32>
        %get3A_1863 = arith.index_cast %scan3A_1852 : i32 to index
        %get3A_1864 = arith.constant 32 : index
        %get3A_1865 = tpu.vector_load %arg8[%get3A_1863, %get3A_1864] {strides = array<i32>} : memref<400x64xf32, #tpu.memory_space<vmem>>, vector<1x16xf32>,
        %get3A_1866 = vector.shape_cast %get3A_1865 : vector<1x16xf32> to vector<16xf32>
        %max3A_1867 = arith.maximumf %max3A_1845, %get3A_1866 : vector<16xf32>
        %get3A_1868 = arith.index_cast %scan3A_1852 : i32 to index
        %get3A_1869 = arith.constant 48 : index
        %get3A_1870 = tpu.vector_load %arg8[%get3A_1868, %get3A_1869] {strides = array<i32>} : memref<400x64xf32, #tpu.memory_space<vmem>>, vector<1x16xf32>,
        %get3A_1871 = vector.shape_cast %get3A_1870 : vector<1x16xf32> to vector<16xf32>
        %max3A_1872 = arith.maximumf %max3A_1850, %get3A_1871 : vector<16xf32>
        %scan3A_1873 = arith.constant 7 : i32
        %scan3A_1874 = arith.addi %scan3A_1716, %scan3A_1873 : i32
        %get3A_1875 = arith.index_cast %scan3A_1874 : i32 to index
        %get3A_1876 = arith.constant 0 : index
        %get3A_1877 = tpu.vector_load %arg8[%get3A_1875, %get3A_1876] {strides = array<i32>} : memref<400x64xf32, #tpu.memory_space<vmem>>, vector<1x16xf32>,
        %get3A_1878 = vector.shape_cast %get3A_1877 : vector<1x16xf32> to vector<16xf32>
        %max3A_1879 = arith.maximumf %max3A_1857, %get3A_1878 : vector<16xf32>
        %get3A_1880 = arith.index_cast %scan3A_1874 : i32 to index
        %get3A_1881 = arith.constant 16 : index
        %get3A_1882 = tpu.vector_load %arg8[%get3A_1880, %get3A_1881] {strides = array<i32>} : memref<400x64xf32, #tpu.memory_space<vmem>>, vector<1x16xf32>,
        %get3A_1883 = vector.shape_cast %get3A_1882 : vector<1x16xf32> to vector<16xf32>
        %max3A_1884 = arith.maximumf %max3A_1862, %get3A_1883 : vector<16xf32>
        %get3A_1885 = arith.index_cast %scan3A_1874 : i32 to index
        %get3A_1886 = arith.constant 32 : index
        %get3A_1887 = tpu.vector_load %arg8[%get3A_1885, %get3A_1886] {strides = array<i32>} : memref<400x64xf32, #tpu.memory_space<vmem>>, vector<1x16xf32>,
        %get3A_1888 = vector.shape_cast %get3A_1887 : vector<1x16xf32> to vector<16xf32>
        %max3A_1889 = arith.maximumf %max3A_1867, %get3A_1888 : vector<16xf32>
        %get3A_1890 = arith.index_cast %scan3A_1874 : i32 to index
        %get3A_1891 = arith.constant 48 : index
        %get3A_1892 = tpu.vector_load %arg8[%get3A_1890, %get3A_1891] {strides = array<i32>} : memref<400x64xf32, #tpu.memory_space<vmem>>, vector<1x16xf32>,
        %get3A_1893 = vector.shape_cast %get3A_1892 : vector<1x16xf32> to vector<16xf32>
        %max3A_1894 = arith.maximumf %max3A_1872, %get3A_1893 : vector<16xf32>
        scf.yield %max3A_1879, %max3A_1884, %max3A_1889, %max3A_1894 : vector<16xf32>, vector<16xf32>, vector<16xf32>, vector<16xf32>
      }
      %scan3A_1336 = arith.constant 192 : i32
      %scan3A_1337 = arith.addi %scan3A_1331, %scan3A_1336 : i32
      %get3A_1338 = arith.index_cast %scan3A_1337 : i32 to index
      %get3A_1339 = arith.constant 0 : index
      %get3A_1340 = tpu.vector_load %arg8[%get3A_1338, %get3A_1339] {strides = array<i32>} : memref<400x64xf32, #tpu.memory_space<vmem>>, vector<1x16xf32>,
      %get3A_1341 = vector.shape_cast %get3A_1340 : vector<1x16xf32> to vector<16xf32>
      %max3A_1342 = arith.maximumf %scan3A_1335#0, %get3A_1341 : vector<16xf32>
      %get3A_1343 = arith.index_cast %scan3A_1337 : i32 to index
      %get3A_1344 = arith.constant 16 : index
      %get3A_1345 = tpu.vector_load %arg8[%get3A_1343, %get3A_1344] {strides = array<i32>} : memref<400x64xf32, #tpu.memory_space<vmem>>, vector<1x16xf32>,
      %get3A_1346 = vector.shape_cast %get3A_1345 : vector<1x16xf32> to vector<16xf32>
      %max3A_1347 = arith.maximumf %scan3A_1335#1, %get3A_1346 : vector<16xf32>
      %get3A_1348 = arith.index_cast %scan3A_1337 : i32 to index
      %get3A_1349 = arith.constant 32 : index
      %get3A_1350 = tpu.vector_load %arg8[%get3A_1348, %get3A_1349] {strides = array<i32>} : memref<400x64xf32, #tpu.memory_space<vmem>>, vector<1x16xf32>,
      %get3A_1351 = vector.shape_cast %get3A_1350 : vector<1x16xf32> to vector<16xf32>
      %max3A_1352 = arith.maximumf %scan3A_1335#2, %get3A_1351 : vector<16xf32>
      %get3A_1353 = arith.index_cast %scan3A_1337 : i32 to index
      %get3A_1354 = arith.constant 48 : index
      %get3A_1355 = tpu.vector_load %arg8[%get3A_1353, %get3A_1354] {strides = array<i32>} : memref<400x64xf32, #tpu.memory_space<vmem>>, vector<1x16xf32>,
      %get3A_1356 = vector.shape_cast %get3A_1355 : vector<1x16xf32> to vector<16xf32>
      %max3A_1357 = arith.maximumf %scan3A_1335#3, %get3A_1356 : vector<16xf32>
      %scan3A_1358 = arith.constant 193 : i32
      %scan3A_1359 = arith.addi %scan3A_1331, %scan3A_1358 : i32
      %get3A_1360 = arith.index_cast %scan3A_1359 : i32 to index
      %get3A_1361 = arith.constant 0 : index
      %get3A_1362 = tpu.vector_load %arg8[%get3A_1360, %get3A_1361] {strides = array<i32>} : memref<400x64xf32, #tpu.memory_space<vmem>>, vector<1x16xf32>,
      %get3A_1363 = vector.shape_cast %get3A_1362 : vector<1x16xf32> to vector<16xf32>
      %max3A_1364 = arith.maximumf %max3A_1342, %get3A_1363 : vector<16xf32>
      %get3A_1365 = arith.index_cast %scan3A_1359 : i32 to index
      %get3A_1366 = arith.constant 16 : index
      %get3A_1367 = tpu.vector_load %arg8[%get3A_1365, %get3A_1366] {strides = array<i32>} : memref<400x64xf32, #tpu.memory_space<vmem>>, vector<1x16xf32>,
      %get3A_1368 = vector.shape_cast %get3A_1367 : vector<1x16xf32> to vector<16xf32>
      %max3A_1369 = arith.maximumf %max3A_1347, %get3A_1368 : vector<16xf32>
      %get3A_1370 = arith.index_cast %scan3A_1359 : i32 to index
      %get3A_1371 = arith.constant 32 : index
      %get3A_1372 = tpu.vector_load %arg8[%get3A_1370, %get3A_1371] {strides = array<i32>} : memref<400x64xf32, #tpu.memory_space<vmem>>, vector<1x16xf32>,
      %get3A_1373 = vector.shape_cast %get3A_1372 : vector<1x16xf32> to vector<16xf32>
      %max3A_1374 = arith.maximumf %max3A_1352, %get3A_1373 : vector<16xf32>
      %get3A_1375 = arith.index_cast %scan3A_1359 : i32 to index
      %get3A_1376 = arith.constant 48 : index
      %get3A_1377 = tpu.vector_load %arg8[%get3A_1375, %get3A_1376] {strides = array<i32>} : memref<400x64xf32, #tpu.memory_space<vmem>>, vector<1x16xf32>,
      %get3A_1378 = vector.shape_cast %get3A_1377 : vector<1x16xf32> to vector<16xf32>
      %max3A_1379 = arith.maximumf %max3A_1357, %get3A_1378 : vector<16xf32>
      %scan3A_1380 = arith.constant 194 : i32
      %scan3A_1381 = arith.addi %scan3A_1331, %scan3A_1380 : i32
      %get3A_1382 = arith.index_cast %scan3A_1381 : i32 to index
      %get3A_1383 = arith.constant 0 : index
      %get3A_1384 = tpu.vector_load %arg8[%get3A_1382, %get3A_1383] {strides = array<i32>} : memref<400x64xf32, #tpu.memory_space<vmem>>, vector<1x16xf32>,
      %get3A_1385 = vector.shape_cast %get3A_1384 : vector<1x16xf32> to vector<16xf32>
      %max3A_1386 = arith.maximumf %max3A_1364, %get3A_1385 : vector<16xf32>
      %get3A_1387 = arith.index_cast %scan3A_1381 : i32 to index
      %get3A_1388 = arith.constant 16 : index
      %get3A_1389 = tpu.vector_load %arg8[%get3A_1387, %get3A_1388] {strides = array<i32>} : memref<400x64xf32, #tpu.memory_space<vmem>>, vector<1x16xf32>,
      %get3A_1390 = vector.shape_cast %get3A_1389 : vector<1x16xf32> to vector<16xf32>
      %max3A_1391 = arith.maximumf %max3A_1369, %get3A_1390 : vector<16xf32>
      %get3A_1392 = arith.index_cast %scan3A_1381 : i32 to index
      %get3A_1393 = arith.constant 32 : index
      %get3A_1394 = tpu.vector_load %arg8[%get3A_1392, %get3A_1393] {strides = array<i32>} : memref<400x64xf32, #tpu.memory_space<vmem>>, vector<1x16xf32>,
      %get3A_1395 = vector.shape_cast %get3A_1394 : vector<1x16xf32> to vector<16xf32>
      %max3A_1396 = arith.maximumf %max3A_1374, %get3A_1395 : vector<16xf32>
      %get3A_1397 = arith.index_cast %scan3A_1381 : i32 to index
      %get3A_1398 = arith.constant 48 : index
      %get3A_1399 = tpu.vector_load %arg8[%get3A_1397, %get3A_1398] {strides = array<i32>} : memref<400x64xf32, #tpu.memory_space<vmem>>, vector<1x16xf32>,
      %get3A_1400 = vector.shape_cast %get3A_1399 : vector<1x16xf32> to vector<16xf32>
      %max3A_1401 = arith.maximumf %max3A_1379, %get3A_1400 : vector<16xf32>
      %scan3A_1402 = arith.constant 195 : i32
      %scan3A_1403 = arith.addi %scan3A_1331, %scan3A_1402 : i32
      %get3A_1404 = arith.index_cast %scan3A_1403 : i32 to index
      %get3A_1405 = arith.constant 0 : index
      %get3A_1406 = tpu.vector_load %arg8[%get3A_1404, %get3A_1405] {strides = array<i32>} : memref<400x64xf32, #tpu.memory_space<vmem>>, vector<1x16xf32>,
      %get3A_1407 = vector.shape_cast %get3A_1406 : vector<1x16xf32> to vector<16xf32>
      %max3A_1408 = arith.maximumf %max3A_1386, %get3A_1407 : vector<16xf32>
      %get3A_1409 = arith.index_cast %scan3A_1403 : i32 to index
      %get3A_1410 = arith.constant 16 : index
      %get3A_1411 = tpu.vector_load %arg8[%get3A_1409, %get3A_1410] {strides = array<i32>} : memref<400x64xf32, #tpu.memory_space<vmem>>, vector<1x16xf32>,
      %get3A_1412 = vector.shape_cast %get3A_1411 : vector<1x16xf32> to vector<16xf32>
      %max3A_1413 = arith.maximumf %max3A_1391, %get3A_1412 : vector<16xf32>
      %get3A_1414 = arith.index_cast %scan3A_1403 : i32 to index
      %get3A_1415 = arith.constant 32 : index
      %get3A_1416 = tpu.vector_load %arg8[%get3A_1414, %get3A_1415] {strides = array<i32>} : memref<400x64xf32, #tpu.memory_space<vmem>>, vector<1x16xf32>,
      %get3A_1417 = vector.shape_cast %get3A_1416 : vector<1x16xf32> to vector<16xf32>
      %max3A_1418 = arith.maximumf %max3A_1396, %get3A_1417 : vector<16xf32>
      %get3A_1419 = arith.index_cast %scan3A_1403 : i32 to index
      %get3A_1420 = arith.constant 48 : index
      %get3A_1421 = tpu.vector_load %arg8[%get3A_1419, %get3A_1420] {strides = array<i32>} : memref<400x64xf32, #tpu.memory_space<vmem>>, vector<1x16xf32>,
      %get3A_1422 = vector.shape_cast %get3A_1421 : vector<1x16xf32> to vector<16xf32>
      %max3A_1423 = arith.maximumf %max3A_1401, %get3A_1422 : vector<16xf32>
      %scan3A_1424 = arith.constant 196 : i32
      %scan3A_1425 = arith.addi %scan3A_1331, %scan3A_1424 : i32
      %get3A_1426 = arith.index_cast %scan3A_1425 : i32 to index
      %get3A_1427 = arith.constant 0 : index
      %get3A_1428 = tpu.vector_load %arg8[%get3A_1426, %get3A_1427] {strides = array<i32>} : memref<400x64xf32, #tpu.memory_space<vmem>>, vector<1x16xf32>,
      %get3A_1429 = vector.shape_cast %get3A_1428 : vector<1x16xf32> to vector<16xf32>
      %max3A_1430 = arith.maximumf %max3A_1408, %get3A_1429 : vector<16xf32>
      %get3A_1431 = arith.index_cast %scan3A_1425 : i32 to index
      %get3A_1432 = arith.constant 16 : index
      %get3A_1433 = tpu.vector_load %arg8[%get3A_1431, %get3A_1432] {strides = array<i32>} : memref<400x64xf32, #tpu.memory_space<vmem>>, vector<1x16xf32>,
      %get3A_1434 = vector.shape_cast %get3A_1433 : vector<1x16xf32> to vector<16xf32>
      %max3A_1435 = arith.maximumf %max3A_1413, %get3A_1434 : vector<16xf32>
      %get3A_1436 = arith.index_cast %scan3A_1425 : i32 to index
      %get3A_1437 = arith.constant 32 : index
      %get3A_1438 = tpu.vector_load %arg8[%get3A_1436, %get3A_1437] {strides = array<i32>} : memref<400x64xf32, #tpu.memory_space<vmem>>, vector<1x16xf32>,
      %get3A_1439 = vector.shape_cast %get3A_1438 : vector<1x16xf32> to vector<16xf32>
      %max3A_1440 = arith.maximumf %max3A_1418, %get3A_1439 : vector<16xf32>
      %get3A_1441 = arith.index_cast %scan3A_1425 : i32 to index
      %get3A_1442 = arith.constant 48 : index
      %get3A_1443 = tpu.vector_load %arg8[%get3A_1441, %get3A_1442] {strides = array<i32>} : memref<400x64xf32, #tpu.memory_space<vmem>>, vector<1x16xf32>,
      %get3A_1444 = vector.shape_cast %get3A_1443 : vector<1x16xf32> to vector<16xf32>
      %max3A_1445 = arith.maximumf %max3A_1423, %get3A_1444 : vector<16xf32>
      %scan3A_1446 = arith.constant 197 : i32
      %scan3A_1447 = arith.addi %scan3A_1331, %scan3A_1446 : i32
      %get3A_1448 = arith.index_cast %scan3A_1447 : i32 to index
      %get3A_1449 = arith.constant 0 : index
      %get3A_1450 = tpu.vector_load %arg8[%get3A_1448, %get3A_1449] {strides = array<i32>} : memref<400x64xf32, #tpu.memory_space<vmem>>, vector<1x16xf32>,
      %get3A_1451 = vector.shape_cast %get3A_1450 : vector<1x16xf32> to vector<16xf32>
      %max3A_1452 = arith.maximumf %max3A_1430, %get3A_1451 : vector<16xf32>
      %get3A_1453 = arith.index_cast %scan3A_1447 : i32 to index
      %get3A_1454 = arith.constant 16 : index
      %get3A_1455 = tpu.vector_load %arg8[%get3A_1453, %get3A_1454] {strides = array<i32>} : memref<400x64xf32, #tpu.memory_space<vmem>>, vector<1x16xf32>,
      %get3A_1456 = vector.shape_cast %get3A_1455 : vector<1x16xf32> to vector<16xf32>
      %max3A_1457 = arith.maximumf %max3A_1435, %get3A_1456 : vector<16xf32>
      %get3A_1458 = arith.index_cast %scan3A_1447 : i32 to index
      %get3A_1459 = arith.constant 32 : index
      %get3A_1460 = tpu.vector_load %arg8[%get3A_1458, %get3A_1459] {strides = array<i32>} : memref<400x64xf32, #tpu.memory_space<vmem>>, vector<1x16xf32>,
      %get3A_1461 = vector.shape_cast %get3A_1460 : vector<1x16xf32> to vector<16xf32>
      %max3A_1462 = arith.maximumf %max3A_1440, %get3A_1461 : vector<16xf32>
      %get3A_1463 = arith.index_cast %scan3A_1447 : i32 to index
      %get3A_1464 = arith.constant 48 : index
      %get3A_1465 = tpu.vector_load %arg8[%get3A_1463, %get3A_1464] {strides = array<i32>} : memref<400x64xf32, #tpu.memory_space<vmem>>, vector<1x16xf32>,
      %get3A_1466 = vector.shape_cast %get3A_1465 : vector<1x16xf32> to vector<16xf32>
      %max3A_1467 = arith.maximumf %max3A_1445, %get3A_1466 : vector<16xf32>
      %scan3A_1468 = arith.constant 198 : i32
      %scan3A_1469 = arith.addi %scan3A_1331, %scan3A_1468 : i32
      %get3A_1470 = arith.index_cast %scan3A_1469 : i32 to index
      %get3A_1471 = arith.constant 0 : index
      %get3A_1472 = tpu.vector_load %arg8[%get3A_1470, %get3A_1471] {strides = array<i32>} : memref<400x64xf32, #tpu.memory_space<vmem>>, vector<1x16xf32>,
      %get3A_1473 = vector.shape_cast %get3A_1472 : vector<1x16xf32> to vector<16xf32>
      %max3A_1474 = arith.maximumf %max3A_1452, %get3A_1473 : vector<16xf32>
      %get3A_1475 = arith.index_cast %scan3A_1469 : i32 to index
      %get3A_1476 = arith.constant 16 : index
      %get3A_1477 = tpu.vector_load %arg8[%get3A_1475, %get3A_1476] {strides = array<i32>} : memref<400x64xf32, #tpu.memory_space<vmem>>, vector<1x16xf32>,
      %get3A_1478 = vector.shape_cast %get3A_1477 : vector<1x16xf32> to vector<16xf32>
      %max3A_1479 = arith.maximumf %max3A_1457, %get3A_1478 : vector<16xf32>
      %get3A_1480 = arith.index_cast %scan3A_1469 : i32 to index
      %get3A_1481 = arith.constant 32 : index
      %get3A_1482 = tpu.vector_load %arg8[%get3A_1480, %get3A_1481] {strides = array<i32>} : memref<400x64xf32, #tpu.memory_space<vmem>>, vector<1x16xf32>,
      %get3A_1483 = vector.shape_cast %get3A_1482 : vector<1x16xf32> to vector<16xf32>
      %max3A_1484 = arith.maximumf %max3A_1462, %get3A_1483 : vector<16xf32>
      %get3A_1485 = arith.index_cast %scan3A_1469 : i32 to index
      %get3A_1486 = arith.constant 48 : index
      %get3A_1487 = tpu.vector_load %arg8[%get3A_1485, %get3A_1486] {strides = array<i32>} : memref<400x64xf32, #tpu.memory_space<vmem>>, vector<1x16xf32>,
      %get3A_1488 = vector.shape_cast %get3A_1487 : vector<1x16xf32> to vector<16xf32>
      %max3A_1489 = arith.maximumf %max3A_1467, %get3A_1488 : vector<16xf32>
      %scan3A_1490 = arith.constant 199 : i32
      %swap3A_1491 = arith.index_cast %add3A_1310 : i32 to index
      %swap3A_1492 = arith.constant 0 : index
      %swap3A_1493 = tpu.vector_load %arg9[%swap3A_1491, %swap3A_1492] {strides = array<i32>} : memref<128x64xf32, #tpu.memory_space<vmem>>, vector<1x16xf32>,
      %swap3A_1494 = vector.shape_cast %swap3A_1493 : vector<1x16xf32> to vector<16xf32>
      %swap3A_1495 = vector.shape_cast %max3A_1474 : vector<16xf32> to vector<1x16xf32>
      tpu.vector_store %arg9[%swap3A_1491, %swap3A_1492], %swap3A_1495 {strides = array<i32>} : memref<128x64xf32, #tpu.memory_space<vmem>>, vector<1x16xf32>,
      %swap3A_1496 = arith.index_cast %add3A_1310 : i32 to index
      %swap3A_1497 = arith.constant 16 : index
      %swap3A_1498 = tpu.vector_load %arg9[%swap3A_1496, %swap3A_1497] {strides = array<i32>} : memref<128x64xf32, #tpu.memory_space<vmem>>, vector<1x16xf32>,
      %swap3A_1499 = vector.shape_cast %swap3A_1498 : vector<1x16xf32> to vector<16xf32>
      %swap3A_1500 = vector.shape_cast %max3A_1479 : vector<16xf32> to vector<1x16xf32>
      tpu.vector_store %arg9[%swap3A_1496, %swap3A_1497], %swap3A_1500 {strides = array<i32>} : memref<128x64xf32, #tpu.memory_space<vmem>>, vector<1x16xf32>,
      %swap3A_1501 = arith.index_cast %add3A_1310 : i32 to index
      %swap3A_1502 = arith.constant 32 : index
      %swap3A_1503 = tpu.vector_load %arg9[%swap3A_1501, %swap3A_1502] {strides = array<i32>} : memref<128x64xf32, #tpu.memory_space<vmem>>, vector<1x16xf32>,
      %swap3A_1504 = vector.shape_cast %swap3A_1503 : vector<1x16xf32> to vector<16xf32>
      %swap3A_1505 = vector.shape_cast %max3A_1484 : vector<16xf32> to vector<1x16xf32>
      tpu.vector_store %arg9[%swap3A_1501, %swap3A_1502], %swap3A_1505 {strides = array<i32>} : memref<128x64xf32, #tpu.memory_space<vmem>>, vector<1x16xf32>,
      %swap3A_1506 = arith.index_cast %add3A_1310 : i32 to index
      %swap3A_1507 = arith.constant 48 : index
      %swap3A_1508 = tpu.vector_load %arg9[%swap3A_1506, %swap3A_1507] {strides = array<i32>} : memref<128x64xf32, #tpu.memory_space<vmem>>, vector<1x16xf32>,
      %swap3A_1509 = vector.shape_cast %swap3A_1508 : vector<1x16xf32> to vector<16xf32>
      %swap3A_1510 = vector.shape_cast %max3A_1489 : vector<16xf32> to vector<1x16xf32>
      tpu.vector_store %arg9[%swap3A_1506, %swap3A_1507], %swap3A_1510 {strides = array<i32>} : memref<128x64xf32, #tpu.memory_space<vmem>>, vector<1x16xf32>,
      %mul3A_1511 = arith.constant 2 : i32
      %mul3A_1512 = arith.muli %add3A_1300, %mul3A_1511 : i32
      %add3A_1513 = arith.constant 1 : i32
      %add3A_1514 = arith.addi %mul3A_1512, %add3A_1513 : i32
      %get3A_1515 = arith.constant 200 : i32
      %get3A_1516 = arith.index_cast %get3A_1515 : i32 to index
      %get3A_1517 = arith.constant 0 : index
      %get3A_1518 = tpu.vector_load %arg8[%get3A_1516, %get3A_1517] {strides = array<i32>} : memref<400x64xf32, #tpu.memory_space<vmem>>, vector<1x16xf32>,
      %get3A_1519 = vector.shape_cast %get3A_1518 : vector<1x16xf32> to vector<16xf32>
      %get3A_1520 = arith.constant 200 : i32
      %get3A_1521 = arith.index_cast %get3A_1520 : i32 to index
      %get3A_1522 = arith.constant 16 : index
      %get3A_1523 = tpu.vector_load %arg8[%get3A_1521, %get3A_1522] {strides = array<i32>} : memref<400x64xf32, #tpu.memory_space<vmem>>, vector<1x16xf32>,
      %get3A_1524 = vector.shape_cast %get3A_1523 : vector<1x16xf32> to vector<16xf32>
      %get3A_1525 = arith.constant 200 : i32
      %get3A_1526 = arith.index_cast %get3A_1525 : i32 to index
      %get3A_1527 = arith.constant 32 : index
      %get3A_1528 = tpu.vector_load %arg8[%get3A_1526, %get3A_1527] {strides = array<i32>} : memref<400x64xf32, #tpu.memory_space<vmem>>, vector<1x16xf32>,
      %get3A_1529 = vector.shape_cast %get3A_1528 : vector<1x16xf32> to vector<16xf32>
      %get3A_1530 = arith.constant 200 : i32
      %get3A_1531 = arith.index_cast %get3A_1530 : i32 to index
      %get3A_1532 = arith.constant 48 : index
      %get3A_1533 = tpu.vector_load %arg8[%get3A_1531, %get3A_1532] {strides = array<i32>} : memref<400x64xf32, #tpu.memory_space<vmem>>, vector<1x16xf32>,
      %get3A_1534 = vector.shape_cast %get3A_1533 : vector<1x16xf32> to vector<16xf32>
      %scan3A_1535 = arith.constant 201 : i32
      %scan3A_1536 = arith.constant 192 : i32
      %scan3A_1537 = arith.addi %scan3A_1535, %scan3A_1536 : i32
      %scan3A_1538 = arith.constant 8 : i32
      %scan3A_1539:4 = scf.for %scan3A_1716 = %scan3A_1535 to %scan3A_1537 step %scan3A_1538 iter_args(%scan3A_1717 = %get3A_1519, %scan3A_1718 = %get3A_1524, %scan3A_1719 = %get3A_1529, %scan3A_1720 = %get3A_1534) -> (vector<16xf32>, vector<16xf32>, vector<16xf32>, vector<16xf32>)  : i32 {
        %get3A_1721 = arith.index_cast %scan3A_1716 : i32 to index
        %get3A_1722 = arith.constant 0 : index
        %get3A_1723 = tpu.vector_load %arg8[%get3A_1721, %get3A_1722] {strides = array<i32>} : memref<400x64xf32, #tpu.memory_space<vmem>>, vector<1x16xf32>,
        %get3A_1724 = vector.shape_cast %get3A_1723 : vector<1x16xf32> to vector<16xf32>
        %max3A_1725 = arith.maximumf %scan3A_1717, %get3A_1724 : vector<16xf32>
        %get3A_1726 = arith.index_cast %scan3A_1716 : i32 to index
        %get3A_1727 = arith.constant 16 : index
        %get3A_1728 = tpu.vector_load %arg8[%get3A_1726, %get3A_1727] {strides = array<i32>} : memref<400x64xf32, #tpu.memory_space<vmem>>, vector<1x16xf32>,
        %get3A_1729 = vector.shape_cast %get3A_1728 : vector<1x16xf32> to vector<16xf32>
        %max3A_1730 = arith.maximumf %scan3A_1718, %get3A_1729 : vector<16xf32>
        %get3A_1731 = arith.index_cast %scan3A_1716 : i32 to index
        %get3A_1732 = arith.constant 32 : index
        %get3A_1733 = tpu.vector_load %arg8[%get3A_1731, %get3A_1732] {strides = array<i32>} : memref<400x64xf32, #tpu.memory_space<vmem>>, vector<1x16xf32>,
        %get3A_1734 = vector.shape_cast %get3A_1733 : vector<1x16xf32> to vector<16xf32>
        %max3A_1735 = arith.maximumf %scan3A_1719, %get3A_1734 : vector<16xf32>
        %get3A_1736 = arith.index_cast %scan3A_1716 : i32 to index
        %get3A_1737 = arith.constant 48 : index
        %get3A_1738 = tpu.vector_load %arg8[%get3A_1736, %get3A_1737] {strides = array<i32>} : memref<400x64xf32, #tpu.memory_space<vmem>>, vector<1x16xf32>,
        %get3A_1739 = vector.shape_cast %get3A_1738 : vector<1x16xf32> to vector<16xf32>
        %max3A_1740 = arith.maximumf %scan3A_1720, %get3A_1739 : vector<16xf32>
        %scan3A_1741 = arith.constant 1 : i32
        %scan3A_1742 = arith.addi %scan3A_1716, %scan3A_1741 : i32
        %get3A_1743 = arith.index_cast %scan3A_1742 : i32 to index
        %get3A_1744 = arith.constant 0 : index
        %get3A_1745 = tpu.vector_load %arg8[%get3A_1743, %get3A_1744] {strides = array<i32>} : memref<400x64xf32, #tpu.memory_space<vmem>>, vector<1x16xf32>,
        %get3A_1746 = vector.shape_cast %get3A_1745 : vector<1x16xf32> to vector<16xf32>
        %max3A_1747 = arith.maximumf %max3A_1725, %get3A_1746 : vector<16xf32>
        %get3A_1748 = arith.index_cast %scan3A_1742 : i32 to index
        %get3A_1749 = arith.constant 16 : index
        %get3A_1750 = tpu.vector_load %arg8[%get3A_1748, %get3A_1749] {strides = array<i32>} : memref<400x64xf32, #tpu.memory_space<vmem>>, vector<1x16xf32>,
        %get3A_1751 = vector.shape_cast %get3A_1750 : vector<1x16xf32> to vector<16xf32>
        %max3A_1752 = arith.maximumf %max3A_1730, %get3A_1751 : vector<16xf32>
        %get3A_1753 = arith.index_cast %scan3A_1742 : i32 to index
        %get3A_1754 = arith.constant 32 : index
        %get3A_1755 = tpu.vector_load %arg8[%get3A_1753, %get3A_1754] {strides = array<i32>} : memref<400x64xf32, #tpu.memory_space<vmem>>, vector<1x16xf32>,
        %get3A_1756 = vector.shape_cast %get3A_1755 : vector<1x16xf32> to vector<16xf32>
        %max3A_1757 = arith.maximumf %max3A_1735, %get3A_1756 : vector<16xf32>
        %get3A_1758 = arith.index_cast %scan3A_1742 : i32 to index
        %get3A_1759 = arith.constant 48 : index
        %get3A_1760 = tpu.vector_load %arg8[%get3A_1758, %get3A_1759] {strides = array<i32>} : memref<400x64xf32, #tpu.memory_space<vmem>>, vector<1x16xf32>,
        %get3A_1761 = vector.shape_cast %get3A_1760 : vector<1x16xf32> to vector<16xf32>
        %max3A_1762 = arith.maximumf %max3A_1740, %get3A_1761 : vector<16xf32>
        %scan3A_1763 = arith.constant 2 : i32
        %scan3A_1764 = arith.addi %scan3A_1716, %scan3A_1763 : i32
        %get3A_1765 = arith.index_cast %scan3A_1764 : i32 to index
        %get3A_1766 = arith.constant 0 : index
        %get3A_1767 = tpu.vector_load %arg8[%get3A_1765, %get3A_1766] {strides = array<i32>} : memref<400x64xf32, #tpu.memory_space<vmem>>, vector<1x16xf32>,
        %get3A_1768 = vector.shape_cast %get3A_1767 : vector<1x16xf32> to vector<16xf32>
        %max3A_1769 = arith.maximumf %max3A_1747, %get3A_1768 : vector<16xf32>
        %get3A_1770 = arith.index_cast %scan3A_1764 : i32 to index
        %get3A_1771 = arith.constant 16 : index
        %get3A_1772 = tpu.vector_load %arg8[%get3A_1770, %get3A_1771] {strides = array<i32>} : memref<400x64xf32, #tpu.memory_space<vmem>>, vector<1x16xf32>,
        %get3A_1773 = vector.shape_cast %get3A_1772 : vector<1x16xf32> to vector<16xf32>
        %max3A_1774 = arith.maximumf %max3A_1752, %get3A_1773 : vector<16xf32>
        %get3A_1775 = arith.index_cast %scan3A_1764 : i32 to index
        %get3A_1776 = arith.constant 32 : index
        %get3A_1777 = tpu.vector_load %arg8[%get3A_1775, %get3A_1776] {strides = array<i32>} : memref<400x64xf32, #tpu.memory_space<vmem>>, vector<1x16xf32>,
        %get3A_1778 = vector.shape_cast %get3A_1777 : vector<1x16xf32> to vector<16xf32>
        %max3A_1779 = arith.maximumf %max3A_1757, %get3A_1778 : vector<16xf32>
        %get3A_1780 = arith.index_cast %scan3A_1764 : i32 to index
        %get3A_1781 = arith.constant 48 : index
        %get3A_1782 = tpu.vector_load %arg8[%get3A_1780, %get3A_1781] {strides = array<i32>} : memref<400x64xf32, #tpu.memory_space<vmem>>, vector<1x16xf32>,
        %get3A_1783 = vector.shape_cast %get3A_1782 : vector<1x16xf32> to vector<16xf32>
        %max3A_1784 = arith.maximumf %max3A_1762, %get3A_1783 : vector<16xf32>
        %scan3A_1785 = arith.constant 3 : i32
        %scan3A_1786 = arith.addi %scan3A_1716, %scan3A_1785 : i32
        %get3A_1787 = arith.index_cast %scan3A_1786 : i32 to index
        %get3A_1788 = arith.constant 0 : index
        %get3A_1789 = tpu.vector_load %arg8[%get3A_1787, %get3A_1788] {strides = array<i32>} : memref<400x64xf32, #tpu.memory_space<vmem>>, vector<1x16xf32>,
        %get3A_1790 = vector.shape_cast %get3A_1789 : vector<1x16xf32> to vector<16xf32>
        %max3A_1791 = arith.maximumf %max3A_1769, %get3A_1790 : vector<16xf32>
        %get3A_1792 = arith.index_cast %scan3A_1786 : i32 to index
        %get3A_1793 = arith.constant 16 : index
        %get3A_1794 = tpu.vector_load %arg8[%get3A_1792, %get3A_1793] {strides = array<i32>} : memref<400x64xf32, #tpu.memory_space<vmem>>, vector<1x16xf32>,
        %get3A_1795 = vector.shape_cast %get3A_1794 : vector<1x16xf32> to vector<16xf32>
        %max3A_1796 = arith.maximumf %max3A_1774, %get3A_1795 : vector<16xf32>
        %get3A_1797 = arith.index_cast %scan3A_1786 : i32 to index
        %get3A_1798 = arith.constant 32 : index
        %get3A_1799 = tpu.vector_load %arg8[%get3A_1797, %get3A_1798] {strides = array<i32>} : memref<400x64xf32, #tpu.memory_space<vmem>>, vector<1x16xf32>,
        %get3A_1800 = vector.shape_cast %get3A_1799 : vector<1x16xf32> to vector<16xf32>
        %max3A_1801 = arith.maximumf %max3A_1779, %get3A_1800 : vector<16xf32>
        %get3A_1802 = arith.index_cast %scan3A_1786 : i32 to index
        %get3A_1803 = arith.constant 48 : index
        %get3A_1804 = tpu.vector_load %arg8[%get3A_1802, %get3A_1803] {strides = array<i32>} : memref<400x64xf32, #tpu.memory_space<vmem>>, vector<1x16xf32>,
        %get3A_1805 = vector.shape_cast %get3A_1804 : vector<1x16xf32> to vector<16xf32>
        %max3A_1806 = arith.maximumf %max3A_1784, %get3A_1805 : vector<16xf32>
        %scan3A_1807 = arith.constant 4 : i32
        %scan3A_1808 = arith.addi %scan3A_1716, %scan3A_1807 : i32
        %get3A_1809 = arith.index_cast %scan3A_1808 : i32 to index
        %get3A_1810 = arith.constant 0 : index
        %get3A_1811 = tpu.vector_load %arg8[%get3A_1809, %get3A_1810] {strides = array<i32>} : memref<400x64xf32, #tpu.memory_space<vmem>>, vector<1x16xf32>,
        %get3A_1812 = vector.shape_cast %get3A_1811 : vector<1x16xf32> to vector<16xf32>
        %max3A_1813 = arith.maximumf %max3A_1791, %get3A_1812 : vector<16xf32>
        %get3A_1814 = arith.index_cast %scan3A_1808 : i32 to index
        %get3A_1815 = arith.constant 16 : index
        %get3A_1816 = tpu.vector_load %arg8[%get3A_1814, %get3A_1815] {strides = array<i32>} : memref<400x64xf32, #tpu.memory_space<vmem>>, vector<1x16xf32>,
        %get3A_1817 = vector.shape_cast %get3A_1816 : vector<1x16xf32> to vector<16xf32>
        %max3A_1818 = arith.maximumf %max3A_1796, %get3A_1817 : vector<16xf32>
        %get3A_1819 = arith.index_cast %scan3A_1808 : i32 to index
        %get3A_1820 = arith.constant 32 : index
        %get3A_1821 = tpu.vector_load %arg8[%get3A_1819, %get3A_1820] {strides = array<i32>} : memref<400x64xf32, #tpu.memory_space<vmem>>, vector<1x16xf32>,
        %get3A_1822 = vector.shape_cast %get3A_1821 : vector<1x16xf32> to vector<16xf32>
        %max3A_1823 = arith.maximumf %max3A_1801, %get3A_1822 : vector<16xf32>
        %get3A_1824 = arith.index_cast %scan3A_1808 : i32 to index
        %get3A_1825 = arith.constant 48 : index
        %get3A_1826 = tpu.vector_load %arg8[%get3A_1824, %get3A_1825] {strides = array<i32>} : memref<400x64xf32, #tpu.memory_space<vmem>>, vector<1x16xf32>,
        %get3A_1827 = vector.shape_cast %get3A_1826 : vector<1x16xf32> to vector<16xf32>
        %max3A_1828 = arith.maximumf %max3A_1806, %get3A_1827 : vector<16xf32>
        %scan3A_1829 = arith.constant 5 : i32
        %scan3A_1830 = arith.addi %scan3A_1716, %scan3A_1829 : i32
        %get3A_1831 = arith.index_cast %scan3A_1830 : i32 to index
        %get3A_1832 = arith.constant 0 : index
        %get3A_1833 = tpu.vector_load %arg8[%get3A_1831, %get3A_1832] {strides = array<i32>} : memref<400x64xf32, #tpu.memory_space<vmem>>, vector<1x16xf32>,
        %get3A_1834 = vector.shape_cast %get3A_1833 : vector<1x16xf32> to vector<16xf32>
        %max3A_1835 = arith.maximumf %max3A_1813, %get3A_1834 : vector<16xf32>
        %get3A_1836 = arith.index_cast %scan3A_1830 : i32 to index
        %get3A_1837 = arith.constant 16 : index
        %get3A_1838 = tpu.vector_load %arg8[%get3A_1836, %get3A_1837] {strides = array<i32>} : memref<400x64xf32, #tpu.memory_space<vmem>>, vector<1x16xf32>,
        %get3A_1839 = vector.shape_cast %get3A_1838 : vector<1x16xf32> to vector<16xf32>
        %max3A_1840 = arith.maximumf %max3A_1818, %get3A_1839 : vector<16xf32>
        %get3A_1841 = arith.index_cast %scan3A_1830 : i32 to index
        %get3A_1842 = arith.constant 32 : index
        %get3A_1843 = tpu.vector_load %arg8[%get3A_1841, %get3A_1842] {strides = array<i32>} : memref<400x64xf32, #tpu.memory_space<vmem>>, vector<1x16xf32>,
        %get3A_1844 = vector.shape_cast %get3A_1843 : vector<1x16xf32> to vector<16xf32>
        %max3A_1845 = arith.maximumf %max3A_1823, %get3A_1844 : vector<16xf32>
        %get3A_1846 = arith.index_cast %scan3A_1830 : i32 to index
        %get3A_1847 = arith.constant 48 : index
        %get3A_1848 = tpu.vector_load %arg8[%get3A_1846, %get3A_1847] {strides = array<i32>} : memref<400x64xf32, #tpu.memory_space<vmem>>, vector<1x16xf32>,
        %get3A_1849 = vector.shape_cast %get3A_1848 : vector<1x16xf32> to vector<16xf32>
        %max3A_1850 = arith.maximumf %max3A_1828, %get3A_1849 : vector<16xf32>
        %scan3A_1851 = arith.constant 6 : i32
        %scan3A_1852 = arith.addi %scan3A_1716, %scan3A_1851 : i32
        %get3A_1853 = arith.index_cast %scan3A_1852 : i32 to index
        %get3A_1854 = arith.constant 0 : index
        %get3A_1855 = tpu.vector_load %arg8[%get3A_1853, %get3A_1854] {strides = array<i32>} : memref<400x64xf32, #tpu.memory_space<vmem>>, vector<1x16xf32>,
        %get3A_1856 = vector.shape_cast %get3A_1855 : vector<1x16xf32> to vector<16xf32>
        %max3A_1857 = arith.maximumf %max3A_1835, %get3A_1856 : vector<16xf32>
        %get3A_1858 = arith.index_cast %scan3A_1852 : i32 to index
        %get3A_1859 = arith.constant 16 : index
        %get3A_1860 = tpu.vector_load %arg8[%get3A_1858, %get3A_1859] {strides = array<i32>} : memref<400x64xf32, #tpu.memory_space<vmem>>, vector<1x16xf32>,
        %get3A_1861 = vector.shape_cast %get3A_1860 : vector<1x16xf32> to vector<16xf32>
        %max3A_1862 = arith.maximumf %max3A_1840, %get3A_1861 : vector<16xf32>
        %get3A_1863 = arith.index_cast %scan3A_1852 : i32 to index
        %get3A_1864 = arith.constant 32 : index
        %get3A_1865 = tpu.vector_load %arg8[%get3A_1863, %get3A_1864] {strides = array<i32>} : memref<400x64xf32, #tpu.memory_space<vmem>>, vector<1x16xf32>,
        %get3A_1866 = vector.shape_cast %get3A_1865 : vector<1x16xf32> to vector<16xf32>
        %max3A_1867 = arith.maximumf %max3A_1845, %get3A_1866 : vector<16xf32>
        %get3A_1868 = arith.index_cast %scan3A_1852 : i32 to index
        %get3A_1869 = arith.constant 48 : index
        %get3A_1870 = tpu.vector_load %arg8[%get3A_1868, %get3A_1869] {strides = array<i32>} : memref<400x64xf32, #tpu.memory_space<vmem>>, vector<1x16xf32>,
        %get3A_1871 = vector.shape_cast %get3A_1870 : vector<1x16xf32> to vector<16xf32>
        %max3A_1872 = arith.maximumf %max3A_1850, %get3A_1871 : vector<16xf32>
        %scan3A_1873 = arith.constant 7 : i32
        %scan3A_1874 = arith.addi %scan3A_1716, %scan3A_1873 : i32
        %get3A_1875 = arith.index_cast %scan3A_1874 : i32 to index
        %get3A_1876 = arith.constant 0 : index
        %get3A_1877 = tpu.vector_load %arg8[%get3A_1875, %get3A_1876] {strides = array<i32>} : memref<400x64xf32, #tpu.memory_space<vmem>>, vector<1x16xf32>,
        %get3A_1878 = vector.shape_cast %get3A_1877 : vector<1x16xf32> to vector<16xf32>
        %max3A_1879 = arith.maximumf %max3A_1857, %get3A_1878 : vector<16xf32>
        %get3A_1880 = arith.index_cast %scan3A_1874 : i32 to index
        %get3A_1881 = arith.constant 16 : index
        %get3A_1882 = tpu.vector_load %arg8[%get3A_1880, %get3A_1881] {strides = array<i32>} : memref<400x64xf32, #tpu.memory_space<vmem>>, vector<1x16xf32>,
        %get3A_1883 = vector.shape_cast %get3A_1882 : vector<1x16xf32> to vector<16xf32>
        %max3A_1884 = arith.maximumf %max3A_1862, %get3A_1883 : vector<16xf32>
        %get3A_1885 = arith.index_cast %scan3A_1874 : i32 to index
        %get3A_1886 = arith.constant 32 : index
        %get3A_1887 = tpu.vector_load %arg8[%get3A_1885, %get3A_1886] {strides = array<i32>} : memref<400x64xf32, #tpu.memory_space<vmem>>, vector<1x16xf32>,
        %get3A_1888 = vector.shape_cast %get3A_1887 : vector<1x16xf32> to vector<16xf32>
        %max3A_1889 = arith.maximumf %max3A_1867, %get3A_1888 : vector<16xf32>
        %get3A_1890 = arith.index_cast %scan3A_1874 : i32 to index
        %get3A_1891 = arith.constant 48 : index
        %get3A_1892 = tpu.vector_load %arg8[%get3A_1890, %get3A_1891] {strides = array<i32>} : memref<400x64xf32, #tpu.memory_space<vmem>>, vector<1x16xf32>,
        %get3A_1893 = vector.shape_cast %get3A_1892 : vector<1x16xf32> to vector<16xf32>
        %max3A_1894 = arith.maximumf %max3A_1872, %get3A_1893 : vector<16xf32>
        scf.yield %max3A_1879, %max3A_1884, %max3A_1889, %max3A_1894 : vector<16xf32>, vector<16xf32>, vector<16xf32>, vector<16xf32>
      }
      %scan3A_1540 = arith.constant 192 : i32
      %scan3A_1541 = arith.addi %scan3A_1535, %scan3A_1540 : i32
      %get3A_1542 = arith.index_cast %scan3A_1541 : i32 to index
      %get3A_1543 = arith.constant 0 : index
      %get3A_1544 = tpu.vector_load %arg8[%get3A_1542, %get3A_1543] {strides = array<i32>} : memref<400x64xf32, #tpu.memory_space<vmem>>, vector<1x16xf32>,
      %get3A_1545 = vector.shape_cast %get3A_1544 : vector<1x16xf32> to vector<16xf32>
      %max3A_1546 = arith.maximumf %scan3A_1539#0, %get3A_1545 : vector<16xf32>
      %get3A_1547 = arith.index_cast %scan3A_1541 : i32 to index
      %get3A_1548 = arith.constant 16 : index
      %get3A_1549 = tpu.vector_load %arg8[%get3A_1547, %get3A_1548] {strides = array<i32>} : memref<400x64xf32, #tpu.memory_space<vmem>>, vector<1x16xf32>,
      %get3A_1550 = vector.shape_cast %get3A_1549 : vector<1x16xf32> to vector<16xf32>
      %max3A_1551 = arith.maximumf %scan3A_1539#1, %get3A_1550 : vector<16xf32>
      %get3A_1552 = arith.index_cast %scan3A_1541 : i32 to index
      %get3A_1553 = arith.constant 32 : index
      %get3A_1554 = tpu.vector_load %arg8[%get3A_1552, %get3A_1553] {strides = array<i32>} : memref<400x64xf32, #tpu.memory_space<vmem>>, vector<1x16xf32>,
      %get3A_1555 = vector.shape_cast %get3A_1554 : vector<1x16xf32> to vector<16xf32>
      %max3A_1556 = arith.maximumf %scan3A_1539#2, %get3A_1555 : vector<16xf32>
      %get3A_1557 = arith.index_cast %scan3A_1541 : i32 to index
      %get3A_1558 = arith.constant 48 : index
      %get3A_1559 = tpu.vector_load %arg8[%get3A_1557, %get3A_1558] {strides = array<i32>} : memref<400x64xf32, #tpu.memory_space<vmem>>, vector<1x16xf32>,
      %get3A_1560 = vector.shape_cast %get3A_1559 : vector<1x16xf32> to vector<16xf32>
      %max3A_1561 = arith.maximumf %scan3A_1539#3, %get3A_1560 : vector<16xf32>
      %scan3A_1562 = arith.constant 193 : i32
      %scan3A_1563 = arith.addi %scan3A_1535, %scan3A_1562 : i32
      %get3A_1564 = arith.index_cast %scan3A_1563 : i32 to index
      %get3A_1565 = arith.constant 0 : index
      %get3A_1566 = tpu.vector_load %arg8[%get3A_1564, %get3A_1565] {strides = array<i32>} : memref<400x64xf32, #tpu.memory_space<vmem>>, vector<1x16xf32>,
      %get3A_1567 = vector.shape_cast %get3A_1566 : vector<1x16xf32> to vector<16xf32>
      %max3A_1568 = arith.maximumf %max3A_1546, %get3A_1567 : vector<16xf32>
      %get3A_1569 = arith.index_cast %scan3A_1563 : i32 to index
      %get3A_1570 = arith.constant 16 : index
      %get3A_1571 = tpu.vector_load %arg8[%get3A_1569, %get3A_1570] {strides = array<i32>} : memref<400x64xf32, #tpu.memory_space<vmem>>, vector<1x16xf32>,
      %get3A_1572 = vector.shape_cast %get3A_1571 : vector<1x16xf32> to vector<16xf32>
      %max3A_1573 = arith.maximumf %max3A_1551, %get3A_1572 : vector<16xf32>
      %get3A_1574 = arith.index_cast %scan3A_1563 : i32 to index
      %get3A_1575 = arith.constant 32 : index
      %get3A_1576 = tpu.vector_load %arg8[%get3A_1574, %get3A_1575] {strides = array<i32>} : memref<400x64xf32, #tpu.memory_space<vmem>>, vector<1x16xf32>,
      %get3A_1577 = vector.shape_cast %get3A_1576 : vector<1x16xf32> to vector<16xf32>
      %max3A_1578 = arith.maximumf %max3A_1556, %get3A_1577 : vector<16xf32>
      %get3A_1579 = arith.index_cast %scan3A_1563 : i32 to index
      %get3A_1580 = arith.constant 48 : index
      %get3A_1581 = tpu.vector_load %arg8[%get3A_1579, %get3A_1580] {strides = array<i32>} : memref<400x64xf32, #tpu.memory_space<vmem>>, vector<1x16xf32>,
      %get3A_1582 = vector.shape_cast %get3A_1581 : vector<1x16xf32> to vector<16xf32>
      %max3A_1583 = arith.maximumf %max3A_1561, %get3A_1582 : vector<16xf32>
      %scan3A_1584 = arith.constant 194 : i32
      %scan3A_1585 = arith.addi %scan3A_1535, %scan3A_1584 : i32
      %get3A_1586 = arith.index_cast %scan3A_1585 : i32 to index
      %get3A_1587 = arith.constant 0 : index
      %get3A_1588 = tpu.vector_load %arg8[%get3A_1586, %get3A_1587] {strides = array<i32>} : memref<400x64xf32, #tpu.memory_space<vmem>>, vector<1x16xf32>,
      %get3A_1589 = vector.shape_cast %get3A_1588 : vector<1x16xf32> to vector<16xf32>
      %max3A_1590 = arith.maximumf %max3A_1568, %get3A_1589 : vector<16xf32>
      %get3A_1591 = arith.index_cast %scan3A_1585 : i32 to index
      %get3A_1592 = arith.constant 16 : index
      %get3A_1593 = tpu.vector_load %arg8[%get3A_1591, %get3A_1592] {strides = array<i32>} : memref<400x64xf32, #tpu.memory_space<vmem>>, vector<1x16xf32>,
      %get3A_1594 = vector.shape_cast %get3A_1593 : vector<1x16xf32> to vector<16xf32>
      %max3A_1595 = arith.maximumf %max3A_1573, %get3A_1594 : vector<16xf32>
      %get3A_1596 = arith.index_cast %scan3A_1585 : i32 to index
      %get3A_1597 = arith.constant 32 : index
      %get3A_1598 = tpu.vector_load %arg8[%get3A_1596, %get3A_1597] {strides = array<i32>} : memref<400x64xf32, #tpu.memory_space<vmem>>, vector<1x16xf32>,
      %get3A_1599 = vector.shape_cast %get3A_1598 : vector<1x16xf32> to vector<16xf32>
      %max3A_1600 = arith.maximumf %max3A_1578, %get3A_1599 : vector<16xf32>
      %get3A_1601 = arith.index_cast %scan3A_1585 : i32 to index
      %get3A_1602 = arith.constant 48 : index
      %get3A_1603 = tpu.vector_load %arg8[%get3A_1601, %get3A_1602] {strides = array<i32>} : memref<400x64xf32, #tpu.memory_space<vmem>>, vector<1x16xf32>,
      %get3A_1604 = vector.shape_cast %get3A_1603 : vector<1x16xf32> to vector<16xf32>
      %max3A_1605 = arith.maximumf %max3A_1583, %get3A_1604 : vector<16xf32>
      %scan3A_1606 = arith.constant 195 : i32
      %scan3A_1607 = arith.addi %scan3A_1535, %scan3A_1606 : i32
      %get3A_1608 = arith.index_cast %scan3A_1607 : i32 to index
      %get3A_1609 = arith.constant 0 : index
      %get3A_1610 = tpu.vector_load %arg8[%get3A_1608, %get3A_1609] {strides = array<i32>} : memref<400x64xf32, #tpu.memory_space<vmem>>, vector<1x16xf32>,
      %get3A_1611 = vector.shape_cast %get3A_1610 : vector<1x16xf32> to vector<16xf32>
      %max3A_1612 = arith.maximumf %max3A_1590, %get3A_1611 : vector<16xf32>
      %get3A_1613 = arith.index_cast %scan3A_1607 : i32 to index
      %get3A_1614 = arith.constant 16 : index
      %get3A_1615 = tpu.vector_load %arg8[%get3A_1613, %get3A_1614] {strides = array<i32>} : memref<400x64xf32, #tpu.memory_space<vmem>>, vector<1x16xf32>,
      %get3A_1616 = vector.shape_cast %get3A_1615 : vector<1x16xf32> to vector<16xf32>
      %max3A_1617 = arith.maximumf %max3A_1595, %get3A_1616 : vector<16xf32>
      %get3A_1618 = arith.index_cast %scan3A_1607 : i32 to index
      %get3A_1619 = arith.constant 32 : index
      %get3A_1620 = tpu.vector_load %arg8[%get3A_1618, %get3A_1619] {strides = array<i32>} : memref<400x64xf32, #tpu.memory_space<vmem>>, vector<1x16xf32>,
      %get3A_1621 = vector.shape_cast %get3A_1620 : vector<1x16xf32> to vector<16xf32>
      %max3A_1622 = arith.maximumf %max3A_1600, %get3A_1621 : vector<16xf32>
      %get3A_1623 = arith.index_cast %scan3A_1607 : i32 to index
      %get3A_1624 = arith.constant 48 : index
      %get3A_1625 = tpu.vector_load %arg8[%get3A_1623, %get3A_1624] {strides = array<i32>} : memref<400x64xf32, #tpu.memory_space<vmem>>, vector<1x16xf32>,
      %get3A_1626 = vector.shape_cast %get3A_1625 : vector<1x16xf32> to vector<16xf32>
      %max3A_1627 = arith.maximumf %max3A_1605, %get3A_1626 : vector<16xf32>
      %scan3A_1628 = arith.constant 196 : i32
      %scan3A_1629 = arith.addi %scan3A_1535, %scan3A_1628 : i32
      %get3A_1630 = arith.index_cast %scan3A_1629 : i32 to index
      %get3A_1631 = arith.constant 0 : index
      %get3A_1632 = tpu.vector_load %arg8[%get3A_1630, %get3A_1631] {strides = array<i32>} : memref<400x64xf32, #tpu.memory_space<vmem>>, vector<1x16xf32>,
      %get3A_1633 = vector.shape_cast %get3A_1632 : vector<1x16xf32> to vector<16xf32>
      %max3A_1634 = arith.maximumf %max3A_1612, %get3A_1633 : vector<16xf32>
      %get3A_1635 = arith.index_cast %scan3A_1629 : i32 to index
      %get3A_1636 = arith.constant 16 : index
      %get3A_1637 = tpu.vector_load %arg8[%get3A_1635, %get3A_1636] {strides = array<i32>} : memref<400x64xf32, #tpu.memory_space<vmem>>, vector<1x16xf32>,
      %get3A_1638 = vector.shape_cast %get3A_1637 : vector<1x16xf32> to vector<16xf32>
      %max3A_1639 = arith.maximumf %max3A_1617, %get3A_1638 : vector<16xf32>
      %get3A_1640 = arith.index_cast %scan3A_1629 : i32 to index
      %get3A_1641 = arith.constant 32 : index
      %get3A_1642 = tpu.vector_load %arg8[%get3A_1640, %get3A_1641] {strides = array<i32>} : memref<400x64xf32, #tpu.memory_space<vmem>>, vector<1x16xf32>,
      %get3A_1643 = vector.shape_cast %get3A_1642 : vector<1x16xf32> to vector<16xf32>
      %max3A_1644 = arith.maximumf %max3A_1622, %get3A_1643 : vector<16xf32>
      %get3A_1645 = arith.index_cast %scan3A_1629 : i32 to index
      %get3A_1646 = arith.constant 48 : index
      %get3A_1647 = tpu.vector_load %arg8[%get3A_1645, %get3A_1646] {strides = array<i32>} : memref<400x64xf32, #tpu.memory_space<vmem>>, vector<1x16xf32>,
      %get3A_1648 = vector.shape_cast %get3A_1647 : vector<1x16xf32> to vector<16xf32>
      %max3A_1649 = arith.maximumf %max3A_1627, %get3A_1648 : vector<16xf32>
      %scan3A_1650 = arith.constant 197 : i32
      %scan3A_1651 = arith.addi %scan3A_1535, %scan3A_1650 : i32
      %get3A_1652 = arith.index_cast %scan3A_1651 : i32 to index
      %get3A_1653 = arith.constant 0 : index
      %get3A_1654 = tpu.vector_load %arg8[%get3A_1652, %get3A_1653] {strides = array<i32>} : memref<400x64xf32, #tpu.memory_space<vmem>>, vector<1x16xf32>,
      %get3A_1655 = vector.shape_cast %get3A_1654 : vector<1x16xf32> to vector<16xf32>
      %max3A_1656 = arith.maximumf %max3A_1634, %get3A_1655 : vector<16xf32>
      %get3A_1657 = arith.index_cast %scan3A_1651 : i32 to index
      %get3A_1658 = arith.constant 16 : index
      %get3A_1659 = tpu.vector_load %arg8[%get3A_1657, %get3A_1658] {strides = array<i32>} : memref<400x64xf32, #tpu.memory_space<vmem>>, vector<1x16xf32>,
      %get3A_1660 = vector.shape_cast %get3A_1659 : vector<1x16xf32> to vector<16xf32>
      %max3A_1661 = arith.maximumf %max3A_1639, %get3A_1660 : vector<16xf32>
      %get3A_1662 = arith.index_cast %scan3A_1651 : i32 to index
      %get3A_1663 = arith.constant 32 : index
      %get3A_1664 = tpu.vector_load %arg8[%get3A_1662, %get3A_1663] {strides = array<i32>} : memref<400x64xf32, #tpu.memory_space<vmem>>, vector<1x16xf32>,
      %get3A_1665 = vector.shape_cast %get3A_1664 : vector<1x16xf32> to vector<16xf32>
      %max3A_1666 = arith.maximumf %max3A_1644, %get3A_1665 : vector<16xf32>
      %get3A_1667 = arith.index_cast %scan3A_1651 : i32 to index
      %get3A_1668 = arith.constant 48 : index
      %get3A_1669 = tpu.vector_load %arg8[%get3A_1667, %get3A_1668] {strides = array<i32>} : memref<400x64xf32, #tpu.memory_space<vmem>>, vector<1x16xf32>,
      %get3A_1670 = vector.shape_cast %get3A_1669 : vector<1x16xf32> to vector<16xf32>
      %max3A_1671 = arith.maximumf %max3A_1649, %get3A_1670 : vector<16xf32>
      %scan3A_1672 = arith.constant 198 : i32
      %scan3A_1673 = arith.addi %scan3A_1535, %scan3A_1672 : i32
      %get3A_1674 = arith.index_cast %scan3A_1673 : i32 to index
      %get3A_1675 = arith.constant 0 : index
      %get3A_1676 = tpu.vector_load %arg8[%get3A_1674, %get3A_1675] {strides = array<i32>} : memref<400x64xf32, #tpu.memory_space<vmem>>, vector<1x16xf32>,
      %get3A_1677 = vector.shape_cast %get3A_1676 : vector<1x16xf32> to vector<16xf32>
      %max3A_1678 = arith.maximumf %max3A_1656, %get3A_1677 : vector<16xf32>
      %get3A_1679 = arith.index_cast %scan3A_1673 : i32 to index
      %get3A_1680 = arith.constant 16 : index
      %get3A_1681 = tpu.vector_load %arg8[%get3A_1679, %get3A_1680] {strides = array<i32>} : memref<400x64xf32, #tpu.memory_space<vmem>>, vector<1x16xf32>,
      %get3A_1682 = vector.shape_cast %get3A_1681 : vector<1x16xf32> to vector<16xf32>
      %max3A_1683 = arith.maximumf %max3A_1661, %get3A_1682 : vector<16xf32>
      %get3A_1684 = arith.index_cast %scan3A_1673 : i32 to index
      %get3A_1685 = arith.constant 32 : index
      %get3A_1686 = tpu.vector_load %arg8[%get3A_1684, %get3A_1685] {strides = array<i32>} : memref<400x64xf32, #tpu.memory_space<vmem>>, vector<1x16xf32>,
      %get3A_1687 = vector.shape_cast %get3A_1686 : vector<1x16xf32> to vector<16xf32>
      %max3A_1688 = arith.maximumf %max3A_1666, %get3A_1687 : vector<16xf32>
      %get3A_1689 = arith.index_cast %scan3A_1673 : i32 to index
      %get3A_1690 = arith.constant 48 : index
      %get3A_1691 = tpu.vector_load %arg8[%get3A_1689, %get3A_1690] {strides = array<i32>} : memref<400x64xf32, #tpu.memory_space<vmem>>, vector<1x16xf32>,
      %get3A_1692 = vector.shape_cast %get3A_1691 : vector<1x16xf32> to vector<16xf32>
      %max3A_1693 = arith.maximumf %max3A_1671, %get3A_1692 : vector<16xf32>
      %scan3A_1694 = arith.constant 199 : i32
      %swap3A_1695 = arith.index_cast %add3A_1514 : i32 to index
      %swap3A_1696 = arith.constant 0 : index
      %swap3A_1697 = tpu.vector_load %arg9[%swap3A_1695, %swap3A_1696] {strides = array<i32>} : memref<128x64xf32, #tpu.memory_space<vmem>>, vector<1x16xf32>,
      %swap3A_1698 = vector.shape_cast %swap3A_1697 : vector<1x16xf32> to vector<16xf32>
      %swap3A_1699 = vector.shape_cast %max3A_1678 : vector<16xf32> to vector<1x16xf32>
      tpu.vector_store %arg9[%swap3A_1695, %swap3A_1696], %swap3A_1699 {strides = array<i32>} : memref<128x64xf32, #tpu.memory_space<vmem>>, vector<1x16xf32>,
      %swap3A_1700 = arith.index_cast %add3A_1514 : i32 to index
      %swap3A_1701 = arith.constant 16 : index
      %swap3A_1702 = tpu.vector_load %arg9[%swap3A_1700, %swap3A_1701] {strides = array<i32>} : memref<128x64xf32, #tpu.memory_space<vmem>>, vector<1x16xf32>,
      %swap3A_1703 = vector.shape_cast %swap3A_1702 : vector<1x16xf32> to vector<16xf32>
      %swap3A_1704 = vector.shape_cast %max3A_1683 : vector<16xf32> to vector<1x16xf32>
      tpu.vector_store %arg9[%swap3A_1700, %swap3A_1701], %swap3A_1704 {strides = array<i32>} : memref<128x64xf32, #tpu.memory_space<vmem>>, vector<1x16xf32>,
      %swap3A_1705 = arith.index_cast %add3A_1514 : i32 to index
      %swap3A_1706 = arith.constant 32 : index
      %swap3A_1707 = tpu.vector_load %arg9[%swap3A_1705, %swap3A_1706] {strides = array<i32>} : memref<128x64xf32, #tpu.memory_space<vmem>>, vector<1x16xf32>,
      %swap3A_1708 = vector.shape_cast %swap3A_1707 : vector<1x16xf32> to vector<16xf32>
      %swap3A_1709 = vector.shape_cast %max3A_1688 : vector<16xf32> to vector<1x16xf32>
      tpu.vector_store %arg9[%swap3A_1705, %swap3A_1706], %swap3A_1709 {strides = array<i32>} : memref<128x64xf32, #tpu.memory_space<vmem>>, vector<1x16xf32>,
      %swap3A_1710 = arith.index_cast %add3A_1514 : i32 to index
      %swap3A_1711 = arith.constant 48 : index
      %swap3A_1712 = tpu.vector_load %arg9[%swap3A_1710, %swap3A_1711] {strides = array<i32>} : memref<128x64xf32, #tpu.memory_space<vmem>>, vector<1x16xf32>,
      %swap3A_1713 = vector.shape_cast %swap3A_1712 : vector<1x16xf32> to vector<16xf32>
      %swap3A_1714 = vector.shape_cast %max3A_1693 : vector<16xf32> to vector<1x16xf32>
      tpu.vector_store %arg9[%swap3A_1710, %swap3A_1711], %swap3A_1714 {strides = array<i32>} : memref<128x64xf32, #tpu.memory_space<vmem>>, vector<1x16xf32>,
      %scan3A_1715 = arith.constant 0 : i32
      scf.yield %scan3A_1715 : i32
    }
    %scan3A_23 = arith.constant 21 : i32
    %dma_wait3A = arith.constant 0 : i32
    %dma_wait3A_24 = arith.constant 0 : i32
    %dma_wait3A_25 = tpu.memref_slice %arg3[%dma_wait3A, %dma_wait3A_24] : memref<1000000x64xf32, #tpu.memory_space<hbm>> -> memref<400x64xf32, #tpu.memory_space<hbm>>
    %dma_wait3A_26 = arith.constant 0 : i32
    %dma_wait3A_27 = arith.constant 0 : i32
    %dma_wait3A_28 = tpu.memref_slice %arg3[%dma_wait3A_26, %dma_wait3A_27] : memref<1000000x64xf32, #tpu.memory_space<hbm>> -> memref<400x64xf32, #tpu.memory_space<hbm>>
    tpu.wait_dma2 semaphore(%arg10 : memref<!tpu.dma_semaphore, #tpu.memory_space<semaphore_mem>>) src(%dma_wait3A_28 : memref<400x64xf32, #tpu.memory_space<hbm>>) dst(%arg6 : memref<400x64xf32, #tpu.memory_space<vmem>>)
    %get3A = arith.constant 0 : i32
    %get3A_29 = arith.index_cast %get3A : i32 to index
    %get3A_30 = arith.constant 0 : index
    %get3A_31 = tpu.vector_load %arg6[%get3A_29, %get3A_30] {strides = array<i32>} : memref<400x64xf32, #tpu.memory_space<vmem>>, vector<1x16xf32>,
    %get3A_32 = vector.shape_cast %get3A_31 : vector<1x16xf32> to vector<16xf32>
    %get3A_33 = arith.constant 0 : i32
    %get3A_34 = arith.index_cast %get3A_33 : i32 to index
    %get3A_35 = arith.constant 16 : index
    %get3A_36 = tpu.vector_load %arg6[%get3A_34, %get3A_35] {strides = array<i32>} : memref<400x64xf32, #tpu.memory_space<vmem>>, vector<1x16xf32>,
    %get3A_37 = vector.shape_cast %get3A_36 : vector<1x16xf32> to vector<16xf32>
    %get3A_38 = arith.constant 0 : i32
    %get3A_39 = arith.index_cast %get3A_38 : i32 to index
    %get3A_40 = arith.constant 32 : index
    %get3A_41 = tpu.vector_load %arg6[%get3A_39, %get3A_40] {strides = array<i32>} : memref<400x64xf32, #tpu.memory_space<vmem>>, vector<1x16xf32>,
    %get3A_42 = vector.shape_cast %get3A_41 : vector<1x16xf32> to vector<16xf32>
    %get3A_43 = arith.constant 0 : i32
    %get3A_44 = arith.index_cast %get3A_43 : i32 to index
    %get3A_45 = arith.constant 48 : index
    %get3A_46 = tpu.vector_load %arg6[%get3A_44, %get3A_45] {strides = array<i32>} : memref<400x64xf32, #tpu.memory_space<vmem>>, vector<1x16xf32>,
    %get3A_47 = vector.shape_cast %get3A_46 : vector<1x16xf32> to vector<16xf32>
    %scan3A_48 = arith.constant 1 : i32
    %scan3A_49 = arith.constant 192 : i32
    %scan3A_50 = arith.addi %scan3A_48, %scan3A_49 : i32
    %scan3A_51 = arith.constant 8 : i32
    %scan3A_52:4 = scf.for %scan3A_434 = %scan3A_48 to %scan3A_50 step %scan3A_51 iter_args(%scan3A_435 = %get3A_32, %scan3A_436 = %get3A_37, %scan3A_437 = %get3A_42, %scan3A_438 = %get3A_47) -> (vector<16xf32>, vector<16xf32>, vector<16xf32>, vector<16xf32>)  : i32 {
      %get3A_439 = arith.index_cast %scan3A_434 : i32 to index
      %get3A_440 = arith.constant 0 : index
      %get3A_441 = tpu.vector_load %arg6[%get3A_439, %get3A_440] {strides = array<i32>} : memref<400x64xf32, #tpu.memory_space<vmem>>, vector<1x16xf32>,
      %get3A_442 = vector.shape_cast %get3A_441 : vector<1x16xf32> to vector<16xf32>
      %max3A_443 = arith.maximumf %scan3A_435, %get3A_442 : vector<16xf32>
      %get3A_444 = arith.index_cast %scan3A_434 : i32 to index
      %get3A_445 = arith.constant 16 : index
      %get3A_446 = tpu.vector_load %arg6[%get3A_444, %get3A_445] {strides = array<i32>} : memref<400x64xf32, #tpu.memory_space<vmem>>, vector<1x16xf32>,
      %get3A_447 = vector.shape_cast %get3A_446 : vector<1x16xf32> to vector<16xf32>
      %max3A_448 = arith.maximumf %scan3A_436, %get3A_447 : vector<16xf32>
      %get3A_449 = arith.index_cast %scan3A_434 : i32 to index
      %get3A_450 = arith.constant 32 : index
      %get3A_451 = tpu.vector_load %arg6[%get3A_449, %get3A_450] {strides = array<i32>} : memref<400x64xf32, #tpu.memory_space<vmem>>, vector<1x16xf32>,
      %get3A_452 = vector.shape_cast %get3A_451 : vector<1x16xf32> to vector<16xf32>
      %max3A_453 = arith.maximumf %scan3A_437, %get3A_452 : vector<16xf32>
      %get3A_454 = arith.index_cast %scan3A_434 : i32 to index
      %get3A_455 = arith.constant 48 : index
      %get3A_456 = tpu.vector_load %arg6[%get3A_454, %get3A_455] {strides = array<i32>} : memref<400x64xf32, #tpu.memory_space<vmem>>, vector<1x16xf32>,
      %get3A_457 = vector.shape_cast %get3A_456 : vector<1x16xf32> to vector<16xf32>
      %max3A_458 = arith.maximumf %scan3A_438, %get3A_457 : vector<16xf32>
      %scan3A_459 = arith.constant 1 : i32
      %scan3A_460 = arith.addi %scan3A_434, %scan3A_459 : i32
      %get3A_461 = arith.index_cast %scan3A_460 : i32 to index
      %get3A_462 = arith.constant 0 : index
      %get3A_463 = tpu.vector_load %arg6[%get3A_461, %get3A_462] {strides = array<i32>} : memref<400x64xf32, #tpu.memory_space<vmem>>, vector<1x16xf32>,
      %get3A_464 = vector.shape_cast %get3A_463 : vector<1x16xf32> to vector<16xf32>
      %max3A_465 = arith.maximumf %max3A_443, %get3A_464 : vector<16xf32>
      %get3A_466 = arith.index_cast %scan3A_460 : i32 to index
      %get3A_467 = arith.constant 16 : index
      %get3A_468 = tpu.vector_load %arg6[%get3A_466, %get3A_467] {strides = array<i32>} : memref<400x64xf32, #tpu.memory_space<vmem>>, vector<1x16xf32>,
      %get3A_469 = vector.shape_cast %get3A_468 : vector<1x16xf32> to vector<16xf32>
      %max3A_470 = arith.maximumf %max3A_448, %get3A_469 : vector<16xf32>
      %get3A_471 = arith.index_cast %scan3A_460 : i32 to index
      %get3A_472 = arith.constant 32 : index
      %get3A_473 = tpu.vector_load %arg6[%get3A_471, %get3A_472] {strides = array<i32>} : memref<400x64xf32, #tpu.memory_space<vmem>>, vector<1x16xf32>,
      %get3A_474 = vector.shape_cast %get3A_473 : vector<1x16xf32> to vector<16xf32>
      %max3A_475 = arith.maximumf %max3A_453, %get3A_474 : vector<16xf32>
      %get3A_476 = arith.index_cast %scan3A_460 : i32 to index
      %get3A_477 = arith.constant 48 : index
      %get3A_478 = tpu.vector_load %arg6[%get3A_476, %get3A_477] {strides = array<i32>} : memref<400x64xf32, #tpu.memory_space<vmem>>, vector<1x16xf32>,
      %get3A_479 = vector.shape_cast %get3A_478 : vector<1x16xf32> to vector<16xf32>
      %max3A_480 = arith.maximumf %max3A_458, %get3A_479 : vector<16xf32>
      %scan3A_481 = arith.constant 2 : i32
      %scan3A_482 = arith.addi %scan3A_434, %scan3A_481 : i32
      %get3A_483 = arith.index_cast %scan3A_482 : i32 to index
      %get3A_484 = arith.constant 0 : index
      %get3A_485 = tpu.vector_load %arg6[%get3A_483, %get3A_484] {strides = array<i32>} : memref<400x64xf32, #tpu.memory_space<vmem>>, vector<1x16xf32>,
      %get3A_486 = vector.shape_cast %get3A_485 : vector<1x16xf32> to vector<16xf32>
      %max3A_487 = arith.maximumf %max3A_465, %get3A_486 : vector<16xf32>
      %get3A_488 = arith.index_cast %scan3A_482 : i32 to index
      %get3A_489 = arith.constant 16 : index
      %get3A_490 = tpu.vector_load %arg6[%get3A_488, %get3A_489] {strides = array<i32>} : memref<400x64xf32, #tpu.memory_space<vmem>>, vector<1x16xf32>,
      %get3A_491 = vector.shape_cast %get3A_490 : vector<1x16xf32> to vector<16xf32>
      %max3A_492 = arith.maximumf %max3A_470, %get3A_491 : vector<16xf32>
      %get3A_493 = arith.index_cast %scan3A_482 : i32 to index
      %get3A_494 = arith.constant 32 : index
      %get3A_495 = tpu.vector_load %arg6[%get3A_493, %get3A_494] {strides = array<i32>} : memref<400x64xf32, #tpu.memory_space<vmem>>, vector<1x16xf32>,
      %get3A_496 = vector.shape_cast %get3A_495 : vector<1x16xf32> to vector<16xf32>
      %max3A_497 = arith.maximumf %max3A_475, %get3A_496 : vector<16xf32>
      %get3A_498 = arith.index_cast %scan3A_482 : i32 to index
      %get3A_499 = arith.constant 48 : index
      %get3A_500 = tpu.vector_load %arg6[%get3A_498, %get3A_499] {strides = array<i32>} : memref<400x64xf32, #tpu.memory_space<vmem>>, vector<1x16xf32>,
      %get3A_501 = vector.shape_cast %get3A_500 : vector<1x16xf32> to vector<16xf32>
      %max3A_502 = arith.maximumf %max3A_480, %get3A_501 : vector<16xf32>
      %scan3A_503 = arith.constant 3 : i32
      %scan3A_504 = arith.addi %scan3A_434, %scan3A_503 : i32
      %get3A_505 = arith.index_cast %scan3A_504 : i32 to index
      %get3A_506 = arith.constant 0 : index
      %get3A_507 = tpu.vector_load %arg6[%get3A_505, %get3A_506] {strides = array<i32>} : memref<400x64xf32, #tpu.memory_space<vmem>>, vector<1x16xf32>,
      %get3A_508 = vector.shape_cast %get3A_507 : vector<1x16xf32> to vector<16xf32>
      %max3A_509 = arith.maximumf %max3A_487, %get3A_508 : vector<16xf32>
      %get3A_510 = arith.index_cast %scan3A_504 : i32 to index
      %get3A_511 = arith.constant 16 : index
      %get3A_512 = tpu.vector_load %arg6[%get3A_510, %get3A_511] {strides = array<i32>} : memref<400x64xf32, #tpu.memory_space<vmem>>, vector<1x16xf32>,
      %get3A_513 = vector.shape_cast %get3A_512 : vector<1x16xf32> to vector<16xf32>
      %max3A_514 = arith.maximumf %max3A_492, %get3A_513 : vector<16xf32>
      %get3A_515 = arith.index_cast %scan3A_504 : i32 to index
      %get3A_516 = arith.constant 32 : index
      %get3A_517 = tpu.vector_load %arg6[%get3A_515, %get3A_516] {strides = array<i32>} : memref<400x64xf32, #tpu.memory_space<vmem>>, vector<1x16xf32>,
      %get3A_518 = vector.shape_cast %get3A_517 : vector<1x16xf32> to vector<16xf32>
      %max3A_519 = arith.maximumf %max3A_497, %get3A_518 : vector<16xf32>
      %get3A_520 = arith.index_cast %scan3A_504 : i32 to index
      %get3A_521 = arith.constant 48 : index
      %get3A_522 = tpu.vector_load %arg6[%get3A_520, %get3A_521] {strides = array<i32>} : memref<400x64xf32, #tpu.memory_space<vmem>>, vector<1x16xf32>,
      %get3A_523 = vector.shape_cast %get3A_522 : vector<1x16xf32> to vector<16xf32>
      %max3A_524 = arith.maximumf %max3A_502, %get3A_523 : vector<16xf32>
      %scan3A_525 = arith.constant 4 : i32
      %scan3A_526 = arith.addi %scan3A_434, %scan3A_525 : i32
      %get3A_527 = arith.index_cast %scan3A_526 : i32 to index
      %get3A_528 = arith.constant 0 : index
      %get3A_529 = tpu.vector_load %arg6[%get3A_527, %get3A_528] {strides = array<i32>} : memref<400x64xf32, #tpu.memory_space<vmem>>, vector<1x16xf32>,
      %get3A_530 = vector.shape_cast %get3A_529 : vector<1x16xf32> to vector<16xf32>
      %max3A_531 = arith.maximumf %max3A_509, %get3A_530 : vector<16xf32>
      %get3A_532 = arith.index_cast %scan3A_526 : i32 to index
      %get3A_533 = arith.constant 16 : index
      %get3A_534 = tpu.vector_load %arg6[%get3A_532, %get3A_533] {strides = array<i32>} : memref<400x64xf32, #tpu.memory_space<vmem>>, vector<1x16xf32>,
      %get3A_535 = vector.shape_cast %get3A_534 : vector<1x16xf32> to vector<16xf32>
      %max3A_536 = arith.maximumf %max3A_514, %get3A_535 : vector<16xf32>
      %get3A_537 = arith.index_cast %scan3A_526 : i32 to index
      %get3A_538 = arith.constant 32 : index
      %get3A_539 = tpu.vector_load %arg6[%get3A_537, %get3A_538] {strides = array<i32>} : memref<400x64xf32, #tpu.memory_space<vmem>>, vector<1x16xf32>,
      %get3A_540 = vector.shape_cast %get3A_539 : vector<1x16xf32> to vector<16xf32>
      %max3A_541 = arith.maximumf %max3A_519, %get3A_540 : vector<16xf32>
      %get3A_542 = arith.index_cast %scan3A_526 : i32 to index
      %get3A_543 = arith.constant 48 : index
      %get3A_544 = tpu.vector_load %arg6[%get3A_542, %get3A_543] {strides = array<i32>} : memref<400x64xf32, #tpu.memory_space<vmem>>, vector<1x16xf32>,
      %get3A_545 = vector.shape_cast %get3A_544 : vector<1x16xf32> to vector<16xf32>
      %max3A_546 = arith.maximumf %max3A_524, %get3A_545 : vector<16xf32>
      %scan3A_547 = arith.constant 5 : i32
      %scan3A_548 = arith.addi %scan3A_434, %scan3A_547 : i32
      %get3A_549 = arith.index_cast %scan3A_548 : i32 to index
      %get3A_550 = arith.constant 0 : index
      %get3A_551 = tpu.vector_load %arg6[%get3A_549, %get3A_550] {strides = array<i32>} : memref<400x64xf32, #tpu.memory_space<vmem>>, vector<1x16xf32>,
      %get3A_552 = vector.shape_cast %get3A_551 : vector<1x16xf32> to vector<16xf32>
      %max3A_553 = arith.maximumf %max3A_531, %get3A_552 : vector<16xf32>
      %get3A_554 = arith.index_cast %scan3A_548 : i32 to index
      %get3A_555 = arith.constant 16 : index
      %get3A_556 = tpu.vector_load %arg6[%get3A_554, %get3A_555] {strides = array<i32>} : memref<400x64xf32, #tpu.memory_space<vmem>>, vector<1x16xf32>,
      %get3A_557 = vector.shape_cast %get3A_556 : vector<1x16xf32> to vector<16xf32>
      %max3A_558 = arith.maximumf %max3A_536, %get3A_557 : vector<16xf32>
      %get3A_559 = arith.index_cast %scan3A_548 : i32 to index
      %get3A_560 = arith.constant 32 : index
      %get3A_561 = tpu.vector_load %arg6[%get3A_559, %get3A_560] {strides = array<i32>} : memref<400x64xf32, #tpu.memory_space<vmem>>, vector<1x16xf32>,
      %get3A_562 = vector.shape_cast %get3A_561 : vector<1x16xf32> to vector<16xf32>
      %max3A_563 = arith.maximumf %max3A_541, %get3A_562 : vector<16xf32>
      %get3A_564 = arith.index_cast %scan3A_548 : i32 to index
      %get3A_565 = arith.constant 48 : index
      %get3A_566 = tpu.vector_load %arg6[%get3A_564, %get3A_565] {strides = array<i32>} : memref<400x64xf32, #tpu.memory_space<vmem>>, vector<1x16xf32>,
      %get3A_567 = vector.shape_cast %get3A_566 : vector<1x16xf32> to vector<16xf32>
      %max3A_568 = arith.maximumf %max3A_546, %get3A_567 : vector<16xf32>
      %scan3A_569 = arith.constant 6 : i32
      %scan3A_570 = arith.addi %scan3A_434, %scan3A_569 : i32
      %get3A_571 = arith.index_cast %scan3A_570 : i32 to index
      %get3A_572 = arith.constant 0 : index
      %get3A_573 = tpu.vector_load %arg6[%get3A_571, %get3A_572] {strides = array<i32>} : memref<400x64xf32, #tpu.memory_space<vmem>>, vector<1x16xf32>,
      %get3A_574 = vector.shape_cast %get3A_573 : vector<1x16xf32> to vector<16xf32>
      %max3A_575 = arith.maximumf %max3A_553, %get3A_574 : vector<16xf32>
      %get3A_576 = arith.index_cast %scan3A_570 : i32 to index
      %get3A_577 = arith.constant 16 : index
      %get3A_578 = tpu.vector_load %arg6[%get3A_576, %get3A_577] {strides = array<i32>} : memref<400x64xf32, #tpu.memory_space<vmem>>, vector<1x16xf32>,
      %get3A_579 = vector.shape_cast %get3A_578 : vector<1x16xf32> to vector<16xf32>
      %max3A_580 = arith.maximumf %max3A_558, %get3A_579 : vector<16xf32>
      %get3A_581 = arith.index_cast %scan3A_570 : i32 to index
      %get3A_582 = arith.constant 32 : index
      %get3A_583 = tpu.vector_load %arg6[%get3A_581, %get3A_582] {strides = array<i32>} : memref<400x64xf32, #tpu.memory_space<vmem>>, vector<1x16xf32>,
      %get3A_584 = vector.shape_cast %get3A_583 : vector<1x16xf32> to vector<16xf32>
      %max3A_585 = arith.maximumf %max3A_563, %get3A_584 : vector<16xf32>
      %get3A_586 = arith.index_cast %scan3A_570 : i32 to index
      %get3A_587 = arith.constant 48 : index
      %get3A_588 = tpu.vector_load %arg6[%get3A_586, %get3A_587] {strides = array<i32>} : memref<400x64xf32, #tpu.memory_space<vmem>>, vector<1x16xf32>,
      %get3A_589 = vector.shape_cast %get3A_588 : vector<1x16xf32> to vector<16xf32>
      %max3A_590 = arith.maximumf %max3A_568, %get3A_589 : vector<16xf32>
      %scan3A_591 = arith.constant 7 : i32
      %scan3A_592 = arith.addi %scan3A_434, %scan3A_591 : i32
      %get3A_593 = arith.index_cast %scan3A_592 : i32 to index
      %get3A_594 = arith.constant 0 : index
      %get3A_595 = tpu.vector_load %arg6[%get3A_593, %get3A_594] {strides = array<i32>} : memref<400x64xf32, #tpu.memory_space<vmem>>, vector<1x16xf32>,
      %get3A_596 = vector.shape_cast %get3A_595 : vector<1x16xf32> to vector<16xf32>
      %max3A_597 = arith.maximumf %max3A_575, %get3A_596 : vector<16xf32>
      %get3A_598 = arith.index_cast %scan3A_592 : i32 to index
      %get3A_599 = arith.constant 16 : index
      %get3A_600 = tpu.vector_load %arg6[%get3A_598, %get3A_599] {strides = array<i32>} : memref<400x64xf32, #tpu.memory_space<vmem>>, vector<1x16xf32>,
      %get3A_601 = vector.shape_cast %get3A_600 : vector<1x16xf32> to vector<16xf32>
      %max3A_602 = arith.maximumf %max3A_580, %get3A_601 : vector<16xf32>
      %get3A_603 = arith.index_cast %scan3A_592 : i32 to index
      %get3A_604 = arith.constant 32 : index
      %get3A_605 = tpu.vector_load %arg6[%get3A_603, %get3A_604] {strides = array<i32>} : memref<400x64xf32, #tpu.memory_space<vmem>>, vector<1x16xf32>,
      %get3A_606 = vector.shape_cast %get3A_605 : vector<1x16xf32> to vector<16xf32>
      %max3A_607 = arith.maximumf %max3A_585, %get3A_606 : vector<16xf32>
      %get3A_608 = arith.index_cast %scan3A_592 : i32 to index
      %get3A_609 = arith.constant 48 : index
      %get3A_610 = tpu.vector_load %arg6[%get3A_608, %get3A_609] {strides = array<i32>} : memref<400x64xf32, #tpu.memory_space<vmem>>, vector<1x16xf32>,
      %get3A_611 = vector.shape_cast %get3A_610 : vector<1x16xf32> to vector<16xf32>
      %max3A_612 = arith.maximumf %max3A_590, %get3A_611 : vector<16xf32>
      scf.yield %max3A_597, %max3A_602, %max3A_607, %max3A_612 : vector<16xf32>, vector<16xf32>, vector<16xf32>, vector<16xf32>
    }
    %scan3A_53 = arith.constant 192 : i32
    %scan3A_54 = arith.addi %scan3A_48, %scan3A_53 : i32
    %get3A_55 = arith.index_cast %scan3A_54 : i32 to index
    %get3A_56 = arith.constant 0 : index
    %get3A_57 = tpu.vector_load %arg6[%get3A_55, %get3A_56] {strides = array<i32>} : memref<400x64xf32, #tpu.memory_space<vmem>>, vector<1x16xf32>,
    %get3A_58 = vector.shape_cast %get3A_57 : vector<1x16xf32> to vector<16xf32>
    %max3A = arith.maximumf %scan3A_52#0, %get3A_58 : vector<16xf32>
    %get3A_59 = arith.index_cast %scan3A_54 : i32 to index
    %get3A_60 = arith.constant 16 : index
    %get3A_61 = tpu.vector_load %arg6[%get3A_59, %get3A_60] {strides = array<i32>} : memref<400x64xf32, #tpu.memory_space<vmem>>, vector<1x16xf32>,
    %get3A_62 = vector.shape_cast %get3A_61 : vector<1x16xf32> to vector<16xf32>
    %max3A_63 = arith.maximumf %scan3A_52#1, %get3A_62 : vector<16xf32>
    %get3A_64 = arith.index_cast %scan3A_54 : i32 to index
    %get3A_65 = arith.constant 32 : index
    %get3A_66 = tpu.vector_load %arg6[%get3A_64, %get3A_65] {strides = array<i32>} : memref<400x64xf32, #tpu.memory_space<vmem>>, vector<1x16xf32>,
    %get3A_67 = vector.shape_cast %get3A_66 : vector<1x16xf32> to vector<16xf32>
    %max3A_68 = arith.maximumf %scan3A_52#2, %get3A_67 : vector<16xf32>
    %get3A_69 = arith.index_cast %scan3A_54 : i32 to index
    %get3A_70 = arith.constant 48 : index
    %get3A_71 = tpu.vector_load %arg6[%get3A_69, %get3A_70] {strides = array<i32>} : memref<400x64xf32, #tpu.memory_space<vmem>>, vector<1x16xf32>,
    %get3A_72 = vector.shape_cast %get3A_71 : vector<1x16xf32> to vector<16xf32>
    %max3A_73 = arith.maximumf %scan3A_52#3, %get3A_72 : vector<16xf32>
    %scan3A_74 = arith.constant 193 : i32
    %scan3A_75 = arith.addi %scan3A_48, %scan3A_74 : i32
    %get3A_76 = arith.index_cast %scan3A_75 : i32 to index
    %get3A_77 = arith.constant 0 : index
    %get3A_78 = tpu.vector_load %arg6[%get3A_76, %get3A_77] {strides = array<i32>} : memref<400x64xf32, #tpu.memory_space<vmem>>, vector<1x16xf32>,
    %get3A_79 = vector.shape_cast %get3A_78 : vector<1x16xf32> to vector<16xf32>
    %max3A_80 = arith.maximumf %max3A, %get3A_79 : vector<16xf32>
    %get3A_81 = arith.index_cast %scan3A_75 : i32 to index
    %get3A_82 = arith.constant 16 : index
    %get3A_83 = tpu.vector_load %arg6[%get3A_81, %get3A_82] {strides = array<i32>} : memref<400x64xf32, #tpu.memory_space<vmem>>, vector<1x16xf32>,
    %get3A_84 = vector.shape_cast %get3A_83 : vector<1x16xf32> to vector<16xf32>
    %max3A_85 = arith.maximumf %max3A_63, %get3A_84 : vector<16xf32>
    %get3A_86 = arith.index_cast %scan3A_75 : i32 to index
    %get3A_87 = arith.constant 32 : index
    %get3A_88 = tpu.vector_load %arg6[%get3A_86, %get3A_87] {strides = array<i32>} : memref<400x64xf32, #tpu.memory_space<vmem>>, vector<1x16xf32>,
    %get3A_89 = vector.shape_cast %get3A_88 : vector<1x16xf32> to vector<16xf32>
    %max3A_90 = arith.maximumf %max3A_68, %get3A_89 : vector<16xf32>
    %get3A_91 = arith.index_cast %scan3A_75 : i32 to index
    %get3A_92 = arith.constant 48 : index
    %get3A_93 = tpu.vector_load %arg6[%get3A_91, %get3A_92] {strides = array<i32>} : memref<400x64xf32, #tpu.memory_space<vmem>>, vector<1x16xf32>,
    %get3A_94 = vector.shape_cast %get3A_93 : vector<1x16xf32> to vector<16xf32>
    %max3A_95 = arith.maximumf %max3A_73, %get3A_94 : vector<16xf32>
    %scan3A_96 = arith.constant 194 : i32
    %scan3A_97 = arith.addi %scan3A_48, %scan3A_96 : i32
    %get3A_98 = arith.index_cast %scan3A_97 : i32 to index
    %get3A_99 = arith.constant 0 : index
    %get3A_100 = tpu.vector_load %arg6[%get3A_98, %get3A_99] {strides = array<i32>} : memref<400x64xf32, #tpu.memory_space<vmem>>, vector<1x16xf32>,
    %get3A_101 = vector.shape_cast %get3A_100 : vector<1x16xf32> to vector<16xf32>
    %max3A_102 = arith.maximumf %max3A_80, %get3A_101 : vector<16xf32>
    %get3A_103 = arith.index_cast %scan3A_97 : i32 to index
    %get3A_104 = arith.constant 16 : index
    %get3A_105 = tpu.vector_load %arg6[%get3A_103, %get3A_104] {strides = array<i32>} : memref<400x64xf32, #tpu.memory_space<vmem>>, vector<1x16xf32>,
    %get3A_106 = vector.shape_cast %get3A_105 : vector<1x16xf32> to vector<16xf32>
    %max3A_107 = arith.maximumf %max3A_85, %get3A_106 : vector<16xf32>
    %get3A_108 = arith.index_cast %scan3A_97 : i32 to index
    %get3A_109 = arith.constant 32 : index
    %get3A_110 = tpu.vector_load %arg6[%get3A_108, %get3A_109] {strides = array<i32>} : memref<400x64xf32, #tpu.memory_space<vmem>>, vector<1x16xf32>,
    %get3A_111 = vector.shape_cast %get3A_110 : vector<1x16xf32> to vector<16xf32>
    %max3A_112 = arith.maximumf %max3A_90, %get3A_111 : vector<16xf32>
    %get3A_113 = arith.index_cast %scan3A_97 : i32 to index
    %get3A_114 = arith.constant 48 : index
    %get3A_115 = tpu.vector_load %arg6[%get3A_113, %get3A_114] {strides = array<i32>} : memref<400x64xf32, #tpu.memory_space<vmem>>, vector<1x16xf32>,
    %get3A_116 = vector.shape_cast %get3A_115 : vector<1x16xf32> to vector<16xf32>
    %max3A_117 = arith.maximumf %max3A_95, %get3A_116 : vector<16xf32>
    %scan3A_118 = arith.constant 195 : i32
    %scan3A_119 = arith.addi %scan3A_48, %scan3A_118 : i32
    %get3A_120 = arith.index_cast %scan3A_119 : i32 to index
    %get3A_121 = arith.constant 0 : index
    %get3A_122 = tpu.vector_load %arg6[%get3A_120, %get3A_121] {strides = array<i32>} : memref<400x64xf32, #tpu.memory_space<vmem>>, vector<1x16xf32>,
    %get3A_123 = vector.shape_cast %get3A_122 : vector<1x16xf32> to vector<16xf32>
    %max3A_124 = arith.maximumf %max3A_102, %get3A_123 : vector<16xf32>
    %get3A_125 = arith.index_cast %scan3A_119 : i32 to index
    %get3A_126 = arith.constant 16 : index
    %get3A_127 = tpu.vector_load %arg6[%get3A_125, %get3A_126] {strides = array<i32>} : memref<400x64xf32, #tpu.memory_space<vmem>>, vector<1x16xf32>,
    %get3A_128 = vector.shape_cast %get3A_127 : vector<1x16xf32> to vector<16xf32>
    %max3A_129 = arith.maximumf %max3A_107, %get3A_128 : vector<16xf32>
    %get3A_130 = arith.index_cast %scan3A_119 : i32 to index
    %get3A_131 = arith.constant 32 : index
    %get3A_132 = tpu.vector_load %arg6[%get3A_130, %get3A_131] {strides = array<i32>} : memref<400x64xf32, #tpu.memory_space<vmem>>, vector<1x16xf32>,
    %get3A_133 = vector.shape_cast %get3A_132 : vector<1x16xf32> to vector<16xf32>
    %max3A_134 = arith.maximumf %max3A_112, %get3A_133 : vector<16xf32>
    %get3A_135 = arith.index_cast %scan3A_119 : i32 to index
    %get3A_136 = arith.constant 48 : index
    %get3A_137 = tpu.vector_load %arg6[%get3A_135, %get3A_136] {strides = array<i32>} : memref<400x64xf32, #tpu.memory_space<vmem>>, vector<1x16xf32>,
    %get3A_138 = vector.shape_cast %get3A_137 : vector<1x16xf32> to vector<16xf32>
    %max3A_139 = arith.maximumf %max3A_117, %get3A_138 : vector<16xf32>
    %scan3A_140 = arith.constant 196 : i32
    %scan3A_141 = arith.addi %scan3A_48, %scan3A_140 : i32
    %get3A_142 = arith.index_cast %scan3A_141 : i32 to index
    %get3A_143 = arith.constant 0 : index
    %get3A_144 = tpu.vector_load %arg6[%get3A_142, %get3A_143] {strides = array<i32>} : memref<400x64xf32, #tpu.memory_space<vmem>>, vector<1x16xf32>,
    %get3A_145 = vector.shape_cast %get3A_144 : vector<1x16xf32> to vector<16xf32>
    %max3A_146 = arith.maximumf %max3A_124, %get3A_145 : vector<16xf32>
    %get3A_147 = arith.index_cast %scan3A_141 : i32 to index
    %get3A_148 = arith.constant 16 : index
    %get3A_149 = tpu.vector_load %arg6[%get3A_147, %get3A_148] {strides = array<i32>} : memref<400x64xf32, #tpu.memory_space<vmem>>, vector<1x16xf32>,
    %get3A_150 = vector.shape_cast %get3A_149 : vector<1x16xf32> to vector<16xf32>
    %max3A_151 = arith.maximumf %max3A_129, %get3A_150 : vector<16xf32>
    %get3A_152 = arith.index_cast %scan3A_141 : i32 to index
    %get3A_153 = arith.constant 32 : index
    %get3A_154 = tpu.vector_load %arg6[%get3A_152, %get3A_153] {strides = array<i32>} : memref<400x64xf32, #tpu.memory_space<vmem>>, vector<1x16xf32>,
    %get3A_155 = vector.shape_cast %get3A_154 : vector<1x16xf32> to vector<16xf32>
    %max3A_156 = arith.maximumf %max3A_134, %get3A_155 : vector<16xf32>
    %get3A_157 = arith.index_cast %scan3A_141 : i32 to index
    %get3A_158 = arith.constant 48 : index
    %get3A_159 = tpu.vector_load %arg6[%get3A_157, %get3A_158] {strides = array<i32>} : memref<400x64xf32, #tpu.memory_space<vmem>>, vector<1x16xf32>,
    %get3A_160 = vector.shape_cast %get3A_159 : vector<1x16xf32> to vector<16xf32>
    %max3A_161 = arith.maximumf %max3A_139, %get3A_160 : vector<16xf32>
    %scan3A_162 = arith.constant 197 : i32
    %scan3A_163 = arith.addi %scan3A_48, %scan3A_162 : i32
    %get3A_164 = arith.index_cast %scan3A_163 : i32 to index
    %get3A_165 = arith.constant 0 : index
    %get3A_166 = tpu.vector_load %arg6[%get3A_164, %get3A_165] {strides = array<i32>} : memref<400x64xf32, #tpu.memory_space<vmem>>, vector<1x16xf32>,
    %get3A_167 = vector.shape_cast %get3A_166 : vector<1x16xf32> to vector<16xf32>
    %max3A_168 = arith.maximumf %max3A_146, %get3A_167 : vector<16xf32>
    %get3A_169 = arith.index_cast %scan3A_163 : i32 to index
    %get3A_170 = arith.constant 16 : index
    %get3A_171 = tpu.vector_load %arg6[%get3A_169, %get3A_170] {strides = array<i32>} : memref<400x64xf32, #tpu.memory_space<vmem>>, vector<1x16xf32>,
    %get3A_172 = vector.shape_cast %get3A_171 : vector<1x16xf32> to vector<16xf32>
    %max3A_173 = arith.maximumf %max3A_151, %get3A_172 : vector<16xf32>
    %get3A_174 = arith.index_cast %scan3A_163 : i32 to index
    %get3A_175 = arith.constant 32 : index
    %get3A_176 = tpu.vector_load %arg6[%get3A_174, %get3A_175] {strides = array<i32>} : memref<400x64xf32, #tpu.memory_space<vmem>>, vector<1x16xf32>,
    %get3A_177 = vector.shape_cast %get3A_176 : vector<1x16xf32> to vector<16xf32>
    %max3A_178 = arith.maximumf %max3A_156, %get3A_177 : vector<16xf32>
    %get3A_179 = arith.index_cast %scan3A_163 : i32 to index
    %get3A_180 = arith.constant 48 : index
    %get3A_181 = tpu.vector_load %arg6[%get3A_179, %get3A_180] {strides = array<i32>} : memref<400x64xf32, #tpu.memory_space<vmem>>, vector<1x16xf32>,
    %get3A_182 = vector.shape_cast %get3A_181 : vector<1x16xf32> to vector<16xf32>
    %max3A_183 = arith.maximumf %max3A_161, %get3A_182 : vector<16xf32>
    %scan3A_184 = arith.constant 198 : i32
    %scan3A_185 = arith.addi %scan3A_48, %scan3A_184 : i32
    %get3A_186 = arith.index_cast %scan3A_185 : i32 to index
    %get3A_187 = arith.constant 0 : index
    %get3A_188 = tpu.vector_load %arg6[%get3A_186, %get3A_187] {strides = array<i32>} : memref<400x64xf32, #tpu.memory_space<vmem>>, vector<1x16xf32>,
    %get3A_189 = vector.shape_cast %get3A_188 : vector<1x16xf32> to vector<16xf32>
    %max3A_190 = arith.maximumf %max3A_168, %get3A_189 : vector<16xf32>
    %get3A_191 = arith.index_cast %scan3A_185 : i32 to index
    %get3A_192 = arith.constant 16 : index
    %get3A_193 = tpu.vector_load %arg6[%get3A_191, %get3A_192] {strides = array<i32>} : memref<400x64xf32, #tpu.memory_space<vmem>>, vector<1x16xf32>,
    %get3A_194 = vector.shape_cast %get3A_193 : vector<1x16xf32> to vector<16xf32>
    %max3A_195 = arith.maximumf %max3A_173, %get3A_194 : vector<16xf32>
    %get3A_196 = arith.index_cast %scan3A_185 : i32 to index
    %get3A_197 = arith.constant 32 : index
    %get3A_198 = tpu.vector_load %arg6[%get3A_196, %get3A_197] {strides = array<i32>} : memref<400x64xf32, #tpu.memory_space<vmem>>, vector<1x16xf32>,
    %get3A_199 = vector.shape_cast %get3A_198 : vector<1x16xf32> to vector<16xf32>
    %max3A_200 = arith.maximumf %max3A_178, %get3A_199 : vector<16xf32>
    %get3A_201 = arith.index_cast %scan3A_185 : i32 to index
    %get3A_202 = arith.constant 48 : index
    %get3A_203 = tpu.vector_load %arg6[%get3A_201, %get3A_202] {strides = array<i32>} : memref<400x64xf32, #tpu.memory_space<vmem>>, vector<1x16xf32>,
    %get3A_204 = vector.shape_cast %get3A_203 : vector<1x16xf32> to vector<16xf32>
    %max3A_205 = arith.maximumf %max3A_183, %get3A_204 : vector<16xf32>
    %scan3A_206 = arith.constant 199 : i32
    %swap3A = arith.constant 126 : i32
    %swap3A_207 = arith.index_cast %swap3A : i32 to index
    %swap3A_208 = arith.constant 0 : index
    %swap3A_209 = tpu.vector_load %arg9[%swap3A_207, %swap3A_208] {strides = array<i32>} : memref<128x64xf32, #tpu.memory_space<vmem>>, vector<1x16xf32>,
    %swap3A_210 = vector.shape_cast %swap3A_209 : vector<1x16xf32> to vector<16xf32>
    %swap3A_211 = vector.shape_cast %max3A_190 : vector<16xf32> to vector<1x16xf32>
    tpu.vector_store %arg9[%swap3A_207, %swap3A_208], %swap3A_211 {strides = array<i32>} : memref<128x64xf32, #tpu.memory_space<vmem>>, vector<1x16xf32>,
    %swap3A_212 = arith.constant 126 : i32
    %swap3A_213 = arith.index_cast %swap3A_212 : i32 to index
    %swap3A_214 = arith.constant 16 : index
    %swap3A_215 = tpu.vector_load %arg9[%swap3A_213, %swap3A_214] {strides = array<i32>} : memref<128x64xf32, #tpu.memory_space<vmem>>, vector<1x16xf32>,
    %swap3A_216 = vector.shape_cast %swap3A_215 : vector<1x16xf32> to vector<16xf32>
    %swap3A_217 = vector.shape_cast %max3A_195 : vector<16xf32> to vector<1x16xf32>
    tpu.vector_store %arg9[%swap3A_213, %swap3A_214], %swap3A_217 {strides = array<i32>} : memref<128x64xf32, #tpu.memory_space<vmem>>, vector<1x16xf32>,
    %swap3A_218 = arith.constant 126 : i32
    %swap3A_219 = arith.index_cast %swap3A_218 : i32 to index
    %swap3A_220 = arith.constant 32 : index
    %swap3A_221 = tpu.vector_load %arg9[%swap3A_219, %swap3A_220] {strides = array<i32>} : memref<128x64xf32, #tpu.memory_space<vmem>>, vector<1x16xf32>,
    %swap3A_222 = vector.shape_cast %swap3A_221 : vector<1x16xf32> to vector<16xf32>
    %swap3A_223 = vector.shape_cast %max3A_200 : vector<16xf32> to vector<1x16xf32>
    tpu.vector_store %arg9[%swap3A_219, %swap3A_220], %swap3A_223 {strides = array<i32>} : memref<128x64xf32, #tpu.memory_space<vmem>>, vector<1x16xf32>,
    %swap3A_224 = arith.constant 126 : i32
    %swap3A_225 = arith.index_cast %swap3A_224 : i32 to index
    %swap3A_226 = arith.constant 48 : index
    %swap3A_227 = tpu.vector_load %arg9[%swap3A_225, %swap3A_226] {strides = array<i32>} : memref<128x64xf32, #tpu.memory_space<vmem>>, vector<1x16xf32>,
    %swap3A_228 = vector.shape_cast %swap3A_227 : vector<1x16xf32> to vector<16xf32>
    %swap3A_229 = vector.shape_cast %max3A_205 : vector<16xf32> to vector<1x16xf32>
    tpu.vector_store %arg9[%swap3A_225, %swap3A_226], %swap3A_229 {strides = array<i32>} : memref<128x64xf32, #tpu.memory_space<vmem>>, vector<1x16xf32>,
    %get3A_230 = arith.constant 200 : i32
    %get3A_231 = arith.index_cast %get3A_230 : i32 to index
    %get3A_232 = arith.constant 0 : index
    %get3A_233 = tpu.vector_load %arg6[%get3A_231, %get3A_232] {strides = array<i32>} : memref<400x64xf32, #tpu.memory_space<vmem>>, vector<1x16xf32>,
    %get3A_234 = vector.shape_cast %get3A_233 : vector<1x16xf32> to vector<16xf32>
    %get3A_235 = arith.constant 200 : i32
    %get3A_236 = arith.index_cast %get3A_235 : i32 to index
    %get3A_237 = arith.constant 16 : index
    %get3A_238 = tpu.vector_load %arg6[%get3A_236, %get3A_237] {strides = array<i32>} : memref<400x64xf32, #tpu.memory_space<vmem>>, vector<1x16xf32>,
    %get3A_239 = vector.shape_cast %get3A_238 : vector<1x16xf32> to vector<16xf32>
    %get3A_240 = arith.constant 200 : i32
    %get3A_241 = arith.index_cast %get3A_240 : i32 to index
    %get3A_242 = arith.constant 32 : index
    %get3A_243 = tpu.vector_load %arg6[%get3A_241, %get3A_242] {strides = array<i32>} : memref<400x64xf32, #tpu.memory_space<vmem>>, vector<1x16xf32>,
    %get3A_244 = vector.shape_cast %get3A_243 : vector<1x16xf32> to vector<16xf32>
    %get3A_245 = arith.constant 200 : i32
    %get3A_246 = arith.index_cast %get3A_245 : i32 to index
    %get3A_247 = arith.constant 48 : index
    %get3A_248 = tpu.vector_load %arg6[%get3A_246, %get3A_247] {strides = array<i32>} : memref<400x64xf32, #tpu.memory_space<vmem>>, vector<1x16xf32>,
    %get3A_249 = vector.shape_cast %get3A_248 : vector<1x16xf32> to vector<16xf32>
    %scan3A_250 = arith.constant 201 : i32
    %scan3A_251 = arith.constant 192 : i32
    %scan3A_252 = arith.addi %scan3A_250, %scan3A_251 : i32
    %scan3A_253 = arith.constant 8 : i32
    %scan3A_254:4 = scf.for %scan3A_434 = %scan3A_250 to %scan3A_252 step %scan3A_253 iter_args(%scan3A_435 = %get3A_234, %scan3A_436 = %get3A_239, %scan3A_437 = %get3A_244, %scan3A_438 = %get3A_249) -> (vector<16xf32>, vector<16xf32>, vector<16xf32>, vector<16xf32>)  : i32 {
      %get3A_439 = arith.index_cast %scan3A_434 : i32 to index
      %get3A_440 = arith.constant 0 : index
      %get3A_441 = tpu.vector_load %arg6[%get3A_439, %get3A_440] {strides = array<i32>} : memref<400x64xf32, #tpu.memory_space<vmem>>, vector<1x16xf32>,
      %get3A_442 = vector.shape_cast %get3A_441 : vector<1x16xf32> to vector<16xf32>
      %max3A_443 = arith.maximumf %scan3A_435, %get3A_442 : vector<16xf32>
      %get3A_444 = arith.index_cast %scan3A_434 : i32 to index
      %get3A_445 = arith.constant 16 : index
      %get3A_446 = tpu.vector_load %arg6[%get3A_444, %get3A_445] {strides = array<i32>} : memref<400x64xf32, #tpu.memory_space<vmem>>, vector<1x16xf32>,
      %get3A_447 = vector.shape_cast %get3A_446 : vector<1x16xf32> to vector<16xf32>
      %max3A_448 = arith.maximumf %scan3A_436, %get3A_447 : vector<16xf32>
      %get3A_449 = arith.index_cast %scan3A_434 : i32 to index
      %get3A_450 = arith.constant 32 : index
      %get3A_451 = tpu.vector_load %arg6[%get3A_449, %get3A_450] {strides = array<i32>} : memref<400x64xf32, #tpu.memory_space<vmem>>, vector<1x16xf32>,
      %get3A_452 = vector.shape_cast %get3A_451 : vector<1x16xf32> to vector<16xf32>
      %max3A_453 = arith.maximumf %scan3A_437, %get3A_452 : vector<16xf32>
      %get3A_454 = arith.index_cast %scan3A_434 : i32 to index
      %get3A_455 = arith.constant 48 : index
      %get3A_456 = tpu.vector_load %arg6[%get3A_454, %get3A_455] {strides = array<i32>} : memref<400x64xf32, #tpu.memory_space<vmem>>, vector<1x16xf32>,
      %get3A_457 = vector.shape_cast %get3A_456 : vector<1x16xf32> to vector<16xf32>
      %max3A_458 = arith.maximumf %scan3A_438, %get3A_457 : vector<16xf32>
      %scan3A_459 = arith.constant 1 : i32
      %scan3A_460 = arith.addi %scan3A_434, %scan3A_459 : i32
      %get3A_461 = arith.index_cast %scan3A_460 : i32 to index
      %get3A_462 = arith.constant 0 : index
      %get3A_463 = tpu.vector_load %arg6[%get3A_461, %get3A_462] {strides = array<i32>} : memref<400x64xf32, #tpu.memory_space<vmem>>, vector<1x16xf32>,
      %get3A_464 = vector.shape_cast %get3A_463 : vector<1x16xf32> to vector<16xf32>
      %max3A_465 = arith.maximumf %max3A_443, %get3A_464 : vector<16xf32>
      %get3A_466 = arith.index_cast %scan3A_460 : i32 to index
      %get3A_467 = arith.constant 16 : index
      %get3A_468 = tpu.vector_load %arg6[%get3A_466, %get3A_467] {strides = array<i32>} : memref<400x64xf32, #tpu.memory_space<vmem>>, vector<1x16xf32>,
      %get3A_469 = vector.shape_cast %get3A_468 : vector<1x16xf32> to vector<16xf32>
      %max3A_470 = arith.maximumf %max3A_448, %get3A_469 : vector<16xf32>
      %get3A_471 = arith.index_cast %scan3A_460 : i32 to index
      %get3A_472 = arith.constant 32 : index
      %get3A_473 = tpu.vector_load %arg6[%get3A_471, %get3A_472] {strides = array<i32>} : memref<400x64xf32, #tpu.memory_space<vmem>>, vector<1x16xf32>,
      %get3A_474 = vector.shape_cast %get3A_473 : vector<1x16xf32> to vector<16xf32>
      %max3A_475 = arith.maximumf %max3A_453, %get3A_474 : vector<16xf32>
      %get3A_476 = arith.index_cast %scan3A_460 : i32 to index
      %get3A_477 = arith.constant 48 : index
      %get3A_478 = tpu.vector_load %arg6[%get3A_476, %get3A_477] {strides = array<i32>} : memref<400x64xf32, #tpu.memory_space<vmem>>, vector<1x16xf32>,
      %get3A_479 = vector.shape_cast %get3A_478 : vector<1x16xf32> to vector<16xf32>
      %max3A_480 = arith.maximumf %max3A_458, %get3A_479 : vector<16xf32>
      %scan3A_481 = arith.constant 2 : i32
      %scan3A_482 = arith.addi %scan3A_434, %scan3A_481 : i32
      %get3A_483 = arith.index_cast %scan3A_482 : i32 to index
      %get3A_484 = arith.constant 0 : index
      %get3A_485 = tpu.vector_load %arg6[%get3A_483, %get3A_484] {strides = array<i32>} : memref<400x64xf32, #tpu.memory_space<vmem>>, vector<1x16xf32>,
      %get3A_486 = vector.shape_cast %get3A_485 : vector<1x16xf32> to vector<16xf32>
      %max3A_487 = arith.maximumf %max3A_465, %get3A_486 : vector<16xf32>
      %get3A_488 = arith.index_cast %scan3A_482 : i32 to index
      %get3A_489 = arith.constant 16 : index
      %get3A_490 = tpu.vector_load %arg6[%get3A_488, %get3A_489] {strides = array<i32>} : memref<400x64xf32, #tpu.memory_space<vmem>>, vector<1x16xf32>,
      %get3A_491 = vector.shape_cast %get3A_490 : vector<1x16xf32> to vector<16xf32>
      %max3A_492 = arith.maximumf %max3A_470, %get3A_491 : vector<16xf32>
      %get3A_493 = arith.index_cast %scan3A_482 : i32 to index
      %get3A_494 = arith.constant 32 : index
      %get3A_495 = tpu.vector_load %arg6[%get3A_493, %get3A_494] {strides = array<i32>} : memref<400x64xf32, #tpu.memory_space<vmem>>, vector<1x16xf32>,
      %get3A_496 = vector.shape_cast %get3A_495 : vector<1x16xf32> to vector<16xf32>
      %max3A_497 = arith.maximumf %max3A_475, %get3A_496 : vector<16xf32>
      %get3A_498 = arith.index_cast %scan3A_482 : i32 to index
      %get3A_499 = arith.constant 48 : index
      %get3A_500 = tpu.vector_load %arg6[%get3A_498, %get3A_499] {strides = array<i32>} : memref<400x64xf32, #tpu.memory_space<vmem>>, vector<1x16xf32>,
      %get3A_501 = vector.shape_cast %get3A_500 : vector<1x16xf32> to vector<16xf32>
      %max3A_502 = arith.maximumf %max3A_480, %get3A_501 : vector<16xf32>
      %scan3A_503 = arith.constant 3 : i32
      %scan3A_504 = arith.addi %scan3A_434, %scan3A_503 : i32
      %get3A_505 = arith.index_cast %scan3A_504 : i32 to index
      %get3A_506 = arith.constant 0 : index
      %get3A_507 = tpu.vector_load %arg6[%get3A_505, %get3A_506] {strides = array<i32>} : memref<400x64xf32, #tpu.memory_space<vmem>>, vector<1x16xf32>,
      %get3A_508 = vector.shape_cast %get3A_507 : vector<1x16xf32> to vector<16xf32>
      %max3A_509 = arith.maximumf %max3A_487, %get3A_508 : vector<16xf32>
      %get3A_510 = arith.index_cast %scan3A_504 : i32 to index
      %get3A_511 = arith.constant 16 : index
      %get3A_512 = tpu.vector_load %arg6[%get3A_510, %get3A_511] {strides = array<i32>} : memref<400x64xf32, #tpu.memory_space<vmem>>, vector<1x16xf32>,
      %get3A_513 = vector.shape_cast %get3A_512 : vector<1x16xf32> to vector<16xf32>
      %max3A_514 = arith.maximumf %max3A_492, %get3A_513 : vector<16xf32>
      %get3A_515 = arith.index_cast %scan3A_504 : i32 to index
      %get3A_516 = arith.constant 32 : index
      %get3A_517 = tpu.vector_load %arg6[%get3A_515, %get3A_516] {strides = array<i32>} : memref<400x64xf32, #tpu.memory_space<vmem>>, vector<1x16xf32>,
      %get3A_518 = vector.shape_cast %get3A_517 : vector<1x16xf32> to vector<16xf32>
      %max3A_519 = arith.maximumf %max3A_497, %get3A_518 : vector<16xf32>
      %get3A_520 = arith.index_cast %scan3A_504 : i32 to index
      %get3A_521 = arith.constant 48 : index
      %get3A_522 = tpu.vector_load %arg6[%get3A_520, %get3A_521] {strides = array<i32>} : memref<400x64xf32, #tpu.memory_space<vmem>>, vector<1x16xf32>,
      %get3A_523 = vector.shape_cast %get3A_522 : vector<1x16xf32> to vector<16xf32>
      %max3A_524 = arith.maximumf %max3A_502, %get3A_523 : vector<16xf32>
      %scan3A_525 = arith.constant 4 : i32
      %scan3A_526 = arith.addi %scan3A_434, %scan3A_525 : i32
      %get3A_527 = arith.index_cast %scan3A_526 : i32 to index
      %get3A_528 = arith.constant 0 : index
      %get3A_529 = tpu.vector_load %arg6[%get3A_527, %get3A_528] {strides = array<i32>} : memref<400x64xf32, #tpu.memory_space<vmem>>, vector<1x16xf32>,
      %get3A_530 = vector.shape_cast %get3A_529 : vector<1x16xf32> to vector<16xf32>
      %max3A_531 = arith.maximumf %max3A_509, %get3A_530 : vector<16xf32>
      %get3A_532 = arith.index_cast %scan3A_526 : i32 to index
      %get3A_533 = arith.constant 16 : index
      %get3A_534 = tpu.vector_load %arg6[%get3A_532, %get3A_533] {strides = array<i32>} : memref<400x64xf32, #tpu.memory_space<vmem>>, vector<1x16xf32>,
      %get3A_535 = vector.shape_cast %get3A_534 : vector<1x16xf32> to vector<16xf32>
      %max3A_536 = arith.maximumf %max3A_514, %get3A_535 : vector<16xf32>
      %get3A_537 = arith.index_cast %scan3A_526 : i32 to index
      %get3A_538 = arith.constant 32 : index
      %get3A_539 = tpu.vector_load %arg6[%get3A_537, %get3A_538] {strides = array<i32>} : memref<400x64xf32, #tpu.memory_space<vmem>>, vector<1x16xf32>,
      %get3A_540 = vector.shape_cast %get3A_539 : vector<1x16xf32> to vector<16xf32>
      %max3A_541 = arith.maximumf %max3A_519, %get3A_540 : vector<16xf32>
      %get3A_542 = arith.index_cast %scan3A_526 : i32 to index
      %get3A_543 = arith.constant 48 : index
      %get3A_544 = tpu.vector_load %arg6[%get3A_542, %get3A_543] {strides = array<i32>} : memref<400x64xf32, #tpu.memory_space<vmem>>, vector<1x16xf32>,
      %get3A_545 = vector.shape_cast %get3A_544 : vector<1x16xf32> to vector<16xf32>
      %max3A_546 = arith.maximumf %max3A_524, %get3A_545 : vector<16xf32>
      %scan3A_547 = arith.constant 5 : i32
      %scan3A_548 = arith.addi %scan3A_434, %scan3A_547 : i32
      %get3A_549 = arith.index_cast %scan3A_548 : i32 to index
      %get3A_550 = arith.constant 0 : index
      %get3A_551 = tpu.vector_load %arg6[%get3A_549, %get3A_550] {strides = array<i32>} : memref<400x64xf32, #tpu.memory_space<vmem>>, vector<1x16xf32>,
      %get3A_552 = vector.shape_cast %get3A_551 : vector<1x16xf32> to vector<16xf32>
      %max3A_553 = arith.maximumf %max3A_531, %get3A_552 : vector<16xf32>
      %get3A_554 = arith.index_cast %scan3A_548 : i32 to index
      %get3A_555 = arith.constant 16 : index
      %get3A_556 = tpu.vector_load %arg6[%get3A_554, %get3A_555] {strides = array<i32>} : memref<400x64xf32, #tpu.memory_space<vmem>>, vector<1x16xf32>,
      %get3A_557 = vector.shape_cast %get3A_556 : vector<1x16xf32> to vector<16xf32>
      %max3A_558 = arith.maximumf %max3A_536, %get3A_557 : vector<16xf32>
      %get3A_559 = arith.index_cast %scan3A_548 : i32 to index
      %get3A_560 = arith.constant 32 : index
      %get3A_561 = tpu.vector_load %arg6[%get3A_559, %get3A_560] {strides = array<i32>} : memref<400x64xf32, #tpu.memory_space<vmem>>, vector<1x16xf32>,
      %get3A_562 = vector.shape_cast %get3A_561 : vector<1x16xf32> to vector<16xf32>
      %max3A_563 = arith.maximumf %max3A_541, %get3A_562 : vector<16xf32>
      %get3A_564 = arith.index_cast %scan3A_548 : i32 to index
      %get3A_565 = arith.constant 48 : index
      %get3A_566 = tpu.vector_load %arg6[%get3A_564, %get3A_565] {strides = array<i32>} : memref<400x64xf32, #tpu.memory_space<vmem>>, vector<1x16xf32>,
      %get3A_567 = vector.shape_cast %get3A_566 : vector<1x16xf32> to vector<16xf32>
      %max3A_568 = arith.maximumf %max3A_546, %get3A_567 : vector<16xf32>
      %scan3A_569 = arith.constant 6 : i32
      %scan3A_570 = arith.addi %scan3A_434, %scan3A_569 : i32
      %get3A_571 = arith.index_cast %scan3A_570 : i32 to index
      %get3A_572 = arith.constant 0 : index
      %get3A_573 = tpu.vector_load %arg6[%get3A_571, %get3A_572] {strides = array<i32>} : memref<400x64xf32, #tpu.memory_space<vmem>>, vector<1x16xf32>,
      %get3A_574 = vector.shape_cast %get3A_573 : vector<1x16xf32> to vector<16xf32>
      %max3A_575 = arith.maximumf %max3A_553, %get3A_574 : vector<16xf32>
      %get3A_576 = arith.index_cast %scan3A_570 : i32 to index
      %get3A_577 = arith.constant 16 : index
      %get3A_578 = tpu.vector_load %arg6[%get3A_576, %get3A_577] {strides = array<i32>} : memref<400x64xf32, #tpu.memory_space<vmem>>, vector<1x16xf32>,
      %get3A_579 = vector.shape_cast %get3A_578 : vector<1x16xf32> to vector<16xf32>
      %max3A_580 = arith.maximumf %max3A_558, %get3A_579 : vector<16xf32>
      %get3A_581 = arith.index_cast %scan3A_570 : i32 to index
      %get3A_582 = arith.constant 32 : index
      %get3A_583 = tpu.vector_load %arg6[%get3A_581, %get3A_582] {strides = array<i32>} : memref<400x64xf32, #tpu.memory_space<vmem>>, vector<1x16xf32>,
      %get3A_584 = vector.shape_cast %get3A_583 : vector<1x16xf32> to vector<16xf32>
      %max3A_585 = arith.maximumf %max3A_563, %get3A_584 : vector<16xf32>
      %get3A_586 = arith.index_cast %scan3A_570 : i32 to index
      %get3A_587 = arith.constant 48 : index
      %get3A_588 = tpu.vector_load %arg6[%get3A_586, %get3A_587] {strides = array<i32>} : memref<400x64xf32, #tpu.memory_space<vmem>>, vector<1x16xf32>,
      %get3A_589 = vector.shape_cast %get3A_588 : vector<1x16xf32> to vector<16xf32>
      %max3A_590 = arith.maximumf %max3A_568, %get3A_589 : vector<16xf32>
      %scan3A_591 = arith.constant 7 : i32
      %scan3A_592 = arith.addi %scan3A_434, %scan3A_591 : i32
      %get3A_593 = arith.index_cast %scan3A_592 : i32 to index
      %get3A_594 = arith.constant 0 : index
      %get3A_595 = tpu.vector_load %arg6[%get3A_593, %get3A_594] {strides = array<i32>} : memref<400x64xf32, #tpu.memory_space<vmem>>, vector<1x16xf32>,
      %get3A_596 = vector.shape_cast %get3A_595 : vector<1x16xf32> to vector<16xf32>
      %max3A_597 = arith.maximumf %max3A_575, %get3A_596 : vector<16xf32>
      %get3A_598 = arith.index_cast %scan3A_592 : i32 to index
      %get3A_599 = arith.constant 16 : index
      %get3A_600 = tpu.vector_load %arg6[%get3A_598, %get3A_599] {strides = array<i32>} : memref<400x64xf32, #tpu.memory_space<vmem>>, vector<1x16xf32>,
      %get3A_601 = vector.shape_cast %get3A_600 : vector<1x16xf32> to vector<16xf32>
      %max3A_602 = arith.maximumf %max3A_580, %get3A_601 : vector<16xf32>
      %get3A_603 = arith.index_cast %scan3A_592 : i32 to index
      %get3A_604 = arith.constant 32 : index
      %get3A_605 = tpu.vector_load %arg6[%get3A_603, %get3A_604] {strides = array<i32>} : memref<400x64xf32, #tpu.memory_space<vmem>>, vector<1x16xf32>,
      %get3A_606 = vector.shape_cast %get3A_605 : vector<1x16xf32> to vector<16xf32>
      %max3A_607 = arith.maximumf %max3A_585, %get3A_606 : vector<16xf32>
      %get3A_608 = arith.index_cast %scan3A_592 : i32 to index
      %get3A_609 = arith.constant 48 : index
      %get3A_610 = tpu.vector_load %arg6[%get3A_608, %get3A_609] {strides = array<i32>} : memref<400x64xf32, #tpu.memory_space<vmem>>, vector<1x16xf32>,
      %get3A_611 = vector.shape_cast %get3A_610 : vector<1x16xf32> to vector<16xf32>
      %max3A_612 = arith.maximumf %max3A_590, %get3A_611 : vector<16xf32>
      scf.yield %max3A_597, %max3A_602, %max3A_607, %max3A_612 : vector<16xf32>, vector<16xf32>, vector<16xf32>, vector<16xf32>
    }
    %scan3A_255 = arith.constant 192 : i32
    %scan3A_256 = arith.addi %scan3A_250, %scan3A_255 : i32
    %get3A_257 = arith.index_cast %scan3A_256 : i32 to index
    %get3A_258 = arith.constant 0 : index
    %get3A_259 = tpu.vector_load %arg6[%get3A_257, %get3A_258] {strides = array<i32>} : memref<400x64xf32, #tpu.memory_space<vmem>>, vector<1x16xf32>,
    %get3A_260 = vector.shape_cast %get3A_259 : vector<1x16xf32> to vector<16xf32>
    %max3A_261 = arith.maximumf %scan3A_254#0, %get3A_260 : vector<16xf32>
    %get3A_262 = arith.index_cast %scan3A_256 : i32 to index
    %get3A_263 = arith.constant 16 : index
    %get3A_264 = tpu.vector_load %arg6[%get3A_262, %get3A_263] {strides = array<i32>} : memref<400x64xf32, #tpu.memory_space<vmem>>, vector<1x16xf32>,
    %get3A_265 = vector.shape_cast %get3A_264 : vector<1x16xf32> to vector<16xf32>
    %max3A_266 = arith.maximumf %scan3A_254#1, %get3A_265 : vector<16xf32>
    %get3A_267 = arith.index_cast %scan3A_256 : i32 to index
    %get3A_268 = arith.constant 32 : index
    %get3A_269 = tpu.vector_load %arg6[%get3A_267, %get3A_268] {strides = array<i32>} : memref<400x64xf32, #tpu.memory_space<vmem>>, vector<1x16xf32>,
    %get3A_270 = vector.shape_cast %get3A_269 : vector<1x16xf32> to vector<16xf32>
    %max3A_271 = arith.maximumf %scan3A_254#2, %get3A_270 : vector<16xf32>
    %get3A_272 = arith.index_cast %scan3A_256 : i32 to index
    %get3A_273 = arith.constant 48 : index
    %get3A_274 = tpu.vector_load %arg6[%get3A_272, %get3A_273] {strides = array<i32>} : memref<400x64xf32, #tpu.memory_space<vmem>>, vector<1x16xf32>,
    %get3A_275 = vector.shape_cast %get3A_274 : vector<1x16xf32> to vector<16xf32>
    %max3A_276 = arith.maximumf %scan3A_254#3, %get3A_275 : vector<16xf32>
    %scan3A_277 = arith.constant 193 : i32
    %scan3A_278 = arith.addi %scan3A_250, %scan3A_277 : i32
    %get3A_279 = arith.index_cast %scan3A_278 : i32 to index
    %get3A_280 = arith.constant 0 : index
    %get3A_281 = tpu.vector_load %arg6[%get3A_279, %get3A_280] {strides = array<i32>} : memref<400x64xf32, #tpu.memory_space<vmem>>, vector<1x16xf32>,
    %get3A_282 = vector.shape_cast %get3A_281 : vector<1x16xf32> to vector<16xf32>
    %max3A_283 = arith.maximumf %max3A_261, %get3A_282 : vector<16xf32>
    %get3A_284 = arith.index_cast %scan3A_278 : i32 to index
    %get3A_285 = arith.constant 16 : index
    %get3A_286 = tpu.vector_load %arg6[%get3A_284, %get3A_285] {strides = array<i32>} : memref<400x64xf32, #tpu.memory_space<vmem>>, vector<1x16xf32>,
    %get3A_287 = vector.shape_cast %get3A_286 : vector<1x16xf32> to vector<16xf32>
    %max3A_288 = arith.maximumf %max3A_266, %get3A_287 : vector<16xf32>
    %get3A_289 = arith.index_cast %scan3A_278 : i32 to index
    %get3A_290 = arith.constant 32 : index
    %get3A_291 = tpu.vector_load %arg6[%get3A_289, %get3A_290] {strides = array<i32>} : memref<400x64xf32, #tpu.memory_space<vmem>>, vector<1x16xf32>,
    %get3A_292 = vector.shape_cast %get3A_291 : vector<1x16xf32> to vector<16xf32>
    %max3A_293 = arith.maximumf %max3A_271, %get3A_292 : vector<16xf32>
    %get3A_294 = arith.index_cast %scan3A_278 : i32 to index
    %get3A_295 = arith.constant 48 : index
    %get3A_296 = tpu.vector_load %arg6[%get3A_294, %get3A_295] {strides = array<i32>} : memref<400x64xf32, #tpu.memory_space<vmem>>, vector<1x16xf32>,
    %get3A_297 = vector.shape_cast %get3A_296 : vector<1x16xf32> to vector<16xf32>
    %max3A_298 = arith.maximumf %max3A_276, %get3A_297 : vector<16xf32>
    %scan3A_299 = arith.constant 194 : i32
    %scan3A_300 = arith.addi %scan3A_250, %scan3A_299 : i32
    %get3A_301 = arith.index_cast %scan3A_300 : i32 to index
    %get3A_302 = arith.constant 0 : index
    %get3A_303 = tpu.vector_load %arg6[%get3A_301, %get3A_302] {strides = array<i32>} : memref<400x64xf32, #tpu.memory_space<vmem>>, vector<1x16xf32>,
    %get3A_304 = vector.shape_cast %get3A_303 : vector<1x16xf32> to vector<16xf32>
    %max3A_305 = arith.maximumf %max3A_283, %get3A_304 : vector<16xf32>
    %get3A_306 = arith.index_cast %scan3A_300 : i32 to index
    %get3A_307 = arith.constant 16 : index
    %get3A_308 = tpu.vector_load %arg6[%get3A_306, %get3A_307] {strides = array<i32>} : memref<400x64xf32, #tpu.memory_space<vmem>>, vector<1x16xf32>,
    %get3A_309 = vector.shape_cast %get3A_308 : vector<1x16xf32> to vector<16xf32>
    %max3A_310 = arith.maximumf %max3A_288, %get3A_309 : vector<16xf32>
    %get3A_311 = arith.index_cast %scan3A_300 : i32 to index
    %get3A_312 = arith.constant 32 : index
    %get3A_313 = tpu.vector_load %arg6[%get3A_311, %get3A_312] {strides = array<i32>} : memref<400x64xf32, #tpu.memory_space<vmem>>, vector<1x16xf32>,
    %get3A_314 = vector.shape_cast %get3A_313 : vector<1x16xf32> to vector<16xf32>
    %max3A_315 = arith.maximumf %max3A_293, %get3A_314 : vector<16xf32>
    %get3A_316 = arith.index_cast %scan3A_300 : i32 to index
    %get3A_317 = arith.constant 48 : index
    %get3A_318 = tpu.vector_load %arg6[%get3A_316, %get3A_317] {strides = array<i32>} : memref<400x64xf32, #tpu.memory_space<vmem>>, vector<1x16xf32>,
    %get3A_319 = vector.shape_cast %get3A_318 : vector<1x16xf32> to vector<16xf32>
    %max3A_320 = arith.maximumf %max3A_298, %get3A_319 : vector<16xf32>
    %scan3A_321 = arith.constant 195 : i32
    %scan3A_322 = arith.addi %scan3A_250, %scan3A_321 : i32
    %get3A_323 = arith.index_cast %scan3A_322 : i32 to index
    %get3A_324 = arith.constant 0 : index
    %get3A_325 = tpu.vector_load %arg6[%get3A_323, %get3A_324] {strides = array<i32>} : memref<400x64xf32, #tpu.memory_space<vmem>>, vector<1x16xf32>,
    %get3A_326 = vector.shape_cast %get3A_325 : vector<1x16xf32> to vector<16xf32>
    %max3A_327 = arith.maximumf %max3A_305, %get3A_326 : vector<16xf32>
    %get3A_328 = arith.index_cast %scan3A_322 : i32 to index
    %get3A_329 = arith.constant 16 : index
    %get3A_330 = tpu.vector_load %arg6[%get3A_328, %get3A_329] {strides = array<i32>} : memref<400x64xf32, #tpu.memory_space<vmem>>, vector<1x16xf32>,
    %get3A_331 = vector.shape_cast %get3A_330 : vector<1x16xf32> to vector<16xf32>
    %max3A_332 = arith.maximumf %max3A_310, %get3A_331 : vector<16xf32>
    %get3A_333 = arith.index_cast %scan3A_322 : i32 to index
    %get3A_334 = arith.constant 32 : index
    %get3A_335 = tpu.vector_load %arg6[%get3A_333, %get3A_334] {strides = array<i32>} : memref<400x64xf32, #tpu.memory_space<vmem>>, vector<1x16xf32>,
    %get3A_336 = vector.shape_cast %get3A_335 : vector<1x16xf32> to vector<16xf32>
    %max3A_337 = arith.maximumf %max3A_315, %get3A_336 : vector<16xf32>
    %get3A_338 = arith.index_cast %scan3A_322 : i32 to index
    %get3A_339 = arith.constant 48 : index
    %get3A_340 = tpu.vector_load %arg6[%get3A_338, %get3A_339] {strides = array<i32>} : memref<400x64xf32, #tpu.memory_space<vmem>>, vector<1x16xf32>,
    %get3A_341 = vector.shape_cast %get3A_340 : vector<1x16xf32> to vector<16xf32>
    %max3A_342 = arith.maximumf %max3A_320, %get3A_341 : vector<16xf32>
    %scan3A_343 = arith.constant 196 : i32
    %scan3A_344 = arith.addi %scan3A_250, %scan3A_343 : i32
    %get3A_345 = arith.index_cast %scan3A_344 : i32 to index
    %get3A_346 = arith.constant 0 : index
    %get3A_347 = tpu.vector_load %arg6[%get3A_345, %get3A_346] {strides = array<i32>} : memref<400x64xf32, #tpu.memory_space<vmem>>, vector<1x16xf32>,
    %get3A_348 = vector.shape_cast %get3A_347 : vector<1x16xf32> to vector<16xf32>
    %max3A_349 = arith.maximumf %max3A_327, %get3A_348 : vector<16xf32>
    %get3A_350 = arith.index_cast %scan3A_344 : i32 to index
    %get3A_351 = arith.constant 16 : index
    %get3A_352 = tpu.vector_load %arg6[%get3A_350, %get3A_351] {strides = array<i32>} : memref<400x64xf32, #tpu.memory_space<vmem>>, vector<1x16xf32>,
    %get3A_353 = vector.shape_cast %get3A_352 : vector<1x16xf32> to vector<16xf32>
    %max3A_354 = arith.maximumf %max3A_332, %get3A_353 : vector<16xf32>
    %get3A_355 = arith.index_cast %scan3A_344 : i32 to index
    %get3A_356 = arith.constant 32 : index
    %get3A_357 = tpu.vector_load %arg6[%get3A_355, %get3A_356] {strides = array<i32>} : memref<400x64xf32, #tpu.memory_space<vmem>>, vector<1x16xf32>,
    %get3A_358 = vector.shape_cast %get3A_357 : vector<1x16xf32> to vector<16xf32>
    %max3A_359 = arith.maximumf %max3A_337, %get3A_358 : vector<16xf32>
    %get3A_360 = arith.index_cast %scan3A_344 : i32 to index
    %get3A_361 = arith.constant 48 : index
    %get3A_362 = tpu.vector_load %arg6[%get3A_360, %get3A_361] {strides = array<i32>} : memref<400x64xf32, #tpu.memory_space<vmem>>, vector<1x16xf32>,
    %get3A_363 = vector.shape_cast %get3A_362 : vector<1x16xf32> to vector<16xf32>
    %max3A_364 = arith.maximumf %max3A_342, %get3A_363 : vector<16xf32>
    %scan3A_365 = arith.constant 197 : i32
    %scan3A_366 = arith.addi %scan3A_250, %scan3A_365 : i32
    %get3A_367 = arith.index_cast %scan3A_366 : i32 to index
    %get3A_368 = arith.constant 0 : index
    %get3A_369 = tpu.vector_load %arg6[%get3A_367, %get3A_368] {strides = array<i32>} : memref<400x64xf32, #tpu.memory_space<vmem>>, vector<1x16xf32>,
    %get3A_370 = vector.shape_cast %get3A_369 : vector<1x16xf32> to vector<16xf32>
    %max3A_371 = arith.maximumf %max3A_349, %get3A_370 : vector<16xf32>
    %get3A_372 = arith.index_cast %scan3A_366 : i32 to index
    %get3A_373 = arith.constant 16 : index
    %get3A_374 = tpu.vector_load %arg6[%get3A_372, %get3A_373] {strides = array<i32>} : memref<400x64xf32, #tpu.memory_space<vmem>>, vector<1x16xf32>,
    %get3A_375 = vector.shape_cast %get3A_374 : vector<1x16xf32> to vector<16xf32>
    %max3A_376 = arith.maximumf %max3A_354, %get3A_375 : vector<16xf32>
    %get3A_377 = arith.index_cast %scan3A_366 : i32 to index
    %get3A_378 = arith.constant 32 : index
    %get3A_379 = tpu.vector_load %arg6[%get3A_377, %get3A_378] {strides = array<i32>} : memref<400x64xf32, #tpu.memory_space<vmem>>, vector<1x16xf32>,
    %get3A_380 = vector.shape_cast %get3A_379 : vector<1x16xf32> to vector<16xf32>
    %max3A_381 = arith.maximumf %max3A_359, %get3A_380 : vector<16xf32>
    %get3A_382 = arith.index_cast %scan3A_366 : i32 to index
    %get3A_383 = arith.constant 48 : index
    %get3A_384 = tpu.vector_load %arg6[%get3A_382, %get3A_383] {strides = array<i32>} : memref<400x64xf32, #tpu.memory_space<vmem>>, vector<1x16xf32>,
    %get3A_385 = vector.shape_cast %get3A_384 : vector<1x16xf32> to vector<16xf32>
    %max3A_386 = arith.maximumf %max3A_364, %get3A_385 : vector<16xf32>
    %scan3A_387 = arith.constant 198 : i32
    %scan3A_388 = arith.addi %scan3A_250, %scan3A_387 : i32
    %get3A_389 = arith.index_cast %scan3A_388 : i32 to index
    %get3A_390 = arith.constant 0 : index
    %get3A_391 = tpu.vector_load %arg6[%get3A_389, %get3A_390] {strides = array<i32>} : memref<400x64xf32, #tpu.memory_space<vmem>>, vector<1x16xf32>,
    %get3A_392 = vector.shape_cast %get3A_391 : vector<1x16xf32> to vector<16xf32>
    %max3A_393 = arith.maximumf %max3A_371, %get3A_392 : vector<16xf32>
    %get3A_394 = arith.index_cast %scan3A_388 : i32 to index
    %get3A_395 = arith.constant 16 : index
    %get3A_396 = tpu.vector_load %arg6[%get3A_394, %get3A_395] {strides = array<i32>} : memref<400x64xf32, #tpu.memory_space<vmem>>, vector<1x16xf32>,
    %get3A_397 = vector.shape_cast %get3A_396 : vector<1x16xf32> to vector<16xf32>
    %max3A_398 = arith.maximumf %max3A_376, %get3A_397 : vector<16xf32>
    %get3A_399 = arith.index_cast %scan3A_388 : i32 to index
    %get3A_400 = arith.constant 32 : index
    %get3A_401 = tpu.vector_load %arg6[%get3A_399, %get3A_400] {strides = array<i32>} : memref<400x64xf32, #tpu.memory_space<vmem>>, vector<1x16xf32>,
    %get3A_402 = vector.shape_cast %get3A_401 : vector<1x16xf32> to vector<16xf32>
    %max3A_403 = arith.maximumf %max3A_381, %get3A_402 : vector<16xf32>
    %get3A_404 = arith.index_cast %scan3A_388 : i32 to index
    %get3A_405 = arith.constant 48 : index
    %get3A_406 = tpu.vector_load %arg6[%get3A_404, %get3A_405] {strides = array<i32>} : memref<400x64xf32, #tpu.memory_space<vmem>>, vector<1x16xf32>,
    %get3A_407 = vector.shape_cast %get3A_406 : vector<1x16xf32> to vector<16xf32>
    %max3A_408 = arith.maximumf %max3A_386, %get3A_407 : vector<16xf32>
    %scan3A_409 = arith.constant 199 : i32
    %swap3A_410 = arith.constant 127 : i32
    %swap3A_411 = arith.index_cast %swap3A_410 : i32 to index
    %swap3A_412 = arith.constant 0 : index
    %swap3A_413 = tpu.vector_load %arg9[%swap3A_411, %swap3A_412] {strides = array<i32>} : memref<128x64xf32, #tpu.memory_space<vmem>>, vector<1x16xf32>,
    %swap3A_414 = vector.shape_cast %swap3A_413 : vector<1x16xf32> to vector<16xf32>
    %swap3A_415 = vector.shape_cast %max3A_393 : vector<16xf32> to vector<1x16xf32>
    tpu.vector_store %arg9[%swap3A_411, %swap3A_412], %swap3A_415 {strides = array<i32>} : memref<128x64xf32, #tpu.memory_space<vmem>>, vector<1x16xf32>,
    %swap3A_416 = arith.constant 127 : i32
    %swap3A_417 = arith.index_cast %swap3A_416 : i32 to index
    %swap3A_418 = arith.constant 16 : index
    %swap3A_419 = tpu.vector_load %arg9[%swap3A_417, %swap3A_418] {strides = array<i32>} : memref<128x64xf32, #tpu.memory_space<vmem>>, vector<1x16xf32>,
    %swap3A_420 = vector.shape_cast %swap3A_419 : vector<1x16xf32> to vector<16xf32>
    %swap3A_421 = vector.shape_cast %max3A_398 : vector<16xf32> to vector<1x16xf32>
    tpu.vector_store %arg9[%swap3A_417, %swap3A_418], %swap3A_421 {strides = array<i32>} : memref<128x64xf32, #tpu.memory_space<vmem>>, vector<1x16xf32>,
    %swap3A_422 = arith.constant 127 : i32
    %swap3A_423 = arith.index_cast %swap3A_422 : i32 to index
    %swap3A_424 = arith.constant 32 : index
    %swap3A_425 = tpu.vector_load %arg9[%swap3A_423, %swap3A_424] {strides = array<i32>} : memref<128x64xf32, #tpu.memory_space<vmem>>, vector<1x16xf32>,
    %swap3A_426 = vector.shape_cast %swap3A_425 : vector<1x16xf32> to vector<16xf32>
    %swap3A_427 = vector.shape_cast %max3A_403 : vector<16xf32> to vector<1x16xf32>
    tpu.vector_store %arg9[%swap3A_423, %swap3A_424], %swap3A_427 {strides = array<i32>} : memref<128x64xf32, #tpu.memory_space<vmem>>, vector<1x16xf32>,
    %swap3A_428 = arith.constant 127 : i32
    %swap3A_429 = arith.index_cast %swap3A_428 : i32 to index
    %swap3A_430 = arith.constant 48 : index
    %swap3A_431 = tpu.vector_load %arg9[%swap3A_429, %swap3A_430] {strides = array<i32>} : memref<128x64xf32, #tpu.memory_space<vmem>>, vector<1x16xf32>,
    %swap3A_432 = vector.shape_cast %swap3A_431 : vector<1x16xf32> to vector<16xf32>
    %swap3A_433 = vector.shape_cast %max3A_408 : vector<16xf32> to vector<1x16xf32>
    tpu.vector_store %arg9[%swap3A_429, %swap3A_430], %swap3A_433 {strides = array<i32>} : memref<128x64xf32, #tpu.memory_space<vmem>>, vector<1x16xf32>,
    "tpu.region"() ({
      %run_scoped3A = tpu.sem_alloc : memref<!tpu.dma_semaphore, #tpu.memory_space<semaphore_mem>>
      %dma_start3A_434 = arith.constant 0 : i32
      %dma_start3A_435 = tpu.memref_slice %arg4[%mul3A_2, %dma_start3A_434] : memref<4096x64xf32, #tpu.memory_space<hbm>> -> memref<128x64xf32, #tpu.memory_space<hbm>>
      %dma_start3A_436 = arith.constant 0 : i32
      %dma_start3A_437 = tpu.memref_slice %arg4[%mul3A_2, %dma_start3A_436] : memref<4096x64xf32, #tpu.memory_space<hbm>> -> memref<128x64xf32, #tpu.memory_space<hbm>>
      tpu.enqueue_dma source(%arg9 : memref<128x64xf32, #tpu.memory_space<vmem>>) target(%dma_start3A_437 : memref<128x64xf32, #tpu.memory_space<hbm>>) target_semaphore(%run_scoped3A : memref<!tpu.dma_semaphore, #tpu.memory_space<semaphore_mem>>)
      %dma_wait3A_438 = arith.constant 0 : i32
      %dma_wait3A_439 = tpu.memref_slice %arg4[%mul3A_2, %dma_wait3A_438] : memref<4096x64xf32, #tpu.memory_space<hbm>> -> memref<128x64xf32, #tpu.memory_space<hbm>>
      %dma_wait3A_440 = arith.constant 0 : i32
      %dma_wait3A_441 = tpu.memref_slice %arg4[%mul3A_2, %dma_wait3A_440] : memref<4096x64xf32, #tpu.memory_space<hbm>> -> memref<128x64xf32, #tpu.memory_space<hbm>>
      tpu.wait_dma2 semaphore(%run_scoped3A : memref<!tpu.dma_semaphore, #tpu.memory_space<semaphore_mem>>) src(%arg9 : memref<128x64xf32, #tpu.memory_space<vmem>>) dst(%dma_wait3A_441 : memref<128x64xf32, #tpu.memory_space<hbm>>)
      tpu.yield
    }) : () -> ()
    return
  }
}

</mosaic_0001>

<sc_bundles>
// kernel: kernel.3.cloned.1.call-start
scs
__scs_entry_jumppad:
0x0: {  	(pc) =	sbr.rel $0x88, $3  }
0x1: {  	(tag) =	ssettag $0x0;
	lr =	simm.s32 $0x1  }
0x2: {  	[smem:$0x3F9F] =	sst lr;
	_ =	strace $0xD0000000  }
0x3: {  	_ = 	snop  }
0x4: {  	_ = 	snop  }
0x5: {  	_ = 	snop  }
0x6: {  	_ = 	snop  }
0x7: {  	_ = 	snop  }
__scs_overlays_trampoline_lowered:
0x8: {  	[smem:$0x3FAE] =	sst s0  }
0x9: {  	[smem:$0x3FAF] =	sst s1  }
0xa: {  	[smem:$0x3FB0] =	sst s2  }
0xb: {  	[smem:$0x3FB1] =	sst s3  }
0xc: {  	[smem:$0x3FB2] =	sst s4  }
0xd: {  	[smem:$0x3FB3] =	sst s5  }
0xe: {  	[smem:$0x3FB4] =	sst s6  }
0xf: {  	[smem:$0x3FB5] =	sst s7  }
0x10: {  	[smem:$0x3FB6] =	sst s8  }
0x11: {  	[smem:$0x3FB7] =	sst s9;
	s0 =	simm.s32 @!p0 $0x0  }
0x12: {  	s1 =	sld [smem:$0x3F9D];
	s0 =	simm.s32 @p0 $0x1  }
0x13: {  	[smem:$0x3FB8] =	sst s0;
	s0 =	simm.s32 @!p1 $0x0  }
0x14: {  	s2 =	sld [smem:$0x3F9C];
	s0 =	simm.s32 @p1 $0x1  }
0x15: {  	[smem:$0x3FB9] =	sst s0;
	s0 =	simm.s32 @!p2 $0x0  }
0x16: {  	s3 =	sld [smem:$0x3FDB];
	s0 =	simm.s32 @p2 $0x1  }
0x17: {  	s4 =	simm.s32 $0x1BF5;
	[smem:$0x3FBB] =	sst s0  }
0x18: {  	s0 =	sld [smem:$0x3F9E];
	_ =	swait.ge [sflag:s4], $0x0  }
0x19: {  	s7 =	sld [smem:$0x3F9F]  }
0x1a: {  	s8 =	sadd.s32 $0xFFFFE003, lr  }
0x1b: {  	s9 =	sadd.s32 $0xFFFFFEF7, lr;
	s5 =	simm.s32 $0xFFFFFFFF;
	p2 =	slt.u32 s8, $0xFFFFF086  }
0x1c: {  	p1 =	slt.u32 s9, $0xF7A;
	s5 =	simm.s32 @!p2 $0x0  }
0x1d: {  	s5 =	simm.s32 @p1 $0x1;
	p0 =	seq.s32 s7, s2  }
0x1e: {  	s7 =	smul.u32 @!p0 $0xF7A, s2;
	p2 =	seq.s32 @!p0 s5, $0x0  }
0x1f: {  	s9 =	smul.u32 $0xF7A, s1;
	s8 =	simm.s32 @!p0 $0x1BF5;
	p2 =	por !p2, p0  }
0x20: {  	[sflag:s8] =	ssyncset.s32 @!p0 $0xFFFFF086;
	s6 =	sadd.s32 @!p0 s3, s7;
	s7 =	simm.s32 @!p0 $0x108  }
0x21: {  	s3 =	sadd.s32 s3, s9;
	s6 =	sadd.s32 @!p0 $0x88, s6;
	s7 =	simm.s32 @p2 $0x1082  }
0x22: {  	[simem:s7], [sflag:s8] =	dma.local @!p0 [hbm:s6], $0xF7A  }
0x23: {  	s9 =	sor.u32 $0xD0000000, s2;
	s6 =	simm.s32 $0x108;
	_ =	swait.ge @!p0 [sflag:s8], $0x0  }
0x24: {  	s3 =	sadd.s32 $0x88, s3;
	s6 =	simm.s32 @!p1 $0x1082;
	[sflag:s4] =	ssyncset.s32 $0xFFFFF086  }
0x25: {  	[simem:s6], [sflag:s4] =	dma.local [hbm:s3], $0xF7A  }
0x26: {  	[smem:$0x3F9F] =	sst s1;
	(tag) =	ssettag s2;
	_ =	strace s9  }
0x27: {  	s1 =	sld [smem:$0x3FAF]  }
0x28: {  	s2 =	sld [smem:$0x3FB0]  }
0x29: {  	s4 =	sld [smem:$0x3FB2]  }
0x2a: {  	p0 =	seq.s32 s5, $0x0;
	s5 =	sld [smem:$0x3FB3]  }
0x2b: {  	s6 =	sld [smem:$0x3FB4]  }
0x2c: {  	s7 =	sld [smem:$0x3FB5]  }
0x2d: {  	s3 =	simm.s32 $0x108;
	s8 =	sld [smem:$0x3FB6]  }
0x2e: {  	s3 =	simm.s32 @!p0 $0x1082;
	s9 =	sld [smem:$0x3FB7]  }
0x2f: {  	lr =	sadd.s32 s0, s3;
	s0 =	sld [smem:$0x3FAE]  }
0x30: {  	s3 =	sld [smem:$0x3FB1]  }
0x31: {  	[smem:$0x3FBA] =	sst s10  }
0x32: {  	s10 =	sld [smem:$0x3FB8];
	_ =	sdelay $0x3  }
0x33: {  	p0 =	seq.s32 s10, $0x1;
	s10 =	sld [smem:$0x3FBA];
	_ =	sdelay $0x3  }
0x34: {  	[smem:$0x3FBA] =	sst s10  }
0x35: {  	s10 =	sld [smem:$0x3FB9];
	_ =	sdelay $0x3  }
0x36: {  	p1 =	seq.s32 s10, $0x1;
	s10 =	sld [smem:$0x3FBA];
	_ =	sdelay $0x3  }
0x37: {  	[smem:$0x3FBA] =	sst s10  }
0x38: {  	s10 =	sld [smem:$0x3FBB]  }
0x39: {  	_ = 	snop;
	(pc) =	sbr.ind lr, $3  }
0x3a: {  	_ = 	snop  }
0x3b: {  	_ = 	snop  }
0x3c: {  	p2 =	seq.s32 s10, $0x1;
	s10 =	sld [smem:$0x3FBA]  }
0x3d: {  	_ =	shalt  }
0x3e: {  	_ =	shalt  }
0x3f: {  	_ =	shalt  }
0x40: {  	_ =	shalt  }
0x41: {  	_ =	shalt  }
0x42: {  	_ =	shalt  }
0x43: {  	_ =	shalt  }
0x44: {  	_ =	shalt  }
0x45: {  	_ =	shalt  }
0x46: {  	_ =	shalt  }
0x47: {  	_ =	shalt  }
0x48: {  	_ =	shalt  }
0x49: {  	_ =	shalt  }
0x4a: {  	_ =	shalt  }
0x4b: {  	_ =	shalt  }
0x4c: {  	_ =	shalt  }
0x4d: {  	_ =	shalt  }
0x4e: {  	_ =	shalt  }
0x4f: {  	_ =	shalt  }
0x50: {  	_ =	shalt  }
0x51: {  	_ =	shalt  }
0x52: {  	_ =	shalt  }
0x53: {  	_ =	shalt  }
0x54: {  	_ =	shalt  }
0x55: {  	_ =	shalt  }
0x56: {  	_ =	shalt  }
0x57: {  	_ =	shalt  }
0x58: {  	_ =	shalt  }
0x59: {  	_ =	shalt  }
0x5a: {  	_ =	shalt  }
0x5b: {  	_ =	shalt  }
0x5c: {  	_ =	shalt  }
0x5d: {  	_ =	shalt  }
0x5e: {  	_ =	shalt  }
0x5f: {  	_ =	shalt  }
0x60: {  	_ =	shalt  }
0x61: {  	_ =	shalt  }
0x62: {  	_ =	shalt  }
0x63: {  	_ =	shalt  }
0x64: {  	_ =	shalt  }
0x65: {  	_ =	shalt  }
0x66: {  	_ =	shalt  }
0x67: {  	_ =	shalt  }
0x68: {  	_ =	shalt  }
0x69: {  	_ =	shalt  }
0x6a: {  	_ =	shalt  }
0x6b: {  	_ =	shalt  }
0x6c: {  	_ =	shalt  }
0x6d: {  	_ =	shalt  }
0x6e: {  	_ =	shalt  }
0x6f: {  	_ =	shalt  }
0x70: {  	_ =	shalt  }
0x71: {  	_ =	shalt  }
0x72: {  	_ =	shalt  }
0x73: {  	_ =	shalt  }
0x74: {  	_ =	shalt  }
0x75: {  	_ =	shalt  }
0x76: {  	_ =	shalt  }
0x77: {  	_ =	shalt  }
0x78: {  	_ =	shalt  }
0x79: {  	_ =	shalt  }
0x7a: {  	_ =	shalt  }
0x7b: {  	_ =	shalt  }
0x7c: {  	_ =	shalt  }
0x7d: {  	_ =	shalt  }
0x7e: {  	_ =	shalt  }
0x7f: {  	_ =	shalt  }
0x80: {  	_ =	shalt  }
0x81: {  	_ =	shalt  }
0x82: {  	_ =	shalt  }
0x83: {  	_ =	shalt  }
0x84: {  	_ =	shalt  }
0x85: {  	_ =	shalt  }
0x86: {  	_ =	shalt  }
0x87: {  	_ =	shalt  }
.Lfunc_end0:
.L_simem_size_0:
called_computation_lowered:
.L_overlay_start_0:
0x88: {  	s2 =	sld [smem:$0x3FD9]  }
0x89: {  	s3 =	sld [smem:$0x3FFE];
	_ =	sdelay $0x1  }
0x8a: {  	s1 =	srdreg.scid  }
0x8b: {  	s0 =	sand.u32 $0x1, s1  }
0x8c: {  	s17 =	sshll.u32 s0, $0xA;
	s2 =	sadd.s32 s3, s2  }
0x8d: {  	s2 =	sadd.s32 s2, s17  }
0x8e: {  	[smem:$0x3FC6] =	sst s2  }
0x8f: {  	_ = 	snop  }
0x90: {  	s2 =	sld [smem:$0x3FD0];
	(tm) =	ssettm $0x1  }
0x91: {  	s18 =	sld [smem:$0x3FFB];
	_ =	sdelay $0x3  }
0x92: {  	_ =	strace s18  }
0x93: {  	s3 =	sld [smem:$0x3FFC];
	_ =	sdelay $0x3  }
0x94: {  	_ =	strace s3  }
0x95: {  	s3 =	sld [smem:$0x3FFD];
	_ =	sdelay $0x3  }
0x96: {  	_ =	strace s3  }
0x97: {  	_ =	strace $0x8FFFFFFF  }
0x98: {  	s19 =	sld [smem:$0x3FDB];
	_ =	sdelay $0x1  }
0x99: {  	s4 =	simm.s32 $_scs_section_size  }
0x9a: {  	s5 =	simm.s32 $_size__tile_overlayer_lowered;
	s6 =	simm.s32 $_tile_overlayer_lowered  }
0x9b: {  	s22 =	simm.s32 $0x1BFF;
	s21 =	sshll.u32 s6, $0x1;
	s3 =	sadd.s32 s4, s19  }
0x9c: {  	s7 =	simm.s32 $0x0;
	s20 =	sshll.u32 s5, $0x1;
	s5 =	sadd.s32 s21, s3  }
0x9d: {  	[timem:s7], [sflag:s22] =	dma.local [hbm:s5], s20  }
0x9e: {  	_ =	swait.ge [sflag:s22], s20  }
0x9f: {  	s4 =	ssub.s32 $0x0, s20;
	[sflag:s22] =	ssyncset.done $0x0  }
0xa0: {  	[sflag:s22] =	ssyncadd.s32 s4;
	_ =	sdelay $0x1  }
0xa1: {  	s23 =	simm.s32 $0x1B8B  }
0xa2: {  	_ =	swait.ge [sflag:s23], $0x1  }
0xa3: {  	[sflag:s23] =	ssyncset.done $0x0  }
0xa4: {  	s25 =	simm.s32 $0x1B8E;
	s24 =	sld [smem:$0x3FFE];
	[sflag:s23] =	ssyncadd.s32 $0xFFFFFFFF  }
0xa5: {  	s26 =	simm.s32 $execute0_lowered;
	[smem:$0x3FD2] =	sst s25  }
0xa6: {  	s5 =	sshll.u32 s26, $0x1;
	_ =	strace $0x80000046;
	[dreg:$0x1] =	wrdreg $0xFFFFFFFF  }
0xa7: {  	s28 =	simm.s32 $_size_execute0_lowered;
	s3 =	sadd.s32 s3, s5;
	[dreg:$0x0] =	wrdreg $0x0  }
0xa8: {  	s5 =	sshll.u32 s28, $0x1;
	[dreg:$0x2] =	wrdreg s3  }
0xa9: {  	[dreg:$0x3] =	wrdreg s5  }
0xaa: {  	[dreg:$0x4] =	wrdreg $0xC0  }
0xab: {  	_ =	task [dreg:s7], $0x5FFFF  }
0xac: {  	[dreg:$0x1] =	wrdreg $0xFFFFFFFF  }
0xad: {  	[dreg:$0x0] =	wrdreg $0x60  }
0xae: {  	[dreg:$0x2] =	wrdreg s24  }
0xaf: {  	[dreg:$0x3] =	wrdreg s2  }
0xb0: {  	[dreg:$0x4] =	wrdreg $0x9  }
0xb1: {  	_ =	task.clear_ibuf [dreg:s7], $0x5FFFF;
	_ =	strace $0x90000046  }
0xb2: {  	s29 =	simm.s32 $0x9;
	_ =	strace $0x80000048  }
0xb3: {  	_ =	swait.ge [sflag:s29], $0x1  }
0xb4: {  	[sflag:s29] =	ssyncadd.s32 $0xFFFFFFFF  }
0xb5: {  	_ =	strace $0x90000048  }
0xb6: {  	_ =	sfence  }
0xb7: {  	s30 =	sld [smem:$0x0];
	_ =	sdelay $0x2  }
0xb8: {  	s31 =	sshll.u32 s1, $0xD;
	s1 =	sshrl.u32 s1, $0x2  }
0xb9: {  	s3 =	sand.u32 $0x4000, s31;
	s1 =	sadd.s32 s1, s30  }
0xba: {  	s0 =	sor.u32 s3, s0;
	s1 =	sshll.u32 s1, $0x11  }
0xbb: {  	s0 =	sor.u32 s1, s0  }
0xbc: {  	s0 =	sadd.s32 $0x8F2B, s0  }
0xbd: {  	[sflag:s0] =	ssyncadd.remote.s32 $0x1  }
0xbe: {  	_ =	sfence.sel $0xFFFF  }
0xbf: {  	[dreg:$0x0] =	wrdreg $0xFFFFFFFF;
	(pc) =	sbr.abs _section_cstart, $3  }
0xc0: {  	[dreg:$0x1] =	wrdreg $0xFFFFFFFF  }
0xc1: {  	_ =	task.clear_ibuf [dreg:s7], $0x2FFFF;
	_ =	strace $0x9FFFFFFF  }
0xc2: {  	(tm) =	ssettm $0x7FFFFFFF  }
0xc3: {  	_ =	shalt  }
tec
execute0_lowered:
.L_overlay_start_1:
0x0: {  	(tag) =	ssettag $0x1  }
0x1: {  	s3 =	rddreg [dreg:$0x0];
	s1 =	srdreg.scid  }
0x2: {  	s0 =	stileid.u32;
	s5 =	rddreg [dreg:$0x1]  }
0x3: {  	s2 =	simm.s32 $0x0;
	s9 =	simm.s32 $0x6400;
	s10 =	simm.s32 $0xC800  }
0x4: {  	s11 =	simm.s32 $0x12C00;
	s12 =	simm.s32 $0x1;
	s13 =	simm.s32 $0x2  }
0x5: {  	s14 =	simm.s32 $0x3;
	s15 =	simm.s32 $0x19000;
	s16 =	simm.s32 $0x0  }
0x6: {  	s4 =	sand.u32 $0x1, s1;
	s6 =	sshll.u32 s0, $0x1;
	s1 =	rddreg [dreg:$0x2]  }
0x7: {  	[smem:$0x7FF] =	sst s2;
	s6 =	sor.u32 s4, s6;
	s4 =	ssub.s32 $0x2, s4  }
0x8: {  	s7 =	smul.u32 $0xC80, s6;
	s8 =	sshrl.u32 s4, $0x1;
	s6 =	sshll.u32 s6, $0xA  }
0x9: {  	_ =	strace $0x80000047;
	s8 =	ssub.s32 s4, s8;
	s5 =	sadd.s32 s5, s6  }
0xa: {  	s7 =	sadd.s32 s7, s3;
	s3 =	sadd.s32 $0xF42A00, s3;
	s6 =	smax.u32 s8, $0x1  }
0xb: {  	s8 =	simm.s32 $0x190;
	s4 =	sadd.s32 $0x600, s7;
	s7 =	simm.s32 $0x4  }
.LBB2_1:
0xc: {  	[tilespmem:s2], [sflag:$0x4] =	stream.linear.gather [hbm4b:s4+s2], $0x6400, $0x38;
	[tilespmem:$0x1B000] =	vst v63  }
0xd: {  	_ =	swait.ge [sflag:s7], $0x6400  }
0xe: {  	[sflag:s7] =	ssyncset.done $0x0  }
0xf: {  	[sflag:s7] =	ssyncadd.s32 $0xFFFF9C00  }
0x10: {  	[tilespmem:s9], [sflag:$0x1] =	stream.indirect.gather [hbm4b:s3+s8], $0x40, s2, s8, $0xb8;
	[tilespmem:$0x1B000] =	vst v63  }
0x11: {  	s17 =	simm.s32 $0x0  }
0x12: {  	[tilespmem:s10], [sflag:$0x2] =	stream.indirect.gather [hbm4b:s3+s8], $0x40, s8, s8, $0xb8;
	[tilespmem:$0x1B000] =	vst v63  }
.LBB2_2:
0x13: {  	s18 =	smul.u32 $0x3, s17;
	_ =	sdelay $0x1  }
0x14: {  	s18 =	sadd.s32 $0x2, s18  }
0x15: {  	s19 =	smul.u32 $0x640, s18;
	_ =	sdelay $0x1  }
0x16: {  	s19 =	sshra.s32 s19, $0x2  }
0x17: {  	[tilespmem:s11], [sflag:$0x3] =	stream.indirect.gather [hbm4b:s3+s8], $0x40, s19, s8, $0xb8;
	[tilespmem:$0x1B000] =	vst v63  }
0x18: {  	_ =	swait.ge [sflag:s12], $0x6400  }
0x19: {  	[sflag:s12] =	ssyncset.done $0x0  }
0x1a: {  	[sflag:s12] =	ssyncadd.s32 $0xFFFF9C00  }
0x1b: {  	v8 =	vld [tilespmem:$0x6400]  }
0x1c: {  	v12 =	vld [tilespmem:$0x6410]  }
0x1d: {  	v13 =	vld [tilespmem:$0x6420]  }
0x1e: {  	s20 =	simm.s32 $0x6520;
	v14 =	vld [tilespmem:$0x6430]  }
0x1f: {  	v16 =	vld [tilespmem:s20+$0xE0]  }
0x20: {  	v0 =	vld [tilespmem:s20+$0xF0]  }
0x21: {  	v1 =	vld [tilespmem:s20+$0x100]  }
0x22: {  	v11 =	vld [tilespmem:s20+$0xA0]  }
0x23: {  	v2 =	vld [tilespmem:s20+$0xB0]  }
0x24: {  	v3 =	vld [tilespmem:s20+$0xC0]  }
0x25: {  	v15 =	vld [tilespmem:s20+$0x60]  }
0x26: {  	v4 =	vld [tilespmem:s20+$0x70]  }
0x27: {  	v5 =	vld [tilespmem:s20+$0x80]  }
0x28: {  	v17 =	vld [tilespmem:s20+$0x20]  }
0x29: {  	v6 =	vld [tilespmem:s20+$0x30]  }
0x2a: {  	v7 =	vld [tilespmem:s20+$0x40]  }
0x2b: {  	v18 =	vld [tilespmem:s20+$0xFFFFFFE0]  }
0x2c: {  	v9 =	vld [tilespmem:s20+$0xFFFFFFF0]  }
0x2d: {  	v10 =	vld [tilespmem:s20+$0x0]  }
0x2e: {  	v19 =	vld [tilespmem:s20+$0xFFFFFFA0]  }
0x2f: {  	v20 =	vld [tilespmem:s20+$0xFFFFFF20]  }
0x30: {  	v21 =	vld [tilespmem:s20+$0xFFFFFF60]  }
0x31: {  	v22 =	vld [tilespmem:s20+$0xFFFFFFB0]  }
0x32: {  	v23 =	vld [tilespmem:s20+$0xFFFFFFC0]  }
0x33: {  	v24 =	vld [tilespmem:s20+$0xFFFFFF70]  }
0x34: {  	v25 =	vld [tilespmem:s20+$0xFFFFFF30]  }
0x35: {  	v63 =	vld [tilespmem:s20+$0xFFFFFF40];
	v8 =	vmax.f32 v8, v20  }
0x36: {  	v20 =	vld [tilespmem:s20+$0xFFFFFF80];
	v8 =	vmax.f32 v8, v21  }
0x37: {  	v8 =	vmax.f32 v8, v19;
	v19 =	vld [tilespmem:s20+$0xFFFFFF50]  }
0x38: {  	v8 =	vmax.f32 v8, v18;
	v18 =	vld [tilespmem:s20+$0xFFFFFF90]  }
0x39: {  	v8 =	vmax.f32 v8, v17;
	v17 =	vld [tilespmem:s20+$0xFFFFFFD0]  }
0x3a: {  	v8 =	vmax.f32 v8, v15;
	v15 =	vld [tilespmem:s20+$0x10]  }
0x3b: {  	v13 =	vmax.f32 v13, v63;
	v8 =	vmax.f32 v8, v11;
	v11 =	vld [tilespmem:s20+$0x50]  }
0x3c: {  	v8 =	vmax.f32 v8, v16;
	v16 =	vmax.f32 v12, v25;
	v14 =	vmax.f32 v14, v19;
	v12 =	vld [tilespmem:s20+$0x90]  }
0x3d: {  	v19 =	vmax.f32 v13, v20;
	v13 =	vld [tilespmem:s20+$0xD0];
	v16 =	vmax.f32 v16, v24;
	v14 =	vmax.f32 v14, v18  }
0x3e: {  	s19 =	simm.s32 $0x1;
	v18 =	vmax.f32 v16, v22;
	v16 =	vmax.f32 v19, v23;
	v17 =	vmax.f32 v14, v17;
	v14 =	vld [tilespmem:s20+$0x110];
	s20 =	simm.s32 $0x6720  }
.LBB2_3:
0x3f: {  	v19 =	vld [tilespmem:s20+$0xE0];
	v9 =	vmax.f32 v18, v9;
	v10 =	vmax.f32 v16, v10;
	v15 =	vmax.f32 v17, v15  }
0x40: {  	v16 =	vld [tilespmem:s20+$0xF0];
	v6 =	vmax.f32 v9, v6;
	v7 =	vmax.f32 v10, v7;
	v9 =	vmax.f32 v15, v11  }
0x41: {  	v10 =	vld [tilespmem:s20+$0x100];
	v4 =	vmax.f32 v6, v4;
	v5 =	vmax.f32 v7, v5;
	v6 =	vmax.f32 v9, v12  }
0x42: {  	v11 =	vld [tilespmem:s20+$0xA0];
	v4 =	vmax.f32 v4, v2;
	v3 =	vmax.f32 v5, v3;
	v5 =	vmax.f32 v6, v13  }
0x43: {  	v2 =	vld [tilespmem:s20+$0xB0];
	v12 =	vmax.f32 v4, v0;
	v13 =	vmax.f32 v3, v1;
	v14 =	vmax.f32 v5, v14  }
0x44: {  	v3 =	vld [tilespmem:s20+$0xC0]  }
0x45: {  	v15 =	vld [tilespmem:s20+$0x60];
	v0 =	vmov v16  }
0x46: {  	v4 =	vld [tilespmem:s20+$0x70];
	v1 =	vmov v10  }
0x47: {  	v5 =	vld [tilespmem:s20+$0x80]  }
0x48: {  	v16 =	vld [tilespmem:s20+$0x20]  }
0x49: {  	v6 =	vld [tilespmem:s20+$0x30]  }
0x4a: {  	v7 =	vld [tilespmem:s20+$0x40]  }
0x4b: {  	v17 =	vld [tilespmem:s20+$0xFFFFFFE0]  }
0x4c: {  	v9 =	vld [tilespmem:s20+$0xFFFFFFF0]  }
0x4d: {  	v10 =	vld [tilespmem:s20+$0x0]  }
0x4e: {  	v18 =	vld [tilespmem:s20+$0xFFFFFFA0]  }
0x4f: {  	v20 =	vld [tilespmem:s20+$0xFFFFFF20]  }
0x50: {  	v21 =	vld [tilespmem:s20+$0xFFFFFF60]  }
0x51: {  	v22 =	vld [tilespmem:s20+$0xFFFFFFB0]  }
0x52: {  	v23 =	vld [tilespmem:s20+$0xFFFFFFC0]  }
0x53: {  	v24 =	vld [tilespmem:s20+$0xFFFFFF70]  }
0x54: {  	v8 =	vmax.f32 v8, v20;
	v20 =	vld [tilespmem:s20+$0xFFFFFF80]  }
0x55: {  	v25 =	vld [tilespmem:s20+$0xFFFFFF30];
	v8 =	vmax.f32 v8, v21  }
0x56: {  	v21 =	vld [tilespmem:s20+$0xFFFFFF40];
	v8 =	vmax.f32 v8, v18  }
0x57: {  	s19 =	sadd.s32 $0x8, s19;
	v18 =	vld [tilespmem:s20+$0xFFFFFF50];
	v8 =	vmax.f32 v8, v17  }
0x58: {  	p0 =	slt.u32 s19, $0xB9;
	v17 =	vld [tilespmem:s20+$0xFFFFFF90];
	v8 =	vmax.f32 v8, v16  }
0x59: {  	v26 =	vld [tilespmem:s20+$0xFFFFFFD0];
	v8 =	vmax.f32 v8, v15  }
.Ltmp0:
0x5a: {  	v15 =	vld [tilespmem:s20+$0x10];
	v8 =	vmax.f32 v8, v11;
	(pc) =	sbr.rel @p0 .LBB2_3-.Ltmp0, $4  }
0x5b: {  	v11 =	vld [tilespmem:s20+$0x50];
	v8 =	vmax.f32 v8, v19  }
0x5c: {  	v16 =	vmax.f32 v12, v25;
	v13 =	vmax.f32 v13, v21;
	v14 =	vmax.f32 v14, v18;
	v12 =	vld [tilespmem:s20+$0x90]  }
0x5d: {  	v16 =	vmax.f32 v16, v24;
	v19 =	vmax.f32 v13, v20;
	v14 =	vmax.f32 v14, v17;
	v13 =	vld [tilespmem:s20+$0xD0]  }
0x5e: {  	v18 =	vmax.f32 v16, v22;
	v16 =	vmax.f32 v19, v23;
	v17 =	vmax.f32 v14, v26;
	v14 =	vld [tilespmem:s20+$0x110];
	s20 =	sadd.s32 $0x200, s20  }
0x5f: {  	v19 =	vld [tilespmem:$0x9440]  }
0x60: {  	v20 =	vld [tilespmem:$0x9450]  }
0x61: {  	v21 =	vld [tilespmem:$0x9460]  }
0x62: {  	v22 =	vld [tilespmem:$0x9470]  }
0x63: {  	v23 =	vld [tilespmem:$0x9480]  }
0x64: {  	v24 =	vld [tilespmem:$0x9490]  }
0x65: {  	v25 =	vld [tilespmem:$0x94A0]  }
0x66: {  	v26 =	vld [tilespmem:$0x94B0]  }
0x67: {  	v27 =	vld [tilespmem:$0x94C0]  }
0x68: {  	v28 =	vld [tilespmem:$0x94D0]  }
0x69: {  	v29 =	vld [tilespmem:$0x94E0]  }
0x6a: {  	v30 =	vld [tilespmem:$0x94F0]  }
0x6b: {  	v31 =	vld [tilespmem:$0x9500]  }
0x6c: {  	v32 =	vld [tilespmem:$0x9510]  }
0x6d: {  	v33 =	vld [tilespmem:$0x9520]  }
0x6e: {  	v34 =	vld [tilespmem:$0x9530]  }
0x6f: {  	v35 =	vld [tilespmem:$0x9540]  }
0x70: {  	v9 =	vmax.f32 v18, v9;
	v18 =	vld [tilespmem:$0x9550]  }
0x71: {  	v10 =	vmax.f32 v16, v10;
	v15 =	vmax.f32 v17, v15;
	v6 =	vmax.f32 v9, v6;
	v9 =	vld [tilespmem:$0x9560]  }
0x72: {  	v7 =	vmax.f32 v10, v7;
	v10 =	vmax.f32 v15, v11;
	v11 =	vld [tilespmem:$0x95D0];
	v4 =	vmax.f32 v6, v4  }
0x73: {  	v6 =	vld [tilespmem:$0x9570];
	v5 =	vmax.f32 v7, v5;
	v7 =	vmax.f32 v10, v12;
	v2 =	vmax.f32 v4, v2  }
0x74: {  	v10 =	vld [tilespmem:$0x95C0];
	v3 =	vmax.f32 v5, v3;
	v5 =	vmax.f32 v7, v13;
	v0 =	vmax.f32 v2, v0  }
0x75: {  	v12 =	vld [tilespmem:$0x95E0];
	v1 =	vmax.f32 v3, v1;
	v3 =	vmax.f32 v5, v14;
	v5 =	vmax.f32 v8, v19  }
0x76: {  	v4 =	vld [tilespmem:$0x9580];
	v0 =	vmax.f32 v0, v20;
	v1 =	vmax.f32 v1, v21;
	v3 =	vmax.f32 v3, v22  }
0x77: {  	v2 =	vld [tilespmem:$0x9590];
	v5 =	vmax.f32 v5, v23;
	v0 =	vmax.f32 v0, v24;
	v1 =	vmax.f32 v1, v25  }
0x78: {  	v7 =	vld [tilespmem:$0x95A0];
	v3 =	vmax.f32 v3, v26;
	v5 =	vmax.f32 v5, v27;
	v0 =	vmax.f32 v0, v28  }
0x79: {  	v8 =	vld [tilespmem:$0x95B0];
	v1 =	vmax.f32 v1, v29;
	v3 =	vmax.f32 v3, v30;
	v5 =	vmax.f32 v5, v31  }
0x7a: {  	s19 =	smul.u32 $0x600, s17;
	v13 =	vld [tilespmem:$0x95F0];
	v0 =	vmax.f32 v0, v32;
	v1 =	vmax.f32 v1, v33;
	v5 =	vmax.f32 v5, v35  }
0x7b: {  	v3 =	vmax.f32 v3, v34;
	v0 =	vmax.f32 v0, v18;
	v4 =	vmax.f32 v5, v4  }
0x7c: {  	s19 =	sshra.s32 s19, $0x2;
	v1 =	vmax.f32 v1, v9;
	v0 =	vmax.f32 v0, v2;
	v2 =	vmax.f32 v4, v10  }
0x7d: {  	v3 =	vmax.f32 v3, v6;
	v1 =	vmax.f32 v1, v7;
	v0 =	vmax.f32 v0, v11;
	[tilespmem:s19+$0x19000] =	vst v2  }
0x7e: {  	v1 =	vmax.f32 v1, v12;
	v2 =	vmax.f32 v3, v8;
	[tilespmem:s19+$0x19010] =	vst v0  }
0x7f: {  	[tilespmem:s19+$0x19020] =	vst v1;
	v0 =	vmax.f32 v2, v13  }
0x80: {  	[tilespmem:s19+$0x19030] =	vst v0  }
0x81: {  	v8 =	vld [tilespmem:$0x9600]  }
0x82: {  	v12 =	vld [tilespmem:$0x9610]  }
0x83: {  	v13 =	vld [tilespmem:$0x9620]  }
0x84: {  	s21 =	simm.s32 $0x9830;
	v14 =	vld [tilespmem:$0x9630]  }
0x85: {  	v16 =	vld [tilespmem:s21+$0xFFFFFFD0]  }
0x86: {  	v0 =	vld [tilespmem:s21+$0xFFFFFFE0]  }
0x87: {  	v1 =	vld [tilespmem:s21+$0xFFFFFFF0]  }
0x88: {  	v11 =	vld [tilespmem:s21+$0xFFFFFF90]  }
0x89: {  	v2 =	vld [tilespmem:s21+$0xFFFFFFA0]  }
0x8a: {  	v3 =	vld [tilespmem:s21+$0xFFFFFFB0]  }
0x8b: {  	v15 =	vld [tilespmem:s21+$0xFFFFFF50]  }
0x8c: {  	v4 =	vld [tilespmem:s21+$0xFFFFFF60]  }
0x8d: {  	v5 =	vld [tilespmem:s21+$0xFFFFFF70]  }
0x8e: {  	v17 =	vld [tilespmem:s21+$0xFFFFFF10]  }
0x8f: {  	v6 =	vld [tilespmem:s21+$0xFFFFFF20]  }
0x90: {  	v7 =	vld [tilespmem:s21+$0xFFFFFF30]  }
0x91: {  	v18 =	vld [tilespmem:s21+$0xFFFFFED0]  }
0x92: {  	v9 =	vld [tilespmem:s21+$0xFFFFFEE0]  }
0x93: {  	v10 =	vld [tilespmem:s21+$0xFFFFFEF0]  }
0x94: {  	v19 =	vld [tilespmem:s21+$0xFFFFFE90]  }
0x95: {  	v20 =	vld [tilespmem:s21+$0xFFFFFE10]  }
0x96: {  	v58 =	vld [tilespmem:s21+$0xFFFFFE50]  }
0x97: {  	v59 =	vld [tilespmem:s21+$0xFFFFFEA0]  }
0x98: {  	v60 =	vld [tilespmem:s21+$0xFFFFFEB0]  }
0x99: {  	v61 =	vld [tilespmem:s21+$0xFFFFFE60]  }
0x9a: {  	v62 =	vld [tilespmem:s21+$0xFFFFFE20]  }
0x9b: {  	v63 =	vld [tilespmem:s21+$0xFFFFFE30];
	v8 =	vmax.f32 v8, v20  }
0x9c: {  	v20 =	vld [tilespmem:s21+$0xFFFFFE70];
	v8 =	vmax.f32 v8, v58  }
0x9d: {  	v8 =	vmax.f32 v8, v19;
	v19 =	vld [tilespmem:s21+$0xFFFFFE40]  }
0x9e: {  	v8 =	vmax.f32 v8, v18;
	v18 =	vld [tilespmem:s21+$0xFFFFFE80]  }
0x9f: {  	v8 =	vmax.f32 v8, v17;
	v17 =	vld [tilespmem:s21+$0xFFFFFEC0]  }
0xa0: {  	v8 =	vmax.f32 v8, v15;
	v15 =	vld [tilespmem:s21+$0xFFFFFF00]  }
0xa1: {  	v13 =	vmax.f32 v13, v63;
	v8 =	vmax.f32 v8, v11;
	v11 =	vld [tilespmem:s21+$0xFFFFFF40]  }
0xa2: {  	v8 =	vmax.f32 v8, v16;
	v16 =	vmax.f32 v12, v62;
	v14 =	vmax.f32 v14, v19;
	v12 =	vld [tilespmem:s21+$0xFFFFFF80]  }
0xa3: {  	v19 =	vmax.f32 v13, v20;
	v13 =	vld [tilespmem:s21+$0xFFFFFFC0];
	v16 =	vmax.f32 v16, v61;
	v14 =	vmax.f32 v14, v18  }
0xa4: {  	s20 =	simm.s32 $0xC9;
	v18 =	vmax.f32 v16, v59;
	v16 =	vmax.f32 v19, v60;
	v17 =	vmax.f32 v14, v17;
	v14 =	vld [tilespmem:s21+$0x0];
	s21 =	simm.s32 $0x9A30  }
.LBB2_5:
0xa5: {  	v19 =	vld [tilespmem:s21+$0xFFFFFFD0];
	v9 =	vmax.f32 v18, v9;
	v10 =	vmax.f32 v16, v10;
	v15 =	vmax.f32 v17, v15  }
0xa6: {  	v16 =	vld [tilespmem:s21+$0xFFFFFFE0];
	v6 =	vmax.f32 v9, v6;
	v7 =	vmax.f32 v10, v7;
	v9 =	vmax.f32 v15, v11  }
0xa7: {  	v10 =	vld [tilespmem:s21+$0xFFFFFFF0];
	v4 =	vmax.f32 v6, v4;
	v5 =	vmax.f32 v7, v5;
	v6 =	vmax.f32 v9, v12  }
0xa8: {  	v11 =	vld [tilespmem:s21+$0xFFFFFF90];
	v4 =	vmax.f32 v4, v2;
	v3 =	vmax.f32 v5, v3;
	v5 =	vmax.f32 v6, v13  }
0xa9: {  	v2 =	vld [tilespmem:s21+$0xFFFFFFA0];
	v12 =	vmax.f32 v4, v0;
	v13 =	vmax.f32 v3, v1;
	v14 =	vmax.f32 v5, v14  }
0xaa: {  	v3 =	vld [tilespmem:s21+$0xFFFFFFB0]  }
0xab: {  	v15 =	vld [tilespmem:s21+$0xFFFFFF50];
	v0 =	vmov v16  }
0xac: {  	v4 =	vld [tilespmem:s21+$0xFFFFFF60];
	v1 =	vmov v10  }
0xad: {  	v5 =	vld [tilespmem:s21+$0xFFFFFF70]  }
0xae: {  	v16 =	vld [tilespmem:s21+$0xFFFFFF10]  }
0xaf: {  	v6 =	vld [tilespmem:s21+$0xFFFFFF20]  }
0xb0: {  	v7 =	vld [tilespmem:s21+$0xFFFFFF30]  }
0xb1: {  	v17 =	vld [tilespmem:s21+$0xFFFFFED0]  }
0xb2: {  	v9 =	vld [tilespmem:s21+$0xFFFFFEE0]  }
0xb3: {  	v10 =	vld [tilespmem:s21+$0xFFFFFEF0]  }
0xb4: {  	v18 =	vld [tilespmem:s21+$0xFFFFFE90]  }
0xb5: {  	v20 =	vld [tilespmem:s21+$0xFFFFFE10]  }
0xb6: {  	v21 =	vld [tilespmem:s21+$0xFFFFFE50]  }
0xb7: {  	v22 =	vld [tilespmem:s21+$0xFFFFFEA0]  }
0xb8: {  	v23 =	vld [tilespmem:s21+$0xFFFFFEB0]  }
0xb9: {  	v24 =	vld [tilespmem:s21+$0xFFFFFE60]  }
0xba: {  	v8 =	vmax.f32 v8, v20;
	v20 =	vld [tilespmem:s21+$0xFFFFFE70]  }
0xbb: {  	v25 =	vld [tilespmem:s21+$0xFFFFFE20];
	v8 =	vmax.f32 v8, v21  }
0xbc: {  	v21 =	vld [tilespmem:s21+$0xFFFFFE30];
	v8 =	vmax.f32 v8, v18  }
0xbd: {  	s20 =	sadd.s32 $0x8, s20;
	v18 =	vld [tilespmem:s21+$0xFFFFFE40];
	v8 =	vmax.f32 v8, v17  }
0xbe: {  	p0 =	slt.u32 s20, $0x181;
	v17 =	vld [tilespmem:s21+$0xFFFFFE80];
	v8 =	vmax.f32 v8, v16  }
0xbf: {  	v26 =	vld [tilespmem:s21+$0xFFFFFEC0];
	v8 =	vmax.f32 v8, v15  }
.Ltmp1:
0xc0: {  	v15 =	vld [tilespmem:s21+$0xFFFFFF00];
	v8 =	vmax.f32 v8, v11;
	(pc) =	sbr.rel @p0 .LBB2_5-.Ltmp1, $4  }
0xc1: {  	v11 =	vld [tilespmem:s21+$0xFFFFFF40];
	v8 =	vmax.f32 v8, v19  }
0xc2: {  	v16 =	vmax.f32 v12, v25;
	v13 =	vmax.f32 v13, v21;
	v14 =	vmax.f32 v14, v18;
	v12 =	vld [tilespmem:s21+$0xFFFFFF80]  }
0xc3: {  	v16 =	vmax.f32 v16, v24;
	v19 =	vmax.f32 v13, v20;
	v14 =	vmax.f32 v14, v17;
	v13 =	vld [tilespmem:s21+$0xFFFFFFC0]  }
0xc4: {  	v18 =	vmax.f32 v16, v22;
	v16 =	vmax.f32 v19, v23;
	v17 =	vmax.f32 v14, v26;
	v14 =	vld [tilespmem:s21+$0x0];
	s21 =	sadd.s32 $0x200, s21  }
0xc5: {  	v19 =	vld [tilespmem:$0xC640]  }
0xc6: {  	v20 =	vld [tilespmem:$0xC650]  }
0xc7: {  	v21 =	vld [tilespmem:$0xC660]  }
0xc8: {  	v22 =	vld [tilespmem:$0xC670]  }
0xc9: {  	v23 =	vld [tilespmem:$0xC680]  }
0xca: {  	v24 =	vld [tilespmem:$0xC690]  }
0xcb: {  	v25 =	vld [tilespmem:$0xC6A0]  }
0xcc: {  	v26 =	vld [tilespmem:$0xC6B0]  }
0xcd: {  	v27 =	vld [tilespmem:$0xC6C0]  }
0xce: {  	v28 =	vld [tilespmem:$0xC6D0]  }
0xcf: {  	v29 =	vld [tilespmem:$0xC6E0]  }
0xd0: {  	v30 =	vld [tilespmem:$0xC6F0]  }
0xd1: {  	v31 =	vld [tilespmem:$0xC700]  }
0xd2: {  	v32 =	vld [tilespmem:$0xC710]  }
0xd3: {  	v33 =	vld [tilespmem:$0xC720]  }
0xd4: {  	v34 =	vld [tilespmem:$0xC730]  }
0xd5: {  	v35 =	vld [tilespmem:$0xC740]  }
0xd6: {  	v9 =	vmax.f32 v18, v9;
	v18 =	vld [tilespmem:$0xC750]  }
0xd7: {  	v10 =	vmax.f32 v16, v10;
	v15 =	vmax.f32 v17, v15;
	v6 =	vmax.f32 v9, v6;
	v9 =	vld [tilespmem:$0xC760]  }
0xd8: {  	v7 =	vmax.f32 v10, v7;
	v10 =	vmax.f32 v15, v11;
	v11 =	vld [tilespmem:$0xC7D0];
	v4 =	vmax.f32 v6, v4  }
0xd9: {  	v6 =	vld [tilespmem:$0xC770];
	v5 =	vmax.f32 v7, v5;
	v7 =	vmax.f32 v10, v12;
	v2 =	vmax.f32 v4, v2  }
0xda: {  	v10 =	vld [tilespmem:$0xC7C0];
	v3 =	vmax.f32 v5, v3;
	v5 =	vmax.f32 v7, v13;
	v0 =	vmax.f32 v2, v0  }
0xdb: {  	v12 =	vld [tilespmem:$0xC7E0];
	v1 =	vmax.f32 v3, v1;
	v3 =	vmax.f32 v5, v14;
	v5 =	vmax.f32 v8, v19  }
0xdc: {  	v4 =	vld [tilespmem:$0xC780];
	v0 =	vmax.f32 v0, v20;
	v1 =	vmax.f32 v1, v21;
	v3 =	vmax.f32 v3, v22  }
0xdd: {  	v2 =	vld [tilespmem:$0xC790];
	v5 =	vmax.f32 v5, v23;
	v0 =	vmax.f32 v0, v24;
	v1 =	vmax.f32 v1, v25  }
0xde: {  	v7 =	vld [tilespmem:$0xC7A0];
	v3 =	vmax.f32 v3, v26;
	v5 =	vmax.f32 v5, v27;
	v0 =	vmax.f32 v0, v28  }
0xdf: {  	v8 =	vld [tilespmem:$0xC7B0];
	v1 =	vmax.f32 v1, v29;
	v3 =	vmax.f32 v3, v30;
	v5 =	vmax.f32 v5, v31  }
0xe0: {  	v13 =	vld [tilespmem:$0xC7F0];
	v0 =	vmax.f32 v0, v32;
	v1 =	vmax.f32 v1, v33;
	v5 =	vmax.f32 v5, v35  }
0xe1: {  	v3 =	vmax.f32 v3, v34;
	v0 =	vmax.f32 v0, v18;
	v4 =	vmax.f32 v5, v4  }
0xe2: {  	v1 =	vmax.f32 v1, v9;
	v0 =	vmax.f32 v0, v2;
	v2 =	vmax.f32 v4, v10  }
0xe3: {  	s20 =	smul.u32 $0x12C0, s17;
	v3 =	vmax.f32 v3, v6;
	v1 =	vmax.f32 v1, v7;
	v0 =	vmax.f32 v0, v11;
	[tilespmem:s19+$0x19040] =	vst v2  }
0xe4: {  	v1 =	vmax.f32 v1, v12;
	v2 =	vmax.f32 v3, v8;
	[tilespmem:s19+$0x19050] =	vst v0  }
0xe5: {  	s20 =	sshra.s32 s20, $0x2;
	[tilespmem:s19+$0x19060] =	vst v1;
	v0 =	vmax.f32 v2, v13  }
0xe6: {  	s21 =	sadd.s32 $0x4B0, s20;
	[tilespmem:s19+$0x19070] =	vst v0  }
0xe7: {  	[tilespmem:s9], [sflag:$0x1] =	stream.indirect.gather [hbm4b:s3+s8], $0x40, s21, s8, $0xb8;
	[tilespmem:$0x1B000] =	vst v63  }
0xe8: {  	_ =	swait.ge [sflag:s13], $0x6400  }
0xe9: {  	[sflag:s13] =	ssyncset.done $0x0  }
0xea: {  	[sflag:s13] =	ssyncadd.s32 $0xFFFF9C00  }
0xeb: {  	v8 =	vld [tilespmem:$0xC800]  }
0xec: {  	v12 =	vld [tilespmem:$0xC810]  }
0xed: {  	v13 =	vld [tilespmem:$0xC820]  }
0xee: {  	s22 =	simm.s32 $0xC920;
	v14 =	vld [tilespmem:$0xC830]  }
0xef: {  	v16 =	vld [tilespmem:s22+$0xE0]  }
0xf0: {  	v0 =	vld [tilespmem:s22+$0xF0]  }
0xf1: {  	v1 =	vld [tilespmem:s22+$0x100]  }
0xf2: {  	v11 =	vld [tilespmem:s22+$0xA0]  }
0xf3: {  	v2 =	vld [tilespmem:s22+$0xB0]  }
0xf4: {  	v3 =	vld [tilespmem:s22+$0xC0]  }
0xf5: {  	v15 =	vld [tilespmem:s22+$0x60]  }
0xf6: {  	v4 =	vld [tilespmem:s22+$0x70]  }
0xf7: {  	v5 =	vld [tilespmem:s22+$0x80]  }
0xf8: {  	v17 =	vld [tilespmem:s22+$0x20]  }
0xf9: {  	v6 =	vld [tilespmem:s22+$0x30]  }
0xfa: {  	v7 =	vld [tilespmem:s22+$0x40]  }
0xfb: {  	v18 =	vld [tilespmem:s22+$0xFFFFFFE0]  }
0xfc: {  	v9 =	vld [tilespmem:s22+$0xFFFFFFF0]  }
0xfd: {  	v10 =	vld [tilespmem:s22+$0x0]  }
0xfe: {  	v19 =	vld [tilespmem:s22+$0xFFFFFFA0]  }
0xff: {  	v20 =	vld [tilespmem:s22+$0xFFFFFF20]  }
0x100: {  	v58 =	vld [tilespmem:s22+$0xFFFFFF60]  }
0x101: {  	v59 =	vld [tilespmem:s22+$0xFFFFFFB0]  }
0x102: {  	v60 =	vld [tilespmem:s22+$0xFFFFFFC0]  }
0x103: {  	v61 =	vld [tilespmem:s22+$0xFFFFFF70]  }
0x104: {  	v62 =	vld [tilespmem:s22+$0xFFFFFF30]  }
0x105: {  	v63 =	vld [tilespmem:s22+$0xFFFFFF40];
	v8 =	vmax.f32 v8, v20  }
0x106: {  	v20 =	vld [tilespmem:s22+$0xFFFFFF80];
	v8 =	vmax.f32 v8, v58  }
0x107: {  	v8 =	vmax.f32 v8, v19;
	v19 =	vld [tilespmem:s22+$0xFFFFFF50]  }
0x108: {  	v8 =	vmax.f32 v8, v18;
	v18 =	vld [tilespmem:s22+$0xFFFFFF90]  }
0x109: {  	v8 =	vmax.f32 v8, v17;
	v17 =	vld [tilespmem:s22+$0xFFFFFFD0]  }
0x10a: {  	v8 =	vmax.f32 v8, v15;
	v15 =	vld [tilespmem:s22+$0x10]  }
0x10b: {  	v13 =	vmax.f32 v13, v63;
	v8 =	vmax.f32 v8, v11;
	v11 =	vld [tilespmem:s22+$0x50]  }
0x10c: {  	v8 =	vmax.f32 v8, v16;
	v16 =	vmax.f32 v12, v62;
	v14 =	vmax.f32 v14, v19;
	v12 =	vld [tilespmem:s22+$0x90]  }
0x10d: {  	v19 =	vmax.f32 v13, v20;
	v13 =	vld [tilespmem:s22+$0xD0];
	v16 =	vmax.f32 v16, v61;
	v14 =	vmax.f32 v14, v18  }
0x10e: {  	s21 =	simm.s32 $0x1;
	v18 =	vmax.f32 v16, v59;
	v16 =	vmax.f32 v19, v60;
	v17 =	vmax.f32 v14, v17;
	v14 =	vld [tilespmem:s22+$0x110];
	s22 =	simm.s32 $0xCB20  }
.LBB2_7:
0x10f: {  	v19 =	vld [tilespmem:s22+$0xE0];
	v9 =	vmax.f32 v18, v9;
	v10 =	vmax.f32 v16, v10;
	v15 =	vmax.f32 v17, v15  }
0x110: {  	v16 =	vld [tilespmem:s22+$0xF0];
	v6 =	vmax.f32 v9, v6;
	v7 =	vmax.f32 v10, v7;
	v9 =	vmax.f32 v15, v11  }
0x111: {  	v10 =	vld [tilespmem:s22+$0x100];
	v4 =	vmax.f32 v6, v4;
	v5 =	vmax.f32 v7, v5;
	v6 =	vmax.f32 v9, v12  }
0x112: {  	v11 =	vld [tilespmem:s22+$0xA0];
	v4 =	vmax.f32 v4, v2;
	v3 =	vmax.f32 v5, v3;
	v5 =	vmax.f32 v6, v13  }
0x113: {  	v2 =	vld [tilespmem:s22+$0xB0];
	v12 =	vmax.f32 v4, v0;
	v13 =	vmax.f32 v3, v1;
	v14 =	vmax.f32 v5, v14  }
0x114: {  	v3 =	vld [tilespmem:s22+$0xC0]  }
0x115: {  	v15 =	vld [tilespmem:s22+$0x60];
	v0 =	vmov v16  }
0x116: {  	v4 =	vld [tilespmem:s22+$0x70];
	v1 =	vmov v10  }
0x117: {  	v5 =	vld [tilespmem:s22+$0x80]  }
0x118: {  	v16 =	vld [tilespmem:s22+$0x20]  }
0x119: {  	v6 =	vld [tilespmem:s22+$0x30]  }
0x11a: {  	v7 =	vld [tilespmem:s22+$0x40]  }
0x11b: {  	v17 =	vld [tilespmem:s22+$0xFFFFFFE0]  }
0x11c: {  	v9 =	vld [tilespmem:s22+$0xFFFFFFF0]  }
0x11d: {  	v10 =	vld [tilespmem:s22+$0x0]  }
0x11e: {  	v18 =	vld [tilespmem:s22+$0xFFFFFFA0]  }
0x11f: {  	v20 =	vld [tilespmem:s22+$0xFFFFFF20]  }
0x120: {  	v21 =	vld [tilespmem:s22+$0xFFFFFF60]  }
0x121: {  	v22 =	vld [tilespmem:s22+$0xFFFFFFB0]  }
0x122: {  	v23 =	vld [tilespmem:s22+$0xFFFFFFC0]  }
0x123: {  	v24 =	vld [tilespmem:s22+$0xFFFFFF70]  }
0x124: {  	v8 =	vmax.f32 v8, v20;
	v20 =	vld [tilespmem:s22+$0xFFFFFF80]  }
0x125: {  	v25 =	vld [tilespmem:s22+$0xFFFFFF30];
	v8 =	vmax.f32 v8, v21  }
0x126: {  	v21 =	vld [tilespmem:s22+$0xFFFFFF40];
	v8 =	vmax.f32 v8, v18  }
0x127: {  	s21 =	sadd.s32 $0x8, s21;
	v18 =	vld [tilespmem:s22+$0xFFFFFF50];
	v8 =	vmax.f32 v8, v17  }
0x128: {  	p0 =	slt.u32 s21, $0xB9;
	v17 =	vld [tilespmem:s22+$0xFFFFFF90];
	v8 =	vmax.f32 v8, v16  }
0x129: {  	v26 =	vld [tilespmem:s22+$0xFFFFFFD0];
	v8 =	vmax.f32 v8, v15  }
.Ltmp2:
0x12a: {  	v15 =	vld [tilespmem:s22+$0x10];
	v8 =	vmax.f32 v8, v11;
	(pc) =	sbr.rel @p0 .LBB2_7-.Ltmp2, $4  }
0x12b: {  	v11 =	vld [tilespmem:s22+$0x50];
	v8 =	vmax.f32 v8, v19  }
0x12c: {  	v16 =	vmax.f32 v12, v25;
	v13 =	vmax.f32 v13, v21;
	v14 =	vmax.f32 v14, v18;
	v12 =	vld [tilespmem:s22+$0x90]  }
0x12d: {  	v16 =	vmax.f32 v16, v24;
	v19 =	vmax.f32 v13, v20;
	v14 =	vmax.f32 v14, v17;
	v13 =	vld [tilespmem:s22+$0xD0]  }
0x12e: {  	v18 =	vmax.f32 v16, v22;
	v16 =	vmax.f32 v19, v23;
	v17 =	vmax.f32 v14, v26;
	v14 =	vld [tilespmem:s22+$0x110];
	s22 =	sadd.s32 $0x200, s22  }
0x12f: {  	v19 =	vld [tilespmem:$0xF840]  }
0x130: {  	v20 =	vld [tilespmem:$0xF850]  }
0x131: {  	v21 =	vld [tilespmem:$0xF860]  }
0x132: {  	v22 =	vld [tilespmem:$0xF870]  }
0x133: {  	v23 =	vld [tilespmem:$0xF880]  }
0x134: {  	v24 =	vld [tilespmem:$0xF890]  }
0x135: {  	v25 =	vld [tilespmem:$0xF8A0]  }
0x136: {  	v26 =	vld [tilespmem:$0xF8B0]  }
0x137: {  	v27 =	vld [tilespmem:$0xF8C0]  }
0x138: {  	v28 =	vld [tilespmem:$0xF8D0]  }
0x139: {  	v29 =	vld [tilespmem:$0xF8E0]  }
0x13a: {  	v30 =	vld [tilespmem:$0xF8F0]  }
0x13b: {  	v31 =	vld [tilespmem:$0xF900]  }
0x13c: {  	v32 =	vld [tilespmem:$0xF910]  }
0x13d: {  	v33 =	vld [tilespmem:$0xF920]  }
0x13e: {  	v34 =	vld [tilespmem:$0xF930]  }
0x13f: {  	v35 =	vld [tilespmem:$0xF940]  }
0x140: {  	v9 =	vmax.f32 v18, v9;
	v18 =	vld [tilespmem:$0xF950]  }
0x141: {  	v10 =	vmax.f32 v16, v10;
	v15 =	vmax.f32 v17, v15;
	v6 =	vmax.f32 v9, v6;
	v9 =	vld [tilespmem:$0xF960]  }
0x142: {  	v7 =	vmax.f32 v10, v7;
	v10 =	vmax.f32 v15, v11;
	v11 =	vld [tilespmem:$0xF9D0];
	v4 =	vmax.f32 v6, v4  }
0x143: {  	v6 =	vld [tilespmem:$0xF970];
	v5 =	vmax.f32 v7, v5;
	v7 =	vmax.f32 v10, v12;
	v2 =	vmax.f32 v4, v2  }
0x144: {  	v10 =	vld [tilespmem:$0xF9C0];
	v3 =	vmax.f32 v5, v3;
	v5 =	vmax.f32 v7, v13;
	v0 =	vmax.f32 v2, v0  }
0x145: {  	v12 =	vld [tilespmem:$0xF9E0];
	v1 =	vmax.f32 v3, v1;
	v3 =	vmax.f32 v5, v14;
	v5 =	vmax.f32 v8, v19  }
0x146: {  	v4 =	vld [tilespmem:$0xF980];
	v0 =	vmax.f32 v0, v20;
	v1 =	vmax.f32 v1, v21;
	v3 =	vmax.f32 v3, v22  }
0x147: {  	v2 =	vld [tilespmem:$0xF990];
	v5 =	vmax.f32 v5, v23;
	v0 =	vmax.f32 v0, v24;
	v1 =	vmax.f32 v1, v25  }
0x148: {  	v7 =	vld [tilespmem:$0xF9A0];
	v3 =	vmax.f32 v3, v26;
	v5 =	vmax.f32 v5, v27;
	v0 =	vmax.f32 v0, v28  }
0x149: {  	v8 =	vld [tilespmem:$0xF9B0];
	v1 =	vmax.f32 v1, v29;
	v3 =	vmax.f32 v3, v30;
	v5 =	vmax.f32 v5, v31  }
0x14a: {  	v13 =	vld [tilespmem:$0xF9F0];
	v0 =	vmax.f32 v0, v32;
	v1 =	vmax.f32 v1, v33;
	v5 =	vmax.f32 v5, v35  }
0x14b: {  	v3 =	vmax.f32 v3, v34;
	v0 =	vmax.f32 v0, v18;
	v4 =	vmax.f32 v5, v4  }
0x14c: {  	v1 =	vmax.f32 v1, v9;
	v0 =	vmax.f32 v0, v2;
	v2 =	vmax.f32 v4, v10  }
0x14d: {  	v3 =	vmax.f32 v3, v6;
	v1 =	vmax.f32 v1, v7;
	v0 =	vmax.f32 v0, v11;
	[tilespmem:s19+$0x19080] =	vst v2  }
0x14e: {  	v1 =	vmax.f32 v1, v12;
	v2 =	vmax.f32 v3, v8;
	[tilespmem:s19+$0x19090] =	vst v0  }
0x14f: {  	[tilespmem:s19+$0x190A0] =	vst v1;
	v0 =	vmax.f32 v2, v13  }
0x150: {  	[tilespmem:s19+$0x190B0] =	vst v0  }
0x151: {  	v8 =	vld [tilespmem:$0xFA00]  }
0x152: {  	v12 =	vld [tilespmem:$0xFA10]  }
0x153: {  	v13 =	vld [tilespmem:$0xFA20]  }
0x154: {  	s22 =	simm.s32 $0xFC30;
	v14 =	vld [tilespmem:$0xFA30]  }
0x155: {  	v16 =	vld [tilespmem:s22+$0xFFFFFFD0]  }
0x156: {  	v0 =	vld [tilespmem:s22+$0xFFFFFFE0]  }
0x157: {  	v1 =	vld [tilespmem:s22+$0xFFFFFFF0]  }
0x158: {  	v11 =	vld [tilespmem:s22+$0xFFFFFF90]  }
0x159: {  	v2 =	vld [tilespmem:s22+$0xFFFFFFA0]  }
0x15a: {  	v3 =	vld [tilespmem:s22+$0xFFFFFFB0]  }
0x15b: {  	v15 =	vld [tilespmem:s22+$0xFFFFFF50]  }
0x15c: {  	v4 =	vld [tilespmem:s22+$0xFFFFFF60]  }
0x15d: {  	v5 =	vld [tilespmem:s22+$0xFFFFFF70]  }
0x15e: {  	v17 =	vld [tilespmem:s22+$0xFFFFFF10]  }
0x15f: {  	v6 =	vld [tilespmem:s22+$0xFFFFFF20]  }
0x160: {  	v7 =	vld [tilespmem:s22+$0xFFFFFF30]  }
0x161: {  	v18 =	vld [tilespmem:s22+$0xFFFFFED0]  }
0x162: {  	v9 =	vld [tilespmem:s22+$0xFFFFFEE0]  }
0x163: {  	v10 =	vld [tilespmem:s22+$0xFFFFFEF0]  }
0x164: {  	v19 =	vld [tilespmem:s22+$0xFFFFFE90]  }
0x165: {  	v20 =	vld [tilespmem:s22+$0xFFFFFE10]  }
0x166: {  	v58 =	vld [tilespmem:s22+$0xFFFFFE50]  }
0x167: {  	v59 =	vld [tilespmem:s22+$0xFFFFFEA0]  }
0x168: {  	v60 =	vld [tilespmem:s22+$0xFFFFFEB0]  }
0x169: {  	v61 =	vld [tilespmem:s22+$0xFFFFFE60]  }
0x16a: {  	v62 =	vld [tilespmem:s22+$0xFFFFFE20]  }
0x16b: {  	v63 =	vld [tilespmem:s22+$0xFFFFFE30];
	v8 =	vmax.f32 v8, v20  }
0x16c: {  	v20 =	vld [tilespmem:s22+$0xFFFFFE70];
	v8 =	vmax.f32 v8, v58  }
0x16d: {  	v8 =	vmax.f32 v8, v19;
	v19 =	vld [tilespmem:s22+$0xFFFFFE40]  }
0x16e: {  	v8 =	vmax.f32 v8, v18;
	v18 =	vld [tilespmem:s22+$0xFFFFFE80]  }
0x16f: {  	v8 =	vmax.f32 v8, v17;
	v17 =	vld [tilespmem:s22+$0xFFFFFEC0]  }
0x170: {  	v8 =	vmax.f32 v8, v15;
	v15 =	vld [tilespmem:s22+$0xFFFFFF00]  }
0x171: {  	v13 =	vmax.f32 v13, v63;
	v8 =	vmax.f32 v8, v11;
	v11 =	vld [tilespmem:s22+$0xFFFFFF40]  }
0x172: {  	v8 =	vmax.f32 v8, v16;
	v16 =	vmax.f32 v12, v62;
	v14 =	vmax.f32 v14, v19;
	v12 =	vld [tilespmem:s22+$0xFFFFFF80]  }
0x173: {  	v19 =	vmax.f32 v13, v20;
	v13 =	vld [tilespmem:s22+$0xFFFFFFC0];
	v16 =	vmax.f32 v16, v61;
	v14 =	vmax.f32 v14, v18  }
0x174: {  	s21 =	simm.s32 $0xC9;
	v18 =	vmax.f32 v16, v59;
	v16 =	vmax.f32 v19, v60;
	v17 =	vmax.f32 v14, v17;
	v14 =	vld [tilespmem:s22+$0x0];
	s22 =	simm.s32 $0xFE30  }
.LBB2_9:
0x175: {  	v19 =	vld [tilespmem:s22+$0xFFFFFFD0];
	v9 =	vmax.f32 v18, v9;
	v10 =	vmax.f32 v16, v10;
	v15 =	vmax.f32 v17, v15  }
0x176: {  	v16 =	vld [tilespmem:s22+$0xFFFFFFE0];
	v6 =	vmax.f32 v9, v6;
	v7 =	vmax.f32 v10, v7;
	v9 =	vmax.f32 v15, v11  }
0x177: {  	v10 =	vld [tilespmem:s22+$0xFFFFFFF0];
	v4 =	vmax.f32 v6, v4;
	v5 =	vmax.f32 v7, v5;
	v6 =	vmax.f32 v9, v12  }
0x178: {  	v11 =	vld [tilespmem:s22+$0xFFFFFF90];
	v4 =	vmax.f32 v4, v2;
	v3 =	vmax.f32 v5, v3;
	v5 =	vmax.f32 v6, v13  }
0x179: {  	v2 =	vld [tilespmem:s22+$0xFFFFFFA0];
	v12 =	vmax.f32 v4, v0;
	v13 =	vmax.f32 v3, v1;
	v14 =	vmax.f32 v5, v14  }
0x17a: {  	v3 =	vld [tilespmem:s22+$0xFFFFFFB0]  }
0x17b: {  	v15 =	vld [tilespmem:s22+$0xFFFFFF50];
	v0 =	vmov v16  }
0x17c: {  	v4 =	vld [tilespmem:s22+$0xFFFFFF60];
	v1 =	vmov v10  }
0x17d: {  	v5 =	vld [tilespmem:s22+$0xFFFFFF70]  }
0x17e: {  	v16 =	vld [tilespmem:s22+$0xFFFFFF10]  }
0x17f: {  	v6 =	vld [tilespmem:s22+$0xFFFFFF20]  }
0x180: {  	v7 =	vld [tilespmem:s22+$0xFFFFFF30]  }
0x181: {  	v17 =	vld [tilespmem:s22+$0xFFFFFED0]  }
0x182: {  	v9 =	vld [tilespmem:s22+$0xFFFFFEE0]  }
0x183: {  	v10 =	vld [tilespmem:s22+$0xFFFFFEF0]  }
0x184: {  	v18 =	vld [tilespmem:s22+$0xFFFFFE90]  }
0x185: {  	v20 =	vld [tilespmem:s22+$0xFFFFFE10]  }
0x186: {  	v21 =	vld [tilespmem:s22+$0xFFFFFE50]  }
0x187: {  	v22 =	vld [tilespmem:s22+$0xFFFFFEA0]  }
0x188: {  	v23 =	vld [tilespmem:s22+$0xFFFFFEB0]  }
0x189: {  	v24 =	vld [tilespmem:s22+$0xFFFFFE60]  }
0x18a: {  	v8 =	vmax.f32 v8, v20;
	v20 =	vld [tilespmem:s22+$0xFFFFFE70]  }
0x18b: {  	v25 =	vld [tilespmem:s22+$0xFFFFFE20];
	v8 =	vmax.f32 v8, v21  }
0x18c: {  	v21 =	vld [tilespmem:s22+$0xFFFFFE30];
	v8 =	vmax.f32 v8, v18  }
0x18d: {  	s21 =	sadd.s32 $0x8, s21;
	v18 =	vld [tilespmem:s22+$0xFFFFFE40];
	v8 =	vmax.f32 v8, v17  }
0x18e: {  	p0 =	slt.u32 s21, $0x181;
	v17 =	vld [tilespmem:s22+$0xFFFFFE80];
	v8 =	vmax.f32 v8, v16  }
0x18f: {  	v26 =	vld [tilespmem:s22+$0xFFFFFEC0];
	v8 =	vmax.f32 v8, v15  }
.Ltmp3:
0x190: {  	v15 =	vld [tilespmem:s22+$0xFFFFFF00];
	v8 =	vmax.f32 v8, v11;
	(pc) =	sbr.rel @p0 .LBB2_9-.Ltmp3, $4  }
0x191: {  	v11 =	vld [tilespmem:s22+$0xFFFFFF40];
	v8 =	vmax.f32 v8, v19  }
0x192: {  	v16 =	vmax.f32 v12, v25;
	v13 =	vmax.f32 v13, v21;
	v14 =	vmax.f32 v14, v18;
	v12 =	vld [tilespmem:s22+$0xFFFFFF80]  }
0x193: {  	v16 =	vmax.f32 v16, v24;
	v19 =	vmax.f32 v13, v20;
	v14 =	vmax.f32 v14, v17;
	v13 =	vld [tilespmem:s22+$0xFFFFFFC0]  }
0x194: {  	v18 =	vmax.f32 v16, v22;
	v16 =	vmax.f32 v19, v23;
	v17 =	vmax.f32 v14, v26;
	v14 =	vld [tilespmem:s22+$0x0];
	s22 =	sadd.s32 $0x200, s22  }
0x195: {  	v19 =	vld [tilespmem:$0x12A40]  }
0x196: {  	v20 =	vld [tilespmem:$0x12A50]  }
0x197: {  	v21 =	vld [tilespmem:$0x12A60]  }
0x198: {  	v22 =	vld [tilespmem:$0x12A70]  }
0x199: {  	v23 =	vld [tilespmem:$0x12A80]  }
0x19a: {  	v24 =	vld [tilespmem:$0x12A90]  }
0x19b: {  	v25 =	vld [tilespmem:$0x12AA0]  }
0x19c: {  	v26 =	vld [tilespmem:$0x12AB0]  }
0x19d: {  	v27 =	vld [tilespmem:$0x12AC0]  }
0x19e: {  	v28 =	vld [tilespmem:$0x12AD0]  }
0x19f: {  	v29 =	vld [tilespmem:$0x12AE0]  }
0x1a0: {  	v30 =	vld [tilespmem:$0x12AF0]  }
0x1a1: {  	v31 =	vld [tilespmem:$0x12B00]  }
0x1a2: {  	v32 =	vld [tilespmem:$0x12B10]  }
0x1a3: {  	v33 =	vld [tilespmem:$0x12B20]  }
0x1a4: {  	v34 =	vld [tilespmem:$0x12B30]  }
0x1a5: {  	v35 =	vld [tilespmem:$0x12B40]  }
0x1a6: {  	v9 =	vmax.f32 v18, v9;
	v18 =	vld [tilespmem:$0x12B50]  }
0x1a7: {  	v10 =	vmax.f32 v16, v10;
	v15 =	vmax.f32 v17, v15;
	v6 =	vmax.f32 v9, v6;
	v9 =	vld [tilespmem:$0x12B60]  }
0x1a8: {  	v7 =	vmax.f32 v10, v7;
	v10 =	vmax.f32 v15, v11;
	v11 =	vld [tilespmem:$0x12BD0];
	v4 =	vmax.f32 v6, v4  }
0x1a9: {  	v6 =	vld [tilespmem:$0x12B70];
	v5 =	vmax.f32 v7, v5;
	v7 =	vmax.f32 v10, v12;
	v2 =	vmax.f32 v4, v2  }
0x1aa: {  	v10 =	vld [tilespmem:$0x12BC0];
	v3 =	vmax.f32 v5, v3;
	v5 =	vmax.f32 v7, v13;
	v0 =	vmax.f32 v2, v0  }
0x1ab: {  	v12 =	vld [tilespmem:$0x12BE0];
	v1 =	vmax.f32 v3, v1;
	v3 =	vmax.f32 v5, v14;
	v5 =	vmax.f32 v8, v19  }
0x1ac: {  	v4 =	vld [tilespmem:$0x12B80];
	v0 =	vmax.f32 v0, v20;
	v1 =	vmax.f32 v1, v21;
	v3 =	vmax.f32 v3, v22  }
0x1ad: {  	v2 =	vld [tilespmem:$0x12B90];
	v5 =	vmax.f32 v5, v23;
	v0 =	vmax.f32 v0, v24;
	v1 =	vmax.f32 v1, v25  }
0x1ae: {  	v7 =	vld [tilespmem:$0x12BA0];
	v3 =	vmax.f32 v3, v26;
	v5 =	vmax.f32 v5, v27;
	v0 =	vmax.f32 v0, v28  }
0x1af: {  	v8 =	vld [tilespmem:$0x12BB0];
	v1 =	vmax.f32 v1, v29;
	v3 =	vmax.f32 v3, v30;
	v5 =	vmax.f32 v5, v31  }
0x1b0: {  	v13 =	vld [tilespmem:$0x12BF0];
	v0 =	vmax.f32 v0, v32;
	v1 =	vmax.f32 v1, v33;
	v5 =	vmax.f32 v5, v35  }
0x1b1: {  	v3 =	vmax.f32 v3, v34;
	v0 =	vmax.f32 v0, v18;
	v4 =	vmax.f32 v5, v4  }
0x1b2: {  	v1 =	vmax.f32 v1, v9;
	v0 =	vmax.f32 v0, v2;
	v2 =	vmax.f32 v4, v10  }
0x1b3: {  	v3 =	vmax.f32 v3, v6;
	v1 =	vmax.f32 v1, v7;
	v0 =	vmax.f32 v0, v11;
	[tilespmem:s19+$0x190C0] =	vst v2  }
0x1b4: {  	v1 =	vmax.f32 v1, v12;
	v2 =	vmax.f32 v3, v8;
	[tilespmem:s19+$0x190D0] =	vst v0  }
0x1b5: {  	p0 =	seq.s32 s17, $0x14;
	[tilespmem:s19+$0x190E0] =	vst v1;
	v0 =	vmax.f32 v2, v13  }
0x1b6: {  	s21 =	simm.s32 @!p0 $0xC800;
	[tilespmem:s19+$0x190F0] =	vst v0;
	s19 =	sadd.s32 @!p0 $0x640, s20;
	s20 =	simm.s32 @!p0 $0x190  }
0x1b7: {  	[tilespmem:s21], [sflag:$0x2] =	stream.indirect.gather @!p0 [hbm4b:s3+s20], $0x40, s19, s20, $0xb8;
	[tilespmem:$0x1B000] =	vst v63  }
0x1b8: {  	_ =	swait.ge [sflag:s14], $0x6400  }
0x1b9: {  	[sflag:s14] =	ssyncset.done $0x0  }
0x1ba: {  	[sflag:s14] =	ssyncadd.s32 $0xFFFF9C00  }
0x1bb: {  	v8 =	vld [tilespmem:$0x12C00]  }
0x1bc: {  	v12 =	vld [tilespmem:$0x12C10]  }
0x1bd: {  	v13 =	vld [tilespmem:$0x12C20]  }
0x1be: {  	s31 =	simm.s32 $0x12D20;
	v14 =	vld [tilespmem:$0x12C30]  }
0x1bf: {  	v16 =	vld [tilespmem:s31+$0xE0]  }
0x1c0: {  	v0 =	vld [tilespmem:s31+$0xF0]  }
0x1c1: {  	v1 =	vld [tilespmem:s31+$0x100]  }
0x1c2: {  	v11 =	vld [tilespmem:s31+$0xA0]  }
0x1c3: {  	v2 =	vld [tilespmem:s31+$0xB0]  }
0x1c4: {  	v3 =	vld [tilespmem:s31+$0xC0]  }
0x1c5: {  	v15 =	vld [tilespmem:s31+$0x60]  }
0x1c6: {  	v4 =	vld [tilespmem:s31+$0x70]  }
0x1c7: {  	v5 =	vld [tilespmem:s31+$0x80]  }
0x1c8: {  	v17 =	vld [tilespmem:s31+$0x20]  }
0x1c9: {  	v6 =	vld [tilespmem:s31+$0x30]  }
0x1ca: {  	v7 =	vld [tilespmem:s31+$0x40]  }
0x1cb: {  	v18 =	vld [tilespmem:s31+$0xFFFFFFE0]  }
0x1cc: {  	v9 =	vld [tilespmem:s31+$0xFFFFFFF0]  }
0x1cd: {  	v10 =	vld [tilespmem:s31+$0x0]  }
0x1ce: {  	v19 =	vld [tilespmem:s31+$0xFFFFFFA0]  }
0x1cf: {  	v20 =	vld [tilespmem:s31+$0xFFFFFF20]  }
0x1d0: {  	v58 =	vld [tilespmem:s31+$0xFFFFFF60]  }
0x1d1: {  	v59 =	vld [tilespmem:s31+$0xFFFFFFB0]  }
0x1d2: {  	v60 =	vld [tilespmem:s31+$0xFFFFFFC0]  }
0x1d3: {  	v61 =	vld [tilespmem:s31+$0xFFFFFF70]  }
0x1d4: {  	v62 =	vld [tilespmem:s31+$0xFFFFFF30]  }
0x1d5: {  	v63 =	vld [tilespmem:s31+$0xFFFFFF40];
	v8 =	vmax.f32 v8, v20  }
0x1d6: {  	v20 =	vld [tilespmem:s31+$0xFFFFFF80];
	v8 =	vmax.f32 v8, v58  }
0x1d7: {  	v8 =	vmax.f32 v8, v19;
	v19 =	vld [tilespmem:s31+$0xFFFFFF50]  }
0x1d8: {  	v8 =	vmax.f32 v8, v18;
	v18 =	vld [tilespmem:s31+$0xFFFFFF90]  }
0x1d9: {  	v8 =	vmax.f32 v8, v17;
	v17 =	vld [tilespmem:s31+$0xFFFFFFD0]  }
0x1da: {  	v8 =	vmax.f32 v8, v15;
	v15 =	vld [tilespmem:s31+$0x10]  }
0x1db: {  	v13 =	vmax.f32 v13, v63;
	v8 =	vmax.f32 v8, v11;
	v11 =	vld [tilespmem:s31+$0x50]  }
0x1dc: {  	v8 =	vmax.f32 v8, v16;
	v16 =	vmax.f32 v12, v62;
	v14 =	vmax.f32 v14, v19;
	v12 =	vld [tilespmem:s31+$0x90]  }
0x1dd: {  	v19 =	vmax.f32 v13, v20;
	v13 =	vld [tilespmem:s31+$0xD0];
	v16 =	vmax.f32 v16, v61;
	v14 =	vmax.f32 v14, v18  }
0x1de: {  	s19 =	simm.s32 $0x1;
	s20 =	simm.s32 $0x12F20;
	v18 =	vmax.f32 v16, v59;
	v16 =	vmax.f32 v19, v60;
	v17 =	vmax.f32 v14, v17;
	v14 =	vld [tilespmem:s31+$0x110]  }
.LBB2_11:
0x1df: {  	v19 =	vld [tilespmem:s20+$0xE0];
	v9 =	vmax.f32 v18, v9;
	v10 =	vmax.f32 v16, v10;
	v15 =	vmax.f32 v17, v15  }
0x1e0: {  	v16 =	vld [tilespmem:s20+$0xF0];
	v6 =	vmax.f32 v9, v6;
	v7 =	vmax.f32 v10, v7;
	v9 =	vmax.f32 v15, v11  }
0x1e1: {  	v10 =	vld [tilespmem:s20+$0x100];
	v4 =	vmax.f32 v6, v4;
	v5 =	vmax.f32 v7, v5;
	v6 =	vmax.f32 v9, v12  }
0x1e2: {  	v11 =	vld [tilespmem:s20+$0xA0];
	v4 =	vmax.f32 v4, v2;
	v3 =	vmax.f32 v5, v3;
	v5 =	vmax.f32 v6, v13  }
0x1e3: {  	v2 =	vld [tilespmem:s20+$0xB0];
	v12 =	vmax.f32 v4, v0;
	v13 =	vmax.f32 v3, v1;
	v14 =	vmax.f32 v5, v14  }
0x1e4: {  	v3 =	vld [tilespmem:s20+$0xC0]  }
0x1e5: {  	v15 =	vld [tilespmem:s20+$0x60];
	v0 =	vmov v16  }
0x1e6: {  	v4 =	vld [tilespmem:s20+$0x70];
	v1 =	vmov v10  }
0x1e7: {  	v5 =	vld [tilespmem:s20+$0x80]  }
0x1e8: {  	v16 =	vld [tilespmem:s20+$0x20]  }
0x1e9: {  	v6 =	vld [tilespmem:s20+$0x30]  }
0x1ea: {  	v7 =	vld [tilespmem:s20+$0x40]  }
0x1eb: {  	v17 =	vld [tilespmem:s20+$0xFFFFFFE0]  }
0x1ec: {  	v9 =	vld [tilespmem:s20+$0xFFFFFFF0]  }
0x1ed: {  	v10 =	vld [tilespmem:s20+$0x0]  }
0x1ee: {  	v18 =	vld [tilespmem:s20+$0xFFFFFFA0]  }
0x1ef: {  	v20 =	vld [tilespmem:s20+$0xFFFFFF20]  }
0x1f0: {  	v21 =	vld [tilespmem:s20+$0xFFFFFF60]  }
0x1f1: {  	v22 =	vld [tilespmem:s20+$0xFFFFFFB0]  }
0x1f2: {  	v23 =	vld [tilespmem:s20+$0xFFFFFFC0]  }
0x1f3: {  	v24 =	vld [tilespmem:s20+$0xFFFFFF70]  }
0x1f4: {  	v8 =	vmax.f32 v8, v20;
	v20 =	vld [tilespmem:s20+$0xFFFFFF80]  }
0x1f5: {  	v25 =	vld [tilespmem:s20+$0xFFFFFF30];
	v8 =	vmax.f32 v8, v21  }
0x1f6: {  	v21 =	vld [tilespmem:s20+$0xFFFFFF40];
	v8 =	vmax.f32 v8, v18  }
0x1f7: {  	s19 =	sadd.s32 $0x8, s19;
	v18 =	vld [tilespmem:s20+$0xFFFFFF50];
	v8 =	vmax.f32 v8, v17  }
0x1f8: {  	p0 =	slt.u32 s19, $0xB9;
	v17 =	vld [tilespmem:s20+$0xFFFFFF90];
	v8 =	vmax.f32 v8, v16  }
0x1f9: {  	v26 =	vld [tilespmem:s20+$0xFFFFFFD0];
	v8 =	vmax.f32 v8, v15  }
.Ltmp4:
0x1fa: {  	v15 =	vld [tilespmem:s20+$0x10];
	v8 =	vmax.f32 v8, v11;
	(pc) =	sbr.rel @p0 .LBB2_11-.Ltmp4, $4  }
0x1fb: {  	v11 =	vld [tilespmem:s20+$0x50];
	v8 =	vmax.f32 v8, v19  }
0x1fc: {  	v16 =	vmax.f32 v12, v25;
	v13 =	vmax.f32 v13, v21;
	v14 =	vmax.f32 v14, v18;
	v12 =	vld [tilespmem:s20+$0x90]  }
0x1fd: {  	v16 =	vmax.f32 v16, v24;
	v19 =	vmax.f32 v13, v20;
	v14 =	vmax.f32 v14, v17;
	v13 =	vld [tilespmem:s20+$0xD0]  }
0x1fe: {  	v18 =	vmax.f32 v16, v22;
	v16 =	vmax.f32 v19, v23;
	v17 =	vmax.f32 v14, v26;
	v14 =	vld [tilespmem:s20+$0x110];
	s20 =	sadd.s32 $0x200, s20  }
0x1ff: {  	v19 =	vld [tilespmem:$0x15C40]  }
0x200: {  	v20 =	vld [tilespmem:$0x15C50]  }
0x201: {  	v21 =	vld [tilespmem:$0x15C60]  }
0x202: {  	v22 =	vld [tilespmem:$0x15C70]  }
0x203: {  	v23 =	vld [tilespmem:$0x15C80]  }
0x204: {  	v24 =	vld [tilespmem:$0x15C90]  }
0x205: {  	v25 =	vld [tilespmem:$0x15CA0]  }
0x206: {  	v26 =	vld [tilespmem:$0x15CB0]  }
0x207: {  	v27 =	vld [tilespmem:$0x15CC0]  }
0x208: {  	v28 =	vld [tilespmem:$0x15CD0]  }
0x209: {  	v29 =	vld [tilespmem:$0x15CE0]  }
0x20a: {  	v30 =	vld [tilespmem:$0x15CF0]  }
0x20b: {  	v31 =	vld [tilespmem:$0x15D00]  }
0x20c: {  	v32 =	vld [tilespmem:$0x15D10]  }
0x20d: {  	v33 =	vld [tilespmem:$0x15D20]  }
0x20e: {  	v34 =	vld [tilespmem:$0x15D30]  }
0x20f: {  	v35 =	vld [tilespmem:$0x15D40]  }
0x210: {  	v9 =	vmax.f32 v18, v9;
	v18 =	vld [tilespmem:$0x15D50]  }
0x211: {  	v10 =	vmax.f32 v16, v10;
	v15 =	vmax.f32 v17, v15;
	v6 =	vmax.f32 v9, v6;
	v9 =	vld [tilespmem:$0x15D60]  }
0x212: {  	v7 =	vmax.f32 v10, v7;
	v10 =	vmax.f32 v15, v11;
	v11 =	vld [tilespmem:$0x15DD0];
	v4 =	vmax.f32 v6, v4  }
0x213: {  	v6 =	vld [tilespmem:$0x15D70];
	v5 =	vmax.f32 v7, v5;
	v7 =	vmax.f32 v10, v12;
	v2 =	vmax.f32 v4, v2  }
0x214: {  	v10 =	vld [tilespmem:$0x15DC0];
	v3 =	vmax.f32 v5, v3;
	v5 =	vmax.f32 v7, v13;
	v0 =	vmax.f32 v2, v0  }
0x215: {  	v12 =	vld [tilespmem:$0x15DE0];
	v1 =	vmax.f32 v3, v1;
	v3 =	vmax.f32 v5, v14;
	v5 =	vmax.f32 v8, v19  }
0x216: {  	v4 =	vld [tilespmem:$0x15D80];
	v0 =	vmax.f32 v0, v20;
	v1 =	vmax.f32 v1, v21;
	v3 =	vmax.f32 v3, v22  }
0x217: {  	v2 =	vld [tilespmem:$0x15D90];
	v5 =	vmax.f32 v5, v23;
	v0 =	vmax.f32 v0, v24;
	v1 =	vmax.f32 v1, v25  }
0x218: {  	v7 =	vld [tilespmem:$0x15DA0];
	v3 =	vmax.f32 v3, v26;
	v5 =	vmax.f32 v5, v27;
	v0 =	vmax.f32 v0, v28  }
0x219: {  	v8 =	vld [tilespmem:$0x15DB0];
	v1 =	vmax.f32 v1, v29;
	v3 =	vmax.f32 v3, v30;
	v5 =	vmax.f32 v5, v31  }
0x21a: {  	v13 =	vld [tilespmem:$0x15DF0];
	v0 =	vmax.f32 v0, v32;
	v1 =	vmax.f32 v1, v33;
	v5 =	vmax.f32 v5, v35  }
0x21b: {  	s18 =	sshll.u32 s18, $0x7;
	v3 =	vmax.f32 v3, v34;
	v0 =	vmax.f32 v0, v18;
	v4 =	vmax.f32 v5, v4  }
0x21c: {  	s18 =	sand.u32 $0x3FFFFF80, s18;
	v1 =	vmax.f32 v1, v9;
	v0 =	vmax.f32 v0, v2;
	v2 =	vmax.f32 v4, v10  }
0x21d: {  	v3 =	vmax.f32 v3, v6;
	v1 =	vmax.f32 v1, v7;
	v0 =	vmax.f32 v0, v11;
	[tilespmem:s18+$0x19000] =	vst v2  }
0x21e: {  	v1 =	vmax.f32 v1, v12;
	v2 =	vmax.f32 v3, v8;
	[tilespmem:s18+$0x19010] =	vst v0  }
0x21f: {  	[tilespmem:s18+$0x19020] =	vst v1;
	v0 =	vmax.f32 v2, v13  }
0x220: {  	[tilespmem:s18+$0x19030] =	vst v0  }
0x221: {  	v8 =	vld [tilespmem:$0x15E00]  }
0x222: {  	v12 =	vld [tilespmem:$0x15E10]  }
0x223: {  	v13 =	vld [tilespmem:$0x15E20]  }
0x224: {  	s20 =	simm.s32 $0x16030;
	v14 =	vld [tilespmem:$0x15E30]  }
0x225: {  	v16 =	vld [tilespmem:s20+$0xFFFFFFD0]  }
0x226: {  	v0 =	vld [tilespmem:s20+$0xFFFFFFE0]  }
0x227: {  	v1 =	vld [tilespmem:s20+$0xFFFFFFF0]  }
0x228: {  	v11 =	vld [tilespmem:s20+$0xFFFFFF90]  }
0x229: {  	v2 =	vld [tilespmem:s20+$0xFFFFFFA0]  }
0x22a: {  	v3 =	vld [tilespmem:s20+$0xFFFFFFB0]  }
0x22b: {  	v15 =	vld [tilespmem:s20+$0xFFFFFF50]  }
0x22c: {  	v4 =	vld [tilespmem:s20+$0xFFFFFF60]  }
0x22d: {  	v5 =	vld [tilespmem:s20+$0xFFFFFF70]  }
0x22e: {  	v17 =	vld [tilespmem:s20+$0xFFFFFF10]  }
0x22f: {  	v6 =	vld [tilespmem:s20+$0xFFFFFF20]  }
0x230: {  	v7 =	vld [tilespmem:s20+$0xFFFFFF30]  }
0x231: {  	v18 =	vld [tilespmem:s20+$0xFFFFFED0]  }
0x232: {  	v9 =	vld [tilespmem:s20+$0xFFFFFEE0]  }
0x233: {  	v10 =	vld [tilespmem:s20+$0xFFFFFEF0]  }
0x234: {  	v19 =	vld [tilespmem:s20+$0xFFFFFE90]  }
0x235: {  	v20 =	vld [tilespmem:s20+$0xFFFFFE10]  }
0x236: {  	v58 =	vld [tilespmem:s20+$0xFFFFFE50]  }
0x237: {  	v59 =	vld [tilespmem:s20+$0xFFFFFEA0]  }
0x238: {  	v60 =	vld [tilespmem:s20+$0xFFFFFEB0]  }
0x239: {  	v61 =	vld [tilespmem:s20+$0xFFFFFE60]  }
0x23a: {  	v62 =	vld [tilespmem:s20+$0xFFFFFE20]  }
0x23b: {  	v63 =	vld [tilespmem:s20+$0xFFFFFE30];
	v8 =	vmax.f32 v8, v20  }
0x23c: {  	v20 =	vld [tilespmem:s20+$0xFFFFFE70];
	v8 =	vmax.f32 v8, v58  }
0x23d: {  	v8 =	vmax.f32 v8, v19;
	v19 =	vld [tilespmem:s20+$0xFFFFFE40]  }
0x23e: {  	v8 =	vmax.f32 v8, v18;
	v18 =	vld [tilespmem:s20+$0xFFFFFE80]  }
0x23f: {  	v8 =	vmax.f32 v8, v17;
	v17 =	vld [tilespmem:s20+$0xFFFFFEC0]  }
0x240: {  	v8 =	vmax.f32 v8, v15;
	v15 =	vld [tilespmem:s20+$0xFFFFFF00]  }
0x241: {  	v13 =	vmax.f32 v13, v63;
	v8 =	vmax.f32 v8, v11;
	v11 =	vld [tilespmem:s20+$0xFFFFFF40]  }
0x242: {  	v8 =	vmax.f32 v8, v16;
	v16 =	vmax.f32 v12, v62;
	v14 =	vmax.f32 v14, v19;
	v12 =	vld [tilespmem:s20+$0xFFFFFF80]  }
0x243: {  	v19 =	vmax.f32 v13, v20;
	v13 =	vld [tilespmem:s20+$0xFFFFFFC0];
	v16 =	vmax.f32 v16, v61;
	v14 =	vmax.f32 v14, v18  }
0x244: {  	s19 =	simm.s32 $0xC9;
	v18 =	vmax.f32 v16, v59;
	v16 =	vmax.f32 v19, v60;
	v17 =	vmax.f32 v14, v17;
	v14 =	vld [tilespmem:s20+$0x0];
	s20 =	simm.s32 $0x16230  }
.LBB2_13:
0x245: {  	v19 =	vld [tilespmem:s20+$0xFFFFFFD0];
	v9 =	vmax.f32 v18, v9;
	v10 =	vmax.f32 v16, v10;
	v15 =	vmax.f32 v17, v15  }
0x246: {  	v16 =	vld [tilespmem:s20+$0xFFFFFFE0];
	v6 =	vmax.f32 v9, v6;
	v7 =	vmax.f32 v10, v7;
	v9 =	vmax.f32 v15, v11  }
0x247: {  	v10 =	vld [tilespmem:s20+$0xFFFFFFF0];
	v4 =	vmax.f32 v6, v4;
	v5 =	vmax.f32 v7, v5;
	v6 =	vmax.f32 v9, v12  }
0x248: {  	v11 =	vld [tilespmem:s20+$0xFFFFFF90];
	v4 =	vmax.f32 v4, v2;
	v3 =	vmax.f32 v5, v3;
	v5 =	vmax.f32 v6, v13  }
0x249: {  	v2 =	vld [tilespmem:s20+$0xFFFFFFA0];
	v12 =	vmax.f32 v4, v0;
	v13 =	vmax.f32 v3, v1;
	v14 =	vmax.f32 v5, v14  }
0x24a: {  	v3 =	vld [tilespmem:s20+$0xFFFFFFB0]  }
0x24b: {  	v15 =	vld [tilespmem:s20+$0xFFFFFF50];
	v0 =	vmov v16  }
0x24c: {  	v4 =	vld [tilespmem:s20+$0xFFFFFF60];
	v1 =	vmov v10  }
0x24d: {  	v5 =	vld [tilespmem:s20+$0xFFFFFF70]  }
0x24e: {  	v16 =	vld [tilespmem:s20+$0xFFFFFF10]  }
0x24f: {  	v6 =	vld [tilespmem:s20+$0xFFFFFF20]  }
0x250: {  	v7 =	vld [tilespmem:s20+$0xFFFFFF30]  }
0x251: {  	v17 =	vld [tilespmem:s20+$0xFFFFFED0]  }
0x252: {  	v9 =	vld [tilespmem:s20+$0xFFFFFEE0]  }
0x253: {  	v10 =	vld [tilespmem:s20+$0xFFFFFEF0]  }
0x254: {  	v18 =	vld [tilespmem:s20+$0xFFFFFE90]  }
0x255: {  	v20 =	vld [tilespmem:s20+$0xFFFFFE10]  }
0x256: {  	v21 =	vld [tilespmem:s20+$0xFFFFFE50]  }
0x257: {  	v22 =	vld [tilespmem:s20+$0xFFFFFEA0]  }
0x258: {  	v23 =	vld [tilespmem:s20+$0xFFFFFEB0]  }
0x259: {  	v24 =	vld [tilespmem:s20+$0xFFFFFE60]  }
0x25a: {  	v8 =	vmax.f32 v8, v20;
	v20 =	vld [tilespmem:s20+$0xFFFFFE70]  }
0x25b: {  	v25 =	vld [tilespmem:s20+$0xFFFFFE20];
	v8 =	vmax.f32 v8, v21  }
0x25c: {  	v21 =	vld [tilespmem:s20+$0xFFFFFE30];
	v8 =	vmax.f32 v8, v18  }
0x25d: {  	s19 =	sadd.s32 $0x8, s19;
	v18 =	vld [tilespmem:s20+$0xFFFFFE40];
	v8 =	vmax.f32 v8, v17  }
0x25e: {  	p0 =	slt.u32 s19, $0x181;
	v17 =	vld [tilespmem:s20+$0xFFFFFE80];
	v8 =	vmax.f32 v8, v16  }
0x25f: {  	v26 =	vld [tilespmem:s20+$0xFFFFFEC0];
	v8 =	vmax.f32 v8, v15  }
.Ltmp5:
0x260: {  	v15 =	vld [tilespmem:s20+$0xFFFFFF00];
	v8 =	vmax.f32 v8, v11;
	(pc) =	sbr.rel @p0 .LBB2_13-.Ltmp5, $4  }
0x261: {  	v11 =	vld [tilespmem:s20+$0xFFFFFF40];
	v8 =	vmax.f32 v8, v19  }
0x262: {  	v16 =	vmax.f32 v12, v25;
	v13 =	vmax.f32 v13, v21;
	v14 =	vmax.f32 v14, v18;
	v12 =	vld [tilespmem:s20+$0xFFFFFF80]  }
0x263: {  	v16 =	vmax.f32 v16, v24;
	v19 =	vmax.f32 v13, v20;
	v14 =	vmax.f32 v14, v17;
	v13 =	vld [tilespmem:s20+$0xFFFFFFC0]  }
0x264: {  	v18 =	vmax.f32 v16, v22;
	v16 =	vmax.f32 v19, v23;
	v17 =	vmax.f32 v14, v26;
	v14 =	vld [tilespmem:s20+$0x0];
	s20 =	sadd.s32 $0x200, s20  }
0x265: {  	v19 =	vld [tilespmem:$0x18E40]  }
0x266: {  	v20 =	vld [tilespmem:$0x18E50]  }
0x267: {  	v21 =	vld [tilespmem:$0x18E60]  }
0x268: {  	v22 =	vld [tilespmem:$0x18E70]  }
0x269: {  	v23 =	vld [tilespmem:$0x18E80]  }
0x26a: {  	v24 =	vld [tilespmem:$0x18E90]  }
0x26b: {  	v25 =	vld [tilespmem:$0x18EA0]  }
0x26c: {  	v26 =	vld [tilespmem:$0x18EB0]  }
0x26d: {  	v27 =	vld [tilespmem:$0x18EC0]  }
0x26e: {  	v28 =	vld [tilespmem:$0x18ED0]  }
0x26f: {  	v29 =	vld [tilespmem:$0x18EE0]  }
0x270: {  	v30 =	vld [tilespmem:$0x18EF0]  }
0x271: {  	v31 =	vld [tilespmem:$0x18F00]  }
0x272: {  	v32 =	vld [tilespmem:$0x18F10]  }
0x273: {  	v33 =	vld [tilespmem:$0x18F20]  }
0x274: {  	v34 =	vld [tilespmem:$0x18F30]  }
0x275: {  	v35 =	vld [tilespmem:$0x18F40]  }
0x276: {  	v9 =	vmax.f32 v18, v9;
	v45 =	vld [tilespmem:$0x18F50]  }
0x277: {  	v10 =	vmax.f32 v16, v10;
	v15 =	vmax.f32 v17, v15;
	v46 =	vld [tilespmem:$0x18F60];
	v6 =	vmax.f32 v9, v6  }
0x278: {  	v48 =	vld [tilespmem:$0x18F70];
	v7 =	vmax.f32 v10, v7;
	v47 =	vmax.f32 v15, v11;
	v4 =	vmax.f32 v6, v4  }
0x279: {  	v50 =	vld [tilespmem:$0x18F80];
	v5 =	vmax.f32 v7, v5;
	v49 =	vmax.f32 v47, v12;
	v2 =	vmax.f32 v4, v2  }
0x27a: {  	v52 =	vld [tilespmem:$0x18F90];
	v3 =	vmax.f32 v5, v3;
	v51 =	vmax.f32 v49, v13;
	v0 =	vmax.f32 v2, v0  }
0x27b: {  	v55 =	vld [tilespmem:$0x18FA0];
	v1 =	vmax.f32 v3, v1;
	v53 =	vmax.f32 v51, v14;
	v54 =	vmax.f32 v8, v19  }
0x27c: {  	v56 =	vld [tilespmem:$0x18FB0];
	v0 =	vmax.f32 v0, v20;
	v1 =	vmax.f32 v1, v21;
	v3 =	vmax.f32 v53, v22  }
0x27d: {  	v57 =	vld [tilespmem:$0x18FC0];
	v5 =	vmax.f32 v54, v23;
	v0 =	vmax.f32 v0, v24;
	v1 =	vmax.f32 v1, v25  }
0x27e: {  	v58 =	vld [tilespmem:$0x18FD0];
	v3 =	vmax.f32 v3, v26;
	v5 =	vmax.f32 v5, v27;
	v0 =	vmax.f32 v0, v28  }
0x27f: {  	v59 =	vld [tilespmem:$0x18FE0];
	v1 =	vmax.f32 v1, v29;
	v3 =	vmax.f32 v3, v30;
	v5 =	vmax.f32 v5, v31  }
0x280: {  	v60 =	vld [tilespmem:$0x18FF0];
	s17 =	sadd.s32 $0x1, s17;
	v0 =	vmax.f32 v0, v32;
	v1 =	vmax.f32 v1, v33;
	v5 =	vmax.f32 v5, v35  }
0x281: {  	p0 =	sne.s32 s17, $0x15;
	v3 =	vmax.f32 v3, v34;
	v0 =	vmax.f32 v0, v45;
	v4 =	vmax.f32 v5, v50  }
.Ltmp6:
0x282: {  	v1 =	vmax.f32 v1, v46;
	v0 =	vmax.f32 v0, v52;
	v61 =	vmax.f32 v4, v57;
	(pc) =	sbr.rel @p0 .LBB2_2-.Ltmp6, $4  }
0x283: {  	v3 =	vmax.f32 v3, v48;
	v1 =	vmax.f32 v1, v55;
	v0 =	vmax.f32 v0, v58;
	[tilespmem:s18+$0x19040] =	vst v61  }
0x284: {  	v62 =	vmax.f32 v3, v56;
	v1 =	vmax.f32 v1, v59;
	[tilespmem:s18+$0x19050] =	vst v0  }
0x285: {  	v63 =	vmax.f32 v62, v60;
	[tilespmem:s18+$0x19060] =	vst v1  }
0x286: {  	[tilespmem:s18+$0x19070] =	vst v63  }
0x287: {  	_ =	swait.ge [sflag:s12], $0x6400  }
0x288: {  	[sflag:s12] =	ssyncset.done $0x0  }
0x289: {  	[sflag:s12] =	ssyncadd.s32 $0xFFFF9C00  }
0x28a: {  	v8 =	vld [tilespmem:$0x6400]  }
0x28b: {  	v12 =	vld [tilespmem:$0x6410]  }
0x28c: {  	v13 =	vld [tilespmem:$0x6420]  }
0x28d: {  	s18 =	simm.s32 $0x6520;
	v14 =	vld [tilespmem:$0x6430]  }
0x28e: {  	v16 =	vld [tilespmem:s18+$0xE0]  }
0x28f: {  	v0 =	vld [tilespmem:s18+$0xF0]  }
0x290: {  	v1 =	vld [tilespmem:s18+$0x100]  }
0x291: {  	v11 =	vld [tilespmem:s18+$0xA0]  }
0x292: {  	v2 =	vld [tilespmem:s18+$0xB0]  }
0x293: {  	v3 =	vld [tilespmem:s18+$0xC0]  }
0x294: {  	v15 =	vld [tilespmem:s18+$0x60]  }
0x295: {  	v4 =	vld [tilespmem:s18+$0x70]  }
0x296: {  	v5 =	vld [tilespmem:s18+$0x80]  }
0x297: {  	v17 =	vld [tilespmem:s18+$0x20]  }
0x298: {  	v6 =	vld [tilespmem:s18+$0x30]  }
0x299: {  	v7 =	vld [tilespmem:s18+$0x40]  }
0x29a: {  	v18 =	vld [tilespmem:s18+$0xFFFFFFE0]  }
0x29b: {  	v9 =	vld [tilespmem:s18+$0xFFFFFFF0]  }
0x29c: {  	v10 =	vld [tilespmem:s18+$0x0]  }
0x29d: {  	v19 =	vld [tilespmem:s18+$0xFFFFFFA0]  }
0x29e: {  	v20 =	vld [tilespmem:s18+$0xFFFFFF20]  }
0x29f: {  	v21 =	vld [tilespmem:s18+$0xFFFFFF60]  }
0x2a0: {  	v22 =	vld [tilespmem:s18+$0xFFFFFFB0]  }
0x2a1: {  	v23 =	vld [tilespmem:s18+$0xFFFFFFC0]  }
0x2a2: {  	v24 =	vld [tilespmem:s18+$0xFFFFFF70]  }
0x2a3: {  	v25 =	vld [tilespmem:s18+$0xFFFFFF30]  }
0x2a4: {  	v63 =	vld [tilespmem:s18+$0xFFFFFF40];
	v8 =	vmax.f32 v8, v20  }
0x2a5: {  	v20 =	vld [tilespmem:s18+$0xFFFFFF80];
	v8 =	vmax.f32 v8, v21  }
0x2a6: {  	v8 =	vmax.f32 v8, v19;
	v19 =	vld [tilespmem:s18+$0xFFFFFF50]  }
0x2a7: {  	v8 =	vmax.f32 v8, v18;
	v18 =	vld [tilespmem:s18+$0xFFFFFF90]  }
0x2a8: {  	v8 =	vmax.f32 v8, v17;
	v17 =	vld [tilespmem:s18+$0xFFFFFFD0]  }
0x2a9: {  	v8 =	vmax.f32 v8, v15;
	v15 =	vld [tilespmem:s18+$0x10]  }
0x2aa: {  	v13 =	vmax.f32 v13, v63;
	v8 =	vmax.f32 v8, v11;
	v11 =	vld [tilespmem:s18+$0x50]  }
0x2ab: {  	v8 =	vmax.f32 v8, v16;
	v16 =	vmax.f32 v12, v25;
	v14 =	vmax.f32 v14, v19;
	v12 =	vld [tilespmem:s18+$0x90]  }
0x2ac: {  	v19 =	vmax.f32 v13, v20;
	v13 =	vld [tilespmem:s18+$0xD0];
	v16 =	vmax.f32 v16, v24;
	v14 =	vmax.f32 v14, v18  }
0x2ad: {  	s17 =	simm.s32 $0x1;
	v18 =	vmax.f32 v16, v22;
	v16 =	vmax.f32 v19, v23;
	v17 =	vmax.f32 v14, v17;
	v14 =	vld [tilespmem:s18+$0x110];
	s18 =	simm.s32 $0x6720  }
.LBB2_16:
0x2ae: {  	v19 =	vld [tilespmem:s18+$0xE0];
	v9 =	vmax.f32 v18, v9;
	v10 =	vmax.f32 v16, v10;
	v15 =	vmax.f32 v17, v15  }
0x2af: {  	v16 =	vld [tilespmem:s18+$0xF0];
	v6 =	vmax.f32 v9, v6;
	v7 =	vmax.f32 v10, v7;
	v9 =	vmax.f32 v15, v11  }
0x2b0: {  	v10 =	vld [tilespmem:s18+$0x100];
	v4 =	vmax.f32 v6, v4;
	v5 =	vmax.f32 v7, v5;
	v6 =	vmax.f32 v9, v12  }
0x2b1: {  	v11 =	vld [tilespmem:s18+$0xA0];
	v4 =	vmax.f32 v4, v2;
	v3 =	vmax.f32 v5, v3;
	v5 =	vmax.f32 v6, v13  }
0x2b2: {  	v2 =	vld [tilespmem:s18+$0xB0];
	v12 =	vmax.f32 v4, v0;
	v13 =	vmax.f32 v3, v1;
	v14 =	vmax.f32 v5, v14  }
0x2b3: {  	v3 =	vld [tilespmem:s18+$0xC0]  }
0x2b4: {  	v15 =	vld [tilespmem:s18+$0x60];
	v0 =	vmov v16  }
0x2b5: {  	v4 =	vld [tilespmem:s18+$0x70];
	v1 =	vmov v10  }
0x2b6: {  	v5 =	vld [tilespmem:s18+$0x80]  }
0x2b7: {  	v16 =	vld [tilespmem:s18+$0x20]  }
0x2b8: {  	v6 =	vld [tilespmem:s18+$0x30]  }
0x2b9: {  	v7 =	vld [tilespmem:s18+$0x40]  }
0x2ba: {  	v17 =	vld [tilespmem:s18+$0xFFFFFFE0]  }
0x2bb: {  	v9 =	vld [tilespmem:s18+$0xFFFFFFF0]  }
0x2bc: {  	v10 =	vld [tilespmem:s18+$0x0]  }
0x2bd: {  	v18 =	vld [tilespmem:s18+$0xFFFFFFA0]  }
0x2be: {  	v20 =	vld [tilespmem:s18+$0xFFFFFF20]  }
0x2bf: {  	v21 =	vld [tilespmem:s18+$0xFFFFFF60]  }
0x2c0: {  	v22 =	vld [tilespmem:s18+$0xFFFFFFB0]  }
0x2c1: {  	v23 =	vld [tilespmem:s18+$0xFFFFFFC0]  }
0x2c2: {  	v24 =	vld [tilespmem:s18+$0xFFFFFF70]  }
0x2c3: {  	v8 =	vmax.f32 v8, v20;
	v20 =	vld [tilespmem:s18+$0xFFFFFF80]  }
0x2c4: {  	v25 =	vld [tilespmem:s18+$0xFFFFFF30];
	v8 =	vmax.f32 v8, v21  }
0x2c5: {  	v21 =	vld [tilespmem:s18+$0xFFFFFF40];
	v8 =	vmax.f32 v8, v18  }
0x2c6: {  	s17 =	sadd.s32 $0x8, s17;
	v18 =	vld [tilespmem:s18+$0xFFFFFF50];
	v8 =	vmax.f32 v8, v17  }
0x2c7: {  	p0 =	slt.u32 s17, $0xB9;
	v17 =	vld [tilespmem:s18+$0xFFFFFF90];
	v8 =	vmax.f32 v8, v16  }
0x2c8: {  	v26 =	vld [tilespmem:s18+$0xFFFFFFD0];
	v8 =	vmax.f32 v8, v15  }
.Ltmp7:
0x2c9: {  	v15 =	vld [tilespmem:s18+$0x10];
	v8 =	vmax.f32 v8, v11;
	(pc) =	sbr.rel @p0 .LBB2_16-.Ltmp7, $4  }
0x2ca: {  	v11 =	vld [tilespmem:s18+$0x50];
	v8 =	vmax.f32 v8, v19  }
0x2cb: {  	v16 =	vmax.f32 v12, v25;
	v13 =	vmax.f32 v13, v21;
	v14 =	vmax.f32 v14, v18;
	v12 =	vld [tilespmem:s18+$0x90]  }
0x2cc: {  	v16 =	vmax.f32 v16, v24;
	v19 =	vmax.f32 v13, v20;
	v14 =	vmax.f32 v14, v17;
	v13 =	vld [tilespmem:s18+$0xD0]  }
0x2cd: {  	v18 =	vmax.f32 v16, v22;
	v16 =	vmax.f32 v19, v23;
	v17 =	vmax.f32 v14, v26;
	v14 =	vld [tilespmem:s18+$0x110];
	s18 =	sadd.s32 $0x200, s18  }
0x2ce: {  	v19 =	vld [tilespmem:$0x9440]  }
0x2cf: {  	v20 =	vld [tilespmem:$0x9450]  }
0x2d0: {  	v21 =	vld [tilespmem:$0x9460]  }
0x2d1: {  	v22 =	vld [tilespmem:$0x9470]  }
0x2d2: {  	v23 =	vld [tilespmem:$0x9480]  }
0x2d3: {  	v24 =	vld [tilespmem:$0x9490]  }
0x2d4: {  	v25 =	vld [tilespmem:$0x94A0]  }
0x2d5: {  	v26 =	vld [tilespmem:$0x94B0]  }
0x2d6: {  	v27 =	vld [tilespmem:$0x94C0]  }
0x2d7: {  	v28 =	vld [tilespmem:$0x94D0]  }
0x2d8: {  	v29 =	vld [tilespmem:$0x94E0]  }
0x2d9: {  	v30 =	vld [tilespmem:$0x94F0]  }
0x2da: {  	v31 =	vld [tilespmem:$0x9500]  }
0x2db: {  	v32 =	vld [tilespmem:$0x9510]  }
0x2dc: {  	v33 =	vld [tilespmem:$0x9520]  }
0x2dd: {  	v34 =	vld [tilespmem:$0x9530]  }
0x2de: {  	v35 =	vld [tilespmem:$0x9540]  }
0x2df: {  	v9 =	vmax.f32 v18, v9;
	v18 =	vld [tilespmem:$0x9550]  }
0x2e0: {  	v10 =	vmax.f32 v16, v10;
	v15 =	vmax.f32 v17, v15;
	v6 =	vmax.f32 v9, v6;
	v9 =	vld [tilespmem:$0x9560]  }
0x2e1: {  	v7 =	vmax.f32 v10, v7;
	v10 =	vmax.f32 v15, v11;
	v11 =	vld [tilespmem:$0x95D0];
	v4 =	vmax.f32 v6, v4  }
0x2e2: {  	v6 =	vld [tilespmem:$0x9570];
	v5 =	vmax.f32 v7, v5;
	v7 =	vmax.f32 v10, v12;
	v2 =	vmax.f32 v4, v2  }
0x2e3: {  	v10 =	vld [tilespmem:$0x95C0];
	v3 =	vmax.f32 v5, v3;
	v5 =	vmax.f32 v7, v13;
	v0 =	vmax.f32 v2, v0  }
0x2e4: {  	v12 =	vld [tilespmem:$0x95E0];
	v1 =	vmax.f32 v3, v1;
	v3 =	vmax.f32 v5, v14;
	v5 =	vmax.f32 v8, v19  }
0x2e5: {  	v4 =	vld [tilespmem:$0x9580];
	v0 =	vmax.f32 v0, v20;
	v1 =	vmax.f32 v1, v21;
	v3 =	vmax.f32 v3, v22  }
0x2e6: {  	v2 =	vld [tilespmem:$0x9590];
	v5 =	vmax.f32 v5, v23;
	v0 =	vmax.f32 v0, v24;
	v1 =	vmax.f32 v1, v25  }
0x2e7: {  	v7 =	vld [tilespmem:$0x95A0];
	v3 =	vmax.f32 v3, v26;
	v5 =	vmax.f32 v5, v27;
	v0 =	vmax.f32 v0, v28  }
0x2e8: {  	v8 =	vld [tilespmem:$0x95B0];
	v1 =	vmax.f32 v1, v29;
	v3 =	vmax.f32 v3, v30;
	v5 =	vmax.f32 v5, v31  }
0x2e9: {  	v13 =	vld [tilespmem:$0x95F0];
	v0 =	vmax.f32 v0, v32;
	v1 =	vmax.f32 v1, v33;
	v5 =	vmax.f32 v5, v35  }
0x2ea: {  	v3 =	vmax.f32 v3, v34;
	v0 =	vmax.f32 v0, v18;
	v4 =	vmax.f32 v5, v4  }
0x2eb: {  	v1 =	vmax.f32 v1, v9;
	v0 =	vmax.f32 v0, v2;
	v2 =	vmax.f32 v4, v10  }
0x2ec: {  	v14 =	vld [tilespmem:$0x9630];
	v3 =	vmax.f32 v3, v6;
	v1 =	vmax.f32 v1, v7;
	v0 =	vmax.f32 v0, v11;
	[tilespmem:$0x1AF80] =	vst v2  }
0x2ed: {  	v11 =	vld [tilespmem:$0x9600];
	v1 =	vmax.f32 v1, v12;
	v2 =	vmax.f32 v3, v8;
	[tilespmem:$0x1AF90] =	vst v0  }
0x2ee: {  	v12 =	vld [tilespmem:$0x9610];
	[tilespmem:$0x1AFA0] =	vst v1;
	v0 =	vmax.f32 v2, v13  }
0x2ef: {  	s18 =	simm.s32 $0x9830;
	v13 =	vld [tilespmem:$0x9620];
	[tilespmem:$0x1AFB0] =	vst v0  }
0x2f0: {  	v8 =	vld [tilespmem:s18+$0xFFFFFFD0]  }
0x2f1: {  	v0 =	vld [tilespmem:s18+$0xFFFFFFE0]  }
0x2f2: {  	v1 =	vld [tilespmem:s18+$0xFFFFFFF0]  }
0x2f3: {  	v16 =	vld [tilespmem:s18+$0xFFFFFF90]  }
0x2f4: {  	v2 =	vld [tilespmem:s18+$0xFFFFFFA0]  }
0x2f5: {  	v3 =	vld [tilespmem:s18+$0xFFFFFFB0]  }
0x2f6: {  	v15 =	vld [tilespmem:s18+$0xFFFFFF50]  }
0x2f7: {  	v4 =	vld [tilespmem:s18+$0xFFFFFF60]  }
0x2f8: {  	v5 =	vld [tilespmem:s18+$0xFFFFFF70]  }
0x2f9: {  	v17 =	vld [tilespmem:s18+$0xFFFFFF10]  }
0x2fa: {  	v6 =	vld [tilespmem:s18+$0xFFFFFF20]  }
0x2fb: {  	v7 =	vld [tilespmem:s18+$0xFFFFFF30]  }
0x2fc: {  	v18 =	vld [tilespmem:s18+$0xFFFFFED0]  }
0x2fd: {  	v9 =	vld [tilespmem:s18+$0xFFFFFEE0]  }
0x2fe: {  	v10 =	vld [tilespmem:s18+$0xFFFFFEF0]  }
0x2ff: {  	v19 =	vld [tilespmem:s18+$0xFFFFFE90]  }
0x300: {  	v20 =	vld [tilespmem:s18+$0xFFFFFE10]  }
0x301: {  	v58 =	vld [tilespmem:s18+$0xFFFFFE50]  }
0x302: {  	v59 =	vld [tilespmem:s18+$0xFFFFFEA0]  }
0x303: {  	v60 =	vld [tilespmem:s18+$0xFFFFFEB0]  }
0x304: {  	v61 =	vld [tilespmem:s18+$0xFFFFFE60]  }
0x305: {  	v62 =	vld [tilespmem:s18+$0xFFFFFE20]  }
0x306: {  	v63 =	vld [tilespmem:s18+$0xFFFFFE30];
	v11 =	vmax.f32 v11, v20  }
0x307: {  	v20 =	vld [tilespmem:s18+$0xFFFFFE70];
	v11 =	vmax.f32 v11, v58  }
0x308: {  	v11 =	vmax.f32 v11, v19;
	v19 =	vld [tilespmem:s18+$0xFFFFFE40]  }
0x309: {  	v11 =	vmax.f32 v11, v18;
	v18 =	vld [tilespmem:s18+$0xFFFFFE80]  }
0x30a: {  	v11 =	vmax.f32 v11, v17;
	v17 =	vld [tilespmem:s18+$0xFFFFFEC0]  }
0x30b: {  	v11 =	vmax.f32 v11, v15;
	v15 =	vld [tilespmem:s18+$0xFFFFFF00]  }
0x30c: {  	v13 =	vmax.f32 v13, v63;
	v16 =	vmax.f32 v11, v16;
	v11 =	vld [tilespmem:s18+$0xFFFFFF40]  }
0x30d: {  	v8 =	vmax.f32 v16, v8;
	v16 =	vmax.f32 v12, v62;
	v14 =	vmax.f32 v14, v19;
	v12 =	vld [tilespmem:s18+$0xFFFFFF80]  }
0x30e: {  	v19 =	vmax.f32 v13, v20;
	v13 =	vld [tilespmem:s18+$0xFFFFFFC0];
	v16 =	vmax.f32 v16, v61;
	v14 =	vmax.f32 v14, v18  }
0x30f: {  	s17 =	simm.s32 $0xC9;
	v18 =	vmax.f32 v16, v59;
	v16 =	vmax.f32 v19, v60;
	v17 =	vmax.f32 v14, v17;
	v14 =	vld [tilespmem:s18+$0x0];
	s18 =	simm.s32 $0x9A30  }
.LBB2_18:
0x310: {  	v19 =	vld [tilespmem:s18+$0xFFFFFFD0];
	v9 =	vmax.f32 v18, v9;
	v10 =	vmax.f32 v16, v10;
	v15 =	vmax.f32 v17, v15  }
0x311: {  	v16 =	vld [tilespmem:s18+$0xFFFFFFE0];
	v6 =	vmax.f32 v9, v6;
	v7 =	vmax.f32 v10, v7;
	v9 =	vmax.f32 v15, v11  }
0x312: {  	v10 =	vld [tilespmem:s18+$0xFFFFFFF0];
	v4 =	vmax.f32 v6, v4;
	v5 =	vmax.f32 v7, v5;
	v6 =	vmax.f32 v9, v12  }
0x313: {  	v11 =	vld [tilespmem:s18+$0xFFFFFF90];
	v4 =	vmax.f32 v4, v2;
	v3 =	vmax.f32 v5, v3;
	v5 =	vmax.f32 v6, v13  }
0x314: {  	v2 =	vld [tilespmem:s18+$0xFFFFFFA0];
	v12 =	vmax.f32 v4, v0;
	v13 =	vmax.f32 v3, v1;
	v14 =	vmax.f32 v5, v14  }
0x315: {  	v3 =	vld [tilespmem:s18+$0xFFFFFFB0]  }
0x316: {  	v15 =	vld [tilespmem:s18+$0xFFFFFF50];
	v0 =	vmov v16  }
0x317: {  	v4 =	vld [tilespmem:s18+$0xFFFFFF60];
	v1 =	vmov v10  }
0x318: {  	v5 =	vld [tilespmem:s18+$0xFFFFFF70]  }
0x319: {  	v16 =	vld [tilespmem:s18+$0xFFFFFF10]  }
0x31a: {  	v6 =	vld [tilespmem:s18+$0xFFFFFF20]  }
0x31b: {  	v7 =	vld [tilespmem:s18+$0xFFFFFF30]  }
0x31c: {  	v17 =	vld [tilespmem:s18+$0xFFFFFED0]  }
0x31d: {  	v9 =	vld [tilespmem:s18+$0xFFFFFEE0]  }
0x31e: {  	v10 =	vld [tilespmem:s18+$0xFFFFFEF0]  }
0x31f: {  	v18 =	vld [tilespmem:s18+$0xFFFFFE90]  }
0x320: {  	v20 =	vld [tilespmem:s18+$0xFFFFFE10]  }
0x321: {  	v21 =	vld [tilespmem:s18+$0xFFFFFE50]  }
0x322: {  	v22 =	vld [tilespmem:s18+$0xFFFFFEA0]  }
0x323: {  	v23 =	vld [tilespmem:s18+$0xFFFFFEB0]  }
0x324: {  	v24 =	vld [tilespmem:s18+$0xFFFFFE60]  }
0x325: {  	v8 =	vmax.f32 v8, v20;
	v20 =	vld [tilespmem:s18+$0xFFFFFE70]  }
0x326: {  	v25 =	vld [tilespmem:s18+$0xFFFFFE20];
	v8 =	vmax.f32 v8, v21  }
0x327: {  	v21 =	vld [tilespmem:s18+$0xFFFFFE30];
	v8 =	vmax.f32 v8, v18  }
0x328: {  	s17 =	sadd.s32 $0x8, s17;
	v18 =	vld [tilespmem:s18+$0xFFFFFE40];
	v8 =	vmax.f32 v8, v17  }
0x329: {  	p0 =	slt.u32 s17, $0x181;
	v17 =	vld [tilespmem:s18+$0xFFFFFE80];
	v8 =	vmax.f32 v8, v16  }
0x32a: {  	v26 =	vld [tilespmem:s18+$0xFFFFFEC0];
	v8 =	vmax.f32 v8, v15  }
.Ltmp8:
0x32b: {  	v15 =	vld [tilespmem:s18+$0xFFFFFF00];
	v8 =	vmax.f32 v8, v11;
	(pc) =	sbr.rel @p0 .LBB2_18-.Ltmp8, $4  }
0x32c: {  	v11 =	vld [tilespmem:s18+$0xFFFFFF40];
	v8 =	vmax.f32 v8, v19  }
0x32d: {  	v16 =	vmax.f32 v12, v25;
	v13 =	vmax.f32 v13, v21;
	v14 =	vmax.f32 v14, v18;
	v12 =	vld [tilespmem:s18+$0xFFFFFF80]  }
0x32e: {  	v16 =	vmax.f32 v16, v24;
	v19 =	vmax.f32 v13, v20;
	v14 =	vmax.f32 v14, v17;
	v13 =	vld [tilespmem:s18+$0xFFFFFFC0]  }
0x32f: {  	v18 =	vmax.f32 v16, v22;
	v16 =	vmax.f32 v19, v23;
	v17 =	vmax.f32 v14, v26;
	v14 =	vld [tilespmem:s18+$0x0];
	s18 =	sadd.s32 $0x200, s18  }
0x330: {  	v19 =	vld [tilespmem:$0xC640]  }
0x331: {  	v20 =	vld [tilespmem:$0xC650]  }
0x332: {  	v21 =	vld [tilespmem:$0xC660]  }
0x333: {  	v22 =	vld [tilespmem:$0xC670]  }
0x334: {  	v23 =	vld [tilespmem:$0xC680]  }
0x335: {  	v24 =	vld [tilespmem:$0xC690]  }
0x336: {  	v25 =	vld [tilespmem:$0xC6A0]  }
0x337: {  	v26 =	vld [tilespmem:$0xC6B0]  }
0x338: {  	v27 =	vld [tilespmem:$0xC6C0]  }
0x339: {  	v28 =	vld [tilespmem:$0xC6D0]  }
0x33a: {  	v29 =	vld [tilespmem:$0xC6E0]  }
0x33b: {  	v30 =	vld [tilespmem:$0xC6F0]  }
0x33c: {  	v31 =	vld [tilespmem:$0xC700]  }
0x33d: {  	v32 =	vld [tilespmem:$0xC710]  }
0x33e: {  	v33 =	vld [tilespmem:$0xC720]  }
0x33f: {  	v34 =	vld [tilespmem:$0xC730]  }
0x340: {  	v35 =	vld [tilespmem:$0xC740]  }
0x341: {  	v9 =	vmax.f32 v18, v9;
	v45 =	vld [tilespmem:$0xC750]  }
0x342: {  	v10 =	vmax.f32 v16, v10;
	v15 =	vmax.f32 v17, v15;
	v46 =	vld [tilespmem:$0xC760];
	v6 =	vmax.f32 v9, v6  }
0x343: {  	v48 =	vld [tilespmem:$0xC770];
	v7 =	vmax.f32 v10, v7;
	v47 =	vmax.f32 v15, v11;
	v4 =	vmax.f32 v6, v4  }
0x344: {  	v50 =	vld [tilespmem:$0xC780];
	v5 =	vmax.f32 v7, v5;
	v49 =	vmax.f32 v47, v12;
	v2 =	vmax.f32 v4, v2  }
0x345: {  	v52 =	vld [tilespmem:$0xC790];
	v3 =	vmax.f32 v5, v3;
	v51 =	vmax.f32 v49, v13;
	v0 =	vmax.f32 v2, v0  }
0x346: {  	v55 =	vld [tilespmem:$0xC7A0];
	v1 =	vmax.f32 v3, v1;
	v53 =	vmax.f32 v51, v14;
	v54 =	vmax.f32 v8, v19  }
0x347: {  	v56 =	vld [tilespmem:$0xC7B0];
	v0 =	vmax.f32 v0, v20;
	v1 =	vmax.f32 v1, v21;
	v3 =	vmax.f32 v53, v22  }
0x348: {  	v57 =	vld [tilespmem:$0xC7C0];
	v5 =	vmax.f32 v54, v23;
	v0 =	vmax.f32 v0, v24;
	v1 =	vmax.f32 v1, v25  }
0x349: {  	v58 =	vld [tilespmem:$0xC7D0];
	v3 =	vmax.f32 v3, v26;
	v5 =	vmax.f32 v5, v27;
	v0 =	vmax.f32 v0, v28  }
0x34a: {  	v59 =	vld [tilespmem:$0xC7E0];
	v1 =	vmax.f32 v1, v29;
	v3 =	vmax.f32 v3, v30;
	v5 =	vmax.f32 v5, v31  }
0x34b: {  	v60 =	vld [tilespmem:$0xC7F0];
	v0 =	vmax.f32 v0, v32;
	v1 =	vmax.f32 v1, v33;
	v5 =	vmax.f32 v5, v35  }
0x34c: {  	v3 =	vmax.f32 v3, v34;
	v0 =	vmax.f32 v0, v45;
	v4 =	vmax.f32 v5, v50  }
0x34d: {  	v1 =	vmax.f32 v1, v46;
	v0 =	vmax.f32 v0, v52;
	v61 =	vmax.f32 v4, v57  }
0x34e: {  	v3 =	vmax.f32 v3, v48;
	v1 =	vmax.f32 v1, v55;
	v0 =	vmax.f32 v0, v58;
	[tilespmem:$0x1AFC0] =	vst v61  }
0x34f: {  	s16 =	sadd.s32 $0x1, s16;
	v62 =	vmax.f32 v3, v56;
	v1 =	vmax.f32 v1, v59;
	[tilespmem:$0x1AFD0] =	vst v0  }
0x350: {  	p0 =	sne.s32 s16, s6;
	v63 =	vmax.f32 v62, v60;
	[tilespmem:$0x1AFE0] =	vst v1  }
.Ltmp9:
0x351: {  	[tilespmem:$0x1AFF0] =	vst v63;
	(pc) =	sbr.rel @p0 .LBB2_1-.Ltmp9, $4  }
0x352: {  	[hbm4b:s5+s2] =	stream.linear.scatter [tilespmem:s15], [sflag:$0x4], $0x2000, $0x38;
	[tilespmem:$0x1B000] =	vst v63  }
0x353: {  	_ =	swait.ge [sflag:s7], $0x2000  }
0x354: {  	[sflag:s7] =	ssyncset.done $0x0  }
0x355: {  	[sflag:s7] =	ssyncadd.s32 $0xFFFFE000  }
0x356: {  	_ =	sfence.sel $0x180000  }
0x357: {  	[bflag:$0x0] =	sbarrier.arrive $0xFFFF  }
0x358: {  	p0 =	sne.s32 s0, $0x0;
	_ =	strace $0x90000047  }
0x359: {  	s0 =	sadd.s32 @!p0 $0x100000, s1;
	[bflag:$0x2] =	sbarrier.arrive $0xFFFF  }
0x35a: {  	[sflag:s0] =	ssyncadd.tile.s32 @!p0 $0x1;
	_ =	shalt  }
.Lfunc_end2:
_tile_overlayer_lowered:
.L_overlay_start_2:
0x35b: {  	(tag) =	ssettag $0x2  }
0x35c: {  	s0 =	rddreg [dreg:$0x0];
	s2 =	stileid.u32  }
0x35d: {  	s1 =	rddreg [dreg:$0x1];
	p0 =	sne.s32 s2, $0x0  }
0x35e: {  	s3 =	rddreg [dreg:$0x2];
	[bflag:$0x3] =	sbarrier.arrive $0xFFFF;
	s2 =	simm.s32 @!p0 $0x1C04  }
0x35f: {  	[timem:s3], [sflag:s2] =	dma.local @!p0 [hbm:s0], s1  }
0x360: {  	s0 =	simm.s32 @!p0 $0x4  }
0x361: {  	_ =	swait.ge @!p0 [sflag:s0], s1  }
0x362: {  	s1 =	ssub.s32 @!p0 $0x0, s1;
	[sflag:s0] =	ssyncset.done @!p0 $0x0  }
0x363: {  	[sflag:s0] =	ssyncadd.s32 @!p0 s1  }
0x364: {  	[bflag:$0x3] =	sbarrier.arrive $0xFFFF  }
0x365: {  	_ =	shalt  }

</sc_bundles>
